<compile_context>
chip_gen: v7x
topology: tpu7x:2x2x1
jax: 0.10.2.dev20260603
libtpu: 0.0.44.dev20260713+nightly
codegen_flags: <defaults>
</compile_context>

<pallas_src>
import functools

import jax
import jax.numpy as jnp
from jax import lax
from jax.experimental import pallas as pl
from jax.experimental.pallas import tpu as pltpu
from jax.experimental.pallas import tpu_sc as plsc

EMBED = 64
SCALE = 8.0
LANES = 16
NC = 2
NS = 16
NW = NC * NS
G = 128
NBUF = 3


@functools.lru_cache(maxsize=None)
def _build_pack(vocab: int):
    w = 16384
    nblk = (vocab + w - 1) // w

    def body(tt_ref, out_ref):
        out_ref[:, 0:EMBED] = tt_ref[...].T * SCALE

    return pl.pallas_call(
        body,
        grid=(nblk,),
        in_specs=[pl.BlockSpec((EMBED, w), lambda c: (0, c))],
        out_specs=pl.BlockSpec((w, 2 * EMBED), lambda c: (c, 0)),
        out_shape=jax.ShapeDtypeStruct((vocab, 2 * EMBED), jnp.float32),
    )


@functools.lru_cache(maxsize=None)
def _build(batch: int, hist: int, vocab: int):
    n_total = batch * hist
    assert n_total % (NW * G) == 0 and batch % G == 0
    n_g = n_total // (NW * G)
    cpb = batch // G

    mesh = plsc.VectorSubcoreMesh(core_axis_name="c", subcore_axis_name="s")

    @functools.partial(
        pl.kernel,
        mesh=mesh,
        out_type=jax.ShapeDtypeStruct((hist, EMBED, batch), jnp.float32),
        scratch_types=[
            pltpu.VMEM((n_g, G), jnp.int32),
            pltpu.VMEM((NBUF, G, 2 * EMBED), jnp.float32),
            pltpu.VMEM((NBUF, EMBED, G), jnp.float32),
            pltpu.SemaphoreType.DMA((NBUF,)),
            pltpu.SemaphoreType.DMA((NBUF,)),
        ],
        compiler_params=pltpu.CompilerParams(
            use_tc_tiling_on_sc=True, needs_layout_passes=False
        ),
    )
    def emb_kernel(xg_hbm, tpad_hbm, out_hbm, idx_v, lbuf, sbuf, gsem, ssem):
        wid = lax.axis_index("s") * NC + lax.axis_index("c")
        g0 = wid * n_g
        pltpu.sync_copy(xg_hbm.at[pl.ds(g0, n_g)], idx_v)

        def start_gather(gl, p):
            pltpu.make_async_copy(
                tpad_hbm.at[idx_v.at[gl]], lbuf.at[p], gsem.at[p]
            ).start()

        def wait_gather(gl, p):
            pltpu.make_async_copy(
                tpad_hbm.at[idx_v.at[gl]], lbuf.at[p], gsem.at[p]
            ).wait()

        def out_slice(gl):
            g = g0 + gl
            h = g // cpb
            b0 = (g % cpb) * G
            return out_hbm.at[h, :, pl.ds(b0, G)]

        def start_scatter(gl, p):
            pltpu.make_async_copy(sbuf.at[p], out_slice(gl), ssem.at[p]).start()

        def wait_scatter(gl, p):
            pltpu.make_async_copy(sbuf.at[p], out_slice(gl), ssem.at[p]).wait()

        lane = lax.iota(jnp.int32, LANES)
        row_ids = [lane + (q * LANES) for q in range(G // LANES)]
        rot = [(lane + d) & (LANES - 1) for d in range(LANES)]

        for p in range(NBUF):
            start_gather(p, p)

        def block(gl, carry):
            p = lax.rem(gl, NBUF)
            wait_gather(gl, p)

            @pl.when(gl >= NBUF)
            def _():
                wait_scatter(gl - NBUF, p)

            @plsc.parallel_loop(0, EMBED // LANES, step=1, unroll=2)
            def etile(e0t):
                e0b = jnp.full((LANES,), e0t * LANES, jnp.int32)
                rcs = [e0b + rot[d] for d in range(LANES)]
                for q in range(G // LANES):
                    for d in range(LANES):
                        v = plsc.load_gather(
                            lbuf.at[p], [row_ids[q], rcs[d]]
                        )
                        plsc.store_scatter(
                            sbuf.at[p], [rcs[d], row_ids[q]], v
                        )

            @pl.when(gl + NBUF < n_g)
            def _():
                start_gather(gl + NBUF, p)

            start_scatter(gl, p)
            return carry

        lax.fori_loop(0, n_g, block, 0)

        for p in range(NBUF):
            wait_scatter(n_g - NBUF + p, p)

    return emb_kernel


def kernel(x, table):
    b, h = x.shape
    vocab, d = table.shape
    xg = x.T.reshape(b * h // G, G).astype(jnp.int32)
    tpad = _build_pack(vocab)(table.T)
    out_t = _build(b, h, vocab)(xg, tpad)
    return out_t.transpose(2, 0, 1)

# --- scband reference (transcript-rebuilt; emitter-appended) ---
"""Pipeline reference for scband-embedding-6476810682733 (READ-ONLY COPY).

The authoritative reference and input builder live on the scoring server;
editing this copy changes nothing except your own understanding.
"""

import jax, jax.numpy as jnp
import numpy as np
import math

EMBED_DIM = 64
INPUT_SIZE = 1000000
BATCH = 16384
HIST = 50

def setup_inputs(seed: int = 0) -> dict:
    key = jax.random.key(seed)
    k1, k2 = jax.random.split(key)
    x = jax.random.randint(k1, (BATCH, HIST), 0, INPUT_SIZE, dtype=jnp.int64 if jax.config.jax_enable_x64 else jnp.int32)
    table = jax.random.normal(k2, (INPUT_SIZE, EMBED_DIM), dtype=jnp.float32)
    return {"x": x, "table": table}

def reference(x, table) -> jnp.ndarray:
    # nn.Embedding lookup followed by scale sqrt(embed_dim)
    out = jnp.take(table, x, axis=0)
    return out * math.sqrt(EMBED_DIM)

if __name__ == "__main__":
    import jax
    _d = setup_inputs()
    print(jax.jit(kernel)(*tuple(_d.values())))

</pallas_src>

<mosaic_0001>
#map = affine_map<(d0, d1) -> (0, 0)>
#map1 = affine_map<(d0, d1) -> (0, 0, 0)>
module attributes {stable_mosaic.version = 14 : i64} {
  func.func @emb_kernel(%arg0: i32, %arg1: i32, %arg2: memref<6400x128xi32, #tpu.memory_space<hbm>>, %arg3: memref<1000000x128xf32, #tpu.memory_space<hbm>>, %arg4: memref<50x64x16384xf32, #tpu.memory_space<hbm>>, %arg5: memref<200x128xi32, #tpu.memory_space<vmem>>, %arg6: memref<3x128x128xf32, #tpu.memory_space<vmem>>, %arg7: memref<3x64x128xf32, #tpu.memory_space<vmem>>, %arg8: memref<3x!tpu.dma_semaphore, #tpu.memory_space<semaphore_mem>>, %arg9: memref<3x!tpu.dma_semaphore, #tpu.memory_space<semaphore_mem>>) attributes {dimension_semantics = [#tpu.dimension_semantics<core_parallel>, #tpu.dimension_semantics<subcore_parallel>], iteration_bounds = array<i64: 2, 16>, scalar_prefetch = 0 : i64, scratch_operands = 5 : i64, tpu.core_type = #tpu.core_type<sc_vector_subcore>, window_params = [{transform_indices = #map}, {transform_indices = #map}, {transform_indices = #map1}]} {
    %mul3A = arith.constant 2 : i32
    %mul3A_0 = arith.muli %arg1, %mul3A : i32
    %add3A = arith.addi %mul3A_0, %arg0 : i32
    %mul3A_1 = arith.constant 200 : i32
    %mul3A_2 = arith.muli %add3A, %mul3A_1 : i32
    "tpu.region"() ({
      %run_scoped3A = tpu.sem_alloc : memref<!tpu.dma_semaphore, #tpu.memory_space<semaphore_mem>>
      %dma_start3A_347 = arith.constant 0 : i32
      %dma_start3A_348 = tpu.memref_slice %arg2[%mul3A_2, %dma_start3A_347] : memref<6400x128xi32, #tpu.memory_space<hbm>> -> memref<200x128xi32, #tpu.memory_space<hbm>>
      %dma_start3A_349 = arith.constant 0 : i32
      %dma_start3A_350 = tpu.memref_slice %arg2[%mul3A_2, %dma_start3A_349] : memref<6400x128xi32, #tpu.memory_space<hbm>> -> memref<200x128xi32, #tpu.memory_space<hbm>>
      tpu.enqueue_dma source(%dma_start3A_350 : memref<200x128xi32, #tpu.memory_space<hbm>>) target(%arg5 : memref<200x128xi32, #tpu.memory_space<vmem>>) target_semaphore(%run_scoped3A : memref<!tpu.dma_semaphore, #tpu.memory_space<semaphore_mem>>)
      %dma_wait3A_351 = arith.constant 0 : i32
      %dma_wait3A_352 = tpu.memref_slice %arg2[%mul3A_2, %dma_wait3A_351] : memref<6400x128xi32, #tpu.memory_space<hbm>> -> memref<200x128xi32, #tpu.memory_space<hbm>>
      %dma_wait3A_353 = arith.constant 0 : i32
      %dma_wait3A_354 = tpu.memref_slice %arg2[%mul3A_2, %dma_wait3A_353] : memref<6400x128xi32, #tpu.memory_space<hbm>> -> memref<200x128xi32, #tpu.memory_space<hbm>>
      tpu.wait_dma2 semaphore(%run_scoped3A : memref<!tpu.dma_semaphore, #tpu.memory_space<semaphore_mem>>) src(%dma_wait3A_354 : memref<200x128xi32, #tpu.memory_space<hbm>>) dst(%arg5 : memref<200x128xi32, #tpu.memory_space<vmem>>)
      tpu.yield
    }) : () -> ()
    %iota3A = tpu.iota {dimensions = array<i32: 0>} : vector<16xi32>
    %add3A_3 = arith.constant 0 : i32
    %add3A_4 = vector.broadcast %add3A_3 : i32 to vector<16xi32>
    %add3A_5 = arith.addi %iota3A, %add3A_4 : vector<16xi32>
    %add3A_6 = arith.constant 16 : i32
    %add3A_7 = vector.broadcast %add3A_6 : i32 to vector<16xi32>
    %add3A_8 = arith.addi %iota3A, %add3A_7 : vector<16xi32>
    %add3A_9 = arith.constant 32 : i32
    %add3A_10 = vector.broadcast %add3A_9 : i32 to vector<16xi32>
    %add3A_11 = arith.addi %iota3A, %add3A_10 : vector<16xi32>
    %add3A_12 = arith.constant 48 : i32
    %add3A_13 = vector.broadcast %add3A_12 : i32 to vector<16xi32>
    %add3A_14 = arith.addi %iota3A, %add3A_13 : vector<16xi32>
    %add3A_15 = arith.constant 64 : i32
    %add3A_16 = vector.broadcast %add3A_15 : i32 to vector<16xi32>
    %add3A_17 = arith.addi %iota3A, %add3A_16 : vector<16xi32>
    %add3A_18 = arith.constant 80 : i32
    %add3A_19 = vector.broadcast %add3A_18 : i32 to vector<16xi32>
    %add3A_20 = arith.addi %iota3A, %add3A_19 : vector<16xi32>
    %add3A_21 = arith.constant 96 : i32
    %add3A_22 = vector.broadcast %add3A_21 : i32 to vector<16xi32>
    %add3A_23 = arith.addi %iota3A, %add3A_22 : vector<16xi32>
    %add3A_24 = arith.constant 112 : i32
    %add3A_25 = vector.broadcast %add3A_24 : i32 to vector<16xi32>
    %add3A_26 = arith.addi %iota3A, %add3A_25 : vector<16xi32>
    %add3A_27 = arith.constant 0 : i32
    %add3A_28 = vector.broadcast %add3A_27 : i32 to vector<16xi32>
    %add3A_29 = arith.addi %iota3A, %add3A_28 : vector<16xi32>
    %and3A = arith.constant 15 : i32
    %and3A_30 = vector.broadcast %and3A : i32 to vector<16xi32>
    %and3A_31 = arith.andi %add3A_29, %and3A_30 : vector<16xi32>
    %add3A_32 = arith.constant 1 : i32
    %add3A_33 = vector.broadcast %add3A_32 : i32 to vector<16xi32>
    %add3A_34 = arith.addi %iota3A, %add3A_33 : vector<16xi32>
    %and3A_35 = arith.constant 15 : i32
    %and3A_36 = vector.broadcast %and3A_35 : i32 to vector<16xi32>
    %and3A_37 = arith.andi %add3A_34, %and3A_36 : vector<16xi32>
    %add3A_38 = arith.constant 2 : i32
    %add3A_39 = vector.broadcast %add3A_38 : i32 to vector<16xi32>
    %add3A_40 = arith.addi %iota3A, %add3A_39 : vector<16xi32>
    %and3A_41 = arith.constant 15 : i32
    %and3A_42 = vector.broadcast %and3A_41 : i32 to vector<16xi32>
    %and3A_43 = arith.andi %add3A_40, %and3A_42 : vector<16xi32>
    %add3A_44 = arith.constant 3 : i32
    %add3A_45 = vector.broadcast %add3A_44 : i32 to vector<16xi32>
    %add3A_46 = arith.addi %iota3A, %add3A_45 : vector<16xi32>
    %and3A_47 = arith.constant 15 : i32
    %and3A_48 = vector.broadcast %and3A_47 : i32 to vector<16xi32>
    %and3A_49 = arith.andi %add3A_46, %and3A_48 : vector<16xi32>
    %add3A_50 = arith.constant 4 : i32
    %add3A_51 = vector.broadcast %add3A_50 : i32 to vector<16xi32>
    %add3A_52 = arith.addi %iota3A, %add3A_51 : vector<16xi32>
    %and3A_53 = arith.constant 15 : i32
    %and3A_54 = vector.broadcast %and3A_53 : i32 to vector<16xi32>
    %and3A_55 = arith.andi %add3A_52, %and3A_54 : vector<16xi32>
    %add3A_56 = arith.constant 5 : i32
    %add3A_57 = vector.broadcast %add3A_56 : i32 to vector<16xi32>
    %add3A_58 = arith.addi %iota3A, %add3A_57 : vector<16xi32>
    %and3A_59 = arith.constant 15 : i32
    %and3A_60 = vector.broadcast %and3A_59 : i32 to vector<16xi32>
    %and3A_61 = arith.andi %add3A_58, %and3A_60 : vector<16xi32>
    %add3A_62 = arith.constant 6 : i32
    %add3A_63 = vector.broadcast %add3A_62 : i32 to vector<16xi32>
    %add3A_64 = arith.addi %iota3A, %add3A_63 : vector<16xi32>
    %and3A_65 = arith.constant 15 : i32
    %and3A_66 = vector.broadcast %and3A_65 : i32 to vector<16xi32>
    %and3A_67 = arith.andi %add3A_64, %and3A_66 : vector<16xi32>
    %add3A_68 = arith.constant 7 : i32
    %add3A_69 = vector.broadcast %add3A_68 : i32 to vector<16xi32>
    %add3A_70 = arith.addi %iota3A, %add3A_69 : vector<16xi32>
    %and3A_71 = arith.constant 15 : i32
    %and3A_72 = vector.broadcast %and3A_71 : i32 to vector<16xi32>
    %and3A_73 = arith.andi %add3A_70, %and3A_72 : vector<16xi32>
    %add3A_74 = arith.constant 8 : i32
    %add3A_75 = vector.broadcast %add3A_74 : i32 to vector<16xi32>
    %add3A_76 = arith.addi %iota3A, %add3A_75 : vector<16xi32>
    %and3A_77 = arith.constant 15 : i32
    %and3A_78 = vector.broadcast %and3A_77 : i32 to vector<16xi32>
    %and3A_79 = arith.andi %add3A_76, %and3A_78 : vector<16xi32>
    %add3A_80 = arith.constant 9 : i32
    %add3A_81 = vector.broadcast %add3A_80 : i32 to vector<16xi32>
    %add3A_82 = arith.addi %iota3A, %add3A_81 : vector<16xi32>
    %and3A_83 = arith.constant 15 : i32
    %and3A_84 = vector.broadcast %and3A_83 : i32 to vector<16xi32>
    %and3A_85 = arith.andi %add3A_82, %and3A_84 : vector<16xi32>
    %add3A_86 = arith.constant 10 : i32
    %add3A_87 = vector.broadcast %add3A_86 : i32 to vector<16xi32>
    %add3A_88 = arith.addi %iota3A, %add3A_87 : vector<16xi32>
    %and3A_89 = arith.constant 15 : i32
    %and3A_90 = vector.broadcast %and3A_89 : i32 to vector<16xi32>
    %and3A_91 = arith.andi %add3A_88, %and3A_90 : vector<16xi32>
    %add3A_92 = arith.constant 11 : i32
    %add3A_93 = vector.broadcast %add3A_92 : i32 to vector<16xi32>
    %add3A_94 = arith.addi %iota3A, %add3A_93 : vector<16xi32>
    %and3A_95 = arith.constant 15 : i32
    %and3A_96 = vector.broadcast %and3A_95 : i32 to vector<16xi32>
    %and3A_97 = arith.andi %add3A_94, %and3A_96 : vector<16xi32>
    %add3A_98 = arith.constant 12 : i32
    %add3A_99 = vector.broadcast %add3A_98 : i32 to vector<16xi32>
    %add3A_100 = arith.addi %iota3A, %add3A_99 : vector<16xi32>
    %and3A_101 = arith.constant 15 : i32
    %and3A_102 = vector.broadcast %and3A_101 : i32 to vector<16xi32>
    %and3A_103 = arith.andi %add3A_100, %and3A_102 : vector<16xi32>
    %add3A_104 = arith.constant 13 : i32
    %add3A_105 = vector.broadcast %add3A_104 : i32 to vector<16xi32>
    %add3A_106 = arith.addi %iota3A, %add3A_105 : vector<16xi32>
    %and3A_107 = arith.constant 15 : i32
    %and3A_108 = vector.broadcast %and3A_107 : i32 to vector<16xi32>
    %and3A_109 = arith.andi %add3A_106, %and3A_108 : vector<16xi32>
    %add3A_110 = arith.constant 14 : i32
    %add3A_111 = vector.broadcast %add3A_110 : i32 to vector<16xi32>
    %add3A_112 = arith.addi %iota3A, %add3A_111 : vector<16xi32>
    %and3A_113 = arith.constant 15 : i32
    %and3A_114 = vector.broadcast %and3A_113 : i32 to vector<16xi32>
    %and3A_115 = arith.andi %add3A_112, %and3A_114 : vector<16xi32>
    %add3A_116 = arith.constant 15 : i32
    %add3A_117 = vector.broadcast %add3A_116 : i32 to vector<16xi32>
    %add3A_118 = arith.addi %iota3A, %add3A_117 : vector<16xi32>
    %and3A_119 = arith.constant 15 : i32
    %and3A_120 = vector.broadcast %and3A_119 : i32 to vector<16xi32>
    %and3A_121 = arith.andi %add3A_118, %and3A_120 : vector<16xi32>
    %dma_start3A = arith.constant 0 : i32
    %dma_start3A_122 = arith.constant 0 : i32
    %dma_start3A_123 = arith.constant 0 : i32
    %dma_start3A_124 = arith.constant 0 : i32
    %dma_start3A_125 = arith.constant 0 : i32
    %dma_start3A_126 = tpu.memref_slice %arg6[%dma_start3A_122, %dma_start3A_124, %dma_start3A_125] : memref<3x128x128xf32, #tpu.memory_space<vmem>> -> memref<1x128x128xf32, #tpu.memory_space<vmem>>
    %dma_start3A_127 = tpu.memref_squeeze %dma_start3A_126 : memref<1x128x128xf32, #tpu.memory_space<vmem>> -> memref<128x128xf32, #tpu.memory_space<vmem>>
    %dma_start3A_128 = arith.constant 0 : i32
    %dma_start3A_129 = tpu.memref_slice %arg5[%dma_start3A, %dma_start3A_128] : memref<200x128xi32, #tpu.memory_space<vmem>> -> memref<1x128xi32, #tpu.memory_space<vmem>>
    %dma_start3A_130 = tpu.memref_squeeze %dma_start3A_129 : memref<1x128xi32, #tpu.memory_space<vmem>> -> memref<128xi32, #tpu.memory_space<vmem>>
    %dma_start3A_131 = arith.constant 0 : i32
    %dma_start3A_132 = arith.constant 0 : i32
    %dma_start3A_133 = tpu.memref_slice %arg3[%dma_start3A_131, %dma_start3A_132] : memref<1000000x128xf32, #tpu.memory_space<hbm>> -> memref<1000000x128xf32, #tpu.memory_space<hbm>>
    %dma_start3A_134 = tpu.memref_slice %arg8[%dma_start3A_123] : memref<3x!tpu.dma_semaphore, #tpu.memory_space<semaphore_mem>> -> memref<1x!tpu.dma_semaphore, #tpu.memory_space<semaphore_mem>>
    %dma_start3A_135 = tpu.memref_squeeze %dma_start3A_134 : memref<1x!tpu.dma_semaphore, #tpu.memory_space<semaphore_mem>> -> memref<!tpu.dma_semaphore, #tpu.memory_space<semaphore_mem>>
    tpu.enqueue_indirect_dma source(%dma_start3A_133 : memref<1000000x128xf32, #tpu.memory_space<hbm>>) target(%dma_start3A_127 : memref<128x128xf32, #tpu.memory_space<vmem>>) offsets(%dma_start3A_130 : memref<128xi32, #tpu.memory_space<vmem>>) semaphore(%dma_start3A_135 : memref<!tpu.dma_semaphore, #tpu.memory_space<semaphore_mem>>)
    %dma_start3A_136 = arith.constant 1 : i32
    %dma_start3A_137 = arith.constant 1 : i32
    %dma_start3A_138 = arith.constant 1 : i32
    %dma_start3A_139 = arith.constant 0 : i32
    %dma_start3A_140 = arith.constant 0 : i32
    %dma_start3A_141 = tpu.memref_slice %arg6[%dma_start3A_137, %dma_start3A_139, %dma_start3A_140] : memref<3x128x128xf32, #tpu.memory_space<vmem>> -> memref<1x128x128xf32, #tpu.memory_space<vmem>>
    %dma_start3A_142 = tpu.memref_squeeze %dma_start3A_141 : memref<1x128x128xf32, #tpu.memory_space<vmem>> -> memref<128x128xf32, #tpu.memory_space<vmem>>
    %dma_start3A_143 = arith.constant 0 : i32
    %dma_start3A_144 = tpu.memref_slice %arg5[%dma_start3A_136, %dma_start3A_143] : memref<200x128xi32, #tpu.memory_space<vmem>> -> memref<1x128xi32, #tpu.memory_space<vmem>>
    %dma_start3A_145 = tpu.memref_squeeze %dma_start3A_144 : memref<1x128xi32, #tpu.memory_space<vmem>> -> memref<128xi32, #tpu.memory_space<vmem>>
    %dma_start3A_146 = arith.constant 0 : i32
    %dma_start3A_147 = arith.constant 0 : i32
    %dma_start3A_148 = tpu.memref_slice %arg3[%dma_start3A_146, %dma_start3A_147] : memref<1000000x128xf32, #tpu.memory_space<hbm>> -> memref<1000000x128xf32, #tpu.memory_space<hbm>>
    %dma_start3A_149 = tpu.memref_slice %arg8[%dma_start3A_138] : memref<3x!tpu.dma_semaphore, #tpu.memory_space<semaphore_mem>> -> memref<1x!tpu.dma_semaphore, #tpu.memory_space<semaphore_mem>>
    %dma_start3A_150 = tpu.memref_squeeze %dma_start3A_149 : memref<1x!tpu.dma_semaphore, #tpu.memory_space<semaphore_mem>> -> memref<!tpu.dma_semaphore, #tpu.memory_space<semaphore_mem>>
    tpu.enqueue_indirect_dma source(%dma_start3A_148 : memref<1000000x128xf32, #tpu.memory_space<hbm>>) target(%dma_start3A_142 : memref<128x128xf32, #tpu.memory_space<vmem>>) offsets(%dma_start3A_145 : memref<128xi32, #tpu.memory_space<vmem>>) semaphore(%dma_start3A_150 : memref<!tpu.dma_semaphore, #tpu.memory_space<semaphore_mem>>)
    %dma_start3A_151 = arith.constant 2 : i32
    %dma_start3A_152 = arith.constant 2 : i32
    %dma_start3A_153 = arith.constant 2 : i32
    %dma_start3A_154 = arith.constant 0 : i32
    %dma_start3A_155 = arith.constant 0 : i32
    %dma_start3A_156 = tpu.memref_slice %arg6[%dma_start3A_152, %dma_start3A_154, %dma_start3A_155] : memref<3x128x128xf32, #tpu.memory_space<vmem>> -> memref<1x128x128xf32, #tpu.memory_space<vmem>>
    %dma_start3A_157 = tpu.memref_squeeze %dma_start3A_156 : memref<1x128x128xf32, #tpu.memory_space<vmem>> -> memref<128x128xf32, #tpu.memory_space<vmem>>
    %dma_start3A_158 = arith.constant 0 : i32
    %dma_start3A_159 = tpu.memref_slice %arg5[%dma_start3A_151, %dma_start3A_158] : memref<200x128xi32, #tpu.memory_space<vmem>> -> memref<1x128xi32, #tpu.memory_space<vmem>>
    %dma_start3A_160 = tpu.memref_squeeze %dma_start3A_159 : memref<1x128xi32, #tpu.memory_space<vmem>> -> memref<128xi32, #tpu.memory_space<vmem>>
    %dma_start3A_161 = arith.constant 0 : i32
    %dma_start3A_162 = arith.constant 0 : i32
    %dma_start3A_163 = tpu.memref_slice %arg3[%dma_start3A_161, %dma_start3A_162] : memref<1000000x128xf32, #tpu.memory_space<hbm>> -> memref<1000000x128xf32, #tpu.memory_space<hbm>>
    %dma_start3A_164 = tpu.memref_slice %arg8[%dma_start3A_153] : memref<3x!tpu.dma_semaphore, #tpu.memory_space<semaphore_mem>> -> memref<1x!tpu.dma_semaphore, #tpu.memory_space<semaphore_mem>>
    %dma_start3A_165 = tpu.memref_squeeze %dma_start3A_164 : memref<1x!tpu.dma_semaphore, #tpu.memory_space<semaphore_mem>> -> memref<!tpu.dma_semaphore, #tpu.memory_space<semaphore_mem>>
    tpu.enqueue_indirect_dma source(%dma_start3A_163 : memref<1000000x128xf32, #tpu.memory_space<hbm>>) target(%dma_start3A_157 : memref<128x128xf32, #tpu.memory_space<vmem>>) offsets(%dma_start3A_160 : memref<128xi32, #tpu.memory_space<vmem>>) semaphore(%dma_start3A_165 : memref<!tpu.dma_semaphore, #tpu.memory_space<semaphore_mem>>)
    %scan3A = arith.constant 0 : i32
    %scan3A_166 = arith.constant 0 : i32
    %scan3A_167 = arith.constant 200 : i32
    %scan3A_168 = arith.addi %scan3A_166, %scan3A_167 : i32
    %scan3A_169 = arith.constant 1 : i32
    scf.for %scan3A_347 = %scan3A_166 to %scan3A_168 step %scan3A_169  : i32 {
      %rem3A_348 = arith.constant 3 : i32
      %rem3A_349 = arith.remsi %scan3A_347, %rem3A_348 : i32
      %dma_wait3A_350 = arith.constant 0 : i32
      %dma_wait3A_351 = arith.constant 0 : i32
      %dma_wait3A_352 = tpu.memref_slice %arg6[%rem3A_349, %dma_wait3A_350, %dma_wait3A_351] : memref<3x128x128xf32, #tpu.memory_space<vmem>> -> memref<1x128x128xf32, #tpu.memory_space<vmem>>
      %dma_wait3A_353 = tpu.memref_squeeze %dma_wait3A_352 : memref<1x128x128xf32, #tpu.memory_space<vmem>> -> memref<128x128xf32, #tpu.memory_space<vmem>>
      %dma_wait3A_354 = arith.constant 0 : i32
      %dma_wait3A_355 = tpu.memref_slice %arg5[%scan3A_347, %dma_wait3A_354] : memref<200x128xi32, #tpu.memory_space<vmem>> -> memref<1x128xi32, #tpu.memory_space<vmem>>
      %dma_wait3A_356 = tpu.memref_squeeze %dma_wait3A_355 : memref<1x128xi32, #tpu.memory_space<vmem>> -> memref<128xi32, #tpu.memory_space<vmem>>
      %dma_wait3A_357 = arith.constant 0 : i32
      %dma_wait3A_358 = arith.constant 0 : i32
      %dma_wait3A_359 = tpu.memref_slice %arg3[%dma_wait3A_357, %dma_wait3A_358] : memref<1000000x128xf32, #tpu.memory_space<hbm>> -> memref<1000000x128xf32, #tpu.memory_space<hbm>>
      %dma_wait3A_360 = tpu.memref_slice %arg8[%rem3A_349] : memref<3x!tpu.dma_semaphore, #tpu.memory_space<semaphore_mem>> -> memref<1x!tpu.dma_semaphore, #tpu.memory_space<semaphore_mem>>
      %dma_wait3A_361 = tpu.memref_squeeze %dma_wait3A_360 : memref<1x!tpu.dma_semaphore, #tpu.memory_space<semaphore_mem>> -> memref<!tpu.dma_semaphore, #tpu.memory_space<semaphore_mem>>
      tpu.wait_indirect_dma semaphore(%dma_wait3A_361 : memref<!tpu.dma_semaphore, #tpu.memory_space<semaphore_mem>>) src(%dma_wait3A_359 : memref<1000000x128xf32, #tpu.memory_space<hbm>>) dst(%dma_wait3A_353 : memref<128x128xf32, #tpu.memory_space<vmem>>)
      %ge3A = arith.constant 3 : i32
      %ge3A_362 = arith.cmpi sge, %scan3A_347, %ge3A : i32
      %convert_element_type3A = arith.extui %ge3A_362 : i1 to i32
      %cond3A = arith.constant 0 : i32
      %cond3A_363 = arith.cmpi ne, %convert_element_type3A, %cond3A : i32
      scf.if %cond3A_363 {
        %sub3A_432 = arith.constant 3 : i32
        %sub3A_433 = arith.subi %scan3A_347, %sub3A_432 : i32
        %add3A_434 = arith.addi %mul3A_2, %sub3A_433 : i32
        %jit3A_435 = arith.constant 128 : i32
        %div3A_436 = arith.divsi %add3A_434, %jit3A_435 : i32
        %sign3A_437 = arith.constant 0 : i32
        %sign3A_438 = arith.cmpi sgt, %add3A_434, %sign3A_437 : i32
        %sign3A_439 = arith.extui %sign3A_438 : i1 to i32
        %sign3A_440 = arith.constant 0 : i32
        %sign3A_441 = arith.cmpi slt, %add3A_434, %sign3A_440 : i32
        %sign3A_442 = arith.extui %sign3A_441 : i1 to i32
        %sign3A_443 = arith.subi %sign3A_439, %sign3A_442 : i32
        %sign3A_444 = arith.constant 0 : i32
        %sign3A_445 = arith.cmpi sgt, %jit3A_435, %sign3A_444 : i32
        %sign3A_446 = arith.extui %sign3A_445 : i1 to i32
        %sign3A_447 = arith.constant 0 : i32
        %sign3A_448 = arith.cmpi slt, %jit3A_435, %sign3A_447 : i32
        %sign3A_449 = arith.extui %sign3A_448 : i1 to i32
        %sign3A_450 = arith.subi %sign3A_446, %sign3A_449 : i32
        %ne3A_451 = arith.cmpi ne, %sign3A_443, %sign3A_450 : i32
        %rem3A_452 = arith.remsi %add3A_434, %jit3A_435 : i32
        %ne3A_453 = arith.constant 0 : i32
        %ne3A_454 = arith.cmpi ne, %rem3A_452, %ne3A_453 : i32
        %and3A_455 = arith.andi %ne3A_451, %ne3A_454 : i1
        %sub3A_456 = arith.constant 1 : i32
        %sub3A_457 = arith.subi %div3A_436, %sub3A_456 : i32
        %select_n3A_458 = arith.select %and3A_455, %sub3A_457, %div3A_436 : i32
        %jit3A_459 = arith.constant 128 : i32
        %eq3A_460 = arith.constant 0 : i32
        %eq3A_461 = arith.cmpi eq, %jit3A_459, %eq3A_460 : i32
        %jit3A_462 = arith.constant 1 : i32
        %select_n3A_463 = arith.select %eq3A_461, %jit3A_462, %jit3A_459 : i32
        %rem3A_464 = arith.remsi %add3A_434, %select_n3A_463 : i32
        %ne3A_465 = arith.constant 0 : i32
        %ne3A_466 = arith.cmpi ne, %rem3A_464, %ne3A_465 : i32
        %lt3A_467 = arith.constant 0 : i32
        %lt3A_468 = arith.cmpi slt, %rem3A_464, %lt3A_467 : i32
        %lt3A_469 = arith.constant 0 : i32
        %lt3A_470 = arith.cmpi slt, %select_n3A_463, %lt3A_469 : i32
        %ne3A_471 = arith.xori %lt3A_468, %lt3A_470 : i1
        %and3A_472 = arith.andi %ne3A_471, %ne3A_466 : i1
        %add3A_473 = arith.addi %rem3A_464, %select_n3A_463 : i32
        %select_n3A_474 = arith.select %and3A_472, %add3A_473, %rem3A_464 : i32
        %mul3A_475 = arith.constant 128 : i32
        %mul3A_476 = arith.muli %select_n3A_474, %mul3A_475 : i32
        %dma_wait3A_477 = arith.constant 0 : i32
        %dma_wait3A_478 = arith.constant 0 : i32
        %dma_wait3A_479 = tpu.memref_slice %arg7[%rem3A_349, %dma_wait3A_477, %dma_wait3A_478] : memref<3x64x128xf32, #tpu.memory_space<vmem>> -> memref<1x64x128xf32, #tpu.memory_space<vmem>>
        %dma_wait3A_480 = tpu.memref_squeeze %dma_wait3A_479 : memref<1x64x128xf32, #tpu.memory_space<vmem>> -> memref<64x128xf32, #tpu.memory_space<vmem>>
        %dma_wait3A_481 = arith.constant 0 : i32
        %dma_wait3A_482 = tpu.memref_slice %arg4[%select_n3A_458, %dma_wait3A_481, %mul3A_476] : memref<50x64x16384xf32, #tpu.memory_space<hbm>> -> memref<1x64x128xf32, #tpu.memory_space<hbm>>
        %dma_wait3A_483 = tpu.memref_squeeze %dma_wait3A_482 : memref<1x64x128xf32, #tpu.memory_space<hbm>> -> memref<64x128xf32, #tpu.memory_space<hbm>>
        %dma_wait3A_484 = tpu.memref_slice %arg9[%rem3A_349] : memref<3x!tpu.dma_semaphore, #tpu.memory_space<semaphore_mem>> -> memref<1x!tpu.dma_semaphore, #tpu.memory_space<semaphore_mem>>
        %dma_wait3A_485 = tpu.memref_squeeze %dma_wait3A_484 : memref<1x!tpu.dma_semaphore, #tpu.memory_space<semaphore_mem>> -> memref<!tpu.dma_semaphore, #tpu.memory_space<semaphore_mem>>
        %dma_wait3A_486 = arith.constant 0 : i32
        %dma_wait3A_487 = tpu.memref_slice %arg4[%select_n3A_458, %dma_wait3A_486, %mul3A_476] : memref<50x64x16384xf32, #tpu.memory_space<hbm>> -> memref<1x64x128xf32, #tpu.memory_space<hbm>>
        %dma_wait3A_488 = tpu.memref_squeeze %dma_wait3A_487 : memref<1x64x128xf32, #tpu.memory_space<hbm>> -> memref<64x128xf32, #tpu.memory_space<hbm>>
        %dma_wait3A_489 = arith.constant 0 : i32
        %dma_wait3A_490 = arith.constant 0 : i32
        %dma_wait3A_491 = tpu.memref_slice %arg7[%rem3A_349, %dma_wait3A_489, %dma_wait3A_490] : memref<3x64x128xf32, #tpu.memory_space<vmem>> -> memref<1x64x128xf32, #tpu.memory_space<vmem>>
        %dma_wait3A_492 = tpu.memref_squeeze %dma_wait3A_491 : memref<1x64x128xf32, #tpu.memory_space<vmem>> -> memref<64x128xf32, #tpu.memory_space<vmem>>
        tpu.wait_dma2 semaphore(%dma_wait3A_485 : memref<!tpu.dma_semaphore, #tpu.memory_space<semaphore_mem>>) src(%dma_wait3A_492 : memref<64x128xf32, #tpu.memory_space<vmem>>) dst(%dma_wait3A_488 : memref<64x128xf32, #tpu.memory_space<hbm>>)
      } else {
      }
      %parallel_loop3A = arith.constant 0 : i32
      %parallel_loop3A_364 = arith.constant 4 : i32
      %parallel_loop3A_365 = arith.constant 1 : i32
      scf.for %parallel_loop3A_432 = %parallel_loop3A to %parallel_loop3A_364 step %parallel_loop3A_365  : i32 {
        %parallel_loop3A_433 = arith.constant 16 : i32
        %parallel_loop3A_434 = arith.muli %parallel_loop3A_432, %parallel_loop3A_433 : i32
        %parallel_loop3A_435 = vector.broadcast %parallel_loop3A_434 : i32 to vector<16xi32>
        %parallel_loop3A_436 = arith.addi %parallel_loop3A_435, %and3A_31 : vector<16xi32>
        %parallel_loop3A_437 = arith.addi %parallel_loop3A_435, %and3A_37 : vector<16xi32>
        %parallel_loop3A_438 = arith.addi %parallel_loop3A_435, %and3A_43 : vector<16xi32>
        %parallel_loop3A_439 = arith.addi %parallel_loop3A_435, %and3A_49 : vector<16xi32>
        %parallel_loop3A_440 = arith.addi %parallel_loop3A_435, %and3A_55 : vector<16xi32>
        %parallel_loop3A_441 = arith.addi %parallel_loop3A_435, %and3A_61 : vector<16xi32>
        %parallel_loop3A_442 = arith.addi %parallel_loop3A_435, %and3A_67 : vector<16xi32>
        %parallel_loop3A_443 = arith.addi %parallel_loop3A_435, %and3A_73 : vector<16xi32>
        %parallel_loop3A_444 = arith.addi %parallel_loop3A_435, %and3A_79 : vector<16xi32>
        %parallel_loop3A_445 = arith.addi %parallel_loop3A_435, %and3A_85 : vector<16xi32>
        %parallel_loop3A_446 = arith.addi %parallel_loop3A_435, %and3A_91 : vector<16xi32>
        %parallel_loop3A_447 = arith.addi %parallel_loop3A_435, %and3A_97 : vector<16xi32>
        %parallel_loop3A_448 = arith.addi %parallel_loop3A_435, %and3A_103 : vector<16xi32>
        %parallel_loop3A_449 = arith.addi %parallel_loop3A_435, %and3A_109 : vector<16xi32>
        %parallel_loop3A_450 = arith.addi %parallel_loop3A_435, %and3A_115 : vector<16xi32>
        %parallel_loop3A_451 = arith.addi %parallel_loop3A_435, %and3A_121 : vector<16xi32>
        %parallel_loop3A_452 = arith.constant 0 : i32
        %parallel_loop3A_453 = arith.constant 0 : i32
        %parallel_loop3A_454 = tpu.memref_slice %arg6[%rem3A_349, %parallel_loop3A_452, %parallel_loop3A_453] : memref<3x128x128xf32, #tpu.memory_space<vmem>> -> memref<1x128x128xf32, #tpu.memory_space<vmem>>
        %parallel_loop3A_455 = tpu.memref_squeeze %parallel_loop3A_454 : memref<1x128x128xf32, #tpu.memory_space<vmem>> -> memref<128x128xf32, #tpu.memory_space<vmem>>
        %parallel_loop3A_456 = tpu.vector_load_idx %parallel_loop3A_455[%add3A_5, %parallel_loop3A_436] : memref<128x128xf32, #tpu.memory_space<vmem>>[vector<16xi32>, vector<16xi32>], vector<16xf32>,
        %parallel_loop3A_457 = arith.constant 0 : i32
        %parallel_loop3A_458 = arith.constant 0 : i32
        %parallel_loop3A_459 = tpu.memref_slice %arg7[%rem3A_349, %parallel_loop3A_457, %parallel_loop3A_458] : memref<3x64x128xf32, #tpu.memory_space<vmem>> -> memref<1x64x128xf32, #tpu.memory_space<vmem>>
        %parallel_loop3A_460 = tpu.memref_squeeze %parallel_loop3A_459 : memref<1x64x128xf32, #tpu.memory_space<vmem>> -> memref<64x128xf32, #tpu.memory_space<vmem>>
        tpu.vector_store_idx %parallel_loop3A_460[%parallel_loop3A_436, %add3A_5], %parallel_loop3A_456 : memref<64x128xf32, #tpu.memory_space<vmem>>[vector<16xi32>, vector<16xi32>], vector<16xf32>,
        %parallel_loop3A_461 = arith.constant 0 : i32
        %parallel_loop3A_462 = arith.constant 0 : i32
        %parallel_loop3A_463 = tpu.memref_slice %arg6[%rem3A_349, %parallel_loop3A_461, %parallel_loop3A_462] : memref<3x128x128xf32, #tpu.memory_space<vmem>> -> memref<1x128x128xf32, #tpu.memory_space<vmem>>
        %parallel_loop3A_464 = tpu.memref_squeeze %parallel_loop3A_463 : memref<1x128x128xf32, #tpu.memory_space<vmem>> -> memref<128x128xf32, #tpu.memory_space<vmem>>
        %parallel_loop3A_465 = tpu.vector_load_idx %parallel_loop3A_464[%add3A_5, %parallel_loop3A_437] : memref<128x128xf32, #tpu.memory_space<vmem>>[vector<16xi32>, vector<16xi32>], vector<16xf32>,
        %parallel_loop3A_466 = arith.constant 0 : i32
        %parallel_loop3A_467 = arith.constant 0 : i32
        %parallel_loop3A_468 = tpu.memref_slice %arg7[%rem3A_349, %parallel_loop3A_466, %parallel_loop3A_467] : memref<3x64x128xf32, #tpu.memory_space<vmem>> -> memref<1x64x128xf32, #tpu.memory_space<vmem>>
        %parallel_loop3A_469 = tpu.memref_squeeze %parallel_loop3A_468 : memref<1x64x128xf32, #tpu.memory_space<vmem>> -> memref<64x128xf32, #tpu.memory_space<vmem>>
        tpu.vector_store_idx %parallel_loop3A_469[%parallel_loop3A_437, %add3A_5], %parallel_loop3A_465 : memref<64x128xf32, #tpu.memory_space<vmem>>[vector<16xi32>, vector<16xi32>], vector<16xf32>,
        %parallel_loop3A_470 = arith.constant 0 : i32
        %parallel_loop3A_471 = arith.constant 0 : i32
        %parallel_loop3A_472 = tpu.memref_slice %arg6[%rem3A_349, %parallel_loop3A_470, %parallel_loop3A_471] : memref<3x128x128xf32, #tpu.memory_space<vmem>> -> memref<1x128x128xf32, #tpu.memory_space<vmem>>
        %parallel_loop3A_473 = tpu.memref_squeeze %parallel_loop3A_472 : memref<1x128x128xf32, #tpu.memory_space<vmem>> -> memref<128x128xf32, #tpu.memory_space<vmem>>
        %parallel_loop3A_474 = tpu.vector_load_idx %parallel_loop3A_473[%add3A_5, %parallel_loop3A_438] : memref<128x128xf32, #tpu.memory_space<vmem>>[vector<16xi32>, vector<16xi32>], vector<16xf32>,
        %parallel_loop3A_475 = arith.constant 0 : i32
        %parallel_loop3A_476 = arith.constant 0 : i32
        %parallel_loop3A_477 = tpu.memref_slice %arg7[%rem3A_349, %parallel_loop3A_475, %parallel_loop3A_476] : memref<3x64x128xf32, #tpu.memory_space<vmem>> -> memref<1x64x128xf32, #tpu.memory_space<vmem>>
        %parallel_loop3A_478 = tpu.memref_squeeze %parallel_loop3A_477 : memref<1x64x128xf32, #tpu.memory_space<vmem>> -> memref<64x128xf32, #tpu.memory_space<vmem>>
        tpu.vector_store_idx %parallel_loop3A_478[%parallel_loop3A_438, %add3A_5], %parallel_loop3A_474 : memref<64x128xf32, #tpu.memory_space<vmem>>[vector<16xi32>, vector<16xi32>], vector<16xf32>,
        %parallel_loop3A_479 = arith.constant 0 : i32
        %parallel_loop3A_480 = arith.constant 0 : i32
        %parallel_loop3A_481 = tpu.memref_slice %arg6[%rem3A_349, %parallel_loop3A_479, %parallel_loop3A_480] : memref<3x128x128xf32, #tpu.memory_space<vmem>> -> memref<1x128x128xf32, #tpu.memory_space<vmem>>
        %parallel_loop3A_482 = tpu.memref_squeeze %parallel_loop3A_481 : memref<1x128x128xf32, #tpu.memory_space<vmem>> -> memref<128x128xf32, #tpu.memory_space<vmem>>
        %parallel_loop3A_483 = tpu.vector_load_idx %parallel_loop3A_482[%add3A_5, %parallel_loop3A_439] : memref<128x128xf32, #tpu.memory_space<vmem>>[vector<16xi32>, vector<16xi32>], vector<16xf32>,
        %parallel_loop3A_484 = arith.constant 0 : i32
        %parallel_loop3A_485 = arith.constant 0 : i32
        %parallel_loop3A_486 = tpu.memref_slice %arg7[%rem3A_349, %parallel_loop3A_484, %parallel_loop3A_485] : memref<3x64x128xf32, #tpu.memory_space<vmem>> -> memref<1x64x128xf32, #tpu.memory_space<vmem>>
        %parallel_loop3A_487 = tpu.memref_squeeze %parallel_loop3A_486 : memref<1x64x128xf32, #tpu.memory_space<vmem>> -> memref<64x128xf32, #tpu.memory_space<vmem>>
        tpu.vector_store_idx %parallel_loop3A_487[%parallel_loop3A_439, %add3A_5], %parallel_loop3A_483 : memref<64x128xf32, #tpu.memory_space<vmem>>[vector<16xi32>, vector<16xi32>], vector<16xf32>,
        %parallel_loop3A_488 = arith.constant 0 : i32
        %parallel_loop3A_489 = arith.constant 0 : i32
        %parallel_loop3A_490 = tpu.memref_slice %arg6[%rem3A_349, %parallel_loop3A_488, %parallel_loop3A_489] : memref<3x128x128xf32, #tpu.memory_space<vmem>> -> memref<1x128x128xf32, #tpu.memory_space<vmem>>
        %parallel_loop3A_491 = tpu.memref_squeeze %parallel_loop3A_490 : memref<1x128x128xf32, #tpu.memory_space<vmem>> -> memref<128x128xf32, #tpu.memory_space<vmem>>
        %parallel_loop3A_492 = tpu.vector_load_idx %parallel_loop3A_491[%add3A_5, %parallel_loop3A_440] : memref<128x128xf32, #tpu.memory_space<vmem>>[vector<16xi32>, vector<16xi32>], vector<16xf32>,
        %parallel_loop3A_493 = arith.constant 0 : i32
        %parallel_loop3A_494 = arith.constant 0 : i32
        %parallel_loop3A_495 = tpu.memref_slice %arg7[%rem3A_349, %parallel_loop3A_493, %parallel_loop3A_494] : memref<3x64x128xf32, #tpu.memory_space<vmem>> -> memref<1x64x128xf32, #tpu.memory_space<vmem>>
        %parallel_loop3A_496 = tpu.memref_squeeze %parallel_loop3A_495 : memref<1x64x128xf32, #tpu.memory_space<vmem>> -> memref<64x128xf32, #tpu.memory_space<vmem>>
        tpu.vector_store_idx %parallel_loop3A_496[%parallel_loop3A_440, %add3A_5], %parallel_loop3A_492 : memref<64x128xf32, #tpu.memory_space<vmem>>[vector<16xi32>, vector<16xi32>], vector<16xf32>,
        %parallel_loop3A_497 = arith.constant 0 : i32
        %parallel_loop3A_498 = arith.constant 0 : i32
        %parallel_loop3A_499 = tpu.memref_slice %arg6[%rem3A_349, %parallel_loop3A_497, %parallel_loop3A_498] : memref<3x128x128xf32, #tpu.memory_space<vmem>> -> memref<1x128x128xf32, #tpu.memory_space<vmem>>
        %parallel_loop3A_500 = tpu.memref_squeeze %parallel_loop3A_499 : memref<1x128x128xf32, #tpu.memory_space<vmem>> -> memref<128x128xf32, #tpu.memory_space<vmem>>
        %parallel_loop3A_501 = tpu.vector_load_idx %parallel_loop3A_500[%add3A_5, %parallel_loop3A_441] : memref<128x128xf32, #tpu.memory_space<vmem>>[vector<16xi32>, vector<16xi32>], vector<16xf32>,
        %parallel_loop3A_502 = arith.constant 0 : i32
        %parallel_loop3A_503 = arith.constant 0 : i32
        %parallel_loop3A_504 = tpu.memref_slice %arg7[%rem3A_349, %parallel_loop3A_502, %parallel_loop3A_503] : memref<3x64x128xf32, #tpu.memory_space<vmem>> -> memref<1x64x128xf32, #tpu.memory_space<vmem>>
        %parallel_loop3A_505 = tpu.memref_squeeze %parallel_loop3A_504 : memref<1x64x128xf32, #tpu.memory_space<vmem>> -> memref<64x128xf32, #tpu.memory_space<vmem>>
        tpu.vector_store_idx %parallel_loop3A_505[%parallel_loop3A_441, %add3A_5], %parallel_loop3A_501 : memref<64x128xf32, #tpu.memory_space<vmem>>[vector<16xi32>, vector<16xi32>], vector<16xf32>,
        %parallel_loop3A_506 = arith.constant 0 : i32
        %parallel_loop3A_507 = arith.constant 0 : i32
        %parallel_loop3A_508 = tpu.memref_slice %arg6[%rem3A_349, %parallel_loop3A_506, %parallel_loop3A_507] : memref<3x128x128xf32, #tpu.memory_space<vmem>> -> memref<1x128x128xf32, #tpu.memory_space<vmem>>
        %parallel_loop3A_509 = tpu.memref_squeeze %parallel_loop3A_508 : memref<1x128x128xf32, #tpu.memory_space<vmem>> -> memref<128x128xf32, #tpu.memory_space<vmem>>
        %parallel_loop3A_510 = tpu.vector_load_idx %parallel_loop3A_509[%add3A_5, %parallel_loop3A_442] : memref<128x128xf32, #tpu.memory_space<vmem>>[vector<16xi32>, vector<16xi32>], vector<16xf32>,
        %parallel_loop3A_511 = arith.constant 0 : i32
        %parallel_loop3A_512 = arith.constant 0 : i32
        %parallel_loop3A_513 = tpu.memref_slice %arg7[%rem3A_349, %parallel_loop3A_511, %parallel_loop3A_512] : memref<3x64x128xf32, #tpu.memory_space<vmem>> -> memref<1x64x128xf32, #tpu.memory_space<vmem>>
        %parallel_loop3A_514 = tpu.memref_squeeze %parallel_loop3A_513 : memref<1x64x128xf32, #tpu.memory_space<vmem>> -> memref<64x128xf32, #tpu.memory_space<vmem>>
        tpu.vector_store_idx %parallel_loop3A_514[%parallel_loop3A_442, %add3A_5], %parallel_loop3A_510 : memref<64x128xf32, #tpu.memory_space<vmem>>[vector<16xi32>, vector<16xi32>], vector<16xf32>,
        %parallel_loop3A_515 = arith.constant 0 : i32
        %parallel_loop3A_516 = arith.constant 0 : i32
        %parallel_loop3A_517 = tpu.memref_slice %arg6[%rem3A_349, %parallel_loop3A_515, %parallel_loop3A_516] : memref<3x128x128xf32, #tpu.memory_space<vmem>> -> memref<1x128x128xf32, #tpu.memory_space<vmem>>
        %parallel_loop3A_518 = tpu.memref_squeeze %parallel_loop3A_517 : memref<1x128x128xf32, #tpu.memory_space<vmem>> -> memref<128x128xf32, #tpu.memory_space<vmem>>
        %parallel_loop3A_519 = tpu.vector_load_idx %parallel_loop3A_518[%add3A_5, %parallel_loop3A_443] : memref<128x128xf32, #tpu.memory_space<vmem>>[vector<16xi32>, vector<16xi32>], vector<16xf32>,
        %parallel_loop3A_520 = arith.constant 0 : i32
        %parallel_loop3A_521 = arith.constant 0 : i32
        %parallel_loop3A_522 = tpu.memref_slice %arg7[%rem3A_349, %parallel_loop3A_520, %parallel_loop3A_521] : memref<3x64x128xf32, #tpu.memory_space<vmem>> -> memref<1x64x128xf32, #tpu.memory_space<vmem>>
        %parallel_loop3A_523 = tpu.memref_squeeze %parallel_loop3A_522 : memref<1x64x128xf32, #tpu.memory_space<vmem>> -> memref<64x128xf32, #tpu.memory_space<vmem>>
        tpu.vector_store_idx %parallel_loop3A_523[%parallel_loop3A_443, %add3A_5], %parallel_loop3A_519 : memref<64x128xf32, #tpu.memory_space<vmem>>[vector<16xi32>, vector<16xi32>], vector<16xf32>,
        %parallel_loop3A_524 = arith.constant 0 : i32
        %parallel_loop3A_525 = arith.constant 0 : i32
        %parallel_loop3A_526 = tpu.memref_slice %arg6[%rem3A_349, %parallel_loop3A_524, %parallel_loop3A_525] : memref<3x128x128xf32, #tpu.memory_space<vmem>> -> memref<1x128x128xf32, #tpu.memory_space<vmem>>
        %parallel_loop3A_527 = tpu.memref_squeeze %parallel_loop3A_526 : memref<1x128x128xf32, #tpu.memory_space<vmem>> -> memref<128x128xf32, #tpu.memory_space<vmem>>
        %parallel_loop3A_528 = tpu.vector_load_idx %parallel_loop3A_527[%add3A_5, %parallel_loop3A_444] : memref<128x128xf32, #tpu.memory_space<vmem>>[vector<16xi32>, vector<16xi32>], vector<16xf32>,
        %parallel_loop3A_529 = arith.constant 0 : i32
        %parallel_loop3A_530 = arith.constant 0 : i32
        %parallel_loop3A_531 = tpu.memref_slice %arg7[%rem3A_349, %parallel_loop3A_529, %parallel_loop3A_530] : memref<3x64x128xf32, #tpu.memory_space<vmem>> -> memref<1x64x128xf32, #tpu.memory_space<vmem>>
        %parallel_loop3A_532 = tpu.memref_squeeze %parallel_loop3A_531 : memref<1x64x128xf32, #tpu.memory_space<vmem>> -> memref<64x128xf32, #tpu.memory_space<vmem>>
        tpu.vector_store_idx %parallel_loop3A_532[%parallel_loop3A_444, %add3A_5], %parallel_loop3A_528 : memref<64x128xf32, #tpu.memory_space<vmem>>[vector<16xi32>, vector<16xi32>], vector<16xf32>,
        %parallel_loop3A_533 = arith.constant 0 : i32
        %parallel_loop3A_534 = arith.constant 0 : i32
        %parallel_loop3A_535 = tpu.memref_slice %arg6[%rem3A_349, %parallel_loop3A_533, %parallel_loop3A_534] : memref<3x128x128xf32, #tpu.memory_space<vmem>> -> memref<1x128x128xf32, #tpu.memory_space<vmem>>
        %parallel_loop3A_536 = tpu.memref_squeeze %parallel_loop3A_535 : memref<1x128x128xf32, #tpu.memory_space<vmem>> -> memref<128x128xf32, #tpu.memory_space<vmem>>
        %parallel_loop3A_537 = tpu.vector_load_idx %parallel_loop3A_536[%add3A_5, %parallel_loop3A_445] : memref<128x128xf32, #tpu.memory_space<vmem>>[vector<16xi32>, vector<16xi32>], vector<16xf32>,
        %parallel_loop3A_538 = arith.constant 0 : i32
        %parallel_loop3A_539 = arith.constant 0 : i32
        %parallel_loop3A_540 = tpu.memref_slice %arg7[%rem3A_349, %parallel_loop3A_538, %parallel_loop3A_539] : memref<3x64x128xf32, #tpu.memory_space<vmem>> -> memref<1x64x128xf32, #tpu.memory_space<vmem>>
        %parallel_loop3A_541 = tpu.memref_squeeze %parallel_loop3A_540 : memref<1x64x128xf32, #tpu.memory_space<vmem>> -> memref<64x128xf32, #tpu.memory_space<vmem>>
        tpu.vector_store_idx %parallel_loop3A_541[%parallel_loop3A_445, %add3A_5], %parallel_loop3A_537 : memref<64x128xf32, #tpu.memory_space<vmem>>[vector<16xi32>, vector<16xi32>], vector<16xf32>,
        %parallel_loop3A_542 = arith.constant 0 : i32
        %parallel_loop3A_543 = arith.constant 0 : i32
        %parallel_loop3A_544 = tpu.memref_slice %arg6[%rem3A_349, %parallel_loop3A_542, %parallel_loop3A_543] : memref<3x128x128xf32, #tpu.memory_space<vmem>> -> memref<1x128x128xf32, #tpu.memory_space<vmem>>
        %parallel_loop3A_545 = tpu.memref_squeeze %parallel_loop3A_544 : memref<1x128x128xf32, #tpu.memory_space<vmem>> -> memref<128x128xf32, #tpu.memory_space<vmem>>
        %parallel_loop3A_546 = tpu.vector_load_idx %parallel_loop3A_545[%add3A_5, %parallel_loop3A_446] : memref<128x128xf32, #tpu.memory_space<vmem>>[vector<16xi32>, vector<16xi32>], vector<16xf32>,
        %parallel_loop3A_547 = arith.constant 0 : i32
        %parallel_loop3A_548 = arith.constant 0 : i32
        %parallel_loop3A_549 = tpu.memref_slice %arg7[%rem3A_349, %parallel_loop3A_547, %parallel_loop3A_548] : memref<3x64x128xf32, #tpu.memory_space<vmem>> -> memref<1x64x128xf32, #tpu.memory_space<vmem>>
        %parallel_loop3A_550 = tpu.memref_squeeze %parallel_loop3A_549 : memref<1x64x128xf32, #tpu.memory_space<vmem>> -> memref<64x128xf32, #tpu.memory_space<vmem>>
        tpu.vector_store_idx %parallel_loop3A_550[%parallel_loop3A_446, %add3A_5], %parallel_loop3A_546 : memref<64x128xf32, #tpu.memory_space<vmem>>[vector<16xi32>, vector<16xi32>], vector<16xf32>,
        %parallel_loop3A_551 = arith.constant 0 : i32
        %parallel_loop3A_552 = arith.constant 0 : i32
        %parallel_loop3A_553 = tpu.memref_slice %arg6[%rem3A_349, %parallel_loop3A_551, %parallel_loop3A_552] : memref<3x128x128xf32, #tpu.memory_space<vmem>> -> memref<1x128x128xf32, #tpu.memory_space<vmem>>
        %parallel_loop3A_554 = tpu.memref_squeeze %parallel_loop3A_553 : memref<1x128x128xf32, #tpu.memory_space<vmem>> -> memref<128x128xf32, #tpu.memory_space<vmem>>
        %parallel_loop3A_555 = tpu.vector_load_idx %parallel_loop3A_554[%add3A_5, %parallel_loop3A_447] : memref<128x128xf32, #tpu.memory_space<vmem>>[vector<16xi32>, vector<16xi32>], vector<16xf32>,
        %parallel_loop3A_556 = arith.constant 0 : i32
        %parallel_loop3A_557 = arith.constant 0 : i32
        %parallel_loop3A_558 = tpu.memref_slice %arg7[%rem3A_349, %parallel_loop3A_556, %parallel_loop3A_557] : memref<3x64x128xf32, #tpu.memory_space<vmem>> -> memref<1x64x128xf32, #tpu.memory_space<vmem>>
        %parallel_loop3A_559 = tpu.memref_squeeze %parallel_loop3A_558 : memref<1x64x128xf32, #tpu.memory_space<vmem>> -> memref<64x128xf32, #tpu.memory_space<vmem>>
        tpu.vector_store_idx %parallel_loop3A_559[%parallel_loop3A_447, %add3A_5], %parallel_loop3A_555 : memref<64x128xf32, #tpu.memory_space<vmem>>[vector<16xi32>, vector<16xi32>], vector<16xf32>,
        %parallel_loop3A_560 = arith.constant 0 : i32
        %parallel_loop3A_561 = arith.constant 0 : i32
        %parallel_loop3A_562 = tpu.memref_slice %arg6[%rem3A_349, %parallel_loop3A_560, %parallel_loop3A_561] : memref<3x128x128xf32, #tpu.memory_space<vmem>> -> memref<1x128x128xf32, #tpu.memory_space<vmem>>
        %parallel_loop3A_563 = tpu.memref_squeeze %parallel_loop3A_562 : memref<1x128x128xf32, #tpu.memory_space<vmem>> -> memref<128x128xf32, #tpu.memory_space<vmem>>
        %parallel_loop3A_564 = tpu.vector_load_idx %parallel_loop3A_563[%add3A_5, %parallel_loop3A_448] : memref<128x128xf32, #tpu.memory_space<vmem>>[vector<16xi32>, vector<16xi32>], vector<16xf32>,
        %parallel_loop3A_565 = arith.constant 0 : i32
        %parallel_loop3A_566 = arith.constant 0 : i32
        %parallel_loop3A_567 = tpu.memref_slice %arg7[%rem3A_349, %parallel_loop3A_565, %parallel_loop3A_566] : memref<3x64x128xf32, #tpu.memory_space<vmem>> -> memref<1x64x128xf32, #tpu.memory_space<vmem>>
        %parallel_loop3A_568 = tpu.memref_squeeze %parallel_loop3A_567 : memref<1x64x128xf32, #tpu.memory_space<vmem>> -> memref<64x128xf32, #tpu.memory_space<vmem>>
        tpu.vector_store_idx %parallel_loop3A_568[%parallel_loop3A_448, %add3A_5], %parallel_loop3A_564 : memref<64x128xf32, #tpu.memory_space<vmem>>[vector<16xi32>, vector<16xi32>], vector<16xf32>,
        %parallel_loop3A_569 = arith.constant 0 : i32
        %parallel_loop3A_570 = arith.constant 0 : i32
        %parallel_loop3A_571 = tpu.memref_slice %arg6[%rem3A_349, %parallel_loop3A_569, %parallel_loop3A_570] : memref<3x128x128xf32, #tpu.memory_space<vmem>> -> memref<1x128x128xf32, #tpu.memory_space<vmem>>
        %parallel_loop3A_572 = tpu.memref_squeeze %parallel_loop3A_571 : memref<1x128x128xf32, #tpu.memory_space<vmem>> -> memref<128x128xf32, #tpu.memory_space<vmem>>
        %parallel_loop3A_573 = tpu.vector_load_idx %parallel_loop3A_572[%add3A_5, %parallel_loop3A_449] : memref<128x128xf32, #tpu.memory_space<vmem>>[vector<16xi32>, vector<16xi32>], vector<16xf32>,
        %parallel_loop3A_574 = arith.constant 0 : i32
        %parallel_loop3A_575 = arith.constant 0 : i32
        %parallel_loop3A_576 = tpu.memref_slice %arg7[%rem3A_349, %parallel_loop3A_574, %parallel_loop3A_575] : memref<3x64x128xf32, #tpu.memory_space<vmem>> -> memref<1x64x128xf32, #tpu.memory_space<vmem>>
        %parallel_loop3A_577 = tpu.memref_squeeze %parallel_loop3A_576 : memref<1x64x128xf32, #tpu.memory_space<vmem>> -> memref<64x128xf32, #tpu.memory_space<vmem>>
        tpu.vector_store_idx %parallel_loop3A_577[%parallel_loop3A_449, %add3A_5], %parallel_loop3A_573 : memref<64x128xf32, #tpu.memory_space<vmem>>[vector<16xi32>, vector<16xi32>], vector<16xf32>,
        %parallel_loop3A_578 = arith.constant 0 : i32
        %parallel_loop3A_579 = arith.constant 0 : i32
        %parallel_loop3A_580 = tpu.memref_slice %arg6[%rem3A_349, %parallel_loop3A_578, %parallel_loop3A_579] : memref<3x128x128xf32, #tpu.memory_space<vmem>> -> memref<1x128x128xf32, #tpu.memory_space<vmem>>
        %parallel_loop3A_581 = tpu.memref_squeeze %parallel_loop3A_580 : memref<1x128x128xf32, #tpu.memory_space<vmem>> -> memref<128x128xf32, #tpu.memory_space<vmem>>
        %parallel_loop3A_582 = tpu.vector_load_idx %parallel_loop3A_581[%add3A_5, %parallel_loop3A_450] : memref<128x128xf32, #tpu.memory_space<vmem>>[vector<16xi32>, vector<16xi32>], vector<16xf32>,
        %parallel_loop3A_583 = arith.constant 0 : i32
        %parallel_loop3A_584 = arith.constant 0 : i32
        %parallel_loop3A_585 = tpu.memref_slice %arg7[%rem3A_349, %parallel_loop3A_583, %parallel_loop3A_584] : memref<3x64x128xf32, #tpu.memory_space<vmem>> -> memref<1x64x128xf32, #tpu.memory_space<vmem>>
        %parallel_loop3A_586 = tpu.memref_squeeze %parallel_loop3A_585 : memref<1x64x128xf32, #tpu.memory_space<vmem>> -> memref<64x128xf32, #tpu.memory_space<vmem>>
        tpu.vector_store_idx %parallel_loop3A_586[%parallel_loop3A_450, %add3A_5], %parallel_loop3A_582 : memref<64x128xf32, #tpu.memory_space<vmem>>[vector<16xi32>, vector<16xi32>], vector<16xf32>,
        %parallel_loop3A_587 = arith.constant 0 : i32
        %parallel_loop3A_588 = arith.constant 0 : i32
        %parallel_loop3A_589 = tpu.memref_slice %arg6[%rem3A_349, %parallel_loop3A_587, %parallel_loop3A_588] : memref<3x128x128xf32, #tpu.memory_space<vmem>> -> memref<1x128x128xf32, #tpu.memory_space<vmem>>
        %parallel_loop3A_590 = tpu.memref_squeeze %parallel_loop3A_589 : memref<1x128x128xf32, #tpu.memory_space<vmem>> -> memref<128x128xf32, #tpu.memory_space<vmem>>
        %parallel_loop3A_591 = tpu.vector_load_idx %parallel_loop3A_590[%add3A_5, %parallel_loop3A_451] : memref<128x128xf32, #tpu.memory_space<vmem>>[vector<16xi32>, vector<16xi32>], vector<16xf32>,
        %parallel_loop3A_592 = arith.constant 0 : i32
        %parallel_loop3A_593 = arith.constant 0 : i32
        %parallel_loop3A_594 = tpu.memref_slice %arg7[%rem3A_349, %parallel_loop3A_592, %parallel_loop3A_593] : memref<3x64x128xf32, #tpu.memory_space<vmem>> -> memref<1x64x128xf32, #tpu.memory_space<vmem>>
        %parallel_loop3A_595 = tpu.memref_squeeze %parallel_loop3A_594 : memref<1x64x128xf32, #tpu.memory_space<vmem>> -> memref<64x128xf32, #tpu.memory_space<vmem>>
        tpu.vector_store_idx %parallel_loop3A_595[%parallel_loop3A_451, %add3A_5], %parallel_loop3A_591 : memref<64x128xf32, #tpu.memory_space<vmem>>[vector<16xi32>, vector<16xi32>], vector<16xf32>,
        %parallel_loop3A_596 = arith.constant 0 : i32
        %parallel_loop3A_597 = arith.constant 0 : i32
        %parallel_loop3A_598 = tpu.memref_slice %arg6[%rem3A_349, %parallel_loop3A_596, %parallel_loop3A_597] : memref<3x128x128xf32, #tpu.memory_space<vmem>> -> memref<1x128x128xf32, #tpu.memory_space<vmem>>
        %parallel_loop3A_599 = tpu.memref_squeeze %parallel_loop3A_598 : memref<1x128x128xf32, #tpu.memory_space<vmem>> -> memref<128x128xf32, #tpu.memory_space<vmem>>
        %parallel_loop3A_600 = tpu.vector_load_idx %parallel_loop3A_599[%add3A_8, %parallel_loop3A_436] : memref<128x128xf32, #tpu.memory_space<vmem>>[vector<16xi32>, vector<16xi32>], vector<16xf32>,
        %parallel_loop3A_601 = arith.constant 0 : i32
        %parallel_loop3A_602 = arith.constant 0 : i32
        %parallel_loop3A_603 = tpu.memref_slice %arg7[%rem3A_349, %parallel_loop3A_601, %parallel_loop3A_602] : memref<3x64x128xf32, #tpu.memory_space<vmem>> -> memref<1x64x128xf32, #tpu.memory_space<vmem>>
        %parallel_loop3A_604 = tpu.memref_squeeze %parallel_loop3A_603 : memref<1x64x128xf32, #tpu.memory_space<vmem>> -> memref<64x128xf32, #tpu.memory_space<vmem>>
        tpu.vector_store_idx %parallel_loop3A_604[%parallel_loop3A_436, %add3A_8], %parallel_loop3A_600 : memref<64x128xf32, #tpu.memory_space<vmem>>[vector<16xi32>, vector<16xi32>], vector<16xf32>,
        %parallel_loop3A_605 = arith.constant 0 : i32
        %parallel_loop3A_606 = arith.constant 0 : i32
        %parallel_loop3A_607 = tpu.memref_slice %arg6[%rem3A_349, %parallel_loop3A_605, %parallel_loop3A_606] : memref<3x128x128xf32, #tpu.memory_space<vmem>> -> memref<1x128x128xf32, #tpu.memory_space<vmem>>
        %parallel_loop3A_608 = tpu.memref_squeeze %parallel_loop3A_607 : memref<1x128x128xf32, #tpu.memory_space<vmem>> -> memref<128x128xf32, #tpu.memory_space<vmem>>
        %parallel_loop3A_609 = tpu.vector_load_idx %parallel_loop3A_608[%add3A_8, %parallel_loop3A_437] : memref<128x128xf32, #tpu.memory_space<vmem>>[vector<16xi32>, vector<16xi32>], vector<16xf32>,
        %parallel_loop3A_610 = arith.constant 0 : i32
        %parallel_loop3A_611 = arith.constant 0 : i32
        %parallel_loop3A_612 = tpu.memref_slice %arg7[%rem3A_349, %parallel_loop3A_610, %parallel_loop3A_611] : memref<3x64x128xf32, #tpu.memory_space<vmem>> -> memref<1x64x128xf32, #tpu.memory_space<vmem>>
        %parallel_loop3A_613 = tpu.memref_squeeze %parallel_loop3A_612 : memref<1x64x128xf32, #tpu.memory_space<vmem>> -> memref<64x128xf32, #tpu.memory_space<vmem>>
        tpu.vector_store_idx %parallel_loop3A_613[%parallel_loop3A_437, %add3A_8], %parallel_loop3A_609 : memref<64x128xf32, #tpu.memory_space<vmem>>[vector<16xi32>, vector<16xi32>], vector<16xf32>,
        %parallel_loop3A_614 = arith.constant 0 : i32
        %parallel_loop3A_615 = arith.constant 0 : i32
        %parallel_loop3A_616 = tpu.memref_slice %arg6[%rem3A_349, %parallel_loop3A_614, %parallel_loop3A_615] : memref<3x128x128xf32, #tpu.memory_space<vmem>> -> memref<1x128x128xf32, #tpu.memory_space<vmem>>
        %parallel_loop3A_617 = tpu.memref_squeeze %parallel_loop3A_616 : memref<1x128x128xf32, #tpu.memory_space<vmem>> -> memref<128x128xf32, #tpu.memory_space<vmem>>
        %parallel_loop3A_618 = tpu.vector_load_idx %parallel_loop3A_617[%add3A_8, %parallel_loop3A_438] : memref<128x128xf32, #tpu.memory_space<vmem>>[vector<16xi32>, vector<16xi32>], vector<16xf32>,
        %parallel_loop3A_619 = arith.constant 0 : i32
        %parallel_loop3A_620 = arith.constant 0 : i32
        %parallel_loop3A_621 = tpu.memref_slice %arg7[%rem3A_349, %parallel_loop3A_619, %parallel_loop3A_620] : memref<3x64x128xf32, #tpu.memory_space<vmem>> -> memref<1x64x128xf32, #tpu.memory_space<vmem>>
        %parallel_loop3A_622 = tpu.memref_squeeze %parallel_loop3A_621 : memref<1x64x128xf32, #tpu.memory_space<vmem>> -> memref<64x128xf32, #tpu.memory_space<vmem>>
        tpu.vector_store_idx %parallel_loop3A_622[%parallel_loop3A_438, %add3A_8], %parallel_loop3A_618 : memref<64x128xf32, #tpu.memory_space<vmem>>[vector<16xi32>, vector<16xi32>], vector<16xf32>,
        %parallel_loop3A_623 = arith.constant 0 : i32
        %parallel_loop3A_624 = arith.constant 0 : i32
        %parallel_loop3A_625 = tpu.memref_slice %arg6[%rem3A_349, %parallel_loop3A_623, %parallel_loop3A_624] : memref<3x128x128xf32, #tpu.memory_space<vmem>> -> memref<1x128x128xf32, #tpu.memory_space<vmem>>
        %parallel_loop3A_626 = tpu.memref_squeeze %parallel_loop3A_625 : memref<1x128x128xf32, #tpu.memory_space<vmem>> -> memref<128x128xf32, #tpu.memory_space<vmem>>
        %parallel_loop3A_627 = tpu.vector_load_idx %parallel_loop3A_626[%add3A_8, %parallel_loop3A_439] : memref<128x128xf32, #tpu.memory_space<vmem>>[vector<16xi32>, vector<16xi32>], vector<16xf32>,
        %parallel_loop3A_628 = arith.constant 0 : i32
        %parallel_loop3A_629 = arith.constant 0 : i32
        %parallel_loop3A_630 = tpu.memref_slice %arg7[%rem3A_349, %parallel_loop3A_628, %parallel_loop3A_629] : memref<3x64x128xf32, #tpu.memory_space<vmem>> -> memref<1x64x128xf32, #tpu.memory_space<vmem>>
        %parallel_loop3A_631 = tpu.memref_squeeze %parallel_loop3A_630 : memref<1x64x128xf32, #tpu.memory_space<vmem>> -> memref<64x128xf32, #tpu.memory_space<vmem>>
        tpu.vector_store_idx %parallel_loop3A_631[%parallel_loop3A_439, %add3A_8], %parallel_loop3A_627 : memref<64x128xf32, #tpu.memory_space<vmem>>[vector<16xi32>, vector<16xi32>], vector<16xf32>,
        %parallel_loop3A_632 = arith.constant 0 : i32
        %parallel_loop3A_633 = arith.constant 0 : i32
        %parallel_loop3A_634 = tpu.memref_slice %arg6[%rem3A_349, %parallel_loop3A_632, %parallel_loop3A_633] : memref<3x128x128xf32, #tpu.memory_space<vmem>> -> memref<1x128x128xf32, #tpu.memory_space<vmem>>
        %parallel_loop3A_635 = tpu.memref_squeeze %parallel_loop3A_634 : memref<1x128x128xf32, #tpu.memory_space<vmem>> -> memref<128x128xf32, #tpu.memory_space<vmem>>
        %parallel_loop3A_636 = tpu.vector_load_idx %parallel_loop3A_635[%add3A_8, %parallel_loop3A_440] : memref<128x128xf32, #tpu.memory_space<vmem>>[vector<16xi32>, vector<16xi32>], vector<16xf32>,
        %parallel_loop3A_637 = arith.constant 0 : i32
        %parallel_loop3A_638 = arith.constant 0 : i32
        %parallel_loop3A_639 = tpu.memref_slice %arg7[%rem3A_349, %parallel_loop3A_637, %parallel_loop3A_638] : memref<3x64x128xf32, #tpu.memory_space<vmem>> -> memref<1x64x128xf32, #tpu.memory_space<vmem>>
        %parallel_loop3A_640 = tpu.memref_squeeze %parallel_loop3A_639 : memref<1x64x128xf32, #tpu.memory_space<vmem>> -> memref<64x128xf32, #tpu.memory_space<vmem>>
        tpu.vector_store_idx %parallel_loop3A_640[%parallel_loop3A_440, %add3A_8], %parallel_loop3A_636 : memref<64x128xf32, #tpu.memory_space<vmem>>[vector<16xi32>, vector<16xi32>], vector<16xf32>,
        %parallel_loop3A_641 = arith.constant 0 : i32
        %parallel_loop3A_642 = arith.constant 0 : i32
        %parallel_loop3A_643 = tpu.memref_slice %arg6[%rem3A_349, %parallel_loop3A_641, %parallel_loop3A_642] : memref<3x128x128xf32, #tpu.memory_space<vmem>> -> memref<1x128x128xf32, #tpu.memory_space<vmem>>
        %parallel_loop3A_644 = tpu.memref_squeeze %parallel_loop3A_643 : memref<1x128x128xf32, #tpu.memory_space<vmem>> -> memref<128x128xf32, #tpu.memory_space<vmem>>
        %parallel_loop3A_645 = tpu.vector_load_idx %parallel_loop3A_644[%add3A_8, %parallel_loop3A_441] : memref<128x128xf32, #tpu.memory_space<vmem>>[vector<16xi32>, vector<16xi32>], vector<16xf32>,
        %parallel_loop3A_646 = arith.constant 0 : i32
        %parallel_loop3A_647 = arith.constant 0 : i32
        %parallel_loop3A_648 = tpu.memref_slice %arg7[%rem3A_349, %parallel_loop3A_646, %parallel_loop3A_647] : memref<3x64x128xf32, #tpu.memory_space<vmem>> -> memref<1x64x128xf32, #tpu.memory_space<vmem>>
        %parallel_loop3A_649 = tpu.memref_squeeze %parallel_loop3A_648 : memref<1x64x128xf32, #tpu.memory_space<vmem>> -> memref<64x128xf32, #tpu.memory_space<vmem>>
        tpu.vector_store_idx %parallel_loop3A_649[%parallel_loop3A_441, %add3A_8], %parallel_loop3A_645 : memref<64x128xf32, #tpu.memory_space<vmem>>[vector<16xi32>, vector<16xi32>], vector<16xf32>,
        %parallel_loop3A_650 = arith.constant 0 : i32
        %parallel_loop3A_651 = arith.constant 0 : i32
        %parallel_loop3A_652 = tpu.memref_slice %arg6[%rem3A_349, %parallel_loop3A_650, %parallel_loop3A_651] : memref<3x128x128xf32, #tpu.memory_space<vmem>> -> memref<1x128x128xf32, #tpu.memory_space<vmem>>
        %parallel_loop3A_653 = tpu.memref_squeeze %parallel_loop3A_652 : memref<1x128x128xf32, #tpu.memory_space<vmem>> -> memref<128x128xf32, #tpu.memory_space<vmem>>
        %parallel_loop3A_654 = tpu.vector_load_idx %parallel_loop3A_653[%add3A_8, %parallel_loop3A_442] : memref<128x128xf32, #tpu.memory_space<vmem>>[vector<16xi32>, vector<16xi32>], vector<16xf32>,
        %parallel_loop3A_655 = arith.constant 0 : i32
        %parallel_loop3A_656 = arith.constant 0 : i32
        %parallel_loop3A_657 = tpu.memref_slice %arg7[%rem3A_349, %parallel_loop3A_655, %parallel_loop3A_656] : memref<3x64x128xf32, #tpu.memory_space<vmem>> -> memref<1x64x128xf32, #tpu.memory_space<vmem>>
        %parallel_loop3A_658 = tpu.memref_squeeze %parallel_loop3A_657 : memref<1x64x128xf32, #tpu.memory_space<vmem>> -> memref<64x128xf32, #tpu.memory_space<vmem>>
        tpu.vector_store_idx %parallel_loop3A_658[%parallel_loop3A_442, %add3A_8], %parallel_loop3A_654 : memref<64x128xf32, #tpu.memory_space<vmem>>[vector<16xi32>, vector<16xi32>], vector<16xf32>,
        %parallel_loop3A_659 = arith.constant 0 : i32
        %parallel_loop3A_660 = arith.constant 0 : i32
        %parallel_loop3A_661 = tpu.memref_slice %arg6[%rem3A_349, %parallel_loop3A_659, %parallel_loop3A_660] : memref<3x128x128xf32, #tpu.memory_space<vmem>> -> memref<1x128x128xf32, #tpu.memory_space<vmem>>
        %parallel_loop3A_662 = tpu.memref_squeeze %parallel_loop3A_661 : memref<1x128x128xf32, #tpu.memory_space<vmem>> -> memref<128x128xf32, #tpu.memory_space<vmem>>
        %parallel_loop3A_663 = tpu.vector_load_idx %parallel_loop3A_662[%add3A_8, %parallel_loop3A_443] : memref<128x128xf32, #tpu.memory_space<vmem>>[vector<16xi32>, vector<16xi32>], vector<16xf32>,
        %parallel_loop3A_664 = arith.constant 0 : i32
        %parallel_loop3A_665 = arith.constant 0 : i32
        %parallel_loop3A_666 = tpu.memref_slice %arg7[%rem3A_349, %parallel_loop3A_664, %parallel_loop3A_665] : memref<3x64x128xf32, #tpu.memory_space<vmem>> -> memref<1x64x128xf32, #tpu.memory_space<vmem>>
        %parallel_loop3A_667 = tpu.memref_squeeze %parallel_loop3A_666 : memref<1x64x128xf32, #tpu.memory_space<vmem>> -> memref<64x128xf32, #tpu.memory_space<vmem>>
        tpu.vector_store_idx %parallel_loop3A_667[%parallel_loop3A_443, %add3A_8], %parallel_loop3A_663 : memref<64x128xf32, #tpu.memory_space<vmem>>[vector<16xi32>, vector<16xi32>], vector<16xf32>,
        %parallel_loop3A_668 = arith.constant 0 : i32
        %parallel_loop3A_669 = arith.constant 0 : i32
        %parallel_loop3A_670 = tpu.memref_slice %arg6[%rem3A_349, %parallel_loop3A_668, %parallel_loop3A_669] : memref<3x128x128xf32, #tpu.memory_space<vmem>> -> memref<1x128x128xf32, #tpu.memory_space<vmem>>
        %parallel_loop3A_671 = tpu.memref_squeeze %parallel_loop3A_670 : memref<1x128x128xf32, #tpu.memory_space<vmem>> -> memref<128x128xf32, #tpu.memory_space<vmem>>
        %parallel_loop3A_672 = tpu.vector_load_idx %parallel_loop3A_671[%add3A_8, %parallel_loop3A_444] : memref<128x128xf32, #tpu.memory_space<vmem>>[vector<16xi32>, vector<16xi32>], vector<16xf32>,
        %parallel_loop3A_673 = arith.constant 0 : i32
        %parallel_loop3A_674 = arith.constant 0 : i32
        %parallel_loop3A_675 = tpu.memref_slice %arg7[%rem3A_349, %parallel_loop3A_673, %parallel_loop3A_674] : memref<3x64x128xf32, #tpu.memory_space<vmem>> -> memref<1x64x128xf32, #tpu.memory_space<vmem>>
        %parallel_loop3A_676 = tpu.memref_squeeze %parallel_loop3A_675 : memref<1x64x128xf32, #tpu.memory_space<vmem>> -> memref<64x128xf32, #tpu.memory_space<vmem>>
        tpu.vector_store_idx %parallel_loop3A_676[%parallel_loop3A_444, %add3A_8], %parallel_loop3A_672 : memref<64x128xf32, #tpu.memory_space<vmem>>[vector<16xi32>, vector<16xi32>], vector<16xf32>,
        %parallel_loop3A_677 = arith.constant 0 : i32
        %parallel_loop3A_678 = arith.constant 0 : i32
        %parallel_loop3A_679 = tpu.memref_slice %arg6[%rem3A_349, %parallel_loop3A_677, %parallel_loop3A_678] : memref<3x128x128xf32, #tpu.memory_space<vmem>> -> memref<1x128x128xf32, #tpu.memory_space<vmem>>
        %parallel_loop3A_680 = tpu.memref_squeeze %parallel_loop3A_679 : memref<1x128x128xf32, #tpu.memory_space<vmem>> -> memref<128x128xf32, #tpu.memory_space<vmem>>
        %parallel_loop3A_681 = tpu.vector_load_idx %parallel_loop3A_680[%add3A_8, %parallel_loop3A_445] : memref<128x128xf32, #tpu.memory_space<vmem>>[vector<16xi32>, vector<16xi32>], vector<16xf32>,
        %parallel_loop3A_682 = arith.constant 0 : i32
        %parallel_loop3A_683 = arith.constant 0 : i32
        %parallel_loop3A_684 = tpu.memref_slice %arg7[%rem3A_349, %parallel_loop3A_682, %parallel_loop3A_683] : memref<3x64x128xf32, #tpu.memory_space<vmem>> -> memref<1x64x128xf32, #tpu.memory_space<vmem>>
        %parallel_loop3A_685 = tpu.memref_squeeze %parallel_loop3A_684 : memref<1x64x128xf32, #tpu.memory_space<vmem>> -> memref<64x128xf32, #tpu.memory_space<vmem>>
        tpu.vector_store_idx %parallel_loop3A_685[%parallel_loop3A_445, %add3A_8], %parallel_loop3A_681 : memref<64x128xf32, #tpu.memory_space<vmem>>[vector<16xi32>, vector<16xi32>], vector<16xf32>,
        %parallel_loop3A_686 = arith.constant 0 : i32
        %parallel_loop3A_687 = arith.constant 0 : i32
        %parallel_loop3A_688 = tpu.memref_slice %arg6[%rem3A_349, %parallel_loop3A_686, %parallel_loop3A_687] : memref<3x128x128xf32, #tpu.memory_space<vmem>> -> memref<1x128x128xf32, #tpu.memory_space<vmem>>
        %parallel_loop3A_689 = tpu.memref_squeeze %parallel_loop3A_688 : memref<1x128x128xf32, #tpu.memory_space<vmem>> -> memref<128x128xf32, #tpu.memory_space<vmem>>
        %parallel_loop3A_690 = tpu.vector_load_idx %parallel_loop3A_689[%add3A_8, %parallel_loop3A_446] : memref<128x128xf32, #tpu.memory_space<vmem>>[vector<16xi32>, vector<16xi32>], vector<16xf32>,
        %parallel_loop3A_691 = arith.constant 0 : i32
        %parallel_loop3A_692 = arith.constant 0 : i32
        %parallel_loop3A_693 = tpu.memref_slice %arg7[%rem3A_349, %parallel_loop3A_691, %parallel_loop3A_692] : memref<3x64x128xf32, #tpu.memory_space<vmem>> -> memref<1x64x128xf32, #tpu.memory_space<vmem>>
        %parallel_loop3A_694 = tpu.memref_squeeze %parallel_loop3A_693 : memref<1x64x128xf32, #tpu.memory_space<vmem>> -> memref<64x128xf32, #tpu.memory_space<vmem>>
        tpu.vector_store_idx %parallel_loop3A_694[%parallel_loop3A_446, %add3A_8], %parallel_loop3A_690 : memref<64x128xf32, #tpu.memory_space<vmem>>[vector<16xi32>, vector<16xi32>], vector<16xf32>,
        %parallel_loop3A_695 = arith.constant 0 : i32
        %parallel_loop3A_696 = arith.constant 0 : i32
        %parallel_loop3A_697 = tpu.memref_slice %arg6[%rem3A_349, %parallel_loop3A_695, %parallel_loop3A_696] : memref<3x128x128xf32, #tpu.memory_space<vmem>> -> memref<1x128x128xf32, #tpu.memory_space<vmem>>
        %parallel_loop3A_698 = tpu.memref_squeeze %parallel_loop3A_697 : memref<1x128x128xf32, #tpu.memory_space<vmem>> -> memref<128x128xf32, #tpu.memory_space<vmem>>
        %parallel_loop3A_699 = tpu.vector_load_idx %parallel_loop3A_698[%add3A_8, %parallel_loop3A_447] : memref<128x128xf32, #tpu.memory_space<vmem>>[vector<16xi32>, vector<16xi32>], vector<16xf32>,
        %parallel_loop3A_700 = arith.constant 0 : i32
        %parallel_loop3A_701 = arith.constant 0 : i32
        %parallel_loop3A_702 = tpu.memref_slice %arg7[%rem3A_349, %parallel_loop3A_700, %parallel_loop3A_701] : memref<3x64x128xf32, #tpu.memory_space<vmem>> -> memref<1x64x128xf32, #tpu.memory_space<vmem>>
        %parallel_loop3A_703 = tpu.memref_squeeze %parallel_loop3A_702 : memref<1x64x128xf32, #tpu.memory_space<vmem>> -> memref<64x128xf32, #tpu.memory_space<vmem>>
        tpu.vector_store_idx %parallel_loop3A_703[%parallel_loop3A_447, %add3A_8], %parallel_loop3A_699 : memref<64x128xf32, #tpu.memory_space<vmem>>[vector<16xi32>, vector<16xi32>], vector<16xf32>,
        %parallel_loop3A_704 = arith.constant 0 : i32
        %parallel_loop3A_705 = arith.constant 0 : i32
        %parallel_loop3A_706 = tpu.memref_slice %arg6[%rem3A_349, %parallel_loop3A_704, %parallel_loop3A_705] : memref<3x128x128xf32, #tpu.memory_space<vmem>> -> memref<1x128x128xf32, #tpu.memory_space<vmem>>
        %parallel_loop3A_707 = tpu.memref_squeeze %parallel_loop3A_706 : memref<1x128x128xf32, #tpu.memory_space<vmem>> -> memref<128x128xf32, #tpu.memory_space<vmem>>
        %parallel_loop3A_708 = tpu.vector_load_idx %parallel_loop3A_707[%add3A_8, %parallel_loop3A_448] : memref<128x128xf32, #tpu.memory_space<vmem>>[vector<16xi32>, vector<16xi32>], vector<16xf32>,
        %parallel_loop3A_709 = arith.constant 0 : i32
        %parallel_loop3A_710 = arith.constant 0 : i32
        %parallel_loop3A_711 = tpu.memref_slice %arg7[%rem3A_349, %parallel_loop3A_709, %parallel_loop3A_710] : memref<3x64x128xf32, #tpu.memory_space<vmem>> -> memref<1x64x128xf32, #tpu.memory_space<vmem>>
        %parallel_loop3A_712 = tpu.memref_squeeze %parallel_loop3A_711 : memref<1x64x128xf32, #tpu.memory_space<vmem>> -> memref<64x128xf32, #tpu.memory_space<vmem>>
        tpu.vector_store_idx %parallel_loop3A_712[%parallel_loop3A_448, %add3A_8], %parallel_loop3A_708 : memref<64x128xf32, #tpu.memory_space<vmem>>[vector<16xi32>, vector<16xi32>], vector<16xf32>,
        %parallel_loop3A_713 = arith.constant 0 : i32
        %parallel_loop3A_714 = arith.constant 0 : i32
        %parallel_loop3A_715 = tpu.memref_slice %arg6[%rem3A_349, %parallel_loop3A_713, %parallel_loop3A_714] : memref<3x128x128xf32, #tpu.memory_space<vmem>> -> memref<1x128x128xf32, #tpu.memory_space<vmem>>
        %parallel_loop3A_716 = tpu.memref_squeeze %parallel_loop3A_715 : memref<1x128x128xf32, #tpu.memory_space<vmem>> -> memref<128x128xf32, #tpu.memory_space<vmem>>
        %parallel_loop3A_717 = tpu.vector_load_idx %parallel_loop3A_716[%add3A_8, %parallel_loop3A_449] : memref<128x128xf32, #tpu.memory_space<vmem>>[vector<16xi32>, vector<16xi32>], vector<16xf32>,
        %parallel_loop3A_718 = arith.constant 0 : i32
        %parallel_loop3A_719 = arith.constant 0 : i32
        %parallel_loop3A_720 = tpu.memref_slice %arg7[%rem3A_349, %parallel_loop3A_718, %parallel_loop3A_719] : memref<3x64x128xf32, #tpu.memory_space<vmem>> -> memref<1x64x128xf32, #tpu.memory_space<vmem>>
        %parallel_loop3A_721 = tpu.memref_squeeze %parallel_loop3A_720 : memref<1x64x128xf32, #tpu.memory_space<vmem>> -> memref<64x128xf32, #tpu.memory_space<vmem>>
        tpu.vector_store_idx %parallel_loop3A_721[%parallel_loop3A_449, %add3A_8], %parallel_loop3A_717 : memref<64x128xf32, #tpu.memory_space<vmem>>[vector<16xi32>, vector<16xi32>], vector<16xf32>,
        %parallel_loop3A_722 = arith.constant 0 : i32
        %parallel_loop3A_723 = arith.constant 0 : i32
        %parallel_loop3A_724 = tpu.memref_slice %arg6[%rem3A_349, %parallel_loop3A_722, %parallel_loop3A_723] : memref<3x128x128xf32, #tpu.memory_space<vmem>> -> memref<1x128x128xf32, #tpu.memory_space<vmem>>
        %parallel_loop3A_725 = tpu.memref_squeeze %parallel_loop3A_724 : memref<1x128x128xf32, #tpu.memory_space<vmem>> -> memref<128x128xf32, #tpu.memory_space<vmem>>
        %parallel_loop3A_726 = tpu.vector_load_idx %parallel_loop3A_725[%add3A_8, %parallel_loop3A_450] : memref<128x128xf32, #tpu.memory_space<vmem>>[vector<16xi32>, vector<16xi32>], vector<16xf32>,
        %parallel_loop3A_727 = arith.constant 0 : i32
        %parallel_loop3A_728 = arith.constant 0 : i32
        %parallel_loop3A_729 = tpu.memref_slice %arg7[%rem3A_349, %parallel_loop3A_727, %parallel_loop3A_728] : memref<3x64x128xf32, #tpu.memory_space<vmem>> -> memref<1x64x128xf32, #tpu.memory_space<vmem>>
        %parallel_loop3A_730 = tpu.memref_squeeze %parallel_loop3A_729 : memref<1x64x128xf32, #tpu.memory_space<vmem>> -> memref<64x128xf32, #tpu.memory_space<vmem>>
        tpu.vector_store_idx %parallel_loop3A_730[%parallel_loop3A_450, %add3A_8], %parallel_loop3A_726 : memref<64x128xf32, #tpu.memory_space<vmem>>[vector<16xi32>, vector<16xi32>], vector<16xf32>,
        %parallel_loop3A_731 = arith.constant 0 : i32
        %parallel_loop3A_732 = arith.constant 0 : i32
        %parallel_loop3A_733 = tpu.memref_slice %arg6[%rem3A_349, %parallel_loop3A_731, %parallel_loop3A_732] : memref<3x128x128xf32, #tpu.memory_space<vmem>> -> memref<1x128x128xf32, #tpu.memory_space<vmem>>
        %parallel_loop3A_734 = tpu.memref_squeeze %parallel_loop3A_733 : memref<1x128x128xf32, #tpu.memory_space<vmem>> -> memref<128x128xf32, #tpu.memory_space<vmem>>
        %parallel_loop3A_735 = tpu.vector_load_idx %parallel_loop3A_734[%add3A_8, %parallel_loop3A_451] : memref<128x128xf32, #tpu.memory_space<vmem>>[vector<16xi32>, vector<16xi32>], vector<16xf32>,
        %parallel_loop3A_736 = arith.constant 0 : i32
        %parallel_loop3A_737 = arith.constant 0 : i32
        %parallel_loop3A_738 = tpu.memref_slice %arg7[%rem3A_349, %parallel_loop3A_736, %parallel_loop3A_737] : memref<3x64x128xf32, #tpu.memory_space<vmem>> -> memref<1x64x128xf32, #tpu.memory_space<vmem>>
        %parallel_loop3A_739 = tpu.memref_squeeze %parallel_loop3A_738 : memref<1x64x128xf32, #tpu.memory_space<vmem>> -> memref<64x128xf32, #tpu.memory_space<vmem>>
        tpu.vector_store_idx %parallel_loop3A_739[%parallel_loop3A_451, %add3A_8], %parallel_loop3A_735 : memref<64x128xf32, #tpu.memory_space<vmem>>[vector<16xi32>, vector<16xi32>], vector<16xf32>,
        %parallel_loop3A_740 = arith.constant 0 : i32
        %parallel_loop3A_741 = arith.constant 0 : i32
        %parallel_loop3A_742 = tpu.memref_slice %arg6[%rem3A_349, %parallel_loop3A_740, %parallel_loop3A_741] : memref<3x128x128xf32, #tpu.memory_space<vmem>> -> memref<1x128x128xf32, #tpu.memory_space<vmem>>
        %parallel_loop3A_743 = tpu.memref_squeeze %parallel_loop3A_742 : memref<1x128x128xf32, #tpu.memory_space<vmem>> -> memref<128x128xf32, #tpu.memory_space<vmem>>
        %parallel_loop3A_744 = tpu.vector_load_idx %parallel_loop3A_743[%add3A_11, %parallel_loop3A_436] : memref<128x128xf32, #tpu.memory_space<vmem>>[vector<16xi32>, vector<16xi32>], vector<16xf32>,
        %parallel_loop3A_745 = arith.constant 0 : i32
        %parallel_loop3A_746 = arith.constant 0 : i32
        %parallel_loop3A_747 = tpu.memref_slice %arg7[%rem3A_349, %parallel_loop3A_745, %parallel_loop3A_746] : memref<3x64x128xf32, #tpu.memory_space<vmem>> -> memref<1x64x128xf32, #tpu.memory_space<vmem>>
        %parallel_loop3A_748 = tpu.memref_squeeze %parallel_loop3A_747 : memref<1x64x128xf32, #tpu.memory_space<vmem>> -> memref<64x128xf32, #tpu.memory_space<vmem>>
        tpu.vector_store_idx %parallel_loop3A_748[%parallel_loop3A_436, %add3A_11], %parallel_loop3A_744 : memref<64x128xf32, #tpu.memory_space<vmem>>[vector<16xi32>, vector<16xi32>], vector<16xf32>,
        %parallel_loop3A_749 = arith.constant 0 : i32
        %parallel_loop3A_750 = arith.constant 0 : i32
        %parallel_loop3A_751 = tpu.memref_slice %arg6[%rem3A_349, %parallel_loop3A_749, %parallel_loop3A_750] : memref<3x128x128xf32, #tpu.memory_space<vmem>> -> memref<1x128x128xf32, #tpu.memory_space<vmem>>
        %parallel_loop3A_752 = tpu.memref_squeeze %parallel_loop3A_751 : memref<1x128x128xf32, #tpu.memory_space<vmem>> -> memref<128x128xf32, #tpu.memory_space<vmem>>
        %parallel_loop3A_753 = tpu.vector_load_idx %parallel_loop3A_752[%add3A_11, %parallel_loop3A_437] : memref<128x128xf32, #tpu.memory_space<vmem>>[vector<16xi32>, vector<16xi32>], vector<16xf32>,
        %parallel_loop3A_754 = arith.constant 0 : i32
        %parallel_loop3A_755 = arith.constant 0 : i32
        %parallel_loop3A_756 = tpu.memref_slice %arg7[%rem3A_349, %parallel_loop3A_754, %parallel_loop3A_755] : memref<3x64x128xf32, #tpu.memory_space<vmem>> -> memref<1x64x128xf32, #tpu.memory_space<vmem>>
        %parallel_loop3A_757 = tpu.memref_squeeze %parallel_loop3A_756 : memref<1x64x128xf32, #tpu.memory_space<vmem>> -> memref<64x128xf32, #tpu.memory_space<vmem>>
        tpu.vector_store_idx %parallel_loop3A_757[%parallel_loop3A_437, %add3A_11], %parallel_loop3A_753 : memref<64x128xf32, #tpu.memory_space<vmem>>[vector<16xi32>, vector<16xi32>], vector<16xf32>,
        %parallel_loop3A_758 = arith.constant 0 : i32
        %parallel_loop3A_759 = arith.constant 0 : i32
        %parallel_loop3A_760 = tpu.memref_slice %arg6[%rem3A_349, %parallel_loop3A_758, %parallel_loop3A_759] : memref<3x128x128xf32, #tpu.memory_space<vmem>> -> memref<1x128x128xf32, #tpu.memory_space<vmem>>
        %parallel_loop3A_761 = tpu.memref_squeeze %parallel_loop3A_760 : memref<1x128x128xf32, #tpu.memory_space<vmem>> -> memref<128x128xf32, #tpu.memory_space<vmem>>
        %parallel_loop3A_762 = tpu.vector_load_idx %parallel_loop3A_761[%add3A_11, %parallel_loop3A_438] : memref<128x128xf32, #tpu.memory_space<vmem>>[vector<16xi32>, vector<16xi32>], vector<16xf32>,
        %parallel_loop3A_763 = arith.constant 0 : i32
        %parallel_loop3A_764 = arith.constant 0 : i32
        %parallel_loop3A_765 = tpu.memref_slice %arg7[%rem3A_349, %parallel_loop3A_763, %parallel_loop3A_764] : memref<3x64x128xf32, #tpu.memory_space<vmem>> -> memref<1x64x128xf32, #tpu.memory_space<vmem>>
        %parallel_loop3A_766 = tpu.memref_squeeze %parallel_loop3A_765 : memref<1x64x128xf32, #tpu.memory_space<vmem>> -> memref<64x128xf32, #tpu.memory_space<vmem>>
        tpu.vector_store_idx %parallel_loop3A_766[%parallel_loop3A_438, %add3A_11], %parallel_loop3A_762 : memref<64x128xf32, #tpu.memory_space<vmem>>[vector<16xi32>, vector<16xi32>], vector<16xf32>,
        %parallel_loop3A_767 = arith.constant 0 : i32
        %parallel_loop3A_768 = arith.constant 0 : i32
        %parallel_loop3A_769 = tpu.memref_slice %arg6[%rem3A_349, %parallel_loop3A_767, %parallel_loop3A_768] : memref<3x128x128xf32, #tpu.memory_space<vmem>> -> memref<1x128x128xf32, #tpu.memory_space<vmem>>
        %parallel_loop3A_770 = tpu.memref_squeeze %parallel_loop3A_769 : memref<1x128x128xf32, #tpu.memory_space<vmem>> -> memref<128x128xf32, #tpu.memory_space<vmem>>
        %parallel_loop3A_771 = tpu.vector_load_idx %parallel_loop3A_770[%add3A_11, %parallel_loop3A_439] : memref<128x128xf32, #tpu.memory_space<vmem>>[vector<16xi32>, vector<16xi32>], vector<16xf32>,
        %parallel_loop3A_772 = arith.constant 0 : i32
        %parallel_loop3A_773 = arith.constant 0 : i32
        %parallel_loop3A_774 = tpu.memref_slice %arg7[%rem3A_349, %parallel_loop3A_772, %parallel_loop3A_773] : memref<3x64x128xf32, #tpu.memory_space<vmem>> -> memref<1x64x128xf32, #tpu.memory_space<vmem>>
        %parallel_loop3A_775 = tpu.memref_squeeze %parallel_loop3A_774 : memref<1x64x128xf32, #tpu.memory_space<vmem>> -> memref<64x128xf32, #tpu.memory_space<vmem>>
        tpu.vector_store_idx %parallel_loop3A_775[%parallel_loop3A_439, %add3A_11], %parallel_loop3A_771 : memref<64x128xf32, #tpu.memory_space<vmem>>[vector<16xi32>, vector<16xi32>], vector<16xf32>,
        %parallel_loop3A_776 = arith.constant 0 : i32
        %parallel_loop3A_777 = arith.constant 0 : i32
        %parallel_loop3A_778 = tpu.memref_slice %arg6[%rem3A_349, %parallel_loop3A_776, %parallel_loop3A_777] : memref<3x128x128xf32, #tpu.memory_space<vmem>> -> memref<1x128x128xf32, #tpu.memory_space<vmem>>
        %parallel_loop3A_779 = tpu.memref_squeeze %parallel_loop3A_778 : memref<1x128x128xf32, #tpu.memory_space<vmem>> -> memref<128x128xf32, #tpu.memory_space<vmem>>
        %parallel_loop3A_780 = tpu.vector_load_idx %parallel_loop3A_779[%add3A_11, %parallel_loop3A_440] : memref<128x128xf32, #tpu.memory_space<vmem>>[vector<16xi32>, vector<16xi32>], vector<16xf32>,
        %parallel_loop3A_781 = arith.constant 0 : i32
        %parallel_loop3A_782 = arith.constant 0 : i32
        %parallel_loop3A_783 = tpu.memref_slice %arg7[%rem3A_349, %parallel_loop3A_781, %parallel_loop3A_782] : memref<3x64x128xf32, #tpu.memory_space<vmem>> -> memref<1x64x128xf32, #tpu.memory_space<vmem>>
        %parallel_loop3A_784 = tpu.memref_squeeze %parallel_loop3A_783 : memref<1x64x128xf32, #tpu.memory_space<vmem>> -> memref<64x128xf32, #tpu.memory_space<vmem>>
        tpu.vector_store_idx %parallel_loop3A_784[%parallel_loop3A_440, %add3A_11], %parallel_loop3A_780 : memref<64x128xf32, #tpu.memory_space<vmem>>[vector<16xi32>, vector<16xi32>], vector<16xf32>,
        %parallel_loop3A_785 = arith.constant 0 : i32
        %parallel_loop3A_786 = arith.constant 0 : i32
        %parallel_loop3A_787 = tpu.memref_slice %arg6[%rem3A_349, %parallel_loop3A_785, %parallel_loop3A_786] : memref<3x128x128xf32, #tpu.memory_space<vmem>> -> memref<1x128x128xf32, #tpu.memory_space<vmem>>
        %parallel_loop3A_788 = tpu.memref_squeeze %parallel_loop3A_787 : memref<1x128x128xf32, #tpu.memory_space<vmem>> -> memref<128x128xf32, #tpu.memory_space<vmem>>
        %parallel_loop3A_789 = tpu.vector_load_idx %parallel_loop3A_788[%add3A_11, %parallel_loop3A_441] : memref<128x128xf32, #tpu.memory_space<vmem>>[vector<16xi32>, vector<16xi32>], vector<16xf32>,
        %parallel_loop3A_790 = arith.constant 0 : i32
        %parallel_loop3A_791 = arith.constant 0 : i32
        %parallel_loop3A_792 = tpu.memref_slice %arg7[%rem3A_349, %parallel_loop3A_790, %parallel_loop3A_791] : memref<3x64x128xf32, #tpu.memory_space<vmem>> -> memref<1x64x128xf32, #tpu.memory_space<vmem>>
        %parallel_loop3A_793 = tpu.memref_squeeze %parallel_loop3A_792 : memref<1x64x128xf32, #tpu.memory_space<vmem>> -> memref<64x128xf32, #tpu.memory_space<vmem>>
        tpu.vector_store_idx %parallel_loop3A_793[%parallel_loop3A_441, %add3A_11], %parallel_loop3A_789 : memref<64x128xf32, #tpu.memory_space<vmem>>[vector<16xi32>, vector<16xi32>], vector<16xf32>,
        %parallel_loop3A_794 = arith.constant 0 : i32
        %parallel_loop3A_795 = arith.constant 0 : i32
        %parallel_loop3A_796 = tpu.memref_slice %arg6[%rem3A_349, %parallel_loop3A_794, %parallel_loop3A_795] : memref<3x128x128xf32, #tpu.memory_space<vmem>> -> memref<1x128x128xf32, #tpu.memory_space<vmem>>
        %parallel_loop3A_797 = tpu.memref_squeeze %parallel_loop3A_796 : memref<1x128x128xf32, #tpu.memory_space<vmem>> -> memref<128x128xf32, #tpu.memory_space<vmem>>
        %parallel_loop3A_798 = tpu.vector_load_idx %parallel_loop3A_797[%add3A_11, %parallel_loop3A_442] : memref<128x128xf32, #tpu.memory_space<vmem>>[vector<16xi32>, vector<16xi32>], vector<16xf32>,
        %parallel_loop3A_799 = arith.constant 0 : i32
        %parallel_loop3A_800 = arith.constant 0 : i32
        %parallel_loop3A_801 = tpu.memref_slice %arg7[%rem3A_349, %parallel_loop3A_799, %parallel_loop3A_800] : memref<3x64x128xf32, #tpu.memory_space<vmem>> -> memref<1x64x128xf32, #tpu.memory_space<vmem>>
        %parallel_loop3A_802 = tpu.memref_squeeze %parallel_loop3A_801 : memref<1x64x128xf32, #tpu.memory_space<vmem>> -> memref<64x128xf32, #tpu.memory_space<vmem>>
        tpu.vector_store_idx %parallel_loop3A_802[%parallel_loop3A_442, %add3A_11], %parallel_loop3A_798 : memref<64x128xf32, #tpu.memory_space<vmem>>[vector<16xi32>, vector<16xi32>], vector<16xf32>,
        %parallel_loop3A_803 = arith.constant 0 : i32
        %parallel_loop3A_804 = arith.constant 0 : i32
        %parallel_loop3A_805 = tpu.memref_slice %arg6[%rem3A_349, %parallel_loop3A_803, %parallel_loop3A_804] : memref<3x128x128xf32, #tpu.memory_space<vmem>> -> memref<1x128x128xf32, #tpu.memory_space<vmem>>
        %parallel_loop3A_806 = tpu.memref_squeeze %parallel_loop3A_805 : memref<1x128x128xf32, #tpu.memory_space<vmem>> -> memref<128x128xf32, #tpu.memory_space<vmem>>
        %parallel_loop3A_807 = tpu.vector_load_idx %parallel_loop3A_806[%add3A_11, %parallel_loop3A_443] : memref<128x128xf32, #tpu.memory_space<vmem>>[vector<16xi32>, vector<16xi32>], vector<16xf32>,
        %parallel_loop3A_808 = arith.constant 0 : i32
        %parallel_loop3A_809 = arith.constant 0 : i32
        %parallel_loop3A_810 = tpu.memref_slice %arg7[%rem3A_349, %parallel_loop3A_808, %parallel_loop3A_809] : memref<3x64x128xf32, #tpu.memory_space<vmem>> -> memref<1x64x128xf32, #tpu.memory_space<vmem>>
        %parallel_loop3A_811 = tpu.memref_squeeze %parallel_loop3A_810 : memref<1x64x128xf32, #tpu.memory_space<vmem>> -> memref<64x128xf32, #tpu.memory_space<vmem>>
        tpu.vector_store_idx %parallel_loop3A_811[%parallel_loop3A_443, %add3A_11], %parallel_loop3A_807 : memref<64x128xf32, #tpu.memory_space<vmem>>[vector<16xi32>, vector<16xi32>], vector<16xf32>,
        %parallel_loop3A_812 = arith.constant 0 : i32
        %parallel_loop3A_813 = arith.constant 0 : i32
        %parallel_loop3A_814 = tpu.memref_slice %arg6[%rem3A_349, %parallel_loop3A_812, %parallel_loop3A_813] : memref<3x128x128xf32, #tpu.memory_space<vmem>> -> memref<1x128x128xf32, #tpu.memory_space<vmem>>
        %parallel_loop3A_815 = tpu.memref_squeeze %parallel_loop3A_814 : memref<1x128x128xf32, #tpu.memory_space<vmem>> -> memref<128x128xf32, #tpu.memory_space<vmem>>
        %parallel_loop3A_816 = tpu.vector_load_idx %parallel_loop3A_815[%add3A_11, %parallel_loop3A_444] : memref<128x128xf32, #tpu.memory_space<vmem>>[vector<16xi32>, vector<16xi32>], vector<16xf32>,
        %parallel_loop3A_817 = arith.constant 0 : i32
        %parallel_loop3A_818 = arith.constant 0 : i32
        %parallel_loop3A_819 = tpu.memref_slice %arg7[%rem3A_349, %parallel_loop3A_817, %parallel_loop3A_818] : memref<3x64x128xf32, #tpu.memory_space<vmem>> -> memref<1x64x128xf32, #tpu.memory_space<vmem>>
        %parallel_loop3A_820 = tpu.memref_squeeze %parallel_loop3A_819 : memref<1x64x128xf32, #tpu.memory_space<vmem>> -> memref<64x128xf32, #tpu.memory_space<vmem>>
        tpu.vector_store_idx %parallel_loop3A_820[%parallel_loop3A_444, %add3A_11], %parallel_loop3A_816 : memref<64x128xf32, #tpu.memory_space<vmem>>[vector<16xi32>, vector<16xi32>], vector<16xf32>,
        %parallel_loop3A_821 = arith.constant 0 : i32
        %parallel_loop3A_822 = arith.constant 0 : i32
        %parallel_loop3A_823 = tpu.memref_slice %arg6[%rem3A_349, %parallel_loop3A_821, %parallel_loop3A_822] : memref<3x128x128xf32, #tpu.memory_space<vmem>> -> memref<1x128x128xf32, #tpu.memory_space<vmem>>
        %parallel_loop3A_824 = tpu.memref_squeeze %parallel_loop3A_823 : memref<1x128x128xf32, #tpu.memory_space<vmem>> -> memref<128x128xf32, #tpu.memory_space<vmem>>
        %parallel_loop3A_825 = tpu.vector_load_idx %parallel_loop3A_824[%add3A_11, %parallel_loop3A_445] : memref<128x128xf32, #tpu.memory_space<vmem>>[vector<16xi32>, vector<16xi32>], vector<16xf32>,
        %parallel_loop3A_826 = arith.constant 0 : i32
        %parallel_loop3A_827 = arith.constant 0 : i32
        %parallel_loop3A_828 = tpu.memref_slice %arg7[%rem3A_349, %parallel_loop3A_826, %parallel_loop3A_827] : memref<3x64x128xf32, #tpu.memory_space<vmem>> -> memref<1x64x128xf32, #tpu.memory_space<vmem>>
        %parallel_loop3A_829 = tpu.memref_squeeze %parallel_loop3A_828 : memref<1x64x128xf32, #tpu.memory_space<vmem>> -> memref<64x128xf32, #tpu.memory_space<vmem>>
        tpu.vector_store_idx %parallel_loop3A_829[%parallel_loop3A_445, %add3A_11], %parallel_loop3A_825 : memref<64x128xf32, #tpu.memory_space<vmem>>[vector<16xi32>, vector<16xi32>], vector<16xf32>,
        %parallel_loop3A_830 = arith.constant 0 : i32
        %parallel_loop3A_831 = arith.constant 0 : i32
        %parallel_loop3A_832 = tpu.memref_slice %arg6[%rem3A_349, %parallel_loop3A_830, %parallel_loop3A_831] : memref<3x128x128xf32, #tpu.memory_space<vmem>> -> memref<1x128x128xf32, #tpu.memory_space<vmem>>
        %parallel_loop3A_833 = tpu.memref_squeeze %parallel_loop3A_832 : memref<1x128x128xf32, #tpu.memory_space<vmem>> -> memref<128x128xf32, #tpu.memory_space<vmem>>
        %parallel_loop3A_834 = tpu.vector_load_idx %parallel_loop3A_833[%add3A_11, %parallel_loop3A_446] : memref<128x128xf32, #tpu.memory_space<vmem>>[vector<16xi32>, vector<16xi32>], vector<16xf32>,
        %parallel_loop3A_835 = arith.constant 0 : i32
        %parallel_loop3A_836 = arith.constant 0 : i32
        %parallel_loop3A_837 = tpu.memref_slice %arg7[%rem3A_349, %parallel_loop3A_835, %parallel_loop3A_836] : memref<3x64x128xf32, #tpu.memory_space<vmem>> -> memref<1x64x128xf32, #tpu.memory_space<vmem>>
        %parallel_loop3A_838 = tpu.memref_squeeze %parallel_loop3A_837 : memref<1x64x128xf32, #tpu.memory_space<vmem>> -> memref<64x128xf32, #tpu.memory_space<vmem>>
        tpu.vector_store_idx %parallel_loop3A_838[%parallel_loop3A_446, %add3A_11], %parallel_loop3A_834 : memref<64x128xf32, #tpu.memory_space<vmem>>[vector<16xi32>, vector<16xi32>], vector<16xf32>,
        %parallel_loop3A_839 = arith.constant 0 : i32
        %parallel_loop3A_840 = arith.constant 0 : i32
        %parallel_loop3A_841 = tpu.memref_slice %arg6[%rem3A_349, %parallel_loop3A_839, %parallel_loop3A_840] : memref<3x128x128xf32, #tpu.memory_space<vmem>> -> memref<1x128x128xf32, #tpu.memory_space<vmem>>
        %parallel_loop3A_842 = tpu.memref_squeeze %parallel_loop3A_841 : memref<1x128x128xf32, #tpu.memory_space<vmem>> -> memref<128x128xf32, #tpu.memory_space<vmem>>
        %parallel_loop3A_843 = tpu.vector_load_idx %parallel_loop3A_842[%add3A_11, %parallel_loop3A_447] : memref<128x128xf32, #tpu.memory_space<vmem>>[vector<16xi32>, vector<16xi32>], vector<16xf32>,
        %parallel_loop3A_844 = arith.constant 0 : i32
        %parallel_loop3A_845 = arith.constant 0 : i32
        %parallel_loop3A_846 = tpu.memref_slice %arg7[%rem3A_349, %parallel_loop3A_844, %parallel_loop3A_845] : memref<3x64x128xf32, #tpu.memory_space<vmem>> -> memref<1x64x128xf32, #tpu.memory_space<vmem>>
        %parallel_loop3A_847 = tpu.memref_squeeze %parallel_loop3A_846 : memref<1x64x128xf32, #tpu.memory_space<vmem>> -> memref<64x128xf32, #tpu.memory_space<vmem>>
        tpu.vector_store_idx %parallel_loop3A_847[%parallel_loop3A_447, %add3A_11], %parallel_loop3A_843 : memref<64x128xf32, #tpu.memory_space<vmem>>[vector<16xi32>, vector<16xi32>], vector<16xf32>,
        %parallel_loop3A_848 = arith.constant 0 : i32
        %parallel_loop3A_849 = arith.constant 0 : i32
        %parallel_loop3A_850 = tpu.memref_slice %arg6[%rem3A_349, %parallel_loop3A_848, %parallel_loop3A_849] : memref<3x128x128xf32, #tpu.memory_space<vmem>> -> memref<1x128x128xf32, #tpu.memory_space<vmem>>
        %parallel_loop3A_851 = tpu.memref_squeeze %parallel_loop3A_850 : memref<1x128x128xf32, #tpu.memory_space<vmem>> -> memref<128x128xf32, #tpu.memory_space<vmem>>
        %parallel_loop3A_852 = tpu.vector_load_idx %parallel_loop3A_851[%add3A_11, %parallel_loop3A_448] : memref<128x128xf32, #tpu.memory_space<vmem>>[vector<16xi32>, vector<16xi32>], vector<16xf32>,
        %parallel_loop3A_853 = arith.constant 0 : i32
        %parallel_loop3A_854 = arith.constant 0 : i32
        %parallel_loop3A_855 = tpu.memref_slice %arg7[%rem3A_349, %parallel_loop3A_853, %parallel_loop3A_854] : memref<3x64x128xf32, #tpu.memory_space<vmem>> -> memref<1x64x128xf32, #tpu.memory_space<vmem>>
        %parallel_loop3A_856 = tpu.memref_squeeze %parallel_loop3A_855 : memref<1x64x128xf32, #tpu.memory_space<vmem>> -> memref<64x128xf32, #tpu.memory_space<vmem>>
        tpu.vector_store_idx %parallel_loop3A_856[%parallel_loop3A_448, %add3A_11], %parallel_loop3A_852 : memref<64x128xf32, #tpu.memory_space<vmem>>[vector<16xi32>, vector<16xi32>], vector<16xf32>,
        %parallel_loop3A_857 = arith.constant 0 : i32
        %parallel_loop3A_858 = arith.constant 0 : i32
        %parallel_loop3A_859 = tpu.memref_slice %arg6[%rem3A_349, %parallel_loop3A_857, %parallel_loop3A_858] : memref<3x128x128xf32, #tpu.memory_space<vmem>> -> memref<1x128x128xf32, #tpu.memory_space<vmem>>
        %parallel_loop3A_860 = tpu.memref_squeeze %parallel_loop3A_859 : memref<1x128x128xf32, #tpu.memory_space<vmem>> -> memref<128x128xf32, #tpu.memory_space<vmem>>
        %parallel_loop3A_861 = tpu.vector_load_idx %parallel_loop3A_860[%add3A_11, %parallel_loop3A_449] : memref<128x128xf32, #tpu.memory_space<vmem>>[vector<16xi32>, vector<16xi32>], vector<16xf32>,
        %parallel_loop3A_862 = arith.constant 0 : i32
        %parallel_loop3A_863 = arith.constant 0 : i32
        %parallel_loop3A_864 = tpu.memref_slice %arg7[%rem3A_349, %parallel_loop3A_862, %parallel_loop3A_863] : memref<3x64x128xf32, #tpu.memory_space<vmem>> -> memref<1x64x128xf32, #tpu.memory_space<vmem>>
        %parallel_loop3A_865 = tpu.memref_squeeze %parallel_loop3A_864 : memref<1x64x128xf32, #tpu.memory_space<vmem>> -> memref<64x128xf32, #tpu.memory_space<vmem>>
        tpu.vector_store_idx %parallel_loop3A_865[%parallel_loop3A_449, %add3A_11], %parallel_loop3A_861 : memref<64x128xf32, #tpu.memory_space<vmem>>[vector<16xi32>, vector<16xi32>], vector<16xf32>,
        %parallel_loop3A_866 = arith.constant 0 : i32
        %parallel_loop3A_867 = arith.constant 0 : i32
        %parallel_loop3A_868 = tpu.memref_slice %arg6[%rem3A_349, %parallel_loop3A_866, %parallel_loop3A_867] : memref<3x128x128xf32, #tpu.memory_space<vmem>> -> memref<1x128x128xf32, #tpu.memory_space<vmem>>
        %parallel_loop3A_869 = tpu.memref_squeeze %parallel_loop3A_868 : memref<1x128x128xf32, #tpu.memory_space<vmem>> -> memref<128x128xf32, #tpu.memory_space<vmem>>
        %parallel_loop3A_870 = tpu.vector_load_idx %parallel_loop3A_869[%add3A_11, %parallel_loop3A_450] : memref<128x128xf32, #tpu.memory_space<vmem>>[vector<16xi32>, vector<16xi32>], vector<16xf32>,
        %parallel_loop3A_871 = arith.constant 0 : i32
        %parallel_loop3A_872 = arith.constant 0 : i32
        %parallel_loop3A_873 = tpu.memref_slice %arg7[%rem3A_349, %parallel_loop3A_871, %parallel_loop3A_872] : memref<3x64x128xf32, #tpu.memory_space<vmem>> -> memref<1x64x128xf32, #tpu.memory_space<vmem>>
        %parallel_loop3A_874 = tpu.memref_squeeze %parallel_loop3A_873 : memref<1x64x128xf32, #tpu.memory_space<vmem>> -> memref<64x128xf32, #tpu.memory_space<vmem>>
        tpu.vector_store_idx %parallel_loop3A_874[%parallel_loop3A_450, %add3A_11], %parallel_loop3A_870 : memref<64x128xf32, #tpu.memory_space<vmem>>[vector<16xi32>, vector<16xi32>], vector<16xf32>,
        %parallel_loop3A_875 = arith.constant 0 : i32
        %parallel_loop3A_876 = arith.constant 0 : i32
        %parallel_loop3A_877 = tpu.memref_slice %arg6[%rem3A_349, %parallel_loop3A_875, %parallel_loop3A_876] : memref<3x128x128xf32, #tpu.memory_space<vmem>> -> memref<1x128x128xf32, #tpu.memory_space<vmem>>
        %parallel_loop3A_878 = tpu.memref_squeeze %parallel_loop3A_877 : memref<1x128x128xf32, #tpu.memory_space<vmem>> -> memref<128x128xf32, #tpu.memory_space<vmem>>
        %parallel_loop3A_879 = tpu.vector_load_idx %parallel_loop3A_878[%add3A_11, %parallel_loop3A_451] : memref<128x128xf32, #tpu.memory_space<vmem>>[vector<16xi32>, vector<16xi32>], vector<16xf32>,
        %parallel_loop3A_880 = arith.constant 0 : i32
        %parallel_loop3A_881 = arith.constant 0 : i32
        %parallel_loop3A_882 = tpu.memref_slice %arg7[%rem3A_349, %parallel_loop3A_880, %parallel_loop3A_881] : memref<3x64x128xf32, #tpu.memory_space<vmem>> -> memref<1x64x128xf32, #tpu.memory_space<vmem>>
        %parallel_loop3A_883 = tpu.memref_squeeze %parallel_loop3A_882 : memref<1x64x128xf32, #tpu.memory_space<vmem>> -> memref<64x128xf32, #tpu.memory_space<vmem>>
        tpu.vector_store_idx %parallel_loop3A_883[%parallel_loop3A_451, %add3A_11], %parallel_loop3A_879 : memref<64x128xf32, #tpu.memory_space<vmem>>[vector<16xi32>, vector<16xi32>], vector<16xf32>,
        %parallel_loop3A_884 = arith.constant 0 : i32
        %parallel_loop3A_885 = arith.constant 0 : i32
        %parallel_loop3A_886 = tpu.memref_slice %arg6[%rem3A_349, %parallel_loop3A_884, %parallel_loop3A_885] : memref<3x128x128xf32, #tpu.memory_space<vmem>> -> memref<1x128x128xf32, #tpu.memory_space<vmem>>
        %parallel_loop3A_887 = tpu.memref_squeeze %parallel_loop3A_886 : memref<1x128x128xf32, #tpu.memory_space<vmem>> -> memref<128x128xf32, #tpu.memory_space<vmem>>
        %parallel_loop3A_888 = tpu.vector_load_idx %parallel_loop3A_887[%add3A_14, %parallel_loop3A_436] : memref<128x128xf32, #tpu.memory_space<vmem>>[vector<16xi32>, vector<16xi32>], vector<16xf32>,
        %parallel_loop3A_889 = arith.constant 0 : i32
        %parallel_loop3A_890 = arith.constant 0 : i32
        %parallel_loop3A_891 = tpu.memref_slice %arg7[%rem3A_349, %parallel_loop3A_889, %parallel_loop3A_890] : memref<3x64x128xf32, #tpu.memory_space<vmem>> -> memref<1x64x128xf32, #tpu.memory_space<vmem>>
        %parallel_loop3A_892 = tpu.memref_squeeze %parallel_loop3A_891 : memref<1x64x128xf32, #tpu.memory_space<vmem>> -> memref<64x128xf32, #tpu.memory_space<vmem>>
        tpu.vector_store_idx %parallel_loop3A_892[%parallel_loop3A_436, %add3A_14], %parallel_loop3A_888 : memref<64x128xf32, #tpu.memory_space<vmem>>[vector<16xi32>, vector<16xi32>], vector<16xf32>,
        %parallel_loop3A_893 = arith.constant 0 : i32
        %parallel_loop3A_894 = arith.constant 0 : i32
        %parallel_loop3A_895 = tpu.memref_slice %arg6[%rem3A_349, %parallel_loop3A_893, %parallel_loop3A_894] : memref<3x128x128xf32, #tpu.memory_space<vmem>> -> memref<1x128x128xf32, #tpu.memory_space<vmem>>
        %parallel_loop3A_896 = tpu.memref_squeeze %parallel_loop3A_895 : memref<1x128x128xf32, #tpu.memory_space<vmem>> -> memref<128x128xf32, #tpu.memory_space<vmem>>
        %parallel_loop3A_897 = tpu.vector_load_idx %parallel_loop3A_896[%add3A_14, %parallel_loop3A_437] : memref<128x128xf32, #tpu.memory_space<vmem>>[vector<16xi32>, vector<16xi32>], vector<16xf32>,
        %parallel_loop3A_898 = arith.constant 0 : i32
        %parallel_loop3A_899 = arith.constant 0 : i32
        %parallel_loop3A_900 = tpu.memref_slice %arg7[%rem3A_349, %parallel_loop3A_898, %parallel_loop3A_899] : memref<3x64x128xf32, #tpu.memory_space<vmem>> -> memref<1x64x128xf32, #tpu.memory_space<vmem>>
        %parallel_loop3A_901 = tpu.memref_squeeze %parallel_loop3A_900 : memref<1x64x128xf32, #tpu.memory_space<vmem>> -> memref<64x128xf32, #tpu.memory_space<vmem>>
        tpu.vector_store_idx %parallel_loop3A_901[%parallel_loop3A_437, %add3A_14], %parallel_loop3A_897 : memref<64x128xf32, #tpu.memory_space<vmem>>[vector<16xi32>, vector<16xi32>], vector<16xf32>,
        %parallel_loop3A_902 = arith.constant 0 : i32
        %parallel_loop3A_903 = arith.constant 0 : i32
        %parallel_loop3A_904 = tpu.memref_slice %arg6[%rem3A_349, %parallel_loop3A_902, %parallel_loop3A_903] : memref<3x128x128xf32, #tpu.memory_space<vmem>> -> memref<1x128x128xf32, #tpu.memory_space<vmem>>
        %parallel_loop3A_905 = tpu.memref_squeeze %parallel_loop3A_904 : memref<1x128x128xf32, #tpu.memory_space<vmem>> -> memref<128x128xf32, #tpu.memory_space<vmem>>
        %parallel_loop3A_906 = tpu.vector_load_idx %parallel_loop3A_905[%add3A_14, %parallel_loop3A_438] : memref<128x128xf32, #tpu.memory_space<vmem>>[vector<16xi32>, vector<16xi32>], vector<16xf32>,
        %parallel_loop3A_907 = arith.constant 0 : i32
        %parallel_loop3A_908 = arith.constant 0 : i32
        %parallel_loop3A_909 = tpu.memref_slice %arg7[%rem3A_349, %parallel_loop3A_907, %parallel_loop3A_908] : memref<3x64x128xf32, #tpu.memory_space<vmem>> -> memref<1x64x128xf32, #tpu.memory_space<vmem>>
        %parallel_loop3A_910 = tpu.memref_squeeze %parallel_loop3A_909 : memref<1x64x128xf32, #tpu.memory_space<vmem>> -> memref<64x128xf32, #tpu.memory_space<vmem>>
        tpu.vector_store_idx %parallel_loop3A_910[%parallel_loop3A_438, %add3A_14], %parallel_loop3A_906 : memref<64x128xf32, #tpu.memory_space<vmem>>[vector<16xi32>, vector<16xi32>], vector<16xf32>,
        %parallel_loop3A_911 = arith.constant 0 : i32
        %parallel_loop3A_912 = arith.constant 0 : i32
        %parallel_loop3A_913 = tpu.memref_slice %arg6[%rem3A_349, %parallel_loop3A_911, %parallel_loop3A_912] : memref<3x128x128xf32, #tpu.memory_space<vmem>> -> memref<1x128x128xf32, #tpu.memory_space<vmem>>
        %parallel_loop3A_914 = tpu.memref_squeeze %parallel_loop3A_913 : memref<1x128x128xf32, #tpu.memory_space<vmem>> -> memref<128x128xf32, #tpu.memory_space<vmem>>
        %parallel_loop3A_915 = tpu.vector_load_idx %parallel_loop3A_914[%add3A_14, %parallel_loop3A_439] : memref<128x128xf32, #tpu.memory_space<vmem>>[vector<16xi32>, vector<16xi32>], vector<16xf32>,
        %parallel_loop3A_916 = arith.constant 0 : i32
        %parallel_loop3A_917 = arith.constant 0 : i32
        %parallel_loop3A_918 = tpu.memref_slice %arg7[%rem3A_349, %parallel_loop3A_916, %parallel_loop3A_917] : memref<3x64x128xf32, #tpu.memory_space<vmem>> -> memref<1x64x128xf32, #tpu.memory_space<vmem>>
        %parallel_loop3A_919 = tpu.memref_squeeze %parallel_loop3A_918 : memref<1x64x128xf32, #tpu.memory_space<vmem>> -> memref<64x128xf32, #tpu.memory_space<vmem>>
        tpu.vector_store_idx %parallel_loop3A_919[%parallel_loop3A_439, %add3A_14], %parallel_loop3A_915 : memref<64x128xf32, #tpu.memory_space<vmem>>[vector<16xi32>, vector<16xi32>], vector<16xf32>,
        %parallel_loop3A_920 = arith.constant 0 : i32
        %parallel_loop3A_921 = arith.constant 0 : i32
        %parallel_loop3A_922 = tpu.memref_slice %arg6[%rem3A_349, %parallel_loop3A_920, %parallel_loop3A_921] : memref<3x128x128xf32, #tpu.memory_space<vmem>> -> memref<1x128x128xf32, #tpu.memory_space<vmem>>
        %parallel_loop3A_923 = tpu.memref_squeeze %parallel_loop3A_922 : memref<1x128x128xf32, #tpu.memory_space<vmem>> -> memref<128x128xf32, #tpu.memory_space<vmem>>
        %parallel_loop3A_924 = tpu.vector_load_idx %parallel_loop3A_923[%add3A_14, %parallel_loop3A_440] : memref<128x128xf32, #tpu.memory_space<vmem>>[vector<16xi32>, vector<16xi32>], vector<16xf32>,
        %parallel_loop3A_925 = arith.constant 0 : i32
        %parallel_loop3A_926 = arith.constant 0 : i32
        %parallel_loop3A_927 = tpu.memref_slice %arg7[%rem3A_349, %parallel_loop3A_925, %parallel_loop3A_926] : memref<3x64x128xf32, #tpu.memory_space<vmem>> -> memref<1x64x128xf32, #tpu.memory_space<vmem>>
        %parallel_loop3A_928 = tpu.memref_squeeze %parallel_loop3A_927 : memref<1x64x128xf32, #tpu.memory_space<vmem>> -> memref<64x128xf32, #tpu.memory_space<vmem>>
        tpu.vector_store_idx %parallel_loop3A_928[%parallel_loop3A_440, %add3A_14], %parallel_loop3A_924 : memref<64x128xf32, #tpu.memory_space<vmem>>[vector<16xi32>, vector<16xi32>], vector<16xf32>,
        %parallel_loop3A_929 = arith.constant 0 : i32
        %parallel_loop3A_930 = arith.constant 0 : i32
        %parallel_loop3A_931 = tpu.memref_slice %arg6[%rem3A_349, %parallel_loop3A_929, %parallel_loop3A_930] : memref<3x128x128xf32, #tpu.memory_space<vmem>> -> memref<1x128x128xf32, #tpu.memory_space<vmem>>
        %parallel_loop3A_932 = tpu.memref_squeeze %parallel_loop3A_931 : memref<1x128x128xf32, #tpu.memory_space<vmem>> -> memref<128x128xf32, #tpu.memory_space<vmem>>
        %parallel_loop3A_933 = tpu.vector_load_idx %parallel_loop3A_932[%add3A_14, %parallel_loop3A_441] : memref<128x128xf32, #tpu.memory_space<vmem>>[vector<16xi32>, vector<16xi32>], vector<16xf32>,
        %parallel_loop3A_934 = arith.constant 0 : i32
        %parallel_loop3A_935 = arith.constant 0 : i32
        %parallel_loop3A_936 = tpu.memref_slice %arg7[%rem3A_349, %parallel_loop3A_934, %parallel_loop3A_935] : memref<3x64x128xf32, #tpu.memory_space<vmem>> -> memref<1x64x128xf32, #tpu.memory_space<vmem>>
        %parallel_loop3A_937 = tpu.memref_squeeze %parallel_loop3A_936 : memref<1x64x128xf32, #tpu.memory_space<vmem>> -> memref<64x128xf32, #tpu.memory_space<vmem>>
        tpu.vector_store_idx %parallel_loop3A_937[%parallel_loop3A_441, %add3A_14], %parallel_loop3A_933 : memref<64x128xf32, #tpu.memory_space<vmem>>[vector<16xi32>, vector<16xi32>], vector<16xf32>,
        %parallel_loop3A_938 = arith.constant 0 : i32
        %parallel_loop3A_939 = arith.constant 0 : i32
        %parallel_loop3A_940 = tpu.memref_slice %arg6[%rem3A_349, %parallel_loop3A_938, %parallel_loop3A_939] : memref<3x128x128xf32, #tpu.memory_space<vmem>> -> memref<1x128x128xf32, #tpu.memory_space<vmem>>
        %parallel_loop3A_941 = tpu.memref_squeeze %parallel_loop3A_940 : memref<1x128x128xf32, #tpu.memory_space<vmem>> -> memref<128x128xf32, #tpu.memory_space<vmem>>
        %parallel_loop3A_942 = tpu.vector_load_idx %parallel_loop3A_941[%add3A_14, %parallel_loop3A_442] : memref<128x128xf32, #tpu.memory_space<vmem>>[vector<16xi32>, vector<16xi32>], vector<16xf32>,
        %parallel_loop3A_943 = arith.constant 0 : i32
        %parallel_loop3A_944 = arith.constant 0 : i32
        %parallel_loop3A_945 = tpu.memref_slice %arg7[%rem3A_349, %parallel_loop3A_943, %parallel_loop3A_944] : memref<3x64x128xf32, #tpu.memory_space<vmem>> -> memref<1x64x128xf32, #tpu.memory_space<vmem>>
        %parallel_loop3A_946 = tpu.memref_squeeze %parallel_loop3A_945 : memref<1x64x128xf32, #tpu.memory_space<vmem>> -> memref<64x128xf32, #tpu.memory_space<vmem>>
        tpu.vector_store_idx %parallel_loop3A_946[%parallel_loop3A_442, %add3A_14], %parallel_loop3A_942 : memref<64x128xf32, #tpu.memory_space<vmem>>[vector<16xi32>, vector<16xi32>], vector<16xf32>,
        %parallel_loop3A_947 = arith.constant 0 : i32
        %parallel_loop3A_948 = arith.constant 0 : i32
        %parallel_loop3A_949 = tpu.memref_slice %arg6[%rem3A_349, %parallel_loop3A_947, %parallel_loop3A_948] : memref<3x128x128xf32, #tpu.memory_space<vmem>> -> memref<1x128x128xf32, #tpu.memory_space<vmem>>
        %parallel_loop3A_950 = tpu.memref_squeeze %parallel_loop3A_949 : memref<1x128x128xf32, #tpu.memory_space<vmem>> -> memref<128x128xf32, #tpu.memory_space<vmem>>
        %parallel_loop3A_951 = tpu.vector_load_idx %parallel_loop3A_950[%add3A_14, %parallel_loop3A_443] : memref<128x128xf32, #tpu.memory_space<vmem>>[vector<16xi32>, vector<16xi32>], vector<16xf32>,
        %parallel_loop3A_952 = arith.constant 0 : i32
        %parallel_loop3A_953 = arith.constant 0 : i32
        %parallel_loop3A_954 = tpu.memref_slice %arg7[%rem3A_349, %parallel_loop3A_952, %parallel_loop3A_953] : memref<3x64x128xf32, #tpu.memory_space<vmem>> -> memref<1x64x128xf32, #tpu.memory_space<vmem>>
        %parallel_loop3A_955 = tpu.memref_squeeze %parallel_loop3A_954 : memref<1x64x128xf32, #tpu.memory_space<vmem>> -> memref<64x128xf32, #tpu.memory_space<vmem>>
        tpu.vector_store_idx %parallel_loop3A_955[%parallel_loop3A_443, %add3A_14], %parallel_loop3A_951 : memref<64x128xf32, #tpu.memory_space<vmem>>[vector<16xi32>, vector<16xi32>], vector<16xf32>,
        %parallel_loop3A_956 = arith.constant 0 : i32
        %parallel_loop3A_957 = arith.constant 0 : i32
        %parallel_loop3A_958 = tpu.memref_slice %arg6[%rem3A_349, %parallel_loop3A_956, %parallel_loop3A_957] : memref<3x128x128xf32, #tpu.memory_space<vmem>> -> memref<1x128x128xf32, #tpu.memory_space<vmem>>
        %parallel_loop3A_959 = tpu.memref_squeeze %parallel_loop3A_958 : memref<1x128x128xf32, #tpu.memory_space<vmem>> -> memref<128x128xf32, #tpu.memory_space<vmem>>
        %parallel_loop3A_960 = tpu.vector_load_idx %parallel_loop3A_959[%add3A_14, %parallel_loop3A_444] : memref<128x128xf32, #tpu.memory_space<vmem>>[vector<16xi32>, vector<16xi32>], vector<16xf32>,
        %parallel_loop3A_961 = arith.constant 0 : i32
        %parallel_loop3A_962 = arith.constant 0 : i32
        %parallel_loop3A_963 = tpu.memref_slice %arg7[%rem3A_349, %parallel_loop3A_961, %parallel_loop3A_962] : memref<3x64x128xf32, #tpu.memory_space<vmem>> -> memref<1x64x128xf32, #tpu.memory_space<vmem>>
        %parallel_loop3A_964 = tpu.memref_squeeze %parallel_loop3A_963 : memref<1x64x128xf32, #tpu.memory_space<vmem>> -> memref<64x128xf32, #tpu.memory_space<vmem>>
        tpu.vector_store_idx %parallel_loop3A_964[%parallel_loop3A_444, %add3A_14], %parallel_loop3A_960 : memref<64x128xf32, #tpu.memory_space<vmem>>[vector<16xi32>, vector<16xi32>], vector<16xf32>,
        %parallel_loop3A_965 = arith.constant 0 : i32
        %parallel_loop3A_966 = arith.constant 0 : i32
        %parallel_loop3A_967 = tpu.memref_slice %arg6[%rem3A_349, %parallel_loop3A_965, %parallel_loop3A_966] : memref<3x128x128xf32, #tpu.memory_space<vmem>> -> memref<1x128x128xf32, #tpu.memory_space<vmem>>
        %parallel_loop3A_968 = tpu.memref_squeeze %parallel_loop3A_967 : memref<1x128x128xf32, #tpu.memory_space<vmem>> -> memref<128x128xf32, #tpu.memory_space<vmem>>
        %parallel_loop3A_969 = tpu.vector_load_idx %parallel_loop3A_968[%add3A_14, %parallel_loop3A_445] : memref<128x128xf32, #tpu.memory_space<vmem>>[vector<16xi32>, vector<16xi32>], vector<16xf32>,
        %parallel_loop3A_970 = arith.constant 0 : i32
        %parallel_loop3A_971 = arith.constant 0 : i32
        %parallel_loop3A_972 = tpu.memref_slice %arg7[%rem3A_349, %parallel_loop3A_970, %parallel_loop3A_971] : memref<3x64x128xf32, #tpu.memory_space<vmem>> -> memref<1x64x128xf32, #tpu.memory_space<vmem>>
        %parallel_loop3A_973 = tpu.memref_squeeze %parallel_loop3A_972 : memref<1x64x128xf32, #tpu.memory_space<vmem>> -> memref<64x128xf32, #tpu.memory_space<vmem>>
        tpu.vector_store_idx %parallel_loop3A_973[%parallel_loop3A_445, %add3A_14], %parallel_loop3A_969 : memref<64x128xf32, #tpu.memory_space<vmem>>[vector<16xi32>, vector<16xi32>], vector<16xf32>,
        %parallel_loop3A_974 = arith.constant 0 : i32
        %parallel_loop3A_975 = arith.constant 0 : i32
        %parallel_loop3A_976 = tpu.memref_slice %arg6[%rem3A_349, %parallel_loop3A_974, %parallel_loop3A_975] : memref<3x128x128xf32, #tpu.memory_space<vmem>> -> memref<1x128x128xf32, #tpu.memory_space<vmem>>
        %parallel_loop3A_977 = tpu.memref_squeeze %parallel_loop3A_976 : memref<1x128x128xf32, #tpu.memory_space<vmem>> -> memref<128x128xf32, #tpu.memory_space<vmem>>
        %parallel_loop3A_978 = tpu.vector_load_idx %parallel_loop3A_977[%add3A_14, %parallel_loop3A_446] : memref<128x128xf32, #tpu.memory_space<vmem>>[vector<16xi32>, vector<16xi32>], vector<16xf32>,
        %parallel_loop3A_979 = arith.constant 0 : i32
        %parallel_loop3A_980 = arith.constant 0 : i32
        %parallel_loop3A_981 = tpu.memref_slice %arg7[%rem3A_349, %parallel_loop3A_979, %parallel_loop3A_980] : memref<3x64x128xf32, #tpu.memory_space<vmem>> -> memref<1x64x128xf32, #tpu.memory_space<vmem>>
        %parallel_loop3A_982 = tpu.memref_squeeze %parallel_loop3A_981 : memref<1x64x128xf32, #tpu.memory_space<vmem>> -> memref<64x128xf32, #tpu.memory_space<vmem>>
        tpu.vector_store_idx %parallel_loop3A_982[%parallel_loop3A_446, %add3A_14], %parallel_loop3A_978 : memref<64x128xf32, #tpu.memory_space<vmem>>[vector<16xi32>, vector<16xi32>], vector<16xf32>,
        %parallel_loop3A_983 = arith.constant 0 : i32
        %parallel_loop3A_984 = arith.constant 0 : i32
        %parallel_loop3A_985 = tpu.memref_slice %arg6[%rem3A_349, %parallel_loop3A_983, %parallel_loop3A_984] : memref<3x128x128xf32, #tpu.memory_space<vmem>> -> memref<1x128x128xf32, #tpu.memory_space<vmem>>
        %parallel_loop3A_986 = tpu.memref_squeeze %parallel_loop3A_985 : memref<1x128x128xf32, #tpu.memory_space<vmem>> -> memref<128x128xf32, #tpu.memory_space<vmem>>
        %parallel_loop3A_987 = tpu.vector_load_idx %parallel_loop3A_986[%add3A_14, %parallel_loop3A_447] : memref<128x128xf32, #tpu.memory_space<vmem>>[vector<16xi32>, vector<16xi32>], vector<16xf32>,
        %parallel_loop3A_988 = arith.constant 0 : i32
        %parallel_loop3A_989 = arith.constant 0 : i32
        %parallel_loop3A_990 = tpu.memref_slice %arg7[%rem3A_349, %parallel_loop3A_988, %parallel_loop3A_989] : memref<3x64x128xf32, #tpu.memory_space<vmem>> -> memref<1x64x128xf32, #tpu.memory_space<vmem>>
        %parallel_loop3A_991 = tpu.memref_squeeze %parallel_loop3A_990 : memref<1x64x128xf32, #tpu.memory_space<vmem>> -> memref<64x128xf32, #tpu.memory_space<vmem>>
        tpu.vector_store_idx %parallel_loop3A_991[%parallel_loop3A_447, %add3A_14], %parallel_loop3A_987 : memref<64x128xf32, #tpu.memory_space<vmem>>[vector<16xi32>, vector<16xi32>], vector<16xf32>,
        %parallel_loop3A_992 = arith.constant 0 : i32
        %parallel_loop3A_993 = arith.constant 0 : i32
        %parallel_loop3A_994 = tpu.memref_slice %arg6[%rem3A_349, %parallel_loop3A_992, %parallel_loop3A_993] : memref<3x128x128xf32, #tpu.memory_space<vmem>> -> memref<1x128x128xf32, #tpu.memory_space<vmem>>
        %parallel_loop3A_995 = tpu.memref_squeeze %parallel_loop3A_994 : memref<1x128x128xf32, #tpu.memory_space<vmem>> -> memref<128x128xf32, #tpu.memory_space<vmem>>
        %parallel_loop3A_996 = tpu.vector_load_idx %parallel_loop3A_995[%add3A_14, %parallel_loop3A_448] : memref<128x128xf32, #tpu.memory_space<vmem>>[vector<16xi32>, vector<16xi32>], vector<16xf32>,
        %parallel_loop3A_997 = arith.constant 0 : i32
        %parallel_loop3A_998 = arith.constant 0 : i32
        %parallel_loop3A_999 = tpu.memref_slice %arg7[%rem3A_349, %parallel_loop3A_997, %parallel_loop3A_998] : memref<3x64x128xf32, #tpu.memory_space<vmem>> -> memref<1x64x128xf32, #tpu.memory_space<vmem>>
        %parallel_loop3A_1000 = tpu.memref_squeeze %parallel_loop3A_999 : memref<1x64x128xf32, #tpu.memory_space<vmem>> -> memref<64x128xf32, #tpu.memory_space<vmem>>
        tpu.vector_store_idx %parallel_loop3A_1000[%parallel_loop3A_448, %add3A_14], %parallel_loop3A_996 : memref<64x128xf32, #tpu.memory_space<vmem>>[vector<16xi32>, vector<16xi32>], vector<16xf32>,
        %parallel_loop3A_1001 = arith.constant 0 : i32
        %parallel_loop3A_1002 = arith.constant 0 : i32
        %parallel_loop3A_1003 = tpu.memref_slice %arg6[%rem3A_349, %parallel_loop3A_1001, %parallel_loop3A_1002] : memref<3x128x128xf32, #tpu.memory_space<vmem>> -> memref<1x128x128xf32, #tpu.memory_space<vmem>>
        %parallel_loop3A_1004 = tpu.memref_squeeze %parallel_loop3A_1003 : memref<1x128x128xf32, #tpu.memory_space<vmem>> -> memref<128x128xf32, #tpu.memory_space<vmem>>
        %parallel_loop3A_1005 = tpu.vector_load_idx %parallel_loop3A_1004[%add3A_14, %parallel_loop3A_449] : memref<128x128xf32, #tpu.memory_space<vmem>>[vector<16xi32>, vector<16xi32>], vector<16xf32>,
        %parallel_loop3A_1006 = arith.constant 0 : i32
        %parallel_loop3A_1007 = arith.constant 0 : i32
        %parallel_loop3A_1008 = tpu.memref_slice %arg7[%rem3A_349, %parallel_loop3A_1006, %parallel_loop3A_1007] : memref<3x64x128xf32, #tpu.memory_space<vmem>> -> memref<1x64x128xf32, #tpu.memory_space<vmem>>
        %parallel_loop3A_1009 = tpu.memref_squeeze %parallel_loop3A_1008 : memref<1x64x128xf32, #tpu.memory_space<vmem>> -> memref<64x128xf32, #tpu.memory_space<vmem>>
        tpu.vector_store_idx %parallel_loop3A_1009[%parallel_loop3A_449, %add3A_14], %parallel_loop3A_1005 : memref<64x128xf32, #tpu.memory_space<vmem>>[vector<16xi32>, vector<16xi32>], vector<16xf32>,
        %parallel_loop3A_1010 = arith.constant 0 : i32
        %parallel_loop3A_1011 = arith.constant 0 : i32
        %parallel_loop3A_1012 = tpu.memref_slice %arg6[%rem3A_349, %parallel_loop3A_1010, %parallel_loop3A_1011] : memref<3x128x128xf32, #tpu.memory_space<vmem>> -> memref<1x128x128xf32, #tpu.memory_space<vmem>>
        %parallel_loop3A_1013 = tpu.memref_squeeze %parallel_loop3A_1012 : memref<1x128x128xf32, #tpu.memory_space<vmem>> -> memref<128x128xf32, #tpu.memory_space<vmem>>
        %parallel_loop3A_1014 = tpu.vector_load_idx %parallel_loop3A_1013[%add3A_14, %parallel_loop3A_450] : memref<128x128xf32, #tpu.memory_space<vmem>>[vector<16xi32>, vector<16xi32>], vector<16xf32>,
        %parallel_loop3A_1015 = arith.constant 0 : i32
        %parallel_loop3A_1016 = arith.constant 0 : i32
        %parallel_loop3A_1017 = tpu.memref_slice %arg7[%rem3A_349, %parallel_loop3A_1015, %parallel_loop3A_1016] : memref<3x64x128xf32, #tpu.memory_space<vmem>> -> memref<1x64x128xf32, #tpu.memory_space<vmem>>
        %parallel_loop3A_1018 = tpu.memref_squeeze %parallel_loop3A_1017 : memref<1x64x128xf32, #tpu.memory_space<vmem>> -> memref<64x128xf32, #tpu.memory_space<vmem>>
        tpu.vector_store_idx %parallel_loop3A_1018[%parallel_loop3A_450, %add3A_14], %parallel_loop3A_1014 : memref<64x128xf32, #tpu.memory_space<vmem>>[vector<16xi32>, vector<16xi32>], vector<16xf32>,
        %parallel_loop3A_1019 = arith.constant 0 : i32
        %parallel_loop3A_1020 = arith.constant 0 : i32
        %parallel_loop3A_1021 = tpu.memref_slice %arg6[%rem3A_349, %parallel_loop3A_1019, %parallel_loop3A_1020] : memref<3x128x128xf32, #tpu.memory_space<vmem>> -> memref<1x128x128xf32, #tpu.memory_space<vmem>>
        %parallel_loop3A_1022 = tpu.memref_squeeze %parallel_loop3A_1021 : memref<1x128x128xf32, #tpu.memory_space<vmem>> -> memref<128x128xf32, #tpu.memory_space<vmem>>
        %parallel_loop3A_1023 = tpu.vector_load_idx %parallel_loop3A_1022[%add3A_14, %parallel_loop3A_451] : memref<128x128xf32, #tpu.memory_space<vmem>>[vector<16xi32>, vector<16xi32>], vector<16xf32>,
        %parallel_loop3A_1024 = arith.constant 0 : i32
        %parallel_loop3A_1025 = arith.constant 0 : i32
        %parallel_loop3A_1026 = tpu.memref_slice %arg7[%rem3A_349, %parallel_loop3A_1024, %parallel_loop3A_1025] : memref<3x64x128xf32, #tpu.memory_space<vmem>> -> memref<1x64x128xf32, #tpu.memory_space<vmem>>
        %parallel_loop3A_1027 = tpu.memref_squeeze %parallel_loop3A_1026 : memref<1x64x128xf32, #tpu.memory_space<vmem>> -> memref<64x128xf32, #tpu.memory_space<vmem>>
        tpu.vector_store_idx %parallel_loop3A_1027[%parallel_loop3A_451, %add3A_14], %parallel_loop3A_1023 : memref<64x128xf32, #tpu.memory_space<vmem>>[vector<16xi32>, vector<16xi32>], vector<16xf32>,
        %parallel_loop3A_1028 = arith.constant 0 : i32
        %parallel_loop3A_1029 = arith.constant 0 : i32
        %parallel_loop3A_1030 = tpu.memref_slice %arg6[%rem3A_349, %parallel_loop3A_1028, %parallel_loop3A_1029] : memref<3x128x128xf32, #tpu.memory_space<vmem>> -> memref<1x128x128xf32, #tpu.memory_space<vmem>>
        %parallel_loop3A_1031 = tpu.memref_squeeze %parallel_loop3A_1030 : memref<1x128x128xf32, #tpu.memory_space<vmem>> -> memref<128x128xf32, #tpu.memory_space<vmem>>
        %parallel_loop3A_1032 = tpu.vector_load_idx %parallel_loop3A_1031[%add3A_17, %parallel_loop3A_436] : memref<128x128xf32, #tpu.memory_space<vmem>>[vector<16xi32>, vector<16xi32>], vector<16xf32>,
        %parallel_loop3A_1033 = arith.constant 0 : i32
        %parallel_loop3A_1034 = arith.constant 0 : i32
        %parallel_loop3A_1035 = tpu.memref_slice %arg7[%rem3A_349, %parallel_loop3A_1033, %parallel_loop3A_1034] : memref<3x64x128xf32, #tpu.memory_space<vmem>> -> memref<1x64x128xf32, #tpu.memory_space<vmem>>
        %parallel_loop3A_1036 = tpu.memref_squeeze %parallel_loop3A_1035 : memref<1x64x128xf32, #tpu.memory_space<vmem>> -> memref<64x128xf32, #tpu.memory_space<vmem>>
        tpu.vector_store_idx %parallel_loop3A_1036[%parallel_loop3A_436, %add3A_17], %parallel_loop3A_1032 : memref<64x128xf32, #tpu.memory_space<vmem>>[vector<16xi32>, vector<16xi32>], vector<16xf32>,
        %parallel_loop3A_1037 = arith.constant 0 : i32
        %parallel_loop3A_1038 = arith.constant 0 : i32
        %parallel_loop3A_1039 = tpu.memref_slice %arg6[%rem3A_349, %parallel_loop3A_1037, %parallel_loop3A_1038] : memref<3x128x128xf32, #tpu.memory_space<vmem>> -> memref<1x128x128xf32, #tpu.memory_space<vmem>>
        %parallel_loop3A_1040 = tpu.memref_squeeze %parallel_loop3A_1039 : memref<1x128x128xf32, #tpu.memory_space<vmem>> -> memref<128x128xf32, #tpu.memory_space<vmem>>
        %parallel_loop3A_1041 = tpu.vector_load_idx %parallel_loop3A_1040[%add3A_17, %parallel_loop3A_437] : memref<128x128xf32, #tpu.memory_space<vmem>>[vector<16xi32>, vector<16xi32>], vector<16xf32>,
        %parallel_loop3A_1042 = arith.constant 0 : i32
        %parallel_loop3A_1043 = arith.constant 0 : i32
        %parallel_loop3A_1044 = tpu.memref_slice %arg7[%rem3A_349, %parallel_loop3A_1042, %parallel_loop3A_1043] : memref<3x64x128xf32, #tpu.memory_space<vmem>> -> memref<1x64x128xf32, #tpu.memory_space<vmem>>
        %parallel_loop3A_1045 = tpu.memref_squeeze %parallel_loop3A_1044 : memref<1x64x128xf32, #tpu.memory_space<vmem>> -> memref<64x128xf32, #tpu.memory_space<vmem>>
        tpu.vector_store_idx %parallel_loop3A_1045[%parallel_loop3A_437, %add3A_17], %parallel_loop3A_1041 : memref<64x128xf32, #tpu.memory_space<vmem>>[vector<16xi32>, vector<16xi32>], vector<16xf32>,
        %parallel_loop3A_1046 = arith.constant 0 : i32
        %parallel_loop3A_1047 = arith.constant 0 : i32
        %parallel_loop3A_1048 = tpu.memref_slice %arg6[%rem3A_349, %parallel_loop3A_1046, %parallel_loop3A_1047] : memref<3x128x128xf32, #tpu.memory_space<vmem>> -> memref<1x128x128xf32, #tpu.memory_space<vmem>>
        %parallel_loop3A_1049 = tpu.memref_squeeze %parallel_loop3A_1048 : memref<1x128x128xf32, #tpu.memory_space<vmem>> -> memref<128x128xf32, #tpu.memory_space<vmem>>
        %parallel_loop3A_1050 = tpu.vector_load_idx %parallel_loop3A_1049[%add3A_17, %parallel_loop3A_438] : memref<128x128xf32, #tpu.memory_space<vmem>>[vector<16xi32>, vector<16xi32>], vector<16xf32>,
        %parallel_loop3A_1051 = arith.constant 0 : i32
        %parallel_loop3A_1052 = arith.constant 0 : i32
        %parallel_loop3A_1053 = tpu.memref_slice %arg7[%rem3A_349, %parallel_loop3A_1051, %parallel_loop3A_1052] : memref<3x64x128xf32, #tpu.memory_space<vmem>> -> memref<1x64x128xf32, #tpu.memory_space<vmem>>
        %parallel_loop3A_1054 = tpu.memref_squeeze %parallel_loop3A_1053 : memref<1x64x128xf32, #tpu.memory_space<vmem>> -> memref<64x128xf32, #tpu.memory_space<vmem>>
        tpu.vector_store_idx %parallel_loop3A_1054[%parallel_loop3A_438, %add3A_17], %parallel_loop3A_1050 : memref<64x128xf32, #tpu.memory_space<vmem>>[vector<16xi32>, vector<16xi32>], vector<16xf32>,
        %parallel_loop3A_1055 = arith.constant 0 : i32
        %parallel_loop3A_1056 = arith.constant 0 : i32
        %parallel_loop3A_1057 = tpu.memref_slice %arg6[%rem3A_349, %parallel_loop3A_1055, %parallel_loop3A_1056] : memref<3x128x128xf32, #tpu.memory_space<vmem>> -> memref<1x128x128xf32, #tpu.memory_space<vmem>>
        %parallel_loop3A_1058 = tpu.memref_squeeze %parallel_loop3A_1057 : memref<1x128x128xf32, #tpu.memory_space<vmem>> -> memref<128x128xf32, #tpu.memory_space<vmem>>
        %parallel_loop3A_1059 = tpu.vector_load_idx %parallel_loop3A_1058[%add3A_17, %parallel_loop3A_439] : memref<128x128xf32, #tpu.memory_space<vmem>>[vector<16xi32>, vector<16xi32>], vector<16xf32>,
        %parallel_loop3A_1060 = arith.constant 0 : i32
        %parallel_loop3A_1061 = arith.constant 0 : i32
        %parallel_loop3A_1062 = tpu.memref_slice %arg7[%rem3A_349, %parallel_loop3A_1060, %parallel_loop3A_1061] : memref<3x64x128xf32, #tpu.memory_space<vmem>> -> memref<1x64x128xf32, #tpu.memory_space<vmem>>
        %parallel_loop3A_1063 = tpu.memref_squeeze %parallel_loop3A_1062 : memref<1x64x128xf32, #tpu.memory_space<vmem>> -> memref<64x128xf32, #tpu.memory_space<vmem>>
        tpu.vector_store_idx %parallel_loop3A_1063[%parallel_loop3A_439, %add3A_17], %parallel_loop3A_1059 : memref<64x128xf32, #tpu.memory_space<vmem>>[vector<16xi32>, vector<16xi32>], vector<16xf32>,
        %parallel_loop3A_1064 = arith.constant 0 : i32
        %parallel_loop3A_1065 = arith.constant 0 : i32
        %parallel_loop3A_1066 = tpu.memref_slice %arg6[%rem3A_349, %parallel_loop3A_1064, %parallel_loop3A_1065] : memref<3x128x128xf32, #tpu.memory_space<vmem>> -> memref<1x128x128xf32, #tpu.memory_space<vmem>>
        %parallel_loop3A_1067 = tpu.memref_squeeze %parallel_loop3A_1066 : memref<1x128x128xf32, #tpu.memory_space<vmem>> -> memref<128x128xf32, #tpu.memory_space<vmem>>
        %parallel_loop3A_1068 = tpu.vector_load_idx %parallel_loop3A_1067[%add3A_17, %parallel_loop3A_440] : memref<128x128xf32, #tpu.memory_space<vmem>>[vector<16xi32>, vector<16xi32>], vector<16xf32>,
        %parallel_loop3A_1069 = arith.constant 0 : i32
        %parallel_loop3A_1070 = arith.constant 0 : i32
        %parallel_loop3A_1071 = tpu.memref_slice %arg7[%rem3A_349, %parallel_loop3A_1069, %parallel_loop3A_1070] : memref<3x64x128xf32, #tpu.memory_space<vmem>> -> memref<1x64x128xf32, #tpu.memory_space<vmem>>
        %parallel_loop3A_1072 = tpu.memref_squeeze %parallel_loop3A_1071 : memref<1x64x128xf32, #tpu.memory_space<vmem>> -> memref<64x128xf32, #tpu.memory_space<vmem>>
        tpu.vector_store_idx %parallel_loop3A_1072[%parallel_loop3A_440, %add3A_17], %parallel_loop3A_1068 : memref<64x128xf32, #tpu.memory_space<vmem>>[vector<16xi32>, vector<16xi32>], vector<16xf32>,
        %parallel_loop3A_1073 = arith.constant 0 : i32
        %parallel_loop3A_1074 = arith.constant 0 : i32
        %parallel_loop3A_1075 = tpu.memref_slice %arg6[%rem3A_349, %parallel_loop3A_1073, %parallel_loop3A_1074] : memref<3x128x128xf32, #tpu.memory_space<vmem>> -> memref<1x128x128xf32, #tpu.memory_space<vmem>>
        %parallel_loop3A_1076 = tpu.memref_squeeze %parallel_loop3A_1075 : memref<1x128x128xf32, #tpu.memory_space<vmem>> -> memref<128x128xf32, #tpu.memory_space<vmem>>
        %parallel_loop3A_1077 = tpu.vector_load_idx %parallel_loop3A_1076[%add3A_17, %parallel_loop3A_441] : memref<128x128xf32, #tpu.memory_space<vmem>>[vector<16xi32>, vector<16xi32>], vector<16xf32>,
        %parallel_loop3A_1078 = arith.constant 0 : i32
        %parallel_loop3A_1079 = arith.constant 0 : i32
        %parallel_loop3A_1080 = tpu.memref_slice %arg7[%rem3A_349, %parallel_loop3A_1078, %parallel_loop3A_1079] : memref<3x64x128xf32, #tpu.memory_space<vmem>> -> memref<1x64x128xf32, #tpu.memory_space<vmem>>
        %parallel_loop3A_1081 = tpu.memref_squeeze %parallel_loop3A_1080 : memref<1x64x128xf32, #tpu.memory_space<vmem>> -> memref<64x128xf32, #tpu.memory_space<vmem>>
        tpu.vector_store_idx %parallel_loop3A_1081[%parallel_loop3A_441, %add3A_17], %parallel_loop3A_1077 : memref<64x128xf32, #tpu.memory_space<vmem>>[vector<16xi32>, vector<16xi32>], vector<16xf32>,
        %parallel_loop3A_1082 = arith.constant 0 : i32
        %parallel_loop3A_1083 = arith.constant 0 : i32
        %parallel_loop3A_1084 = tpu.memref_slice %arg6[%rem3A_349, %parallel_loop3A_1082, %parallel_loop3A_1083] : memref<3x128x128xf32, #tpu.memory_space<vmem>> -> memref<1x128x128xf32, #tpu.memory_space<vmem>>
        %parallel_loop3A_1085 = tpu.memref_squeeze %parallel_loop3A_1084 : memref<1x128x128xf32, #tpu.memory_space<vmem>> -> memref<128x128xf32, #tpu.memory_space<vmem>>
        %parallel_loop3A_1086 = tpu.vector_load_idx %parallel_loop3A_1085[%add3A_17, %parallel_loop3A_442] : memref<128x128xf32, #tpu.memory_space<vmem>>[vector<16xi32>, vector<16xi32>], vector<16xf32>,
        %parallel_loop3A_1087 = arith.constant 0 : i32
        %parallel_loop3A_1088 = arith.constant 0 : i32
        %parallel_loop3A_1089 = tpu.memref_slice %arg7[%rem3A_349, %parallel_loop3A_1087, %parallel_loop3A_1088] : memref<3x64x128xf32, #tpu.memory_space<vmem>> -> memref<1x64x128xf32, #tpu.memory_space<vmem>>
        %parallel_loop3A_1090 = tpu.memref_squeeze %parallel_loop3A_1089 : memref<1x64x128xf32, #tpu.memory_space<vmem>> -> memref<64x128xf32, #tpu.memory_space<vmem>>
        tpu.vector_store_idx %parallel_loop3A_1090[%parallel_loop3A_442, %add3A_17], %parallel_loop3A_1086 : memref<64x128xf32, #tpu.memory_space<vmem>>[vector<16xi32>, vector<16xi32>], vector<16xf32>,
        %parallel_loop3A_1091 = arith.constant 0 : i32
        %parallel_loop3A_1092 = arith.constant 0 : i32
        %parallel_loop3A_1093 = tpu.memref_slice %arg6[%rem3A_349, %parallel_loop3A_1091, %parallel_loop3A_1092] : memref<3x128x128xf32, #tpu.memory_space<vmem>> -> memref<1x128x128xf32, #tpu.memory_space<vmem>>
        %parallel_loop3A_1094 = tpu.memref_squeeze %parallel_loop3A_1093 : memref<1x128x128xf32, #tpu.memory_space<vmem>> -> memref<128x128xf32, #tpu.memory_space<vmem>>
        %parallel_loop3A_1095 = tpu.vector_load_idx %parallel_loop3A_1094[%add3A_17, %parallel_loop3A_443] : memref<128x128xf32, #tpu.memory_space<vmem>>[vector<16xi32>, vector<16xi32>], vector<16xf32>,
        %parallel_loop3A_1096 = arith.constant 0 : i32
        %parallel_loop3A_1097 = arith.constant 0 : i32
        %parallel_loop3A_1098 = tpu.memref_slice %arg7[%rem3A_349, %parallel_loop3A_1096, %parallel_loop3A_1097] : memref<3x64x128xf32, #tpu.memory_space<vmem>> -> memref<1x64x128xf32, #tpu.memory_space<vmem>>
        %parallel_loop3A_1099 = tpu.memref_squeeze %parallel_loop3A_1098 : memref<1x64x128xf32, #tpu.memory_space<vmem>> -> memref<64x128xf32, #tpu.memory_space<vmem>>
        tpu.vector_store_idx %parallel_loop3A_1099[%parallel_loop3A_443, %add3A_17], %parallel_loop3A_1095 : memref<64x128xf32, #tpu.memory_space<vmem>>[vector<16xi32>, vector<16xi32>], vector<16xf32>,
        %parallel_loop3A_1100 = arith.constant 0 : i32
        %parallel_loop3A_1101 = arith.constant 0 : i32
        %parallel_loop3A_1102 = tpu.memref_slice %arg6[%rem3A_349, %parallel_loop3A_1100, %parallel_loop3A_1101] : memref<3x128x128xf32, #tpu.memory_space<vmem>> -> memref<1x128x128xf32, #tpu.memory_space<vmem>>
        %parallel_loop3A_1103 = tpu.memref_squeeze %parallel_loop3A_1102 : memref<1x128x128xf32, #tpu.memory_space<vmem>> -> memref<128x128xf32, #tpu.memory_space<vmem>>
        %parallel_loop3A_1104 = tpu.vector_load_idx %parallel_loop3A_1103[%add3A_17, %parallel_loop3A_444] : memref<128x128xf32, #tpu.memory_space<vmem>>[vector<16xi32>, vector<16xi32>], vector<16xf32>,
        %parallel_loop3A_1105 = arith.constant 0 : i32
        %parallel_loop3A_1106 = arith.constant 0 : i32
        %parallel_loop3A_1107 = tpu.memref_slice %arg7[%rem3A_349, %parallel_loop3A_1105, %parallel_loop3A_1106] : memref<3x64x128xf32, #tpu.memory_space<vmem>> -> memref<1x64x128xf32, #tpu.memory_space<vmem>>
        %parallel_loop3A_1108 = tpu.memref_squeeze %parallel_loop3A_1107 : memref<1x64x128xf32, #tpu.memory_space<vmem>> -> memref<64x128xf32, #tpu.memory_space<vmem>>
        tpu.vector_store_idx %parallel_loop3A_1108[%parallel_loop3A_444, %add3A_17], %parallel_loop3A_1104 : memref<64x128xf32, #tpu.memory_space<vmem>>[vector<16xi32>, vector<16xi32>], vector<16xf32>,
        %parallel_loop3A_1109 = arith.constant 0 : i32
        %parallel_loop3A_1110 = arith.constant 0 : i32
        %parallel_loop3A_1111 = tpu.memref_slice %arg6[%rem3A_349, %parallel_loop3A_1109, %parallel_loop3A_1110] : memref<3x128x128xf32, #tpu.memory_space<vmem>> -> memref<1x128x128xf32, #tpu.memory_space<vmem>>
        %parallel_loop3A_1112 = tpu.memref_squeeze %parallel_loop3A_1111 : memref<1x128x128xf32, #tpu.memory_space<vmem>> -> memref<128x128xf32, #tpu.memory_space<vmem>>
        %parallel_loop3A_1113 = tpu.vector_load_idx %parallel_loop3A_1112[%add3A_17, %parallel_loop3A_445] : memref<128x128xf32, #tpu.memory_space<vmem>>[vector<16xi32>, vector<16xi32>], vector<16xf32>,
        %parallel_loop3A_1114 = arith.constant 0 : i32
        %parallel_loop3A_1115 = arith.constant 0 : i32
        %parallel_loop3A_1116 = tpu.memref_slice %arg7[%rem3A_349, %parallel_loop3A_1114, %parallel_loop3A_1115] : memref<3x64x128xf32, #tpu.memory_space<vmem>> -> memref<1x64x128xf32, #tpu.memory_space<vmem>>
        %parallel_loop3A_1117 = tpu.memref_squeeze %parallel_loop3A_1116 : memref<1x64x128xf32, #tpu.memory_space<vmem>> -> memref<64x128xf32, #tpu.memory_space<vmem>>
        tpu.vector_store_idx %parallel_loop3A_1117[%parallel_loop3A_445, %add3A_17], %parallel_loop3A_1113 : memref<64x128xf32, #tpu.memory_space<vmem>>[vector<16xi32>, vector<16xi32>], vector<16xf32>,
        %parallel_loop3A_1118 = arith.constant 0 : i32
        %parallel_loop3A_1119 = arith.constant 0 : i32
        %parallel_loop3A_1120 = tpu.memref_slice %arg6[%rem3A_349, %parallel_loop3A_1118, %parallel_loop3A_1119] : memref<3x128x128xf32, #tpu.memory_space<vmem>> -> memref<1x128x128xf32, #tpu.memory_space<vmem>>
        %parallel_loop3A_1121 = tpu.memref_squeeze %parallel_loop3A_1120 : memref<1x128x128xf32, #tpu.memory_space<vmem>> -> memref<128x128xf32, #tpu.memory_space<vmem>>
        %parallel_loop3A_1122 = tpu.vector_load_idx %parallel_loop3A_1121[%add3A_17, %parallel_loop3A_446] : memref<128x128xf32, #tpu.memory_space<vmem>>[vector<16xi32>, vector<16xi32>], vector<16xf32>,
        %parallel_loop3A_1123 = arith.constant 0 : i32
        %parallel_loop3A_1124 = arith.constant 0 : i32
        %parallel_loop3A_1125 = tpu.memref_slice %arg7[%rem3A_349, %parallel_loop3A_1123, %parallel_loop3A_1124] : memref<3x64x128xf32, #tpu.memory_space<vmem>> -> memref<1x64x128xf32, #tpu.memory_space<vmem>>
        %parallel_loop3A_1126 = tpu.memref_squeeze %parallel_loop3A_1125 : memref<1x64x128xf32, #tpu.memory_space<vmem>> -> memref<64x128xf32, #tpu.memory_space<vmem>>
        tpu.vector_store_idx %parallel_loop3A_1126[%parallel_loop3A_446, %add3A_17], %parallel_loop3A_1122 : memref<64x128xf32, #tpu.memory_space<vmem>>[vector<16xi32>, vector<16xi32>], vector<16xf32>,
        %parallel_loop3A_1127 = arith.constant 0 : i32
        %parallel_loop3A_1128 = arith.constant 0 : i32
        %parallel_loop3A_1129 = tpu.memref_slice %arg6[%rem3A_349, %parallel_loop3A_1127, %parallel_loop3A_1128] : memref<3x128x128xf32, #tpu.memory_space<vmem>> -> memref<1x128x128xf32, #tpu.memory_space<vmem>>
        %parallel_loop3A_1130 = tpu.memref_squeeze %parallel_loop3A_1129 : memref<1x128x128xf32, #tpu.memory_space<vmem>> -> memref<128x128xf32, #tpu.memory_space<vmem>>
        %parallel_loop3A_1131 = tpu.vector_load_idx %parallel_loop3A_1130[%add3A_17, %parallel_loop3A_447] : memref<128x128xf32, #tpu.memory_space<vmem>>[vector<16xi32>, vector<16xi32>], vector<16xf32>,
        %parallel_loop3A_1132 = arith.constant 0 : i32
        %parallel_loop3A_1133 = arith.constant 0 : i32
        %parallel_loop3A_1134 = tpu.memref_slice %arg7[%rem3A_349, %parallel_loop3A_1132, %parallel_loop3A_1133] : memref<3x64x128xf32, #tpu.memory_space<vmem>> -> memref<1x64x128xf32, #tpu.memory_space<vmem>>
        %parallel_loop3A_1135 = tpu.memref_squeeze %parallel_loop3A_1134 : memref<1x64x128xf32, #tpu.memory_space<vmem>> -> memref<64x128xf32, #tpu.memory_space<vmem>>
        tpu.vector_store_idx %parallel_loop3A_1135[%parallel_loop3A_447, %add3A_17], %parallel_loop3A_1131 : memref<64x128xf32, #tpu.memory_space<vmem>>[vector<16xi32>, vector<16xi32>], vector<16xf32>,
        %parallel_loop3A_1136 = arith.constant 0 : i32
        %parallel_loop3A_1137 = arith.constant 0 : i32
        %parallel_loop3A_1138 = tpu.memref_slice %arg6[%rem3A_349, %parallel_loop3A_1136, %parallel_loop3A_1137] : memref<3x128x128xf32, #tpu.memory_space<vmem>> -> memref<1x128x128xf32, #tpu.memory_space<vmem>>
        %parallel_loop3A_1139 = tpu.memref_squeeze %parallel_loop3A_1138 : memref<1x128x128xf32, #tpu.memory_space<vmem>> -> memref<128x128xf32, #tpu.memory_space<vmem>>
        %parallel_loop3A_1140 = tpu.vector_load_idx %parallel_loop3A_1139[%add3A_17, %parallel_loop3A_448] : memref<128x128xf32, #tpu.memory_space<vmem>>[vector<16xi32>, vector<16xi32>], vector<16xf32>,
        %parallel_loop3A_1141 = arith.constant 0 : i32
        %parallel_loop3A_1142 = arith.constant 0 : i32
        %parallel_loop3A_1143 = tpu.memref_slice %arg7[%rem3A_349, %parallel_loop3A_1141, %parallel_loop3A_1142] : memref<3x64x128xf32, #tpu.memory_space<vmem>> -> memref<1x64x128xf32, #tpu.memory_space<vmem>>
        %parallel_loop3A_1144 = tpu.memref_squeeze %parallel_loop3A_1143 : memref<1x64x128xf32, #tpu.memory_space<vmem>> -> memref<64x128xf32, #tpu.memory_space<vmem>>
        tpu.vector_store_idx %parallel_loop3A_1144[%parallel_loop3A_448, %add3A_17], %parallel_loop3A_1140 : memref<64x128xf32, #tpu.memory_space<vmem>>[vector<16xi32>, vector<16xi32>], vector<16xf32>,
        %parallel_loop3A_1145 = arith.constant 0 : i32
        %parallel_loop3A_1146 = arith.constant 0 : i32
        %parallel_loop3A_1147 = tpu.memref_slice %arg6[%rem3A_349, %parallel_loop3A_1145, %parallel_loop3A_1146] : memref<3x128x128xf32, #tpu.memory_space<vmem>> -> memref<1x128x128xf32, #tpu.memory_space<vmem>>
        %parallel_loop3A_1148 = tpu.memref_squeeze %parallel_loop3A_1147 : memref<1x128x128xf32, #tpu.memory_space<vmem>> -> memref<128x128xf32, #tpu.memory_space<vmem>>
        %parallel_loop3A_1149 = tpu.vector_load_idx %parallel_loop3A_1148[%add3A_17, %parallel_loop3A_449] : memref<128x128xf32, #tpu.memory_space<vmem>>[vector<16xi32>, vector<16xi32>], vector<16xf32>,
        %parallel_loop3A_1150 = arith.constant 0 : i32
        %parallel_loop3A_1151 = arith.constant 0 : i32
        %parallel_loop3A_1152 = tpu.memref_slice %arg7[%rem3A_349, %parallel_loop3A_1150, %parallel_loop3A_1151] : memref<3x64x128xf32, #tpu.memory_space<vmem>> -> memref<1x64x128xf32, #tpu.memory_space<vmem>>
        %parallel_loop3A_1153 = tpu.memref_squeeze %parallel_loop3A_1152 : memref<1x64x128xf32, #tpu.memory_space<vmem>> -> memref<64x128xf32, #tpu.memory_space<vmem>>
        tpu.vector_store_idx %parallel_loop3A_1153[%parallel_loop3A_449, %add3A_17], %parallel_loop3A_1149 : memref<64x128xf32, #tpu.memory_space<vmem>>[vector<16xi32>, vector<16xi32>], vector<16xf32>,
        %parallel_loop3A_1154 = arith.constant 0 : i32
        %parallel_loop3A_1155 = arith.constant 0 : i32
        %parallel_loop3A_1156 = tpu.memref_slice %arg6[%rem3A_349, %parallel_loop3A_1154, %parallel_loop3A_1155] : memref<3x128x128xf32, #tpu.memory_space<vmem>> -> memref<1x128x128xf32, #tpu.memory_space<vmem>>
        %parallel_loop3A_1157 = tpu.memref_squeeze %parallel_loop3A_1156 : memref<1x128x128xf32, #tpu.memory_space<vmem>> -> memref<128x128xf32, #tpu.memory_space<vmem>>
        %parallel_loop3A_1158 = tpu.vector_load_idx %parallel_loop3A_1157[%add3A_17, %parallel_loop3A_450] : memref<128x128xf32, #tpu.memory_space<vmem>>[vector<16xi32>, vector<16xi32>], vector<16xf32>,
        %parallel_loop3A_1159 = arith.constant 0 : i32
        %parallel_loop3A_1160 = arith.constant 0 : i32
        %parallel_loop3A_1161 = tpu.memref_slice %arg7[%rem3A_349, %parallel_loop3A_1159, %parallel_loop3A_1160] : memref<3x64x128xf32, #tpu.memory_space<vmem>> -> memref<1x64x128xf32, #tpu.memory_space<vmem>>
        %parallel_loop3A_1162 = tpu.memref_squeeze %parallel_loop3A_1161 : memref<1x64x128xf32, #tpu.memory_space<vmem>> -> memref<64x128xf32, #tpu.memory_space<vmem>>
        tpu.vector_store_idx %parallel_loop3A_1162[%parallel_loop3A_450, %add3A_17], %parallel_loop3A_1158 : memref<64x128xf32, #tpu.memory_space<vmem>>[vector<16xi32>, vector<16xi32>], vector<16xf32>,
        %parallel_loop3A_1163 = arith.constant 0 : i32
        %parallel_loop3A_1164 = arith.constant 0 : i32
        %parallel_loop3A_1165 = tpu.memref_slice %arg6[%rem3A_349, %parallel_loop3A_1163, %parallel_loop3A_1164] : memref<3x128x128xf32, #tpu.memory_space<vmem>> -> memref<1x128x128xf32, #tpu.memory_space<vmem>>
        %parallel_loop3A_1166 = tpu.memref_squeeze %parallel_loop3A_1165 : memref<1x128x128xf32, #tpu.memory_space<vmem>> -> memref<128x128xf32, #tpu.memory_space<vmem>>
        %parallel_loop3A_1167 = tpu.vector_load_idx %parallel_loop3A_1166[%add3A_17, %parallel_loop3A_451] : memref<128x128xf32, #tpu.memory_space<vmem>>[vector<16xi32>, vector<16xi32>], vector<16xf32>,
        %parallel_loop3A_1168 = arith.constant 0 : i32
        %parallel_loop3A_1169 = arith.constant 0 : i32
        %parallel_loop3A_1170 = tpu.memref_slice %arg7[%rem3A_349, %parallel_loop3A_1168, %parallel_loop3A_1169] : memref<3x64x128xf32, #tpu.memory_space<vmem>> -> memref<1x64x128xf32, #tpu.memory_space<vmem>>
        %parallel_loop3A_1171 = tpu.memref_squeeze %parallel_loop3A_1170 : memref<1x64x128xf32, #tpu.memory_space<vmem>> -> memref<64x128xf32, #tpu.memory_space<vmem>>
        tpu.vector_store_idx %parallel_loop3A_1171[%parallel_loop3A_451, %add3A_17], %parallel_loop3A_1167 : memref<64x128xf32, #tpu.memory_space<vmem>>[vector<16xi32>, vector<16xi32>], vector<16xf32>,
        %parallel_loop3A_1172 = arith.constant 0 : i32
        %parallel_loop3A_1173 = arith.constant 0 : i32
        %parallel_loop3A_1174 = tpu.memref_slice %arg6[%rem3A_349, %parallel_loop3A_1172, %parallel_loop3A_1173] : memref<3x128x128xf32, #tpu.memory_space<vmem>> -> memref<1x128x128xf32, #tpu.memory_space<vmem>>
        %parallel_loop3A_1175 = tpu.memref_squeeze %parallel_loop3A_1174 : memref<1x128x128xf32, #tpu.memory_space<vmem>> -> memref<128x128xf32, #tpu.memory_space<vmem>>
        %parallel_loop3A_1176 = tpu.vector_load_idx %parallel_loop3A_1175[%add3A_20, %parallel_loop3A_436] : memref<128x128xf32, #tpu.memory_space<vmem>>[vector<16xi32>, vector<16xi32>], vector<16xf32>,
        %parallel_loop3A_1177 = arith.constant 0 : i32
        %parallel_loop3A_1178 = arith.constant 0 : i32
        %parallel_loop3A_1179 = tpu.memref_slice %arg7[%rem3A_349, %parallel_loop3A_1177, %parallel_loop3A_1178] : memref<3x64x128xf32, #tpu.memory_space<vmem>> -> memref<1x64x128xf32, #tpu.memory_space<vmem>>
        %parallel_loop3A_1180 = tpu.memref_squeeze %parallel_loop3A_1179 : memref<1x64x128xf32, #tpu.memory_space<vmem>> -> memref<64x128xf32, #tpu.memory_space<vmem>>
        tpu.vector_store_idx %parallel_loop3A_1180[%parallel_loop3A_436, %add3A_20], %parallel_loop3A_1176 : memref<64x128xf32, #tpu.memory_space<vmem>>[vector<16xi32>, vector<16xi32>], vector<16xf32>,
        %parallel_loop3A_1181 = arith.constant 0 : i32
        %parallel_loop3A_1182 = arith.constant 0 : i32
        %parallel_loop3A_1183 = tpu.memref_slice %arg6[%rem3A_349, %parallel_loop3A_1181, %parallel_loop3A_1182] : memref<3x128x128xf32, #tpu.memory_space<vmem>> -> memref<1x128x128xf32, #tpu.memory_space<vmem>>
        %parallel_loop3A_1184 = tpu.memref_squeeze %parallel_loop3A_1183 : memref<1x128x128xf32, #tpu.memory_space<vmem>> -> memref<128x128xf32, #tpu.memory_space<vmem>>
        %parallel_loop3A_1185 = tpu.vector_load_idx %parallel_loop3A_1184[%add3A_20, %parallel_loop3A_437] : memref<128x128xf32, #tpu.memory_space<vmem>>[vector<16xi32>, vector<16xi32>], vector<16xf32>,
        %parallel_loop3A_1186 = arith.constant 0 : i32
        %parallel_loop3A_1187 = arith.constant 0 : i32
        %parallel_loop3A_1188 = tpu.memref_slice %arg7[%rem3A_349, %parallel_loop3A_1186, %parallel_loop3A_1187] : memref<3x64x128xf32, #tpu.memory_space<vmem>> -> memref<1x64x128xf32, #tpu.memory_space<vmem>>
        %parallel_loop3A_1189 = tpu.memref_squeeze %parallel_loop3A_1188 : memref<1x64x128xf32, #tpu.memory_space<vmem>> -> memref<64x128xf32, #tpu.memory_space<vmem>>
        tpu.vector_store_idx %parallel_loop3A_1189[%parallel_loop3A_437, %add3A_20], %parallel_loop3A_1185 : memref<64x128xf32, #tpu.memory_space<vmem>>[vector<16xi32>, vector<16xi32>], vector<16xf32>,
        %parallel_loop3A_1190 = arith.constant 0 : i32
        %parallel_loop3A_1191 = arith.constant 0 : i32
        %parallel_loop3A_1192 = tpu.memref_slice %arg6[%rem3A_349, %parallel_loop3A_1190, %parallel_loop3A_1191] : memref<3x128x128xf32, #tpu.memory_space<vmem>> -> memref<1x128x128xf32, #tpu.memory_space<vmem>>
        %parallel_loop3A_1193 = tpu.memref_squeeze %parallel_loop3A_1192 : memref<1x128x128xf32, #tpu.memory_space<vmem>> -> memref<128x128xf32, #tpu.memory_space<vmem>>
        %parallel_loop3A_1194 = tpu.vector_load_idx %parallel_loop3A_1193[%add3A_20, %parallel_loop3A_438] : memref<128x128xf32, #tpu.memory_space<vmem>>[vector<16xi32>, vector<16xi32>], vector<16xf32>,
        %parallel_loop3A_1195 = arith.constant 0 : i32
        %parallel_loop3A_1196 = arith.constant 0 : i32
        %parallel_loop3A_1197 = tpu.memref_slice %arg7[%rem3A_349, %parallel_loop3A_1195, %parallel_loop3A_1196] : memref<3x64x128xf32, #tpu.memory_space<vmem>> -> memref<1x64x128xf32, #tpu.memory_space<vmem>>
        %parallel_loop3A_1198 = tpu.memref_squeeze %parallel_loop3A_1197 : memref<1x64x128xf32, #tpu.memory_space<vmem>> -> memref<64x128xf32, #tpu.memory_space<vmem>>
        tpu.vector_store_idx %parallel_loop3A_1198[%parallel_loop3A_438, %add3A_20], %parallel_loop3A_1194 : memref<64x128xf32, #tpu.memory_space<vmem>>[vector<16xi32>, vector<16xi32>], vector<16xf32>,
        %parallel_loop3A_1199 = arith.constant 0 : i32
        %parallel_loop3A_1200 = arith.constant 0 : i32
        %parallel_loop3A_1201 = tpu.memref_slice %arg6[%rem3A_349, %parallel_loop3A_1199, %parallel_loop3A_1200] : memref<3x128x128xf32, #tpu.memory_space<vmem>> -> memref<1x128x128xf32, #tpu.memory_space<vmem>>
        %parallel_loop3A_1202 = tpu.memref_squeeze %parallel_loop3A_1201 : memref<1x128x128xf32, #tpu.memory_space<vmem>> -> memref<128x128xf32, #tpu.memory_space<vmem>>
        %parallel_loop3A_1203 = tpu.vector_load_idx %parallel_loop3A_1202[%add3A_20, %parallel_loop3A_439] : memref<128x128xf32, #tpu.memory_space<vmem>>[vector<16xi32>, vector<16xi32>], vector<16xf32>,
        %parallel_loop3A_1204 = arith.constant 0 : i32
        %parallel_loop3A_1205 = arith.constant 0 : i32
        %parallel_loop3A_1206 = tpu.memref_slice %arg7[%rem3A_349, %parallel_loop3A_1204, %parallel_loop3A_1205] : memref<3x64x128xf32, #tpu.memory_space<vmem>> -> memref<1x64x128xf32, #tpu.memory_space<vmem>>
        %parallel_loop3A_1207 = tpu.memref_squeeze %parallel_loop3A_1206 : memref<1x64x128xf32, #tpu.memory_space<vmem>> -> memref<64x128xf32, #tpu.memory_space<vmem>>
        tpu.vector_store_idx %parallel_loop3A_1207[%parallel_loop3A_439, %add3A_20], %parallel_loop3A_1203 : memref<64x128xf32, #tpu.memory_space<vmem>>[vector<16xi32>, vector<16xi32>], vector<16xf32>,
        %parallel_loop3A_1208 = arith.constant 0 : i32
        %parallel_loop3A_1209 = arith.constant 0 : i32
        %parallel_loop3A_1210 = tpu.memref_slice %arg6[%rem3A_349, %parallel_loop3A_1208, %parallel_loop3A_1209] : memref<3x128x128xf32, #tpu.memory_space<vmem>> -> memref<1x128x128xf32, #tpu.memory_space<vmem>>
        %parallel_loop3A_1211 = tpu.memref_squeeze %parallel_loop3A_1210 : memref<1x128x128xf32, #tpu.memory_space<vmem>> -> memref<128x128xf32, #tpu.memory_space<vmem>>
        %parallel_loop3A_1212 = tpu.vector_load_idx %parallel_loop3A_1211[%add3A_20, %parallel_loop3A_440] : memref<128x128xf32, #tpu.memory_space<vmem>>[vector<16xi32>, vector<16xi32>], vector<16xf32>,
        %parallel_loop3A_1213 = arith.constant 0 : i32
        %parallel_loop3A_1214 = arith.constant 0 : i32
        %parallel_loop3A_1215 = tpu.memref_slice %arg7[%rem3A_349, %parallel_loop3A_1213, %parallel_loop3A_1214] : memref<3x64x128xf32, #tpu.memory_space<vmem>> -> memref<1x64x128xf32, #tpu.memory_space<vmem>>
        %parallel_loop3A_1216 = tpu.memref_squeeze %parallel_loop3A_1215 : memref<1x64x128xf32, #tpu.memory_space<vmem>> -> memref<64x128xf32, #tpu.memory_space<vmem>>
        tpu.vector_store_idx %parallel_loop3A_1216[%parallel_loop3A_440, %add3A_20], %parallel_loop3A_1212 : memref<64x128xf32, #tpu.memory_space<vmem>>[vector<16xi32>, vector<16xi32>], vector<16xf32>,
        %parallel_loop3A_1217 = arith.constant 0 : i32
        %parallel_loop3A_1218 = arith.constant 0 : i32
        %parallel_loop3A_1219 = tpu.memref_slice %arg6[%rem3A_349, %parallel_loop3A_1217, %parallel_loop3A_1218] : memref<3x128x128xf32, #tpu.memory_space<vmem>> -> memref<1x128x128xf32, #tpu.memory_space<vmem>>
        %parallel_loop3A_1220 = tpu.memref_squeeze %parallel_loop3A_1219 : memref<1x128x128xf32, #tpu.memory_space<vmem>> -> memref<128x128xf32, #tpu.memory_space<vmem>>
        %parallel_loop3A_1221 = tpu.vector_load_idx %parallel_loop3A_1220[%add3A_20, %parallel_loop3A_441] : memref<128x128xf32, #tpu.memory_space<vmem>>[vector<16xi32>, vector<16xi32>], vector<16xf32>,
        %parallel_loop3A_1222 = arith.constant 0 : i32
        %parallel_loop3A_1223 = arith.constant 0 : i32
        %parallel_loop3A_1224 = tpu.memref_slice %arg7[%rem3A_349, %parallel_loop3A_1222, %parallel_loop3A_1223] : memref<3x64x128xf32, #tpu.memory_space<vmem>> -> memref<1x64x128xf32, #tpu.memory_space<vmem>>
        %parallel_loop3A_1225 = tpu.memref_squeeze %parallel_loop3A_1224 : memref<1x64x128xf32, #tpu.memory_space<vmem>> -> memref<64x128xf32, #tpu.memory_space<vmem>>
        tpu.vector_store_idx %parallel_loop3A_1225[%parallel_loop3A_441, %add3A_20], %parallel_loop3A_1221 : memref<64x128xf32, #tpu.memory_space<vmem>>[vector<16xi32>, vector<16xi32>], vector<16xf32>,
        %parallel_loop3A_1226 = arith.constant 0 : i32
        %parallel_loop3A_1227 = arith.constant 0 : i32
        %parallel_loop3A_1228 = tpu.memref_slice %arg6[%rem3A_349, %parallel_loop3A_1226, %parallel_loop3A_1227] : memref<3x128x128xf32, #tpu.memory_space<vmem>> -> memref<1x128x128xf32, #tpu.memory_space<vmem>>
        %parallel_loop3A_1229 = tpu.memref_squeeze %parallel_loop3A_1228 : memref<1x128x128xf32, #tpu.memory_space<vmem>> -> memref<128x128xf32, #tpu.memory_space<vmem>>
        %parallel_loop3A_1230 = tpu.vector_load_idx %parallel_loop3A_1229[%add3A_20, %parallel_loop3A_442] : memref<128x128xf32, #tpu.memory_space<vmem>>[vector<16xi32>, vector<16xi32>], vector<16xf32>,
        %parallel_loop3A_1231 = arith.constant 0 : i32
        %parallel_loop3A_1232 = arith.constant 0 : i32
        %parallel_loop3A_1233 = tpu.memref_slice %arg7[%rem3A_349, %parallel_loop3A_1231, %parallel_loop3A_1232] : memref<3x64x128xf32, #tpu.memory_space<vmem>> -> memref<1x64x128xf32, #tpu.memory_space<vmem>>
        %parallel_loop3A_1234 = tpu.memref_squeeze %parallel_loop3A_1233 : memref<1x64x128xf32, #tpu.memory_space<vmem>> -> memref<64x128xf32, #tpu.memory_space<vmem>>
        tpu.vector_store_idx %parallel_loop3A_1234[%parallel_loop3A_442, %add3A_20], %parallel_loop3A_1230 : memref<64x128xf32, #tpu.memory_space<vmem>>[vector<16xi32>, vector<16xi32>], vector<16xf32>,
        %parallel_loop3A_1235 = arith.constant 0 : i32
        %parallel_loop3A_1236 = arith.constant 0 : i32
        %parallel_loop3A_1237 = tpu.memref_slice %arg6[%rem3A_349, %parallel_loop3A_1235, %parallel_loop3A_1236] : memref<3x128x128xf32, #tpu.memory_space<vmem>> -> memref<1x128x128xf32, #tpu.memory_space<vmem>>
        %parallel_loop3A_1238 = tpu.memref_squeeze %parallel_loop3A_1237 : memref<1x128x128xf32, #tpu.memory_space<vmem>> -> memref<128x128xf32, #tpu.memory_space<vmem>>
        %parallel_loop3A_1239 = tpu.vector_load_idx %parallel_loop3A_1238[%add3A_20, %parallel_loop3A_443] : memref<128x128xf32, #tpu.memory_space<vmem>>[vector<16xi32>, vector<16xi32>], vector<16xf32>,
        %parallel_loop3A_1240 = arith.constant 0 : i32
        %parallel_loop3A_1241 = arith.constant 0 : i32
        %parallel_loop3A_1242 = tpu.memref_slice %arg7[%rem3A_349, %parallel_loop3A_1240, %parallel_loop3A_1241] : memref<3x64x128xf32, #tpu.memory_space<vmem>> -> memref<1x64x128xf32, #tpu.memory_space<vmem>>
        %parallel_loop3A_1243 = tpu.memref_squeeze %parallel_loop3A_1242 : memref<1x64x128xf32, #tpu.memory_space<vmem>> -> memref<64x128xf32, #tpu.memory_space<vmem>>
        tpu.vector_store_idx %parallel_loop3A_1243[%parallel_loop3A_443, %add3A_20], %parallel_loop3A_1239 : memref<64x128xf32, #tpu.memory_space<vmem>>[vector<16xi32>, vector<16xi32>], vector<16xf32>,
        %parallel_loop3A_1244 = arith.constant 0 : i32
        %parallel_loop3A_1245 = arith.constant 0 : i32
        %parallel_loop3A_1246 = tpu.memref_slice %arg6[%rem3A_349, %parallel_loop3A_1244, %parallel_loop3A_1245] : memref<3x128x128xf32, #tpu.memory_space<vmem>> -> memref<1x128x128xf32, #tpu.memory_space<vmem>>
        %parallel_loop3A_1247 = tpu.memref_squeeze %parallel_loop3A_1246 : memref<1x128x128xf32, #tpu.memory_space<vmem>> -> memref<128x128xf32, #tpu.memory_space<vmem>>
        %parallel_loop3A_1248 = tpu.vector_load_idx %parallel_loop3A_1247[%add3A_20, %parallel_loop3A_444] : memref<128x128xf32, #tpu.memory_space<vmem>>[vector<16xi32>, vector<16xi32>], vector<16xf32>,
        %parallel_loop3A_1249 = arith.constant 0 : i32
        %parallel_loop3A_1250 = arith.constant 0 : i32
        %parallel_loop3A_1251 = tpu.memref_slice %arg7[%rem3A_349, %parallel_loop3A_1249, %parallel_loop3A_1250] : memref<3x64x128xf32, #tpu.memory_space<vmem>> -> memref<1x64x128xf32, #tpu.memory_space<vmem>>
        %parallel_loop3A_1252 = tpu.memref_squeeze %parallel_loop3A_1251 : memref<1x64x128xf32, #tpu.memory_space<vmem>> -> memref<64x128xf32, #tpu.memory_space<vmem>>
        tpu.vector_store_idx %parallel_loop3A_1252[%parallel_loop3A_444, %add3A_20], %parallel_loop3A_1248 : memref<64x128xf32, #tpu.memory_space<vmem>>[vector<16xi32>, vector<16xi32>], vector<16xf32>,
        %parallel_loop3A_1253 = arith.constant 0 : i32
        %parallel_loop3A_1254 = arith.constant 0 : i32
        %parallel_loop3A_1255 = tpu.memref_slice %arg6[%rem3A_349, %parallel_loop3A_1253, %parallel_loop3A_1254] : memref<3x128x128xf32, #tpu.memory_space<vmem>> -> memref<1x128x128xf32, #tpu.memory_space<vmem>>
        %parallel_loop3A_1256 = tpu.memref_squeeze %parallel_loop3A_1255 : memref<1x128x128xf32, #tpu.memory_space<vmem>> -> memref<128x128xf32, #tpu.memory_space<vmem>>
        %parallel_loop3A_1257 = tpu.vector_load_idx %parallel_loop3A_1256[%add3A_20, %parallel_loop3A_445] : memref<128x128xf32, #tpu.memory_space<vmem>>[vector<16xi32>, vector<16xi32>], vector<16xf32>,
        %parallel_loop3A_1258 = arith.constant 0 : i32
        %parallel_loop3A_1259 = arith.constant 0 : i32
        %parallel_loop3A_1260 = tpu.memref_slice %arg7[%rem3A_349, %parallel_loop3A_1258, %parallel_loop3A_1259] : memref<3x64x128xf32, #tpu.memory_space<vmem>> -> memref<1x64x128xf32, #tpu.memory_space<vmem>>
        %parallel_loop3A_1261 = tpu.memref_squeeze %parallel_loop3A_1260 : memref<1x64x128xf32, #tpu.memory_space<vmem>> -> memref<64x128xf32, #tpu.memory_space<vmem>>
        tpu.vector_store_idx %parallel_loop3A_1261[%parallel_loop3A_445, %add3A_20], %parallel_loop3A_1257 : memref<64x128xf32, #tpu.memory_space<vmem>>[vector<16xi32>, vector<16xi32>], vector<16xf32>,
        %parallel_loop3A_1262 = arith.constant 0 : i32
        %parallel_loop3A_1263 = arith.constant 0 : i32
        %parallel_loop3A_1264 = tpu.memref_slice %arg6[%rem3A_349, %parallel_loop3A_1262, %parallel_loop3A_1263] : memref<3x128x128xf32, #tpu.memory_space<vmem>> -> memref<1x128x128xf32, #tpu.memory_space<vmem>>
        %parallel_loop3A_1265 = tpu.memref_squeeze %parallel_loop3A_1264 : memref<1x128x128xf32, #tpu.memory_space<vmem>> -> memref<128x128xf32, #tpu.memory_space<vmem>>
        %parallel_loop3A_1266 = tpu.vector_load_idx %parallel_loop3A_1265[%add3A_20, %parallel_loop3A_446] : memref<128x128xf32, #tpu.memory_space<vmem>>[vector<16xi32>, vector<16xi32>], vector<16xf32>,
        %parallel_loop3A_1267 = arith.constant 0 : i32
        %parallel_loop3A_1268 = arith.constant 0 : i32
        %parallel_loop3A_1269 = tpu.memref_slice %arg7[%rem3A_349, %parallel_loop3A_1267, %parallel_loop3A_1268] : memref<3x64x128xf32, #tpu.memory_space<vmem>> -> memref<1x64x128xf32, #tpu.memory_space<vmem>>
        %parallel_loop3A_1270 = tpu.memref_squeeze %parallel_loop3A_1269 : memref<1x64x128xf32, #tpu.memory_space<vmem>> -> memref<64x128xf32, #tpu.memory_space<vmem>>
        tpu.vector_store_idx %parallel_loop3A_1270[%parallel_loop3A_446, %add3A_20], %parallel_loop3A_1266 : memref<64x128xf32, #tpu.memory_space<vmem>>[vector<16xi32>, vector<16xi32>], vector<16xf32>,
        %parallel_loop3A_1271 = arith.constant 0 : i32
        %parallel_loop3A_1272 = arith.constant 0 : i32
        %parallel_loop3A_1273 = tpu.memref_slice %arg6[%rem3A_349, %parallel_loop3A_1271, %parallel_loop3A_1272] : memref<3x128x128xf32, #tpu.memory_space<vmem>> -> memref<1x128x128xf32, #tpu.memory_space<vmem>>
        %parallel_loop3A_1274 = tpu.memref_squeeze %parallel_loop3A_1273 : memref<1x128x128xf32, #tpu.memory_space<vmem>> -> memref<128x128xf32, #tpu.memory_space<vmem>>
        %parallel_loop3A_1275 = tpu.vector_load_idx %parallel_loop3A_1274[%add3A_20, %parallel_loop3A_447] : memref<128x128xf32, #tpu.memory_space<vmem>>[vector<16xi32>, vector<16xi32>], vector<16xf32>,
        %parallel_loop3A_1276 = arith.constant 0 : i32
        %parallel_loop3A_1277 = arith.constant 0 : i32
        %parallel_loop3A_1278 = tpu.memref_slice %arg7[%rem3A_349, %parallel_loop3A_1276, %parallel_loop3A_1277] : memref<3x64x128xf32, #tpu.memory_space<vmem>> -> memref<1x64x128xf32, #tpu.memory_space<vmem>>
        %parallel_loop3A_1279 = tpu.memref_squeeze %parallel_loop3A_1278 : memref<1x64x128xf32, #tpu.memory_space<vmem>> -> memref<64x128xf32, #tpu.memory_space<vmem>>
        tpu.vector_store_idx %parallel_loop3A_1279[%parallel_loop3A_447, %add3A_20], %parallel_loop3A_1275 : memref<64x128xf32, #tpu.memory_space<vmem>>[vector<16xi32>, vector<16xi32>], vector<16xf32>,
        %parallel_loop3A_1280 = arith.constant 0 : i32
        %parallel_loop3A_1281 = arith.constant 0 : i32
        %parallel_loop3A_1282 = tpu.memref_slice %arg6[%rem3A_349, %parallel_loop3A_1280, %parallel_loop3A_1281] : memref<3x128x128xf32, #tpu.memory_space<vmem>> -> memref<1x128x128xf32, #tpu.memory_space<vmem>>
        %parallel_loop3A_1283 = tpu.memref_squeeze %parallel_loop3A_1282 : memref<1x128x128xf32, #tpu.memory_space<vmem>> -> memref<128x128xf32, #tpu.memory_space<vmem>>
        %parallel_loop3A_1284 = tpu.vector_load_idx %parallel_loop3A_1283[%add3A_20, %parallel_loop3A_448] : memref<128x128xf32, #tpu.memory_space<vmem>>[vector<16xi32>, vector<16xi32>], vector<16xf32>,
        %parallel_loop3A_1285 = arith.constant 0 : i32
        %parallel_loop3A_1286 = arith.constant 0 : i32
        %parallel_loop3A_1287 = tpu.memref_slice %arg7[%rem3A_349, %parallel_loop3A_1285, %parallel_loop3A_1286] : memref<3x64x128xf32, #tpu.memory_space<vmem>> -> memref<1x64x128xf32, #tpu.memory_space<vmem>>
        %parallel_loop3A_1288 = tpu.memref_squeeze %parallel_loop3A_1287 : memref<1x64x128xf32, #tpu.memory_space<vmem>> -> memref<64x128xf32, #tpu.memory_space<vmem>>
        tpu.vector_store_idx %parallel_loop3A_1288[%parallel_loop3A_448, %add3A_20], %parallel_loop3A_1284 : memref<64x128xf32, #tpu.memory_space<vmem>>[vector<16xi32>, vector<16xi32>], vector<16xf32>,
        %parallel_loop3A_1289 = arith.constant 0 : i32
        %parallel_loop3A_1290 = arith.constant 0 : i32
        %parallel_loop3A_1291 = tpu.memref_slice %arg6[%rem3A_349, %parallel_loop3A_1289, %parallel_loop3A_1290] : memref<3x128x128xf32, #tpu.memory_space<vmem>> -> memref<1x128x128xf32, #tpu.memory_space<vmem>>
        %parallel_loop3A_1292 = tpu.memref_squeeze %parallel_loop3A_1291 : memref<1x128x128xf32, #tpu.memory_space<vmem>> -> memref<128x128xf32, #tpu.memory_space<vmem>>
        %parallel_loop3A_1293 = tpu.vector_load_idx %parallel_loop3A_1292[%add3A_20, %parallel_loop3A_449] : memref<128x128xf32, #tpu.memory_space<vmem>>[vector<16xi32>, vector<16xi32>], vector<16xf32>,
        %parallel_loop3A_1294 = arith.constant 0 : i32
        %parallel_loop3A_1295 = arith.constant 0 : i32
        %parallel_loop3A_1296 = tpu.memref_slice %arg7[%rem3A_349, %parallel_loop3A_1294, %parallel_loop3A_1295] : memref<3x64x128xf32, #tpu.memory_space<vmem>> -> memref<1x64x128xf32, #tpu.memory_space<vmem>>
        %parallel_loop3A_1297 = tpu.memref_squeeze %parallel_loop3A_1296 : memref<1x64x128xf32, #tpu.memory_space<vmem>> -> memref<64x128xf32, #tpu.memory_space<vmem>>
        tpu.vector_store_idx %parallel_loop3A_1297[%parallel_loop3A_449, %add3A_20], %parallel_loop3A_1293 : memref<64x128xf32, #tpu.memory_space<vmem>>[vector<16xi32>, vector<16xi32>], vector<16xf32>,
        %parallel_loop3A_1298 = arith.constant 0 : i32
        %parallel_loop3A_1299 = arith.constant 0 : i32
        %parallel_loop3A_1300 = tpu.memref_slice %arg6[%rem3A_349, %parallel_loop3A_1298, %parallel_loop3A_1299] : memref<3x128x128xf32, #tpu.memory_space<vmem>> -> memref<1x128x128xf32, #tpu.memory_space<vmem>>
        %parallel_loop3A_1301 = tpu.memref_squeeze %parallel_loop3A_1300 : memref<1x128x128xf32, #tpu.memory_space<vmem>> -> memref<128x128xf32, #tpu.memory_space<vmem>>
        %parallel_loop3A_1302 = tpu.vector_load_idx %parallel_loop3A_1301[%add3A_20, %parallel_loop3A_450] : memref<128x128xf32, #tpu.memory_space<vmem>>[vector<16xi32>, vector<16xi32>], vector<16xf32>,
        %parallel_loop3A_1303 = arith.constant 0 : i32
        %parallel_loop3A_1304 = arith.constant 0 : i32
        %parallel_loop3A_1305 = tpu.memref_slice %arg7[%rem3A_349, %parallel_loop3A_1303, %parallel_loop3A_1304] : memref<3x64x128xf32, #tpu.memory_space<vmem>> -> memref<1x64x128xf32, #tpu.memory_space<vmem>>
        %parallel_loop3A_1306 = tpu.memref_squeeze %parallel_loop3A_1305 : memref<1x64x128xf32, #tpu.memory_space<vmem>> -> memref<64x128xf32, #tpu.memory_space<vmem>>
        tpu.vector_store_idx %parallel_loop3A_1306[%parallel_loop3A_450, %add3A_20], %parallel_loop3A_1302 : memref<64x128xf32, #tpu.memory_space<vmem>>[vector<16xi32>, vector<16xi32>], vector<16xf32>,
        %parallel_loop3A_1307 = arith.constant 0 : i32
        %parallel_loop3A_1308 = arith.constant 0 : i32
        %parallel_loop3A_1309 = tpu.memref_slice %arg6[%rem3A_349, %parallel_loop3A_1307, %parallel_loop3A_1308] : memref<3x128x128xf32, #tpu.memory_space<vmem>> -> memref<1x128x128xf32, #tpu.memory_space<vmem>>
        %parallel_loop3A_1310 = tpu.memref_squeeze %parallel_loop3A_1309 : memref<1x128x128xf32, #tpu.memory_space<vmem>> -> memref<128x128xf32, #tpu.memory_space<vmem>>
        %parallel_loop3A_1311 = tpu.vector_load_idx %parallel_loop3A_1310[%add3A_20, %parallel_loop3A_451] : memref<128x128xf32, #tpu.memory_space<vmem>>[vector<16xi32>, vector<16xi32>], vector<16xf32>,
        %parallel_loop3A_1312 = arith.constant 0 : i32
        %parallel_loop3A_1313 = arith.constant 0 : i32
        %parallel_loop3A_1314 = tpu.memref_slice %arg7[%rem3A_349, %parallel_loop3A_1312, %parallel_loop3A_1313] : memref<3x64x128xf32, #tpu.memory_space<vmem>> -> memref<1x64x128xf32, #tpu.memory_space<vmem>>
        %parallel_loop3A_1315 = tpu.memref_squeeze %parallel_loop3A_1314 : memref<1x64x128xf32, #tpu.memory_space<vmem>> -> memref<64x128xf32, #tpu.memory_space<vmem>>
        tpu.vector_store_idx %parallel_loop3A_1315[%parallel_loop3A_451, %add3A_20], %parallel_loop3A_1311 : memref<64x128xf32, #tpu.memory_space<vmem>>[vector<16xi32>, vector<16xi32>], vector<16xf32>,
        %parallel_loop3A_1316 = arith.constant 0 : i32
        %parallel_loop3A_1317 = arith.constant 0 : i32
        %parallel_loop3A_1318 = tpu.memref_slice %arg6[%rem3A_349, %parallel_loop3A_1316, %parallel_loop3A_1317] : memref<3x128x128xf32, #tpu.memory_space<vmem>> -> memref<1x128x128xf32, #tpu.memory_space<vmem>>
        %parallel_loop3A_1319 = tpu.memref_squeeze %parallel_loop3A_1318 : memref<1x128x128xf32, #tpu.memory_space<vmem>> -> memref<128x128xf32, #tpu.memory_space<vmem>>
        %parallel_loop3A_1320 = tpu.vector_load_idx %parallel_loop3A_1319[%add3A_23, %parallel_loop3A_436] : memref<128x128xf32, #tpu.memory_space<vmem>>[vector<16xi32>, vector<16xi32>], vector<16xf32>,
        %parallel_loop3A_1321 = arith.constant 0 : i32
        %parallel_loop3A_1322 = arith.constant 0 : i32
        %parallel_loop3A_1323 = tpu.memref_slice %arg7[%rem3A_349, %parallel_loop3A_1321, %parallel_loop3A_1322] : memref<3x64x128xf32, #tpu.memory_space<vmem>> -> memref<1x64x128xf32, #tpu.memory_space<vmem>>
        %parallel_loop3A_1324 = tpu.memref_squeeze %parallel_loop3A_1323 : memref<1x64x128xf32, #tpu.memory_space<vmem>> -> memref<64x128xf32, #tpu.memory_space<vmem>>
        tpu.vector_store_idx %parallel_loop3A_1324[%parallel_loop3A_436, %add3A_23], %parallel_loop3A_1320 : memref<64x128xf32, #tpu.memory_space<vmem>>[vector<16xi32>, vector<16xi32>], vector<16xf32>,
        %parallel_loop3A_1325 = arith.constant 0 : i32
        %parallel_loop3A_1326 = arith.constant 0 : i32
        %parallel_loop3A_1327 = tpu.memref_slice %arg6[%rem3A_349, %parallel_loop3A_1325, %parallel_loop3A_1326] : memref<3x128x128xf32, #tpu.memory_space<vmem>> -> memref<1x128x128xf32, #tpu.memory_space<vmem>>
        %parallel_loop3A_1328 = tpu.memref_squeeze %parallel_loop3A_1327 : memref<1x128x128xf32, #tpu.memory_space<vmem>> -> memref<128x128xf32, #tpu.memory_space<vmem>>
        %parallel_loop3A_1329 = tpu.vector_load_idx %parallel_loop3A_1328[%add3A_23, %parallel_loop3A_437] : memref<128x128xf32, #tpu.memory_space<vmem>>[vector<16xi32>, vector<16xi32>], vector<16xf32>,
        %parallel_loop3A_1330 = arith.constant 0 : i32
        %parallel_loop3A_1331 = arith.constant 0 : i32
        %parallel_loop3A_1332 = tpu.memref_slice %arg7[%rem3A_349, %parallel_loop3A_1330, %parallel_loop3A_1331] : memref<3x64x128xf32, #tpu.memory_space<vmem>> -> memref<1x64x128xf32, #tpu.memory_space<vmem>>
        %parallel_loop3A_1333 = tpu.memref_squeeze %parallel_loop3A_1332 : memref<1x64x128xf32, #tpu.memory_space<vmem>> -> memref<64x128xf32, #tpu.memory_space<vmem>>
        tpu.vector_store_idx %parallel_loop3A_1333[%parallel_loop3A_437, %add3A_23], %parallel_loop3A_1329 : memref<64x128xf32, #tpu.memory_space<vmem>>[vector<16xi32>, vector<16xi32>], vector<16xf32>,
        %parallel_loop3A_1334 = arith.constant 0 : i32
        %parallel_loop3A_1335 = arith.constant 0 : i32
        %parallel_loop3A_1336 = tpu.memref_slice %arg6[%rem3A_349, %parallel_loop3A_1334, %parallel_loop3A_1335] : memref<3x128x128xf32, #tpu.memory_space<vmem>> -> memref<1x128x128xf32, #tpu.memory_space<vmem>>
        %parallel_loop3A_1337 = tpu.memref_squeeze %parallel_loop3A_1336 : memref<1x128x128xf32, #tpu.memory_space<vmem>> -> memref<128x128xf32, #tpu.memory_space<vmem>>
        %parallel_loop3A_1338 = tpu.vector_load_idx %parallel_loop3A_1337[%add3A_23, %parallel_loop3A_438] : memref<128x128xf32, #tpu.memory_space<vmem>>[vector<16xi32>, vector<16xi32>], vector<16xf32>,
        %parallel_loop3A_1339 = arith.constant 0 : i32
        %parallel_loop3A_1340 = arith.constant 0 : i32
        %parallel_loop3A_1341 = tpu.memref_slice %arg7[%rem3A_349, %parallel_loop3A_1339, %parallel_loop3A_1340] : memref<3x64x128xf32, #tpu.memory_space<vmem>> -> memref<1x64x128xf32, #tpu.memory_space<vmem>>
        %parallel_loop3A_1342 = tpu.memref_squeeze %parallel_loop3A_1341 : memref<1x64x128xf32, #tpu.memory_space<vmem>> -> memref<64x128xf32, #tpu.memory_space<vmem>>
        tpu.vector_store_idx %parallel_loop3A_1342[%parallel_loop3A_438, %add3A_23], %parallel_loop3A_1338 : memref<64x128xf32, #tpu.memory_space<vmem>>[vector<16xi32>, vector<16xi32>], vector<16xf32>,
        %parallel_loop3A_1343 = arith.constant 0 : i32
        %parallel_loop3A_1344 = arith.constant 0 : i32
        %parallel_loop3A_1345 = tpu.memref_slice %arg6[%rem3A_349, %parallel_loop3A_1343, %parallel_loop3A_1344] : memref<3x128x128xf32, #tpu.memory_space<vmem>> -> memref<1x128x128xf32, #tpu.memory_space<vmem>>
        %parallel_loop3A_1346 = tpu.memref_squeeze %parallel_loop3A_1345 : memref<1x128x128xf32, #tpu.memory_space<vmem>> -> memref<128x128xf32, #tpu.memory_space<vmem>>
        %parallel_loop3A_1347 = tpu.vector_load_idx %parallel_loop3A_1346[%add3A_23, %parallel_loop3A_439] : memref<128x128xf32, #tpu.memory_space<vmem>>[vector<16xi32>, vector<16xi32>], vector<16xf32>,
        %parallel_loop3A_1348 = arith.constant 0 : i32
        %parallel_loop3A_1349 = arith.constant 0 : i32
        %parallel_loop3A_1350 = tpu.memref_slice %arg7[%rem3A_349, %parallel_loop3A_1348, %parallel_loop3A_1349] : memref<3x64x128xf32, #tpu.memory_space<vmem>> -> memref<1x64x128xf32, #tpu.memory_space<vmem>>
        %parallel_loop3A_1351 = tpu.memref_squeeze %parallel_loop3A_1350 : memref<1x64x128xf32, #tpu.memory_space<vmem>> -> memref<64x128xf32, #tpu.memory_space<vmem>>
        tpu.vector_store_idx %parallel_loop3A_1351[%parallel_loop3A_439, %add3A_23], %parallel_loop3A_1347 : memref<64x128xf32, #tpu.memory_space<vmem>>[vector<16xi32>, vector<16xi32>], vector<16xf32>,
        %parallel_loop3A_1352 = arith.constant 0 : i32
        %parallel_loop3A_1353 = arith.constant 0 : i32
        %parallel_loop3A_1354 = tpu.memref_slice %arg6[%rem3A_349, %parallel_loop3A_1352, %parallel_loop3A_1353] : memref<3x128x128xf32, #tpu.memory_space<vmem>> -> memref<1x128x128xf32, #tpu.memory_space<vmem>>
        %parallel_loop3A_1355 = tpu.memref_squeeze %parallel_loop3A_1354 : memref<1x128x128xf32, #tpu.memory_space<vmem>> -> memref<128x128xf32, #tpu.memory_space<vmem>>
        %parallel_loop3A_1356 = tpu.vector_load_idx %parallel_loop3A_1355[%add3A_23, %parallel_loop3A_440] : memref<128x128xf32, #tpu.memory_space<vmem>>[vector<16xi32>, vector<16xi32>], vector<16xf32>,
        %parallel_loop3A_1357 = arith.constant 0 : i32
        %parallel_loop3A_1358 = arith.constant 0 : i32
        %parallel_loop3A_1359 = tpu.memref_slice %arg7[%rem3A_349, %parallel_loop3A_1357, %parallel_loop3A_1358] : memref<3x64x128xf32, #tpu.memory_space<vmem>> -> memref<1x64x128xf32, #tpu.memory_space<vmem>>
        %parallel_loop3A_1360 = tpu.memref_squeeze %parallel_loop3A_1359 : memref<1x64x128xf32, #tpu.memory_space<vmem>> -> memref<64x128xf32, #tpu.memory_space<vmem>>
        tpu.vector_store_idx %parallel_loop3A_1360[%parallel_loop3A_440, %add3A_23], %parallel_loop3A_1356 : memref<64x128xf32, #tpu.memory_space<vmem>>[vector<16xi32>, vector<16xi32>], vector<16xf32>,
        %parallel_loop3A_1361 = arith.constant 0 : i32
        %parallel_loop3A_1362 = arith.constant 0 : i32
        %parallel_loop3A_1363 = tpu.memref_slice %arg6[%rem3A_349, %parallel_loop3A_1361, %parallel_loop3A_1362] : memref<3x128x128xf32, #tpu.memory_space<vmem>> -> memref<1x128x128xf32, #tpu.memory_space<vmem>>
        %parallel_loop3A_1364 = tpu.memref_squeeze %parallel_loop3A_1363 : memref<1x128x128xf32, #tpu.memory_space<vmem>> -> memref<128x128xf32, #tpu.memory_space<vmem>>
        %parallel_loop3A_1365 = tpu.vector_load_idx %parallel_loop3A_1364[%add3A_23, %parallel_loop3A_441] : memref<128x128xf32, #tpu.memory_space<vmem>>[vector<16xi32>, vector<16xi32>], vector<16xf32>,
        %parallel_loop3A_1366 = arith.constant 0 : i32
        %parallel_loop3A_1367 = arith.constant 0 : i32
        %parallel_loop3A_1368 = tpu.memref_slice %arg7[%rem3A_349, %parallel_loop3A_1366, %parallel_loop3A_1367] : memref<3x64x128xf32, #tpu.memory_space<vmem>> -> memref<1x64x128xf32, #tpu.memory_space<vmem>>
        %parallel_loop3A_1369 = tpu.memref_squeeze %parallel_loop3A_1368 : memref<1x64x128xf32, #tpu.memory_space<vmem>> -> memref<64x128xf32, #tpu.memory_space<vmem>>
        tpu.vector_store_idx %parallel_loop3A_1369[%parallel_loop3A_441, %add3A_23], %parallel_loop3A_1365 : memref<64x128xf32, #tpu.memory_space<vmem>>[vector<16xi32>, vector<16xi32>], vector<16xf32>,
        %parallel_loop3A_1370 = arith.constant 0 : i32
        %parallel_loop3A_1371 = arith.constant 0 : i32
        %parallel_loop3A_1372 = tpu.memref_slice %arg6[%rem3A_349, %parallel_loop3A_1370, %parallel_loop3A_1371] : memref<3x128x128xf32, #tpu.memory_space<vmem>> -> memref<1x128x128xf32, #tpu.memory_space<vmem>>
        %parallel_loop3A_1373 = tpu.memref_squeeze %parallel_loop3A_1372 : memref<1x128x128xf32, #tpu.memory_space<vmem>> -> memref<128x128xf32, #tpu.memory_space<vmem>>
        %parallel_loop3A_1374 = tpu.vector_load_idx %parallel_loop3A_1373[%add3A_23, %parallel_loop3A_442] : memref<128x128xf32, #tpu.memory_space<vmem>>[vector<16xi32>, vector<16xi32>], vector<16xf32>,
        %parallel_loop3A_1375 = arith.constant 0 : i32
        %parallel_loop3A_1376 = arith.constant 0 : i32
        %parallel_loop3A_1377 = tpu.memref_slice %arg7[%rem3A_349, %parallel_loop3A_1375, %parallel_loop3A_1376] : memref<3x64x128xf32, #tpu.memory_space<vmem>> -> memref<1x64x128xf32, #tpu.memory_space<vmem>>
        %parallel_loop3A_1378 = tpu.memref_squeeze %parallel_loop3A_1377 : memref<1x64x128xf32, #tpu.memory_space<vmem>> -> memref<64x128xf32, #tpu.memory_space<vmem>>
        tpu.vector_store_idx %parallel_loop3A_1378[%parallel_loop3A_442, %add3A_23], %parallel_loop3A_1374 : memref<64x128xf32, #tpu.memory_space<vmem>>[vector<16xi32>, vector<16xi32>], vector<16xf32>,
        %parallel_loop3A_1379 = arith.constant 0 : i32
        %parallel_loop3A_1380 = arith.constant 0 : i32
        %parallel_loop3A_1381 = tpu.memref_slice %arg6[%rem3A_349, %parallel_loop3A_1379, %parallel_loop3A_1380] : memref<3x128x128xf32, #tpu.memory_space<vmem>> -> memref<1x128x128xf32, #tpu.memory_space<vmem>>
        %parallel_loop3A_1382 = tpu.memref_squeeze %parallel_loop3A_1381 : memref<1x128x128xf32, #tpu.memory_space<vmem>> -> memref<128x128xf32, #tpu.memory_space<vmem>>
        %parallel_loop3A_1383 = tpu.vector_load_idx %parallel_loop3A_1382[%add3A_23, %parallel_loop3A_443] : memref<128x128xf32, #tpu.memory_space<vmem>>[vector<16xi32>, vector<16xi32>], vector<16xf32>,
        %parallel_loop3A_1384 = arith.constant 0 : i32
        %parallel_loop3A_1385 = arith.constant 0 : i32
        %parallel_loop3A_1386 = tpu.memref_slice %arg7[%rem3A_349, %parallel_loop3A_1384, %parallel_loop3A_1385] : memref<3x64x128xf32, #tpu.memory_space<vmem>> -> memref<1x64x128xf32, #tpu.memory_space<vmem>>
        %parallel_loop3A_1387 = tpu.memref_squeeze %parallel_loop3A_1386 : memref<1x64x128xf32, #tpu.memory_space<vmem>> -> memref<64x128xf32, #tpu.memory_space<vmem>>
        tpu.vector_store_idx %parallel_loop3A_1387[%parallel_loop3A_443, %add3A_23], %parallel_loop3A_1383 : memref<64x128xf32, #tpu.memory_space<vmem>>[vector<16xi32>, vector<16xi32>], vector<16xf32>,
        %parallel_loop3A_1388 = arith.constant 0 : i32
        %parallel_loop3A_1389 = arith.constant 0 : i32
        %parallel_loop3A_1390 = tpu.memref_slice %arg6[%rem3A_349, %parallel_loop3A_1388, %parallel_loop3A_1389] : memref<3x128x128xf32, #tpu.memory_space<vmem>> -> memref<1x128x128xf32, #tpu.memory_space<vmem>>
        %parallel_loop3A_1391 = tpu.memref_squeeze %parallel_loop3A_1390 : memref<1x128x128xf32, #tpu.memory_space<vmem>> -> memref<128x128xf32, #tpu.memory_space<vmem>>
        %parallel_loop3A_1392 = tpu.vector_load_idx %parallel_loop3A_1391[%add3A_23, %parallel_loop3A_444] : memref<128x128xf32, #tpu.memory_space<vmem>>[vector<16xi32>, vector<16xi32>], vector<16xf32>,
        %parallel_loop3A_1393 = arith.constant 0 : i32
        %parallel_loop3A_1394 = arith.constant 0 : i32
        %parallel_loop3A_1395 = tpu.memref_slice %arg7[%rem3A_349, %parallel_loop3A_1393, %parallel_loop3A_1394] : memref<3x64x128xf32, #tpu.memory_space<vmem>> -> memref<1x64x128xf32, #tpu.memory_space<vmem>>
        %parallel_loop3A_1396 = tpu.memref_squeeze %parallel_loop3A_1395 : memref<1x64x128xf32, #tpu.memory_space<vmem>> -> memref<64x128xf32, #tpu.memory_space<vmem>>
        tpu.vector_store_idx %parallel_loop3A_1396[%parallel_loop3A_444, %add3A_23], %parallel_loop3A_1392 : memref<64x128xf32, #tpu.memory_space<vmem>>[vector<16xi32>, vector<16xi32>], vector<16xf32>,
        %parallel_loop3A_1397 = arith.constant 0 : i32
        %parallel_loop3A_1398 = arith.constant 0 : i32
        %parallel_loop3A_1399 = tpu.memref_slice %arg6[%rem3A_349, %parallel_loop3A_1397, %parallel_loop3A_1398] : memref<3x128x128xf32, #tpu.memory_space<vmem>> -> memref<1x128x128xf32, #tpu.memory_space<vmem>>
        %parallel_loop3A_1400 = tpu.memref_squeeze %parallel_loop3A_1399 : memref<1x128x128xf32, #tpu.memory_space<vmem>> -> memref<128x128xf32, #tpu.memory_space<vmem>>
        %parallel_loop3A_1401 = tpu.vector_load_idx %parallel_loop3A_1400[%add3A_23, %parallel_loop3A_445] : memref<128x128xf32, #tpu.memory_space<vmem>>[vector<16xi32>, vector<16xi32>], vector<16xf32>,
        %parallel_loop3A_1402 = arith.constant 0 : i32
        %parallel_loop3A_1403 = arith.constant 0 : i32
        %parallel_loop3A_1404 = tpu.memref_slice %arg7[%rem3A_349, %parallel_loop3A_1402, %parallel_loop3A_1403] : memref<3x64x128xf32, #tpu.memory_space<vmem>> -> memref<1x64x128xf32, #tpu.memory_space<vmem>>
        %parallel_loop3A_1405 = tpu.memref_squeeze %parallel_loop3A_1404 : memref<1x64x128xf32, #tpu.memory_space<vmem>> -> memref<64x128xf32, #tpu.memory_space<vmem>>
        tpu.vector_store_idx %parallel_loop3A_1405[%parallel_loop3A_445, %add3A_23], %parallel_loop3A_1401 : memref<64x128xf32, #tpu.memory_space<vmem>>[vector<16xi32>, vector<16xi32>], vector<16xf32>,
        %parallel_loop3A_1406 = arith.constant 0 : i32
        %parallel_loop3A_1407 = arith.constant 0 : i32
        %parallel_loop3A_1408 = tpu.memref_slice %arg6[%rem3A_349, %parallel_loop3A_1406, %parallel_loop3A_1407] : memref<3x128x128xf32, #tpu.memory_space<vmem>> -> memref<1x128x128xf32, #tpu.memory_space<vmem>>
        %parallel_loop3A_1409 = tpu.memref_squeeze %parallel_loop3A_1408 : memref<1x128x128xf32, #tpu.memory_space<vmem>> -> memref<128x128xf32, #tpu.memory_space<vmem>>
        %parallel_loop3A_1410 = tpu.vector_load_idx %parallel_loop3A_1409[%add3A_23, %parallel_loop3A_446] : memref<128x128xf32, #tpu.memory_space<vmem>>[vector<16xi32>, vector<16xi32>], vector<16xf32>,
        %parallel_loop3A_1411 = arith.constant 0 : i32
        %parallel_loop3A_1412 = arith.constant 0 : i32
        %parallel_loop3A_1413 = tpu.memref_slice %arg7[%rem3A_349, %parallel_loop3A_1411, %parallel_loop3A_1412] : memref<3x64x128xf32, #tpu.memory_space<vmem>> -> memref<1x64x128xf32, #tpu.memory_space<vmem>>
        %parallel_loop3A_1414 = tpu.memref_squeeze %parallel_loop3A_1413 : memref<1x64x128xf32, #tpu.memory_space<vmem>> -> memref<64x128xf32, #tpu.memory_space<vmem>>
        tpu.vector_store_idx %parallel_loop3A_1414[%parallel_loop3A_446, %add3A_23], %parallel_loop3A_1410 : memref<64x128xf32, #tpu.memory_space<vmem>>[vector<16xi32>, vector<16xi32>], vector<16xf32>,
        %parallel_loop3A_1415 = arith.constant 0 : i32
        %parallel_loop3A_1416 = arith.constant 0 : i32
        %parallel_loop3A_1417 = tpu.memref_slice %arg6[%rem3A_349, %parallel_loop3A_1415, %parallel_loop3A_1416] : memref<3x128x128xf32, #tpu.memory_space<vmem>> -> memref<1x128x128xf32, #tpu.memory_space<vmem>>
        %parallel_loop3A_1418 = tpu.memref_squeeze %parallel_loop3A_1417 : memref<1x128x128xf32, #tpu.memory_space<vmem>> -> memref<128x128xf32, #tpu.memory_space<vmem>>
        %parallel_loop3A_1419 = tpu.vector_load_idx %parallel_loop3A_1418[%add3A_23, %parallel_loop3A_447] : memref<128x128xf32, #tpu.memory_space<vmem>>[vector<16xi32>, vector<16xi32>], vector<16xf32>,
        %parallel_loop3A_1420 = arith.constant 0 : i32
        %parallel_loop3A_1421 = arith.constant 0 : i32
        %parallel_loop3A_1422 = tpu.memref_slice %arg7[%rem3A_349, %parallel_loop3A_1420, %parallel_loop3A_1421] : memref<3x64x128xf32, #tpu.memory_space<vmem>> -> memref<1x64x128xf32, #tpu.memory_space<vmem>>
        %parallel_loop3A_1423 = tpu.memref_squeeze %parallel_loop3A_1422 : memref<1x64x128xf32, #tpu.memory_space<vmem>> -> memref<64x128xf32, #tpu.memory_space<vmem>>
        tpu.vector_store_idx %parallel_loop3A_1423[%parallel_loop3A_447, %add3A_23], %parallel_loop3A_1419 : memref<64x128xf32, #tpu.memory_space<vmem>>[vector<16xi32>, vector<16xi32>], vector<16xf32>,
        %parallel_loop3A_1424 = arith.constant 0 : i32
        %parallel_loop3A_1425 = arith.constant 0 : i32
        %parallel_loop3A_1426 = tpu.memref_slice %arg6[%rem3A_349, %parallel_loop3A_1424, %parallel_loop3A_1425] : memref<3x128x128xf32, #tpu.memory_space<vmem>> -> memref<1x128x128xf32, #tpu.memory_space<vmem>>
        %parallel_loop3A_1427 = tpu.memref_squeeze %parallel_loop3A_1426 : memref<1x128x128xf32, #tpu.memory_space<vmem>> -> memref<128x128xf32, #tpu.memory_space<vmem>>
        %parallel_loop3A_1428 = tpu.vector_load_idx %parallel_loop3A_1427[%add3A_23, %parallel_loop3A_448] : memref<128x128xf32, #tpu.memory_space<vmem>>[vector<16xi32>, vector<16xi32>], vector<16xf32>,
        %parallel_loop3A_1429 = arith.constant 0 : i32
        %parallel_loop3A_1430 = arith.constant 0 : i32
        %parallel_loop3A_1431 = tpu.memref_slice %arg7[%rem3A_349, %parallel_loop3A_1429, %parallel_loop3A_1430] : memref<3x64x128xf32, #tpu.memory_space<vmem>> -> memref<1x64x128xf32, #tpu.memory_space<vmem>>
        %parallel_loop3A_1432 = tpu.memref_squeeze %parallel_loop3A_1431 : memref<1x64x128xf32, #tpu.memory_space<vmem>> -> memref<64x128xf32, #tpu.memory_space<vmem>>
        tpu.vector_store_idx %parallel_loop3A_1432[%parallel_loop3A_448, %add3A_23], %parallel_loop3A_1428 : memref<64x128xf32, #tpu.memory_space<vmem>>[vector<16xi32>, vector<16xi32>], vector<16xf32>,
        %parallel_loop3A_1433 = arith.constant 0 : i32
        %parallel_loop3A_1434 = arith.constant 0 : i32
        %parallel_loop3A_1435 = tpu.memref_slice %arg6[%rem3A_349, %parallel_loop3A_1433, %parallel_loop3A_1434] : memref<3x128x128xf32, #tpu.memory_space<vmem>> -> memref<1x128x128xf32, #tpu.memory_space<vmem>>
        %parallel_loop3A_1436 = tpu.memref_squeeze %parallel_loop3A_1435 : memref<1x128x128xf32, #tpu.memory_space<vmem>> -> memref<128x128xf32, #tpu.memory_space<vmem>>
        %parallel_loop3A_1437 = tpu.vector_load_idx %parallel_loop3A_1436[%add3A_23, %parallel_loop3A_449] : memref<128x128xf32, #tpu.memory_space<vmem>>[vector<16xi32>, vector<16xi32>], vector<16xf32>,
        %parallel_loop3A_1438 = arith.constant 0 : i32
        %parallel_loop3A_1439 = arith.constant 0 : i32
        %parallel_loop3A_1440 = tpu.memref_slice %arg7[%rem3A_349, %parallel_loop3A_1438, %parallel_loop3A_1439] : memref<3x64x128xf32, #tpu.memory_space<vmem>> -> memref<1x64x128xf32, #tpu.memory_space<vmem>>
        %parallel_loop3A_1441 = tpu.memref_squeeze %parallel_loop3A_1440 : memref<1x64x128xf32, #tpu.memory_space<vmem>> -> memref<64x128xf32, #tpu.memory_space<vmem>>
        tpu.vector_store_idx %parallel_loop3A_1441[%parallel_loop3A_449, %add3A_23], %parallel_loop3A_1437 : memref<64x128xf32, #tpu.memory_space<vmem>>[vector<16xi32>, vector<16xi32>], vector<16xf32>,
        %parallel_loop3A_1442 = arith.constant 0 : i32
        %parallel_loop3A_1443 = arith.constant 0 : i32
        %parallel_loop3A_1444 = tpu.memref_slice %arg6[%rem3A_349, %parallel_loop3A_1442, %parallel_loop3A_1443] : memref<3x128x128xf32, #tpu.memory_space<vmem>> -> memref<1x128x128xf32, #tpu.memory_space<vmem>>
        %parallel_loop3A_1445 = tpu.memref_squeeze %parallel_loop3A_1444 : memref<1x128x128xf32, #tpu.memory_space<vmem>> -> memref<128x128xf32, #tpu.memory_space<vmem>>
        %parallel_loop3A_1446 = tpu.vector_load_idx %parallel_loop3A_1445[%add3A_23, %parallel_loop3A_450] : memref<128x128xf32, #tpu.memory_space<vmem>>[vector<16xi32>, vector<16xi32>], vector<16xf32>,
        %parallel_loop3A_1447 = arith.constant 0 : i32
        %parallel_loop3A_1448 = arith.constant 0 : i32
        %parallel_loop3A_1449 = tpu.memref_slice %arg7[%rem3A_349, %parallel_loop3A_1447, %parallel_loop3A_1448] : memref<3x64x128xf32, #tpu.memory_space<vmem>> -> memref<1x64x128xf32, #tpu.memory_space<vmem>>
        %parallel_loop3A_1450 = tpu.memref_squeeze %parallel_loop3A_1449 : memref<1x64x128xf32, #tpu.memory_space<vmem>> -> memref<64x128xf32, #tpu.memory_space<vmem>>
        tpu.vector_store_idx %parallel_loop3A_1450[%parallel_loop3A_450, %add3A_23], %parallel_loop3A_1446 : memref<64x128xf32, #tpu.memory_space<vmem>>[vector<16xi32>, vector<16xi32>], vector<16xf32>,
        %parallel_loop3A_1451 = arith.constant 0 : i32
        %parallel_loop3A_1452 = arith.constant 0 : i32
        %parallel_loop3A_1453 = tpu.memref_slice %arg6[%rem3A_349, %parallel_loop3A_1451, %parallel_loop3A_1452] : memref<3x128x128xf32, #tpu.memory_space<vmem>> -> memref<1x128x128xf32, #tpu.memory_space<vmem>>
        %parallel_loop3A_1454 = tpu.memref_squeeze %parallel_loop3A_1453 : memref<1x128x128xf32, #tpu.memory_space<vmem>> -> memref<128x128xf32, #tpu.memory_space<vmem>>
        %parallel_loop3A_1455 = tpu.vector_load_idx %parallel_loop3A_1454[%add3A_23, %parallel_loop3A_451] : memref<128x128xf32, #tpu.memory_space<vmem>>[vector<16xi32>, vector<16xi32>], vector<16xf32>,
        %parallel_loop3A_1456 = arith.constant 0 : i32
        %parallel_loop3A_1457 = arith.constant 0 : i32
        %parallel_loop3A_1458 = tpu.memref_slice %arg7[%rem3A_349, %parallel_loop3A_1456, %parallel_loop3A_1457] : memref<3x64x128xf32, #tpu.memory_space<vmem>> -> memref<1x64x128xf32, #tpu.memory_space<vmem>>
        %parallel_loop3A_1459 = tpu.memref_squeeze %parallel_loop3A_1458 : memref<1x64x128xf32, #tpu.memory_space<vmem>> -> memref<64x128xf32, #tpu.memory_space<vmem>>
        tpu.vector_store_idx %parallel_loop3A_1459[%parallel_loop3A_451, %add3A_23], %parallel_loop3A_1455 : memref<64x128xf32, #tpu.memory_space<vmem>>[vector<16xi32>, vector<16xi32>], vector<16xf32>,
        %parallel_loop3A_1460 = arith.constant 0 : i32
        %parallel_loop3A_1461 = arith.constant 0 : i32
        %parallel_loop3A_1462 = tpu.memref_slice %arg6[%rem3A_349, %parallel_loop3A_1460, %parallel_loop3A_1461] : memref<3x128x128xf32, #tpu.memory_space<vmem>> -> memref<1x128x128xf32, #tpu.memory_space<vmem>>
        %parallel_loop3A_1463 = tpu.memref_squeeze %parallel_loop3A_1462 : memref<1x128x128xf32, #tpu.memory_space<vmem>> -> memref<128x128xf32, #tpu.memory_space<vmem>>
        %parallel_loop3A_1464 = tpu.vector_load_idx %parallel_loop3A_1463[%add3A_26, %parallel_loop3A_436] : memref<128x128xf32, #tpu.memory_space<vmem>>[vector<16xi32>, vector<16xi32>], vector<16xf32>,
        %parallel_loop3A_1465 = arith.constant 0 : i32
        %parallel_loop3A_1466 = arith.constant 0 : i32
        %parallel_loop3A_1467 = tpu.memref_slice %arg7[%rem3A_349, %parallel_loop3A_1465, %parallel_loop3A_1466] : memref<3x64x128xf32, #tpu.memory_space<vmem>> -> memref<1x64x128xf32, #tpu.memory_space<vmem>>
        %parallel_loop3A_1468 = tpu.memref_squeeze %parallel_loop3A_1467 : memref<1x64x128xf32, #tpu.memory_space<vmem>> -> memref<64x128xf32, #tpu.memory_space<vmem>>
        tpu.vector_store_idx %parallel_loop3A_1468[%parallel_loop3A_436, %add3A_26], %parallel_loop3A_1464 : memref<64x128xf32, #tpu.memory_space<vmem>>[vector<16xi32>, vector<16xi32>], vector<16xf32>,
        %parallel_loop3A_1469 = arith.constant 0 : i32
        %parallel_loop3A_1470 = arith.constant 0 : i32
        %parallel_loop3A_1471 = tpu.memref_slice %arg6[%rem3A_349, %parallel_loop3A_1469, %parallel_loop3A_1470] : memref<3x128x128xf32, #tpu.memory_space<vmem>> -> memref<1x128x128xf32, #tpu.memory_space<vmem>>
        %parallel_loop3A_1472 = tpu.memref_squeeze %parallel_loop3A_1471 : memref<1x128x128xf32, #tpu.memory_space<vmem>> -> memref<128x128xf32, #tpu.memory_space<vmem>>
        %parallel_loop3A_1473 = tpu.vector_load_idx %parallel_loop3A_1472[%add3A_26, %parallel_loop3A_437] : memref<128x128xf32, #tpu.memory_space<vmem>>[vector<16xi32>, vector<16xi32>], vector<16xf32>,
        %parallel_loop3A_1474 = arith.constant 0 : i32
        %parallel_loop3A_1475 = arith.constant 0 : i32
        %parallel_loop3A_1476 = tpu.memref_slice %arg7[%rem3A_349, %parallel_loop3A_1474, %parallel_loop3A_1475] : memref<3x64x128xf32, #tpu.memory_space<vmem>> -> memref<1x64x128xf32, #tpu.memory_space<vmem>>
        %parallel_loop3A_1477 = tpu.memref_squeeze %parallel_loop3A_1476 : memref<1x64x128xf32, #tpu.memory_space<vmem>> -> memref<64x128xf32, #tpu.memory_space<vmem>>
        tpu.vector_store_idx %parallel_loop3A_1477[%parallel_loop3A_437, %add3A_26], %parallel_loop3A_1473 : memref<64x128xf32, #tpu.memory_space<vmem>>[vector<16xi32>, vector<16xi32>], vector<16xf32>,
        %parallel_loop3A_1478 = arith.constant 0 : i32
        %parallel_loop3A_1479 = arith.constant 0 : i32
        %parallel_loop3A_1480 = tpu.memref_slice %arg6[%rem3A_349, %parallel_loop3A_1478, %parallel_loop3A_1479] : memref<3x128x128xf32, #tpu.memory_space<vmem>> -> memref<1x128x128xf32, #tpu.memory_space<vmem>>
        %parallel_loop3A_1481 = tpu.memref_squeeze %parallel_loop3A_1480 : memref<1x128x128xf32, #tpu.memory_space<vmem>> -> memref<128x128xf32, #tpu.memory_space<vmem>>
        %parallel_loop3A_1482 = tpu.vector_load_idx %parallel_loop3A_1481[%add3A_26, %parallel_loop3A_438] : memref<128x128xf32, #tpu.memory_space<vmem>>[vector<16xi32>, vector<16xi32>], vector<16xf32>,
        %parallel_loop3A_1483 = arith.constant 0 : i32
        %parallel_loop3A_1484 = arith.constant 0 : i32
        %parallel_loop3A_1485 = tpu.memref_slice %arg7[%rem3A_349, %parallel_loop3A_1483, %parallel_loop3A_1484] : memref<3x64x128xf32, #tpu.memory_space<vmem>> -> memref<1x64x128xf32, #tpu.memory_space<vmem>>
        %parallel_loop3A_1486 = tpu.memref_squeeze %parallel_loop3A_1485 : memref<1x64x128xf32, #tpu.memory_space<vmem>> -> memref<64x128xf32, #tpu.memory_space<vmem>>
        tpu.vector_store_idx %parallel_loop3A_1486[%parallel_loop3A_438, %add3A_26], %parallel_loop3A_1482 : memref<64x128xf32, #tpu.memory_space<vmem>>[vector<16xi32>, vector<16xi32>], vector<16xf32>,
        %parallel_loop3A_1487 = arith.constant 0 : i32
        %parallel_loop3A_1488 = arith.constant 0 : i32
        %parallel_loop3A_1489 = tpu.memref_slice %arg6[%rem3A_349, %parallel_loop3A_1487, %parallel_loop3A_1488] : memref<3x128x128xf32, #tpu.memory_space<vmem>> -> memref<1x128x128xf32, #tpu.memory_space<vmem>>
        %parallel_loop3A_1490 = tpu.memref_squeeze %parallel_loop3A_1489 : memref<1x128x128xf32, #tpu.memory_space<vmem>> -> memref<128x128xf32, #tpu.memory_space<vmem>>
        %parallel_loop3A_1491 = tpu.vector_load_idx %parallel_loop3A_1490[%add3A_26, %parallel_loop3A_439] : memref<128x128xf32, #tpu.memory_space<vmem>>[vector<16xi32>, vector<16xi32>], vector<16xf32>,
        %parallel_loop3A_1492 = arith.constant 0 : i32
        %parallel_loop3A_1493 = arith.constant 0 : i32
        %parallel_loop3A_1494 = tpu.memref_slice %arg7[%rem3A_349, %parallel_loop3A_1492, %parallel_loop3A_1493] : memref<3x64x128xf32, #tpu.memory_space<vmem>> -> memref<1x64x128xf32, #tpu.memory_space<vmem>>
        %parallel_loop3A_1495 = tpu.memref_squeeze %parallel_loop3A_1494 : memref<1x64x128xf32, #tpu.memory_space<vmem>> -> memref<64x128xf32, #tpu.memory_space<vmem>>
        tpu.vector_store_idx %parallel_loop3A_1495[%parallel_loop3A_439, %add3A_26], %parallel_loop3A_1491 : memref<64x128xf32, #tpu.memory_space<vmem>>[vector<16xi32>, vector<16xi32>], vector<16xf32>,
        %parallel_loop3A_1496 = arith.constant 0 : i32
        %parallel_loop3A_1497 = arith.constant 0 : i32
        %parallel_loop3A_1498 = tpu.memref_slice %arg6[%rem3A_349, %parallel_loop3A_1496, %parallel_loop3A_1497] : memref<3x128x128xf32, #tpu.memory_space<vmem>> -> memref<1x128x128xf32, #tpu.memory_space<vmem>>
        %parallel_loop3A_1499 = tpu.memref_squeeze %parallel_loop3A_1498 : memref<1x128x128xf32, #tpu.memory_space<vmem>> -> memref<128x128xf32, #tpu.memory_space<vmem>>
        %parallel_loop3A_1500 = tpu.vector_load_idx %parallel_loop3A_1499[%add3A_26, %parallel_loop3A_440] : memref<128x128xf32, #tpu.memory_space<vmem>>[vector<16xi32>, vector<16xi32>], vector<16xf32>,
        %parallel_loop3A_1501 = arith.constant 0 : i32
        %parallel_loop3A_1502 = arith.constant 0 : i32
        %parallel_loop3A_1503 = tpu.memref_slice %arg7[%rem3A_349, %parallel_loop3A_1501, %parallel_loop3A_1502] : memref<3x64x128xf32, #tpu.memory_space<vmem>> -> memref<1x64x128xf32, #tpu.memory_space<vmem>>
        %parallel_loop3A_1504 = tpu.memref_squeeze %parallel_loop3A_1503 : memref<1x64x128xf32, #tpu.memory_space<vmem>> -> memref<64x128xf32, #tpu.memory_space<vmem>>
        tpu.vector_store_idx %parallel_loop3A_1504[%parallel_loop3A_440, %add3A_26], %parallel_loop3A_1500 : memref<64x128xf32, #tpu.memory_space<vmem>>[vector<16xi32>, vector<16xi32>], vector<16xf32>,
        %parallel_loop3A_1505 = arith.constant 0 : i32
        %parallel_loop3A_1506 = arith.constant 0 : i32
        %parallel_loop3A_1507 = tpu.memref_slice %arg6[%rem3A_349, %parallel_loop3A_1505, %parallel_loop3A_1506] : memref<3x128x128xf32, #tpu.memory_space<vmem>> -> memref<1x128x128xf32, #tpu.memory_space<vmem>>
        %parallel_loop3A_1508 = tpu.memref_squeeze %parallel_loop3A_1507 : memref<1x128x128xf32, #tpu.memory_space<vmem>> -> memref<128x128xf32, #tpu.memory_space<vmem>>
        %parallel_loop3A_1509 = tpu.vector_load_idx %parallel_loop3A_1508[%add3A_26, %parallel_loop3A_441] : memref<128x128xf32, #tpu.memory_space<vmem>>[vector<16xi32>, vector<16xi32>], vector<16xf32>,
        %parallel_loop3A_1510 = arith.constant 0 : i32
        %parallel_loop3A_1511 = arith.constant 0 : i32
        %parallel_loop3A_1512 = tpu.memref_slice %arg7[%rem3A_349, %parallel_loop3A_1510, %parallel_loop3A_1511] : memref<3x64x128xf32, #tpu.memory_space<vmem>> -> memref<1x64x128xf32, #tpu.memory_space<vmem>>
        %parallel_loop3A_1513 = tpu.memref_squeeze %parallel_loop3A_1512 : memref<1x64x128xf32, #tpu.memory_space<vmem>> -> memref<64x128xf32, #tpu.memory_space<vmem>>
        tpu.vector_store_idx %parallel_loop3A_1513[%parallel_loop3A_441, %add3A_26], %parallel_loop3A_1509 : memref<64x128xf32, #tpu.memory_space<vmem>>[vector<16xi32>, vector<16xi32>], vector<16xf32>,
        %parallel_loop3A_1514 = arith.constant 0 : i32
        %parallel_loop3A_1515 = arith.constant 0 : i32
        %parallel_loop3A_1516 = tpu.memref_slice %arg6[%rem3A_349, %parallel_loop3A_1514, %parallel_loop3A_1515] : memref<3x128x128xf32, #tpu.memory_space<vmem>> -> memref<1x128x128xf32, #tpu.memory_space<vmem>>
        %parallel_loop3A_1517 = tpu.memref_squeeze %parallel_loop3A_1516 : memref<1x128x128xf32, #tpu.memory_space<vmem>> -> memref<128x128xf32, #tpu.memory_space<vmem>>
        %parallel_loop3A_1518 = tpu.vector_load_idx %parallel_loop3A_1517[%add3A_26, %parallel_loop3A_442] : memref<128x128xf32, #tpu.memory_space<vmem>>[vector<16xi32>, vector<16xi32>], vector<16xf32>,
        %parallel_loop3A_1519 = arith.constant 0 : i32
        %parallel_loop3A_1520 = arith.constant 0 : i32
        %parallel_loop3A_1521 = tpu.memref_slice %arg7[%rem3A_349, %parallel_loop3A_1519, %parallel_loop3A_1520] : memref<3x64x128xf32, #tpu.memory_space<vmem>> -> memref<1x64x128xf32, #tpu.memory_space<vmem>>
        %parallel_loop3A_1522 = tpu.memref_squeeze %parallel_loop3A_1521 : memref<1x64x128xf32, #tpu.memory_space<vmem>> -> memref<64x128xf32, #tpu.memory_space<vmem>>
        tpu.vector_store_idx %parallel_loop3A_1522[%parallel_loop3A_442, %add3A_26], %parallel_loop3A_1518 : memref<64x128xf32, #tpu.memory_space<vmem>>[vector<16xi32>, vector<16xi32>], vector<16xf32>,
        %parallel_loop3A_1523 = arith.constant 0 : i32
        %parallel_loop3A_1524 = arith.constant 0 : i32
        %parallel_loop3A_1525 = tpu.memref_slice %arg6[%rem3A_349, %parallel_loop3A_1523, %parallel_loop3A_1524] : memref<3x128x128xf32, #tpu.memory_space<vmem>> -> memref<1x128x128xf32, #tpu.memory_space<vmem>>
        %parallel_loop3A_1526 = tpu.memref_squeeze %parallel_loop3A_1525 : memref<1x128x128xf32, #tpu.memory_space<vmem>> -> memref<128x128xf32, #tpu.memory_space<vmem>>
        %parallel_loop3A_1527 = tpu.vector_load_idx %parallel_loop3A_1526[%add3A_26, %parallel_loop3A_443] : memref<128x128xf32, #tpu.memory_space<vmem>>[vector<16xi32>, vector<16xi32>], vector<16xf32>,
        %parallel_loop3A_1528 = arith.constant 0 : i32
        %parallel_loop3A_1529 = arith.constant 0 : i32
        %parallel_loop3A_1530 = tpu.memref_slice %arg7[%rem3A_349, %parallel_loop3A_1528, %parallel_loop3A_1529] : memref<3x64x128xf32, #tpu.memory_space<vmem>> -> memref<1x64x128xf32, #tpu.memory_space<vmem>>
        %parallel_loop3A_1531 = tpu.memref_squeeze %parallel_loop3A_1530 : memref<1x64x128xf32, #tpu.memory_space<vmem>> -> memref<64x128xf32, #tpu.memory_space<vmem>>
        tpu.vector_store_idx %parallel_loop3A_1531[%parallel_loop3A_443, %add3A_26], %parallel_loop3A_1527 : memref<64x128xf32, #tpu.memory_space<vmem>>[vector<16xi32>, vector<16xi32>], vector<16xf32>,
        %parallel_loop3A_1532 = arith.constant 0 : i32
        %parallel_loop3A_1533 = arith.constant 0 : i32
        %parallel_loop3A_1534 = tpu.memref_slice %arg6[%rem3A_349, %parallel_loop3A_1532, %parallel_loop3A_1533] : memref<3x128x128xf32, #tpu.memory_space<vmem>> -> memref<1x128x128xf32, #tpu.memory_space<vmem>>
        %parallel_loop3A_1535 = tpu.memref_squeeze %parallel_loop3A_1534 : memref<1x128x128xf32, #tpu.memory_space<vmem>> -> memref<128x128xf32, #tpu.memory_space<vmem>>
        %parallel_loop3A_1536 = tpu.vector_load_idx %parallel_loop3A_1535[%add3A_26, %parallel_loop3A_444] : memref<128x128xf32, #tpu.memory_space<vmem>>[vector<16xi32>, vector<16xi32>], vector<16xf32>,
        %parallel_loop3A_1537 = arith.constant 0 : i32
        %parallel_loop3A_1538 = arith.constant 0 : i32
        %parallel_loop3A_1539 = tpu.memref_slice %arg7[%rem3A_349, %parallel_loop3A_1537, %parallel_loop3A_1538] : memref<3x64x128xf32, #tpu.memory_space<vmem>> -> memref<1x64x128xf32, #tpu.memory_space<vmem>>
        %parallel_loop3A_1540 = tpu.memref_squeeze %parallel_loop3A_1539 : memref<1x64x128xf32, #tpu.memory_space<vmem>> -> memref<64x128xf32, #tpu.memory_space<vmem>>
        tpu.vector_store_idx %parallel_loop3A_1540[%parallel_loop3A_444, %add3A_26], %parallel_loop3A_1536 : memref<64x128xf32, #tpu.memory_space<vmem>>[vector<16xi32>, vector<16xi32>], vector<16xf32>,
        %parallel_loop3A_1541 = arith.constant 0 : i32
        %parallel_loop3A_1542 = arith.constant 0 : i32
        %parallel_loop3A_1543 = tpu.memref_slice %arg6[%rem3A_349, %parallel_loop3A_1541, %parallel_loop3A_1542] : memref<3x128x128xf32, #tpu.memory_space<vmem>> -> memref<1x128x128xf32, #tpu.memory_space<vmem>>
        %parallel_loop3A_1544 = tpu.memref_squeeze %parallel_loop3A_1543 : memref<1x128x128xf32, #tpu.memory_space<vmem>> -> memref<128x128xf32, #tpu.memory_space<vmem>>
        %parallel_loop3A_1545 = tpu.vector_load_idx %parallel_loop3A_1544[%add3A_26, %parallel_loop3A_445] : memref<128x128xf32, #tpu.memory_space<vmem>>[vector<16xi32>, vector<16xi32>], vector<16xf32>,
        %parallel_loop3A_1546 = arith.constant 0 : i32
        %parallel_loop3A_1547 = arith.constant 0 : i32
        %parallel_loop3A_1548 = tpu.memref_slice %arg7[%rem3A_349, %parallel_loop3A_1546, %parallel_loop3A_1547] : memref<3x64x128xf32, #tpu.memory_space<vmem>> -> memref<1x64x128xf32, #tpu.memory_space<vmem>>
        %parallel_loop3A_1549 = tpu.memref_squeeze %parallel_loop3A_1548 : memref<1x64x128xf32, #tpu.memory_space<vmem>> -> memref<64x128xf32, #tpu.memory_space<vmem>>
        tpu.vector_store_idx %parallel_loop3A_1549[%parallel_loop3A_445, %add3A_26], %parallel_loop3A_1545 : memref<64x128xf32, #tpu.memory_space<vmem>>[vector<16xi32>, vector<16xi32>], vector<16xf32>,
        %parallel_loop3A_1550 = arith.constant 0 : i32
        %parallel_loop3A_1551 = arith.constant 0 : i32
        %parallel_loop3A_1552 = tpu.memref_slice %arg6[%rem3A_349, %parallel_loop3A_1550, %parallel_loop3A_1551] : memref<3x128x128xf32, #tpu.memory_space<vmem>> -> memref<1x128x128xf32, #tpu.memory_space<vmem>>
        %parallel_loop3A_1553 = tpu.memref_squeeze %parallel_loop3A_1552 : memref<1x128x128xf32, #tpu.memory_space<vmem>> -> memref<128x128xf32, #tpu.memory_space<vmem>>
        %parallel_loop3A_1554 = tpu.vector_load_idx %parallel_loop3A_1553[%add3A_26, %parallel_loop3A_446] : memref<128x128xf32, #tpu.memory_space<vmem>>[vector<16xi32>, vector<16xi32>], vector<16xf32>,
        %parallel_loop3A_1555 = arith.constant 0 : i32
        %parallel_loop3A_1556 = arith.constant 0 : i32
        %parallel_loop3A_1557 = tpu.memref_slice %arg7[%rem3A_349, %parallel_loop3A_1555, %parallel_loop3A_1556] : memref<3x64x128xf32, #tpu.memory_space<vmem>> -> memref<1x64x128xf32, #tpu.memory_space<vmem>>
        %parallel_loop3A_1558 = tpu.memref_squeeze %parallel_loop3A_1557 : memref<1x64x128xf32, #tpu.memory_space<vmem>> -> memref<64x128xf32, #tpu.memory_space<vmem>>
        tpu.vector_store_idx %parallel_loop3A_1558[%parallel_loop3A_446, %add3A_26], %parallel_loop3A_1554 : memref<64x128xf32, #tpu.memory_space<vmem>>[vector<16xi32>, vector<16xi32>], vector<16xf32>,
        %parallel_loop3A_1559 = arith.constant 0 : i32
        %parallel_loop3A_1560 = arith.constant 0 : i32
        %parallel_loop3A_1561 = tpu.memref_slice %arg6[%rem3A_349, %parallel_loop3A_1559, %parallel_loop3A_1560] : memref<3x128x128xf32, #tpu.memory_space<vmem>> -> memref<1x128x128xf32, #tpu.memory_space<vmem>>
        %parallel_loop3A_1562 = tpu.memref_squeeze %parallel_loop3A_1561 : memref<1x128x128xf32, #tpu.memory_space<vmem>> -> memref<128x128xf32, #tpu.memory_space<vmem>>
        %parallel_loop3A_1563 = tpu.vector_load_idx %parallel_loop3A_1562[%add3A_26, %parallel_loop3A_447] : memref<128x128xf32, #tpu.memory_space<vmem>>[vector<16xi32>, vector<16xi32>], vector<16xf32>,
        %parallel_loop3A_1564 = arith.constant 0 : i32
        %parallel_loop3A_1565 = arith.constant 0 : i32
        %parallel_loop3A_1566 = tpu.memref_slice %arg7[%rem3A_349, %parallel_loop3A_1564, %parallel_loop3A_1565] : memref<3x64x128xf32, #tpu.memory_space<vmem>> -> memref<1x64x128xf32, #tpu.memory_space<vmem>>
        %parallel_loop3A_1567 = tpu.memref_squeeze %parallel_loop3A_1566 : memref<1x64x128xf32, #tpu.memory_space<vmem>> -> memref<64x128xf32, #tpu.memory_space<vmem>>
        tpu.vector_store_idx %parallel_loop3A_1567[%parallel_loop3A_447, %add3A_26], %parallel_loop3A_1563 : memref<64x128xf32, #tpu.memory_space<vmem>>[vector<16xi32>, vector<16xi32>], vector<16xf32>,
        %parallel_loop3A_1568 = arith.constant 0 : i32
        %parallel_loop3A_1569 = arith.constant 0 : i32
        %parallel_loop3A_1570 = tpu.memref_slice %arg6[%rem3A_349, %parallel_loop3A_1568, %parallel_loop3A_1569] : memref<3x128x128xf32, #tpu.memory_space<vmem>> -> memref<1x128x128xf32, #tpu.memory_space<vmem>>
        %parallel_loop3A_1571 = tpu.memref_squeeze %parallel_loop3A_1570 : memref<1x128x128xf32, #tpu.memory_space<vmem>> -> memref<128x128xf32, #tpu.memory_space<vmem>>
        %parallel_loop3A_1572 = tpu.vector_load_idx %parallel_loop3A_1571[%add3A_26, %parallel_loop3A_448] : memref<128x128xf32, #tpu.memory_space<vmem>>[vector<16xi32>, vector<16xi32>], vector<16xf32>,
        %parallel_loop3A_1573 = arith.constant 0 : i32
        %parallel_loop3A_1574 = arith.constant 0 : i32
        %parallel_loop3A_1575 = tpu.memref_slice %arg7[%rem3A_349, %parallel_loop3A_1573, %parallel_loop3A_1574] : memref<3x64x128xf32, #tpu.memory_space<vmem>> -> memref<1x64x128xf32, #tpu.memory_space<vmem>>
        %parallel_loop3A_1576 = tpu.memref_squeeze %parallel_loop3A_1575 : memref<1x64x128xf32, #tpu.memory_space<vmem>> -> memref<64x128xf32, #tpu.memory_space<vmem>>
        tpu.vector_store_idx %parallel_loop3A_1576[%parallel_loop3A_448, %add3A_26], %parallel_loop3A_1572 : memref<64x128xf32, #tpu.memory_space<vmem>>[vector<16xi32>, vector<16xi32>], vector<16xf32>,
        %parallel_loop3A_1577 = arith.constant 0 : i32
        %parallel_loop3A_1578 = arith.constant 0 : i32
        %parallel_loop3A_1579 = tpu.memref_slice %arg6[%rem3A_349, %parallel_loop3A_1577, %parallel_loop3A_1578] : memref<3x128x128xf32, #tpu.memory_space<vmem>> -> memref<1x128x128xf32, #tpu.memory_space<vmem>>
        %parallel_loop3A_1580 = tpu.memref_squeeze %parallel_loop3A_1579 : memref<1x128x128xf32, #tpu.memory_space<vmem>> -> memref<128x128xf32, #tpu.memory_space<vmem>>
        %parallel_loop3A_1581 = tpu.vector_load_idx %parallel_loop3A_1580[%add3A_26, %parallel_loop3A_449] : memref<128x128xf32, #tpu.memory_space<vmem>>[vector<16xi32>, vector<16xi32>], vector<16xf32>,
        %parallel_loop3A_1582 = arith.constant 0 : i32
        %parallel_loop3A_1583 = arith.constant 0 : i32
        %parallel_loop3A_1584 = tpu.memref_slice %arg7[%rem3A_349, %parallel_loop3A_1582, %parallel_loop3A_1583] : memref<3x64x128xf32, #tpu.memory_space<vmem>> -> memref<1x64x128xf32, #tpu.memory_space<vmem>>
        %parallel_loop3A_1585 = tpu.memref_squeeze %parallel_loop3A_1584 : memref<1x64x128xf32, #tpu.memory_space<vmem>> -> memref<64x128xf32, #tpu.memory_space<vmem>>
        tpu.vector_store_idx %parallel_loop3A_1585[%parallel_loop3A_449, %add3A_26], %parallel_loop3A_1581 : memref<64x128xf32, #tpu.memory_space<vmem>>[vector<16xi32>, vector<16xi32>], vector<16xf32>,
        %parallel_loop3A_1586 = arith.constant 0 : i32
        %parallel_loop3A_1587 = arith.constant 0 : i32
        %parallel_loop3A_1588 = tpu.memref_slice %arg6[%rem3A_349, %parallel_loop3A_1586, %parallel_loop3A_1587] : memref<3x128x128xf32, #tpu.memory_space<vmem>> -> memref<1x128x128xf32, #tpu.memory_space<vmem>>
        %parallel_loop3A_1589 = tpu.memref_squeeze %parallel_loop3A_1588 : memref<1x128x128xf32, #tpu.memory_space<vmem>> -> memref<128x128xf32, #tpu.memory_space<vmem>>
        %parallel_loop3A_1590 = tpu.vector_load_idx %parallel_loop3A_1589[%add3A_26, %parallel_loop3A_450] : memref<128x128xf32, #tpu.memory_space<vmem>>[vector<16xi32>, vector<16xi32>], vector<16xf32>,
        %parallel_loop3A_1591 = arith.constant 0 : i32
        %parallel_loop3A_1592 = arith.constant 0 : i32
        %parallel_loop3A_1593 = tpu.memref_slice %arg7[%rem3A_349, %parallel_loop3A_1591, %parallel_loop3A_1592] : memref<3x64x128xf32, #tpu.memory_space<vmem>> -> memref<1x64x128xf32, #tpu.memory_space<vmem>>
        %parallel_loop3A_1594 = tpu.memref_squeeze %parallel_loop3A_1593 : memref<1x64x128xf32, #tpu.memory_space<vmem>> -> memref<64x128xf32, #tpu.memory_space<vmem>>
        tpu.vector_store_idx %parallel_loop3A_1594[%parallel_loop3A_450, %add3A_26], %parallel_loop3A_1590 : memref<64x128xf32, #tpu.memory_space<vmem>>[vector<16xi32>, vector<16xi32>], vector<16xf32>,
        %parallel_loop3A_1595 = arith.constant 0 : i32
        %parallel_loop3A_1596 = arith.constant 0 : i32
        %parallel_loop3A_1597 = tpu.memref_slice %arg6[%rem3A_349, %parallel_loop3A_1595, %parallel_loop3A_1596] : memref<3x128x128xf32, #tpu.memory_space<vmem>> -> memref<1x128x128xf32, #tpu.memory_space<vmem>>
        %parallel_loop3A_1598 = tpu.memref_squeeze %parallel_loop3A_1597 : memref<1x128x128xf32, #tpu.memory_space<vmem>> -> memref<128x128xf32, #tpu.memory_space<vmem>>
        %parallel_loop3A_1599 = tpu.vector_load_idx %parallel_loop3A_1598[%add3A_26, %parallel_loop3A_451] : memref<128x128xf32, #tpu.memory_space<vmem>>[vector<16xi32>, vector<16xi32>], vector<16xf32>,
        %parallel_loop3A_1600 = arith.constant 0 : i32
        %parallel_loop3A_1601 = arith.constant 0 : i32
        %parallel_loop3A_1602 = tpu.memref_slice %arg7[%rem3A_349, %parallel_loop3A_1600, %parallel_loop3A_1601] : memref<3x64x128xf32, #tpu.memory_space<vmem>> -> memref<1x64x128xf32, #tpu.memory_space<vmem>>
        %parallel_loop3A_1603 = tpu.memref_squeeze %parallel_loop3A_1602 : memref<1x64x128xf32, #tpu.memory_space<vmem>> -> memref<64x128xf32, #tpu.memory_space<vmem>>
        tpu.vector_store_idx %parallel_loop3A_1603[%parallel_loop3A_451, %add3A_26], %parallel_loop3A_1599 : memref<64x128xf32, #tpu.memory_space<vmem>>[vector<16xi32>, vector<16xi32>], vector<16xf32>,
      } {sc.loop_unroll_factor = 2 : i64, sc.parallel_access}
      %add3A_366 = arith.constant 3 : i32
      %add3A_367 = arith.addi %scan3A_347, %add3A_366 : i32
      %lt3A_368 = arith.constant 200 : i32
      %lt3A_369 = arith.cmpi slt, %add3A_367, %lt3A_368 : i32
      %convert_element_type3A_370 = arith.extui %lt3A_369 : i1 to i32
      %cond3A_371 = arith.constant 0 : i32
      %cond3A_372 = arith.cmpi ne, %convert_element_type3A_370, %cond3A_371 : i32
      scf.if %cond3A_372 {
        %add3A_432 = arith.constant 3 : i32
        %add3A_433 = arith.addi %scan3A_347, %add3A_432 : i32
        %dma_start3A_434 = arith.constant 0 : i32
        %dma_start3A_435 = arith.constant 0 : i32
        %dma_start3A_436 = tpu.memref_slice %arg6[%rem3A_349, %dma_start3A_434, %dma_start3A_435] : memref<3x128x128xf32, #tpu.memory_space<vmem>> -> memref<1x128x128xf32, #tpu.memory_space<vmem>>
        %dma_start3A_437 = tpu.memref_squeeze %dma_start3A_436 : memref<1x128x128xf32, #tpu.memory_space<vmem>> -> memref<128x128xf32, #tpu.memory_space<vmem>>
        %dma_start3A_438 = arith.constant 0 : i32
        %dma_start3A_439 = tpu.memref_slice %arg5[%add3A_433, %dma_start3A_438] : memref<200x128xi32, #tpu.memory_space<vmem>> -> memref<1x128xi32, #tpu.memory_space<vmem>>
        %dma_start3A_440 = tpu.memref_squeeze %dma_start3A_439 : memref<1x128xi32, #tpu.memory_space<vmem>> -> memref<128xi32, #tpu.memory_space<vmem>>
        %dma_start3A_441 = arith.constant 0 : i32
        %dma_start3A_442 = arith.constant 0 : i32
        %dma_start3A_443 = tpu.memref_slice %arg3[%dma_start3A_441, %dma_start3A_442] : memref<1000000x128xf32, #tpu.memory_space<hbm>> -> memref<1000000x128xf32, #tpu.memory_space<hbm>>
        %dma_start3A_444 = tpu.memref_slice %arg8[%rem3A_349] : memref<3x!tpu.dma_semaphore, #tpu.memory_space<semaphore_mem>> -> memref<1x!tpu.dma_semaphore, #tpu.memory_space<semaphore_mem>>
        %dma_start3A_445 = tpu.memref_squeeze %dma_start3A_444 : memref<1x!tpu.dma_semaphore, #tpu.memory_space<semaphore_mem>> -> memref<!tpu.dma_semaphore, #tpu.memory_space<semaphore_mem>>
        tpu.enqueue_indirect_dma source(%dma_start3A_443 : memref<1000000x128xf32, #tpu.memory_space<hbm>>) target(%dma_start3A_437 : memref<128x128xf32, #tpu.memory_space<vmem>>) offsets(%dma_start3A_440 : memref<128xi32, #tpu.memory_space<vmem>>) semaphore(%dma_start3A_445 : memref<!tpu.dma_semaphore, #tpu.memory_space<semaphore_mem>>)
      } else {
      }
      %add3A_373 = arith.addi %mul3A_2, %scan3A_347 : i32
      %jit3A_374 = arith.constant 128 : i32
      %div3A_375 = arith.divsi %add3A_373, %jit3A_374 : i32
      %sign3A_376 = arith.constant 0 : i32
      %sign3A_377 = arith.cmpi sgt, %add3A_373, %sign3A_376 : i32
      %sign3A_378 = arith.extui %sign3A_377 : i1 to i32
      %sign3A_379 = arith.constant 0 : i32
      %sign3A_380 = arith.cmpi slt, %add3A_373, %sign3A_379 : i32
      %sign3A_381 = arith.extui %sign3A_380 : i1 to i32
      %sign3A_382 = arith.subi %sign3A_378, %sign3A_381 : i32
      %sign3A_383 = arith.constant 0 : i32
      %sign3A_384 = arith.cmpi sgt, %jit3A_374, %sign3A_383 : i32
      %sign3A_385 = arith.extui %sign3A_384 : i1 to i32
      %sign3A_386 = arith.constant 0 : i32
      %sign3A_387 = arith.cmpi slt, %jit3A_374, %sign3A_386 : i32
      %sign3A_388 = arith.extui %sign3A_387 : i1 to i32
      %sign3A_389 = arith.subi %sign3A_385, %sign3A_388 : i32
      %ne3A_390 = arith.cmpi ne, %sign3A_382, %sign3A_389 : i32
      %rem3A_391 = arith.remsi %add3A_373, %jit3A_374 : i32
      %ne3A_392 = arith.constant 0 : i32
      %ne3A_393 = arith.cmpi ne, %rem3A_391, %ne3A_392 : i32
      %and3A_394 = arith.andi %ne3A_390, %ne3A_393 : i1
      %sub3A_395 = arith.constant 1 : i32
      %sub3A_396 = arith.subi %div3A_375, %sub3A_395 : i32
      %select_n3A_397 = arith.select %and3A_394, %sub3A_396, %div3A_375 : i32
      %jit3A_398 = arith.constant 128 : i32
      %eq3A_399 = arith.constant 0 : i32
      %eq3A_400 = arith.cmpi eq, %jit3A_398, %eq3A_399 : i32
      %jit3A_401 = arith.constant 1 : i32
      %select_n3A_402 = arith.select %eq3A_400, %jit3A_401, %jit3A_398 : i32
      %rem3A_403 = arith.remsi %add3A_373, %select_n3A_402 : i32
      %ne3A_404 = arith.constant 0 : i32
      %ne3A_405 = arith.cmpi ne, %rem3A_403, %ne3A_404 : i32
      %lt3A_406 = arith.constant 0 : i32
      %lt3A_407 = arith.cmpi slt, %rem3A_403, %lt3A_406 : i32
      %lt3A_408 = arith.constant 0 : i32
      %lt3A_409 = arith.cmpi slt, %select_n3A_402, %lt3A_408 : i32
      %ne3A_410 = arith.xori %lt3A_407, %lt3A_409 : i1
      %and3A_411 = arith.andi %ne3A_410, %ne3A_405 : i1
      %add3A_412 = arith.addi %rem3A_403, %select_n3A_402 : i32
      %select_n3A_413 = arith.select %and3A_411, %add3A_412, %rem3A_403 : i32
      %mul3A_414 = arith.constant 128 : i32
      %mul3A_415 = arith.muli %select_n3A_413, %mul3A_414 : i32
      %dma_start3A_416 = arith.constant 0 : i32
      %dma_start3A_417 = arith.constant 0 : i32
      %dma_start3A_418 = tpu.memref_slice %arg7[%rem3A_349, %dma_start3A_416, %dma_start3A_417] : memref<3x64x128xf32, #tpu.memory_space<vmem>> -> memref<1x64x128xf32, #tpu.memory_space<vmem>>
      %dma_start3A_419 = tpu.memref_squeeze %dma_start3A_418 : memref<1x64x128xf32, #tpu.memory_space<vmem>> -> memref<64x128xf32, #tpu.memory_space<vmem>>
      %dma_start3A_420 = arith.constant 0 : i32
      %dma_start3A_421 = tpu.memref_slice %arg4[%select_n3A_397, %dma_start3A_420, %mul3A_415] : memref<50x64x16384xf32, #tpu.memory_space<hbm>> -> memref<1x64x128xf32, #tpu.memory_space<hbm>>
      %dma_start3A_422 = tpu.memref_squeeze %dma_start3A_421 : memref<1x64x128xf32, #tpu.memory_space<hbm>> -> memref<64x128xf32, #tpu.memory_space<hbm>>
      %dma_start3A_423 = tpu.memref_slice %arg9[%rem3A_349] : memref<3x!tpu.dma_semaphore, #tpu.memory_space<semaphore_mem>> -> memref<1x!tpu.dma_semaphore, #tpu.memory_space<semaphore_mem>>
      %dma_start3A_424 = tpu.memref_squeeze %dma_start3A_423 : memref<1x!tpu.dma_semaphore, #tpu.memory_space<semaphore_mem>> -> memref<!tpu.dma_semaphore, #tpu.memory_space<semaphore_mem>>
      %dma_start3A_425 = arith.constant 0 : i32
      %dma_start3A_426 = tpu.memref_slice %arg4[%select_n3A_397, %dma_start3A_425, %mul3A_415] : memref<50x64x16384xf32, #tpu.memory_space<hbm>> -> memref<1x64x128xf32, #tpu.memory_space<hbm>>
      %dma_start3A_427 = tpu.memref_squeeze %dma_start3A_426 : memref<1x64x128xf32, #tpu.memory_space<hbm>> -> memref<64x128xf32, #tpu.memory_space<hbm>>
      %dma_start3A_428 = arith.constant 0 : i32
      %dma_start3A_429 = arith.constant 0 : i32
      %dma_start3A_430 = tpu.memref_slice %arg7[%rem3A_349, %dma_start3A_428, %dma_start3A_429] : memref<3x64x128xf32, #tpu.memory_space<vmem>> -> memref<1x64x128xf32, #tpu.memory_space<vmem>>
      %dma_start3A_431 = tpu.memref_squeeze %dma_start3A_430 : memref<1x64x128xf32, #tpu.memory_space<vmem>> -> memref<64x128xf32, #tpu.memory_space<vmem>>
      tpu.enqueue_dma source(%dma_start3A_431 : memref<64x128xf32, #tpu.memory_space<vmem>>) target(%dma_start3A_427 : memref<64x128xf32, #tpu.memory_space<hbm>>) target_semaphore(%dma_start3A_424 : memref<!tpu.dma_semaphore, #tpu.memory_space<semaphore_mem>>)
    }
    %scan3A_170 = arith.constant 200 : i32
    %add3A_171 = arith.constant 197 : i32
    %add3A_172 = arith.addi %mul3A_2, %add3A_171 : i32
    %jit3A = arith.constant 128 : i32
    %div3A = arith.divsi %add3A_172, %jit3A : i32
    %sign3A = arith.constant 0 : i32
    %sign3A_173 = arith.cmpi sgt, %add3A_172, %sign3A : i32
    %sign3A_174 = arith.extui %sign3A_173 : i1 to i32
    %sign3A_175 = arith.constant 0 : i32
    %sign3A_176 = arith.cmpi slt, %add3A_172, %sign3A_175 : i32
    %sign3A_177 = arith.extui %sign3A_176 : i1 to i32
    %sign3A_178 = arith.subi %sign3A_174, %sign3A_177 : i32
    %sign3A_179 = arith.constant 0 : i32
    %sign3A_180 = arith.cmpi sgt, %jit3A, %sign3A_179 : i32
    %sign3A_181 = arith.extui %sign3A_180 : i1 to i32
    %sign3A_182 = arith.constant 0 : i32
    %sign3A_183 = arith.cmpi slt, %jit3A, %sign3A_182 : i32
    %sign3A_184 = arith.extui %sign3A_183 : i1 to i32
    %sign3A_185 = arith.subi %sign3A_181, %sign3A_184 : i32
    %ne3A = arith.cmpi ne, %sign3A_178, %sign3A_185 : i32
    %rem3A = arith.remsi %add3A_172, %jit3A : i32
    %ne3A_186 = arith.constant 0 : i32
    %ne3A_187 = arith.cmpi ne, %rem3A, %ne3A_186 : i32
    %and3A_188 = arith.andi %ne3A, %ne3A_187 : i1
    %sub3A = arith.constant 1 : i32
    %sub3A_189 = arith.subi %div3A, %sub3A : i32
    %select_n3A = arith.select %and3A_188, %sub3A_189, %div3A : i32
    %jit3A_190 = arith.constant 128 : i32
    %eq3A = arith.constant 0 : i32
    %eq3A_191 = arith.cmpi eq, %jit3A_190, %eq3A : i32
    %jit3A_192 = arith.constant 1 : i32
    %select_n3A_193 = arith.select %eq3A_191, %jit3A_192, %jit3A_190 : i32
    %rem3A_194 = arith.remsi %add3A_172, %select_n3A_193 : i32
    %ne3A_195 = arith.constant 0 : i32
    %ne3A_196 = arith.cmpi ne, %rem3A_194, %ne3A_195 : i32
    %lt3A = arith.constant 0 : i32
    %lt3A_197 = arith.cmpi slt, %rem3A_194, %lt3A : i32
    %lt3A_198 = arith.constant 0 : i32
    %lt3A_199 = arith.cmpi slt, %select_n3A_193, %lt3A_198 : i32
    %ne3A_200 = arith.xori %lt3A_197, %lt3A_199 : i1
    %and3A_201 = arith.andi %ne3A_200, %ne3A_196 : i1
    %add3A_202 = arith.addi %rem3A_194, %select_n3A_193 : i32
    %select_n3A_203 = arith.select %and3A_201, %add3A_202, %rem3A_194 : i32
    %mul3A_204 = arith.constant 128 : i32
    %mul3A_205 = arith.muli %select_n3A_203, %mul3A_204 : i32
    %dma_wait3A = arith.constant 0 : i32
    %dma_wait3A_206 = arith.constant 0 : i32
    %dma_wait3A_207 = arith.constant 0 : i32
    %dma_wait3A_208 = arith.constant 0 : i32
    %dma_wait3A_209 = tpu.memref_slice %arg7[%dma_wait3A, %dma_wait3A_207, %dma_wait3A_208] : memref<3x64x128xf32, #tpu.memory_space<vmem>> -> memref<1x64x128xf32, #tpu.memory_space<vmem>>
    %dma_wait3A_210 = tpu.memref_squeeze %dma_wait3A_209 : memref<1x64x128xf32, #tpu.memory_space<vmem>> -> memref<64x128xf32, #tpu.memory_space<vmem>>
    %dma_wait3A_211 = arith.constant 0 : i32
    %dma_wait3A_212 = tpu.memref_slice %arg4[%select_n3A, %dma_wait3A_211, %mul3A_205] : memref<50x64x16384xf32, #tpu.memory_space<hbm>> -> memref<1x64x128xf32, #tpu.memory_space<hbm>>
    %dma_wait3A_213 = tpu.memref_squeeze %dma_wait3A_212 : memref<1x64x128xf32, #tpu.memory_space<hbm>> -> memref<64x128xf32, #tpu.memory_space<hbm>>
    %dma_wait3A_214 = tpu.memref_slice %arg9[%dma_wait3A_206] : memref<3x!tpu.dma_semaphore, #tpu.memory_space<semaphore_mem>> -> memref<1x!tpu.dma_semaphore, #tpu.memory_space<semaphore_mem>>
    %dma_wait3A_215 = tpu.memref_squeeze %dma_wait3A_214 : memref<1x!tpu.dma_semaphore, #tpu.memory_space<semaphore_mem>> -> memref<!tpu.dma_semaphore, #tpu.memory_space<semaphore_mem>>
    %dma_wait3A_216 = arith.constant 0 : i32
    %dma_wait3A_217 = tpu.memref_slice %arg4[%select_n3A, %dma_wait3A_216, %mul3A_205] : memref<50x64x16384xf32, #tpu.memory_space<hbm>> -> memref<1x64x128xf32, #tpu.memory_space<hbm>>
    %dma_wait3A_218 = tpu.memref_squeeze %dma_wait3A_217 : memref<1x64x128xf32, #tpu.memory_space<hbm>> -> memref<64x128xf32, #tpu.memory_space<hbm>>
    %dma_wait3A_219 = arith.constant 0 : i32
    %dma_wait3A_220 = arith.constant 0 : i32
    %dma_wait3A_221 = tpu.memref_slice %arg7[%dma_wait3A, %dma_wait3A_219, %dma_wait3A_220] : memref<3x64x128xf32, #tpu.memory_space<vmem>> -> memref<1x64x128xf32, #tpu.memory_space<vmem>>
    %dma_wait3A_222 = tpu.memref_squeeze %dma_wait3A_221 : memref<1x64x128xf32, #tpu.memory_space<vmem>> -> memref<64x128xf32, #tpu.memory_space<vmem>>
    tpu.wait_dma2 semaphore(%dma_wait3A_215 : memref<!tpu.dma_semaphore, #tpu.memory_space<semaphore_mem>>) src(%dma_wait3A_222 : memref<64x128xf32, #tpu.memory_space<vmem>>) dst(%dma_wait3A_218 : memref<64x128xf32, #tpu.memory_space<hbm>>)
    %add3A_223 = arith.constant 198 : i32
    %add3A_224 = arith.addi %mul3A_2, %add3A_223 : i32
    %jit3A_225 = arith.constant 128 : i32
    %div3A_226 = arith.divsi %add3A_224, %jit3A_225 : i32
    %sign3A_227 = arith.constant 0 : i32
    %sign3A_228 = arith.cmpi sgt, %add3A_224, %sign3A_227 : i32
    %sign3A_229 = arith.extui %sign3A_228 : i1 to i32
    %sign3A_230 = arith.constant 0 : i32
    %sign3A_231 = arith.cmpi slt, %add3A_224, %sign3A_230 : i32
    %sign3A_232 = arith.extui %sign3A_231 : i1 to i32
    %sign3A_233 = arith.subi %sign3A_229, %sign3A_232 : i32
    %sign3A_234 = arith.constant 0 : i32
    %sign3A_235 = arith.cmpi sgt, %jit3A_225, %sign3A_234 : i32
    %sign3A_236 = arith.extui %sign3A_235 : i1 to i32
    %sign3A_237 = arith.constant 0 : i32
    %sign3A_238 = arith.cmpi slt, %jit3A_225, %sign3A_237 : i32
    %sign3A_239 = arith.extui %sign3A_238 : i1 to i32
    %sign3A_240 = arith.subi %sign3A_236, %sign3A_239 : i32
    %ne3A_241 = arith.cmpi ne, %sign3A_233, %sign3A_240 : i32
    %rem3A_242 = arith.remsi %add3A_224, %jit3A_225 : i32
    %ne3A_243 = arith.constant 0 : i32
    %ne3A_244 = arith.cmpi ne, %rem3A_242, %ne3A_243 : i32
    %and3A_245 = arith.andi %ne3A_241, %ne3A_244 : i1
    %sub3A_246 = arith.constant 1 : i32
    %sub3A_247 = arith.subi %div3A_226, %sub3A_246 : i32
    %select_n3A_248 = arith.select %and3A_245, %sub3A_247, %div3A_226 : i32
    %jit3A_249 = arith.constant 128 : i32
    %eq3A_250 = arith.constant 0 : i32
    %eq3A_251 = arith.cmpi eq, %jit3A_249, %eq3A_250 : i32
    %jit3A_252 = arith.constant 1 : i32
    %select_n3A_253 = arith.select %eq3A_251, %jit3A_252, %jit3A_249 : i32
    %rem3A_254 = arith.remsi %add3A_224, %select_n3A_253 : i32
    %ne3A_255 = arith.constant 0 : i32
    %ne3A_256 = arith.cmpi ne, %rem3A_254, %ne3A_255 : i32
    %lt3A_257 = arith.constant 0 : i32
    %lt3A_258 = arith.cmpi slt, %rem3A_254, %lt3A_257 : i32
    %lt3A_259 = arith.constant 0 : i32
    %lt3A_260 = arith.cmpi slt, %select_n3A_253, %lt3A_259 : i32
    %ne3A_261 = arith.xori %lt3A_258, %lt3A_260 : i1
    %and3A_262 = arith.andi %ne3A_261, %ne3A_256 : i1
    %add3A_263 = arith.addi %rem3A_254, %select_n3A_253 : i32
    %select_n3A_264 = arith.select %and3A_262, %add3A_263, %rem3A_254 : i32
    %mul3A_265 = arith.constant 128 : i32
    %mul3A_266 = arith.muli %select_n3A_264, %mul3A_265 : i32
    %dma_wait3A_267 = arith.constant 1 : i32
    %dma_wait3A_268 = arith.constant 1 : i32
    %dma_wait3A_269 = arith.constant 0 : i32
    %dma_wait3A_270 = arith.constant 0 : i32
    %dma_wait3A_271 = tpu.memref_slice %arg7[%dma_wait3A_267, %dma_wait3A_269, %dma_wait3A_270] : memref<3x64x128xf32, #tpu.memory_space<vmem>> -> memref<1x64x128xf32, #tpu.memory_space<vmem>>
    %dma_wait3A_272 = tpu.memref_squeeze %dma_wait3A_271 : memref<1x64x128xf32, #tpu.memory_space<vmem>> -> memref<64x128xf32, #tpu.memory_space<vmem>>
    %dma_wait3A_273 = arith.constant 0 : i32
    %dma_wait3A_274 = tpu.memref_slice %arg4[%select_n3A_248, %dma_wait3A_273, %mul3A_266] : memref<50x64x16384xf32, #tpu.memory_space<hbm>> -> memref<1x64x128xf32, #tpu.memory_space<hbm>>
    %dma_wait3A_275 = tpu.memref_squeeze %dma_wait3A_274 : memref<1x64x128xf32, #tpu.memory_space<hbm>> -> memref<64x128xf32, #tpu.memory_space<hbm>>
    %dma_wait3A_276 = tpu.memref_slice %arg9[%dma_wait3A_268] : memref<3x!tpu.dma_semaphore, #tpu.memory_space<semaphore_mem>> -> memref<1x!tpu.dma_semaphore, #tpu.memory_space<semaphore_mem>>
    %dma_wait3A_277 = tpu.memref_squeeze %dma_wait3A_276 : memref<1x!tpu.dma_semaphore, #tpu.memory_space<semaphore_mem>> -> memref<!tpu.dma_semaphore, #tpu.memory_space<semaphore_mem>>
    %dma_wait3A_278 = arith.constant 0 : i32
    %dma_wait3A_279 = tpu.memref_slice %arg4[%select_n3A_248, %dma_wait3A_278, %mul3A_266] : memref<50x64x16384xf32, #tpu.memory_space<hbm>> -> memref<1x64x128xf32, #tpu.memory_space<hbm>>
    %dma_wait3A_280 = tpu.memref_squeeze %dma_wait3A_279 : memref<1x64x128xf32, #tpu.memory_space<hbm>> -> memref<64x128xf32, #tpu.memory_space<hbm>>
    %dma_wait3A_281 = arith.constant 0 : i32
    %dma_wait3A_282 = arith.constant 0 : i32
    %dma_wait3A_283 = tpu.memref_slice %arg7[%dma_wait3A_267, %dma_wait3A_281, %dma_wait3A_282] : memref<3x64x128xf32, #tpu.memory_space<vmem>> -> memref<1x64x128xf32, #tpu.memory_space<vmem>>
    %dma_wait3A_284 = tpu.memref_squeeze %dma_wait3A_283 : memref<1x64x128xf32, #tpu.memory_space<vmem>> -> memref<64x128xf32, #tpu.memory_space<vmem>>
    tpu.wait_dma2 semaphore(%dma_wait3A_277 : memref<!tpu.dma_semaphore, #tpu.memory_space<semaphore_mem>>) src(%dma_wait3A_284 : memref<64x128xf32, #tpu.memory_space<vmem>>) dst(%dma_wait3A_280 : memref<64x128xf32, #tpu.memory_space<hbm>>)
    %add3A_285 = arith.constant 199 : i32
    %add3A_286 = arith.addi %mul3A_2, %add3A_285 : i32
    %jit3A_287 = arith.constant 128 : i32
    %div3A_288 = arith.divsi %add3A_286, %jit3A_287 : i32
    %sign3A_289 = arith.constant 0 : i32
    %sign3A_290 = arith.cmpi sgt, %add3A_286, %sign3A_289 : i32
    %sign3A_291 = arith.extui %sign3A_290 : i1 to i32
    %sign3A_292 = arith.constant 0 : i32
    %sign3A_293 = arith.cmpi slt, %add3A_286, %sign3A_292 : i32
    %sign3A_294 = arith.extui %sign3A_293 : i1 to i32
    %sign3A_295 = arith.subi %sign3A_291, %sign3A_294 : i32
    %sign3A_296 = arith.constant 0 : i32
    %sign3A_297 = arith.cmpi sgt, %jit3A_287, %sign3A_296 : i32
    %sign3A_298 = arith.extui %sign3A_297 : i1 to i32
    %sign3A_299 = arith.constant 0 : i32
    %sign3A_300 = arith.cmpi slt, %jit3A_287, %sign3A_299 : i32
    %sign3A_301 = arith.extui %sign3A_300 : i1 to i32
    %sign3A_302 = arith.subi %sign3A_298, %sign3A_301 : i32
    %ne3A_303 = arith.cmpi ne, %sign3A_295, %sign3A_302 : i32
    %rem3A_304 = arith.remsi %add3A_286, %jit3A_287 : i32
    %ne3A_305 = arith.constant 0 : i32
    %ne3A_306 = arith.cmpi ne, %rem3A_304, %ne3A_305 : i32
    %and3A_307 = arith.andi %ne3A_303, %ne3A_306 : i1
    %sub3A_308 = arith.constant 1 : i32
    %sub3A_309 = arith.subi %div3A_288, %sub3A_308 : i32
    %select_n3A_310 = arith.select %and3A_307, %sub3A_309, %div3A_288 : i32
    %jit3A_311 = arith.constant 128 : i32
    %eq3A_312 = arith.constant 0 : i32
    %eq3A_313 = arith.cmpi eq, %jit3A_311, %eq3A_312 : i32
    %jit3A_314 = arith.constant 1 : i32
    %select_n3A_315 = arith.select %eq3A_313, %jit3A_314, %jit3A_311 : i32
    %rem3A_316 = arith.remsi %add3A_286, %select_n3A_315 : i32
    %ne3A_317 = arith.constant 0 : i32
    %ne3A_318 = arith.cmpi ne, %rem3A_316, %ne3A_317 : i32
    %lt3A_319 = arith.constant 0 : i32
    %lt3A_320 = arith.cmpi slt, %rem3A_316, %lt3A_319 : i32
    %lt3A_321 = arith.constant 0 : i32
    %lt3A_322 = arith.cmpi slt, %select_n3A_315, %lt3A_321 : i32
    %ne3A_323 = arith.xori %lt3A_320, %lt3A_322 : i1
    %and3A_324 = arith.andi %ne3A_323, %ne3A_318 : i1
    %add3A_325 = arith.addi %rem3A_316, %select_n3A_315 : i32
    %select_n3A_326 = arith.select %and3A_324, %add3A_325, %rem3A_316 : i32
    %mul3A_327 = arith.constant 128 : i32
    %mul3A_328 = arith.muli %select_n3A_326, %mul3A_327 : i32
    %dma_wait3A_329 = arith.constant 2 : i32
    %dma_wait3A_330 = arith.constant 2 : i32
    %dma_wait3A_331 = arith.constant 0 : i32
    %dma_wait3A_332 = arith.constant 0 : i32
    %dma_wait3A_333 = tpu.memref_slice %arg7[%dma_wait3A_329, %dma_wait3A_331, %dma_wait3A_332] : memref<3x64x128xf32, #tpu.memory_space<vmem>> -> memref<1x64x128xf32, #tpu.memory_space<vmem>>
    %dma_wait3A_334 = tpu.memref_squeeze %dma_wait3A_333 : memref<1x64x128xf32, #tpu.memory_space<vmem>> -> memref<64x128xf32, #tpu.memory_space<vmem>>
    %dma_wait3A_335 = arith.constant 0 : i32
    %dma_wait3A_336 = tpu.memref_slice %arg4[%select_n3A_310, %dma_wait3A_335, %mul3A_328] : memref<50x64x16384xf32, #tpu.memory_space<hbm>> -> memref<1x64x128xf32, #tpu.memory_space<hbm>>
    %dma_wait3A_337 = tpu.memref_squeeze %dma_wait3A_336 : memref<1x64x128xf32, #tpu.memory_space<hbm>> -> memref<64x128xf32, #tpu.memory_space<hbm>>
    %dma_wait3A_338 = tpu.memref_slice %arg9[%dma_wait3A_330] : memref<3x!tpu.dma_semaphore, #tpu.memory_space<semaphore_mem>> -> memref<1x!tpu.dma_semaphore, #tpu.memory_space<semaphore_mem>>
    %dma_wait3A_339 = tpu.memref_squeeze %dma_wait3A_338 : memref<1x!tpu.dma_semaphore, #tpu.memory_space<semaphore_mem>> -> memref<!tpu.dma_semaphore, #tpu.memory_space<semaphore_mem>>
    %dma_wait3A_340 = arith.constant 0 : i32
    %dma_wait3A_341 = tpu.memref_slice %arg4[%select_n3A_310, %dma_wait3A_340, %mul3A_328] : memref<50x64x16384xf32, #tpu.memory_space<hbm>> -> memref<1x64x128xf32, #tpu.memory_space<hbm>>
    %dma_wait3A_342 = tpu.memref_squeeze %dma_wait3A_341 : memref<1x64x128xf32, #tpu.memory_space<hbm>> -> memref<64x128xf32, #tpu.memory_space<hbm>>
    %dma_wait3A_343 = arith.constant 0 : i32
    %dma_wait3A_344 = arith.constant 0 : i32
    %dma_wait3A_345 = tpu.memref_slice %arg7[%dma_wait3A_329, %dma_wait3A_343, %dma_wait3A_344] : memref<3x64x128xf32, #tpu.memory_space<vmem>> -> memref<1x64x128xf32, #tpu.memory_space<vmem>>
    %dma_wait3A_346 = tpu.memref_squeeze %dma_wait3A_345 : memref<1x64x128xf32, #tpu.memory_space<vmem>> -> memref<64x128xf32, #tpu.memory_space<vmem>>
    tpu.wait_dma2 semaphore(%dma_wait3A_339 : memref<!tpu.dma_semaphore, #tpu.memory_space<semaphore_mem>>) src(%dma_wait3A_346 : memref<64x128xf32, #tpu.memory_space<vmem>>) dst(%dma_wait3A_342 : memref<64x128xf32, #tpu.memory_space<hbm>>)
    return
  }
}

module attributes {stable_mosaic.version = 14 : i64} {
  func.func @body(%arg0: i32, %arg1: memref<64x16384xf32, #tpu.memory_space<vmem>>, %arg2: memref<16384x128xf32, #tpu.memory_space<vmem>>) attributes {dimension_semantics = [#tpu.dimension_semantics<arbitrary>], iteration_bounds = array<i64: 62>, scalar_prefetch = 0 : i64, scratch_operands = 0 : i64, tpu.core_type = #tpu.core_type<tc>, window_params = [{transform_indices = @transform_0, window_bounds = array<i64: 64, 16384>}, {transform_indices = @transform_1, window_bounds = array<i64: 16384, 128>}]} {
    %get3A = arith.constant 0 : index
    %get3A_0 = arith.constant 0 : index
    %get3A_1 = vector.load %arg1[%get3A, %get3A_0] : memref<64x16384xf32, #tpu.memory_space<vmem>>, vector<64x16384xf32>
    %transpose3A = tpu.transpose %get3A_1, [1, 0] : vector<64x16384xf32> -> vector<16384x64xf32>
    %mul3A = arith.constant 8.000000e+00 : f32
    %mul3A_2 = vector.broadcast %mul3A : f32 to vector<16384x64xf32>
    %mul3A_3 = arith.mulf %transpose3A, %mul3A_2 : vector<16384x64xf32>
    %swap3A = arith.constant 0 : index
    %swap3A_4 = arith.constant 0 : index
    %swap3A_5 = vector.load %arg2[%swap3A, %swap3A_4] : memref<16384x128xf32, #tpu.memory_space<vmem>>, vector<16384x64xf32>
    tpu.vector_store %arg2[%swap3A, %swap3A_4], %mul3A_3 {strides = array<i32>} : memref<16384x128xf32, #tpu.memory_space<vmem>>, vector<16384x64xf32>,
    return
  }
  func.func @transform_0(%arg0: i32) -> (i32, i32) {
    %c0_i32 = arith.constant 0 : i32
    %c0_i32_0 = arith.constant 0 : i32
    return %c0_i32, %arg0 : i32, i32
  }
  func.func @transform_1(%arg0: i32) -> (i32, i32) {
    %c0_i32 = arith.constant 0 : i32
    %c0_i32_0 = arith.constant 0 : i32
    return %arg0, %c0_i32 : i32, i32
  }
}

</mosaic_0001>

<sc_bundles>
// kernel: kernel.4.cloned.1.call-start
scs
__scs_entry_jumppad:
0x0: {  	(pc) =	sbr.rel $0x88, $3  }
0x1: {  	(tag) =	ssettag $0x0;
	lr =	simm.s32 $0x1  }
0x2: {  	[smem:$0x3F9F] =	sst lr;
	_ =	strace $0xD0000000  }
0x3: {  	_ = 	snop  }
0x4: {  	_ = 	snop  }
0x5: {  	_ = 	snop  }
0x6: {  	_ = 	snop  }
0x7: {  	_ = 	snop  }
__scs_overlays_trampoline_lowered:
0x8: {  	[smem:$0x3FAE] =	sst s0  }
0x9: {  	[smem:$0x3FAF] =	sst s1  }
0xa: {  	[smem:$0x3FB0] =	sst s2  }
0xb: {  	[smem:$0x3FB1] =	sst s3  }
0xc: {  	[smem:$0x3FB2] =	sst s4  }
0xd: {  	[smem:$0x3FB3] =	sst s5  }
0xe: {  	[smem:$0x3FB4] =	sst s6  }
0xf: {  	[smem:$0x3FB5] =	sst s7  }
0x10: {  	[smem:$0x3FB6] =	sst s8  }
0x11: {  	[smem:$0x3FB7] =	sst s9;
	s0 =	simm.s32 @!p0 $0x0  }
0x12: {  	s1 =	sld [smem:$0x3F9D];
	s0 =	simm.s32 @p0 $0x1  }
0x13: {  	[smem:$0x3FB8] =	sst s0;
	s0 =	simm.s32 @!p1 $0x0  }
0x14: {  	s2 =	sld [smem:$0x3F9C];
	s0 =	simm.s32 @p1 $0x1  }
0x15: {  	[smem:$0x3FB9] =	sst s0;
	s0 =	simm.s32 @!p2 $0x0  }
0x16: {  	s3 =	sld [smem:$0x3FDB];
	s0 =	simm.s32 @p2 $0x1  }
0x17: {  	s4 =	simm.s32 $0x1BF5;
	[smem:$0x3FBB] =	sst s0  }
0x18: {  	s0 =	sld [smem:$0x3F9E];
	_ =	swait.ge [sflag:s4], $0x0  }
0x19: {  	s7 =	sld [smem:$0x3F9F]  }
0x1a: {  	s8 =	sadd.s32 $0xFFFFE003, lr  }
0x1b: {  	s9 =	sadd.s32 $0xFFFFFEF7, lr;
	s5 =	simm.s32 $0xFFFFFFFF;
	p2 =	slt.u32 s8, $0xFFFFF086  }
0x1c: {  	p1 =	slt.u32 s9, $0xF7A;
	s5 =	simm.s32 @!p2 $0x0  }
0x1d: {  	s5 =	simm.s32 @p1 $0x1;
	p0 =	seq.s32 s7, s2  }
0x1e: {  	s7 =	smul.u32 @!p0 $0xF7A, s2;
	p2 =	seq.s32 @!p0 s5, $0x0  }
0x1f: {  	s9 =	smul.u32 $0xF7A, s1;
	s8 =	simm.s32 @!p0 $0x1BF5;
	p2 =	por !p2, p0  }
0x20: {  	[sflag:s8] =	ssyncset.s32 @!p0 $0xFFFFF086;
	s6 =	sadd.s32 @!p0 s3, s7;
	s7 =	simm.s32 @!p0 $0x108  }
0x21: {  	s3 =	sadd.s32 s3, s9;
	s6 =	sadd.s32 @!p0 $0x88, s6;
	s7 =	simm.s32 @p2 $0x1082  }
0x22: {  	[simem:s7], [sflag:s8] =	dma.local @!p0 [hbm:s6], $0xF7A  }
0x23: {  	s9 =	sor.u32 $0xD0000000, s2;
	s6 =	simm.s32 $0x108;
	_ =	swait.ge @!p0 [sflag:s8], $0x0  }
0x24: {  	s3 =	sadd.s32 $0x88, s3;
	s6 =	simm.s32 @!p1 $0x1082;
	[sflag:s4] =	ssyncset.s32 $0xFFFFF086  }
0x25: {  	[simem:s6], [sflag:s4] =	dma.local [hbm:s3], $0xF7A  }
0x26: {  	[smem:$0x3F9F] =	sst s1;
	(tag) =	ssettag s2;
	_ =	strace s9  }
0x27: {  	s1 =	sld [smem:$0x3FAF]  }
0x28: {  	s2 =	sld [smem:$0x3FB0]  }
0x29: {  	s4 =	sld [smem:$0x3FB2]  }
0x2a: {  	p0 =	seq.s32 s5, $0x0;
	s5 =	sld [smem:$0x3FB3]  }
0x2b: {  	s6 =	sld [smem:$0x3FB4]  }
0x2c: {  	s7 =	sld [smem:$0x3FB5]  }
0x2d: {  	s3 =	simm.s32 $0x108;
	s8 =	sld [smem:$0x3FB6]  }
0x2e: {  	s3 =	simm.s32 @!p0 $0x1082;
	s9 =	sld [smem:$0x3FB7]  }
0x2f: {  	lr =	sadd.s32 s0, s3;
	s0 =	sld [smem:$0x3FAE]  }
0x30: {  	s3 =	sld [smem:$0x3FB1]  }
0x31: {  	[smem:$0x3FBA] =	sst s10  }
0x32: {  	s10 =	sld [smem:$0x3FB8];
	_ =	sdelay $0x3  }
0x33: {  	p0 =	seq.s32 s10, $0x1;
	s10 =	sld [smem:$0x3FBA];
	_ =	sdelay $0x3  }
0x34: {  	[smem:$0x3FBA] =	sst s10  }
0x35: {  	s10 =	sld [smem:$0x3FB9];
	_ =	sdelay $0x3  }
0x36: {  	p1 =	seq.s32 s10, $0x1;
	s10 =	sld [smem:$0x3FBA];
	_ =	sdelay $0x3  }
0x37: {  	[smem:$0x3FBA] =	sst s10  }
0x38: {  	s10 =	sld [smem:$0x3FBB]  }
0x39: {  	_ = 	snop;
	(pc) =	sbr.ind lr, $3  }
0x3a: {  	_ = 	snop  }
0x3b: {  	_ = 	snop  }
0x3c: {  	p2 =	seq.s32 s10, $0x1;
	s10 =	sld [smem:$0x3FBA]  }
0x3d: {  	_ =	shalt  }
0x3e: {  	_ =	shalt  }
0x3f: {  	_ =	shalt  }
0x40: {  	_ =	shalt  }
0x41: {  	_ =	shalt  }
0x42: {  	_ =	shalt  }
0x43: {  	_ =	shalt  }
0x44: {  	_ =	shalt  }
0x45: {  	_ =	shalt  }
0x46: {  	_ =	shalt  }
0x47: {  	_ =	shalt  }
0x48: {  	_ =	shalt  }
0x49: {  	_ =	shalt  }
0x4a: {  	_ =	shalt  }
0x4b: {  	_ =	shalt  }
0x4c: {  	_ =	shalt  }
0x4d: {  	_ =	shalt  }
0x4e: {  	_ =	shalt  }
0x4f: {  	_ =	shalt  }
0x50: {  	_ =	shalt  }
0x51: {  	_ =	shalt  }
0x52: {  	_ =	shalt  }
0x53: {  	_ =	shalt  }
0x54: {  	_ =	shalt  }
0x55: {  	_ =	shalt  }
0x56: {  	_ =	shalt  }
0x57: {  	_ =	shalt  }
0x58: {  	_ =	shalt  }
0x59: {  	_ =	shalt  }
0x5a: {  	_ =	shalt  }
0x5b: {  	_ =	shalt  }
0x5c: {  	_ =	shalt  }
0x5d: {  	_ =	shalt  }
0x5e: {  	_ =	shalt  }
0x5f: {  	_ =	shalt  }
0x60: {  	_ =	shalt  }
0x61: {  	_ =	shalt  }
0x62: {  	_ =	shalt  }
0x63: {  	_ =	shalt  }
0x64: {  	_ =	shalt  }
0x65: {  	_ =	shalt  }
0x66: {  	_ =	shalt  }
0x67: {  	_ =	shalt  }
0x68: {  	_ =	shalt  }
0x69: {  	_ =	shalt  }
0x6a: {  	_ =	shalt  }
0x6b: {  	_ =	shalt  }
0x6c: {  	_ =	shalt  }
0x6d: {  	_ =	shalt  }
0x6e: {  	_ =	shalt  }
0x6f: {  	_ =	shalt  }
0x70: {  	_ =	shalt  }
0x71: {  	_ =	shalt  }
0x72: {  	_ =	shalt  }
0x73: {  	_ =	shalt  }
0x74: {  	_ =	shalt  }
0x75: {  	_ =	shalt  }
0x76: {  	_ =	shalt  }
0x77: {  	_ =	shalt  }
0x78: {  	_ =	shalt  }
0x79: {  	_ =	shalt  }
0x7a: {  	_ =	shalt  }
0x7b: {  	_ =	shalt  }
0x7c: {  	_ =	shalt  }
0x7d: {  	_ =	shalt  }
0x7e: {  	_ =	shalt  }
0x7f: {  	_ =	shalt  }
0x80: {  	_ =	shalt  }
0x81: {  	_ =	shalt  }
0x82: {  	_ =	shalt  }
0x83: {  	_ =	shalt  }
0x84: {  	_ =	shalt  }
0x85: {  	_ =	shalt  }
0x86: {  	_ =	shalt  }
0x87: {  	_ =	shalt  }
.Lfunc_end0:
.L_simem_size_0:
called_computation_lowered:
.L_overlay_start_0:
0x88: {  	s2 =	sld [smem:$0x3FD9]  }
0x89: {  	s3 =	sld [smem:$0x3FFE];
	_ =	sdelay $0x1  }
0x8a: {  	s1 =	srdreg.scid  }
0x8b: {  	s0 =	sand.u32 $0x1, s1  }
0x8c: {  	s17 =	sshll.u32 s0, $0xA;
	s2 =	sadd.s32 s3, s2  }
0x8d: {  	s2 =	sadd.s32 s2, s17  }
0x8e: {  	[smem:$0x3FC6] =	sst s2  }
0x8f: {  	_ = 	snop  }
0x90: {  	s2 =	sld [smem:$0x3FD0];
	(tm) =	ssettm $0x1  }
0x91: {  	s18 =	sld [smem:$0x3FFB];
	_ =	sdelay $0x3  }
0x92: {  	_ =	strace s18  }
0x93: {  	s3 =	sld [smem:$0x3FFC];
	_ =	sdelay $0x3  }
0x94: {  	_ =	strace s3  }
0x95: {  	s3 =	sld [smem:$0x3FFD];
	_ =	sdelay $0x3  }
0x96: {  	_ =	strace s3  }
0x97: {  	_ =	strace $0x8FFFFFFF  }
0x98: {  	s19 =	sld [smem:$0x3FDB];
	_ =	sdelay $0x1  }
0x99: {  	s4 =	simm.s32 $_scs_section_size  }
0x9a: {  	s5 =	simm.s32 $_size__tile_overlayer_lowered;
	s6 =	simm.s32 $_tile_overlayer_lowered  }
0x9b: {  	s22 =	simm.s32 $0x1BFF;
	s21 =	sshll.u32 s6, $0x1;
	s3 =	sadd.s32 s4, s19  }
0x9c: {  	s7 =	simm.s32 $0x0;
	s20 =	sshll.u32 s5, $0x1;
	s5 =	sadd.s32 s21, s3  }
0x9d: {  	[timem:s7], [sflag:s22] =	dma.local [hbm:s5], s20  }
0x9e: {  	_ =	swait.ge [sflag:s22], s20  }
0x9f: {  	s4 =	ssub.s32 $0x0, s20;
	[sflag:s22] =	ssyncset.done $0x0  }
0xa0: {  	[sflag:s22] =	ssyncadd.s32 s4;
	_ =	sdelay $0x1  }
0xa1: {  	s23 =	simm.s32 $0x1B8B  }
0xa2: {  	_ =	swait.ge [sflag:s23], $0x1  }
0xa3: {  	[sflag:s23] =	ssyncset.done $0x0  }
0xa4: {  	s25 =	simm.s32 $0x1B8E;
	s24 =	sld [smem:$0x3FFE];
	[sflag:s23] =	ssyncadd.s32 $0xFFFFFFFF  }
0xa5: {  	s26 =	simm.s32 $execute0_lowered;
	[smem:$0x3FD2] =	sst s25  }
0xa6: {  	s5 =	sshll.u32 s26, $0x1;
	_ =	strace $0x80000046;
	[dreg:$0x1] =	wrdreg $0xFFFFFFFF  }
0xa7: {  	s28 =	simm.s32 $_size_execute0_lowered;
	s3 =	sadd.s32 s3, s5;
	[dreg:$0x0] =	wrdreg $0x0  }
0xa8: {  	s5 =	sshll.u32 s28, $0x1;
	[dreg:$0x2] =	wrdreg s3  }
0xa9: {  	[dreg:$0x3] =	wrdreg s5  }
0xaa: {  	[dreg:$0x4] =	wrdreg $0xC0  }
0xab: {  	_ =	task [dreg:s7], $0x5FFFF  }
0xac: {  	[dreg:$0x1] =	wrdreg $0xFFFFFFFF  }
0xad: {  	[dreg:$0x0] =	wrdreg $0x60  }
0xae: {  	[dreg:$0x2] =	wrdreg s24  }
0xaf: {  	[dreg:$0x3] =	wrdreg s2  }
0xb0: {  	[dreg:$0x4] =	wrdreg $0x9  }
0xb1: {  	_ =	task.clear_ibuf [dreg:s7], $0x5FFFF;
	_ =	strace $0x90000046  }
0xb2: {  	s29 =	simm.s32 $0x9;
	_ =	strace $0x80000048  }
0xb3: {  	_ =	swait.ge [sflag:s29], $0x1  }
0xb4: {  	[sflag:s29] =	ssyncadd.s32 $0xFFFFFFFF  }
0xb5: {  	_ =	strace $0x90000048  }
0xb6: {  	_ =	sfence  }
0xb7: {  	s30 =	sld [smem:$0x0];
	_ =	sdelay $0x2  }
0xb8: {  	s31 =	sshll.u32 s1, $0xD;
	s1 =	sshrl.u32 s1, $0x2  }
0xb9: {  	s3 =	sand.u32 $0x4000, s31;
	s1 =	sadd.s32 s1, s30  }
0xba: {  	s0 =	sor.u32 s3, s0;
	s1 =	sshll.u32 s1, $0x11  }
0xbb: {  	s0 =	sor.u32 s1, s0  }
0xbc: {  	s0 =	sadd.s32 $0x8F2B, s0  }
0xbd: {  	[sflag:s0] =	ssyncadd.remote.s32 $0x1  }
0xbe: {  	_ =	sfence.sel $0xFFFF  }
0xbf: {  	[dreg:$0x0] =	wrdreg $0xFFFFFFFF;
	(pc) =	sbr.abs _section_cstart, $3  }
0xc0: {  	[dreg:$0x1] =	wrdreg $0xFFFFFFFF  }
0xc1: {  	_ =	task.clear_ibuf [dreg:s7], $0x2FFFF;
	_ =	strace $0x9FFFFFFF  }
0xc2: {  	(tm) =	ssettm $0x7FFFFFFF  }
0xc3: {  	_ =	shalt  }
tec
execute0_lowered:
.L_overlay_start_1:
0x0: {  	(tag) =	ssettag $0x1  }
0x1: {  	v0 =	vimm.s32 $0x700;
	vm0 =	vcmask $0x300  }
0x2: {  	v4 =	vsel vm0, $0x780, v0;
	v0 =	vimm.s32 $0x680  }
0x3: {  	v5 =	vsel vm0, $0x700, v0;
	v0 =	vimm.s32 $0x600  }
0x4: {  	v6 =	vsel vm0, $0x680, v0;
	v0 =	vimm.s32 $0x500  }
0x5: {  	v1 =	vimm.s32 $0x580;
	v8 =	vsel vm0, $0x580, v0;
	v0 =	vimm.s32 $0x480  }
0x6: {  	v7 =	vsel vm0, $0x600, v1;
	v9 =	vsel vm0, $0x500, v0;
	v0 =	vimm.s32 $0x380  }
0x7: {  	v1 =	vimm.s32 $0x400;
	v11 =	vsel vm0, $0x400, v0;
	v0 =	vimm.s32 $0x300  }
0x8: {  	v10 =	vsel vm0, $0x480, v1;
	v12 =	vsel vm0, $0x380, v0;
	v0 =	vimm.s32 $0x200  }
0x9: {  	v1 =	vimm.s32 $0x280;
	v14 =	vsel vm0, $0x280, v0;
	v0 =	vimm.s32 $0x180  }
0xa: {  	v13 =	vsel vm0, $0x300, v1;
	v15 =	vsel vm0, $0x200, v0;
	v0 =	vimm.s32 $0x80  }
0xb: {  	v1 =	vimm.s32 $0x100;
	v17 =	vsel vm0, $0x100, v0;
	v0 =	vimm.s32 $0x0  }
0xc: {  	v16 =	vsel vm0, $0x180, v1;
	v18 =	vsel vm0, $0x80, v0;
	v0 =	vimm.s32 $0x781  }
0xd: {  	v1 =	vimm.s32 $0x780;
	v20 =	vsel vm0, $0x2, v0;
	v0 =	vimm.s32 $0x782  }
0xe: {  	v19 =	vsel vm0, $0x1, v1;
	v21 =	vsel vm0, $0x3, v0;
	v0 =	vimm.s32 $0x784  }
0xf: {  	v1 =	vimm.s32 $0x783;
	v23 =	vsel vm0, $0x5, v0;
	v0 =	vimm.s32 $0x785  }
0x10: {  	v22 =	vsel vm0, $0x4, v1;
	v24 =	vsel vm0, $0x6, v0;
	v0 =	vimm.s32 $0x787  }
0x11: {  	v1 =	vimm.s32 $0x786;
	v26 =	vsel vm0, $0x8, v0;
	v0 =	vimm.s32 $0x788  }
0x12: {  	v25 =	vsel vm0, $0x7, v1;
	v27 =	vsel vm0, $0x9, v0;
	v0 =	vimm.s32 $0x78A  }
0x13: {  	v1 =	vimm.s32 $0x789;
	v29 =	vsel vm0, $0xB, v0;
	v0 =	vimm.s32 $0x78B  }
0x14: {  	v28 =	vsel vm0, $0xA, v1;
	v30 =	vsel vm0, $0xC, v0;
	v0 =	vimm.s32 $0x78D  }
0x15: {  	v1 =	vimm.s32 $0x78C;
	v32 =	vsel vm0, $0xE, v0;
	v0 =	vimm.s32 $0x78E  }
0x16: {  	v31 =	vsel vm0, $0xD, v1;
	v33 =	vsel vm0, $0xF, v0;
	v0 =	vimm.s32 $0xF81  }
0x17: {  	v1 =	vimm.s32 $0xF80;
	v35 =	vsel vm0, $0x802, v0;
	v0 =	vimm.s32 $0xF82  }
0x18: {  	v34 =	vsel vm0, $0x801, v1;
	v36 =	vsel vm0, $0x803, v0;
	v0 =	vimm.s32 $0xF84  }
0x19: {  	v1 =	vimm.s32 $0xF83;
	v38 =	vsel vm0, $0x805, v0;
	v0 =	vimm.s32 $0xF85  }
0x1a: {  	v37 =	vsel vm0, $0x804, v1;
	v39 =	vsel vm0, $0x806, v0;
	v0 =	vimm.s32 $0xF87  }
0x1b: {  	v1 =	vimm.s32 $0xF86;
	v41 =	vsel vm0, $0x808, v0;
	v0 =	vimm.s32 $0xF88  }
0x1c: {  	v40 =	vsel vm0, $0x807, v1;
	v42 =	vsel vm0, $0x809, v0;
	v0 =	vimm.s32 $0xF8A  }
0x1d: {  	v1 =	vimm.s32 $0xF89;
	v44 =	vsel vm0, $0x80B, v0;
	v0 =	vimm.s32 $0xF8B  }
0x1e: {  	v43 =	vsel vm0, $0x80A, v1;
	v45 =	vsel vm0, $0x80C, v0;
	v0 =	vimm.s32 $0xF8D  }
0x1f: {  	v1 =	vimm.s32 $0xF8C;
	v47 =	vsel vm0, $0x80E, v0;
	v0 =	vimm.s32 $0xF8E  }
0x20: {  	v46 =	vsel vm0, $0x80D, v1;
	v49 =	vsel vm0, $0x80F, v0;
	v0 =	vimm.s32 $0x1781  }
0x21: {  	v1 =	vimm.s32 $0x1780;
	v51 =	vsel vm0, $0x1002, v0;
	v0 =	vimm.s32 $0x1782  }
0x22: {  	v50 =	vsel vm0, $0x1001, v1;
	v52 =	vsel vm0, $0x1003, v0;
	v0 =	vimm.s32 $0x1784  }
0x23: {  	v1 =	vimm.s32 $0x1783;
	v54 =	vsel vm0, $0x1005, v0;
	v0 =	vimm.s32 $0x1785  }
0x24: {  	v53 =	vsel vm0, $0x1004, v1;
	v55 =	vsel vm0, $0x1006, v0;
	v0 =	vimm.s32 $0x1787  }
0x25: {  	v1 =	vimm.s32 $0x1786;
	v57 =	vsel vm0, $0x1008, v0;
	v0 =	vimm.s32 $0x1788  }
0x26: {  	v56 =	vsel vm0, $0x1007, v1;
	v58 =	vsel vm0, $0x1009, v0;
	v0 =	vimm.s32 $0x178A  }
0x27: {  	v1 =	vimm.s32 $0x1789;
	v60 =	vsel vm0, $0x100B, v0;
	v0 =	vimm.s32 $0x178B  }
0x28: {  	v59 =	vsel vm0, $0x100A, v1;
	v61 =	vsel vm0, $0x100C, v0;
	v0 =	vimm.s32 $0x178D  }
0x29: {  	v1 =	vimm.s32 $0x178C;
	v63 =	vsel vm0, $0x100E, v0;
	v0 =	vimm.s32 $0x178E  }
0x2a: {  	v62 =	vsel vm0, $0x100D, v1;
	v1 =	vimm.s32 $0x1F80;
	v0 =	vsel vm0, $0x100F, v0  }
0x2b: {  	[tilespmem:$0x1B680] =	vst v0;
	v0 =	vsel vm0, $0x1801, v1  }
0x2c: {  	[tilespmem:$0x1B690] =	vst v0;
	v0 =	vimm.s32 $0x1F81  }
0x2d: {  	v0 =	vsel vm0, $0x1802, v0  }
0x2e: {  	[tilespmem:$0x1B6A0] =	vst v0;
	v0 =	vimm.s32 $0x1F82  }
0x2f: {  	v1 =	vimm.s32 $0x1F83;
	v0 =	vsel vm0, $0x1803, v0  }
0x30: {  	[tilespmem:$0x1B6B0] =	vst v0;
	v0 =	vsel vm0, $0x1804, v1  }
0x31: {  	[tilespmem:$0x1B6C0] =	vst v0;
	v0 =	vimm.s32 $0x1F84  }
0x32: {  	v0 =	vsel vm0, $0x1805, v0  }
0x33: {  	[tilespmem:$0x1B6D0] =	vst v0;
	v0 =	vimm.s32 $0x1F85  }
0x34: {  	v1 =	vimm.s32 $0x1F86;
	v0 =	vsel vm0, $0x1806, v0  }
0x35: {  	[tilespmem:$0x1B6E0] =	vst v0;
	v0 =	vsel vm0, $0x1807, v1  }
0x36: {  	[tilespmem:$0x1B6F0] =	vst v0;
	v0 =	vimm.s32 $0x1F87  }
0x37: {  	v0 =	vsel vm0, $0x1808, v0  }
0x38: {  	[tilespmem:$0x1B700] =	vst v0;
	v0 =	vimm.s32 $0x1F88  }
0x39: {  	v1 =	vimm.s32 $0x1F89;
	v0 =	vsel vm0, $0x1809, v0  }
0x3a: {  	[tilespmem:$0x1B710] =	vst v0;
	v0 =	vsel vm0, $0x180A, v1  }
0x3b: {  	[tilespmem:$0x1B720] =	vst v0;
	v0 =	vimm.s32 $0x1F8A  }
0x3c: {  	v0 =	vsel vm0, $0x180B, v0  }
0x3d: {  	[tilespmem:$0x1B730] =	vst v0;
	v0 =	vimm.s32 $0x1F8B  }
0x3e: {  	v1 =	vimm.s32 $0x1F8C;
	v0 =	vsel vm0, $0x180C, v0  }
0x3f: {  	[tilespmem:$0x1B740] =	vst v0;
	v0 =	vsel vm0, $0x180D, v1  }
0x40: {  	[tilespmem:$0x1B750] =	vst v0;
	v0 =	vimm.s32 $0x1F8D  }
0x41: {  	v0 =	vsel vm0, $0x180E, v0  }
0x42: {  	[tilespmem:$0x1B760] =	vst v0;
	v0 =	vimm.s32 $0x1F8E  }
0x43: {  	v1 =	vimm.s32 $0x2780;
	v0 =	vsel vm0, $0x180F, v0  }
0x44: {  	[tilespmem:$0x1B770] =	vst v0;
	v0 =	vsel vm0, $0x2001, v1  }
0x45: {  	[tilespmem:$0x1B780] =	vst v0;
	v0 =	vimm.s32 $0x2781  }
0x46: {  	v0 =	vsel vm0, $0x2002, v0  }
0x47: {  	[tilespmem:$0x1B790] =	vst v0;
	v0 =	vimm.s32 $0x2782  }
0x48: {  	v1 =	vimm.s32 $0x2783;
	v0 =	vsel vm0, $0x2003, v0  }
0x49: {  	[tilespmem:$0x1B7A0] =	vst v0;
	v0 =	vsel vm0, $0x2004, v1  }
0x4a: {  	[tilespmem:$0x1B7B0] =	vst v0;
	v0 =	vimm.s32 $0x2784  }
0x4b: {  	v0 =	vsel vm0, $0x2005, v0  }
0x4c: {  	[tilespmem:$0x1B7C0] =	vst v0;
	v0 =	vimm.s32 $0x2785  }
0x4d: {  	v1 =	vimm.s32 $0x2786;
	v0 =	vsel vm0, $0x2006, v0  }
0x4e: {  	[tilespmem:$0x1B7D0] =	vst v0;
	v0 =	vsel vm0, $0x2007, v1  }
0x4f: {  	[tilespmem:$0x1B7E0] =	vst v0;
	v0 =	vimm.s32 $0x2787  }
0x50: {  	v0 =	vsel vm0, $0x2008, v0  }
0x51: {  	[tilespmem:$0x1B7F0] =	vst v0;
	v0 =	vimm.s32 $0x2788  }
0x52: {  	v1 =	vimm.s32 $0x2789;
	v0 =	vsel vm0, $0x2009, v0  }
0x53: {  	[tilespmem:$0x1B800] =	vst v0;
	v0 =	vsel vm0, $0x200A, v1  }
0x54: {  	[tilespmem:$0x1B810] =	vst v0;
	v0 =	vimm.s32 $0x278A  }
0x55: {  	v0 =	vsel vm0, $0x200B, v0  }
0x56: {  	[tilespmem:$0x1B820] =	vst v0;
	v0 =	vimm.s32 $0x278B  }
0x57: {  	v1 =	vimm.s32 $0x278C;
	v0 =	vsel vm0, $0x200C, v0  }
0x58: {  	[tilespmem:$0x1B830] =	vst v0;
	v0 =	vsel vm0, $0x200D, v1  }
0x59: {  	[tilespmem:$0x1B840] =	vst v0;
	v0 =	vimm.s32 $0x278D  }
0x5a: {  	v0 =	vsel vm0, $0x200E, v0  }
0x5b: {  	[tilespmem:$0x1B850] =	vst v0;
	v0 =	vimm.s32 $0x278E  }
0x5c: {  	v1 =	vimm.s32 $0x2F80;
	v0 =	vsel vm0, $0x200F, v0  }
0x5d: {  	[tilespmem:$0x1B860] =	vst v0;
	v0 =	vsel vm0, $0x2801, v1  }
0x5e: {  	[tilespmem:$0x1B870] =	vst v0;
	v0 =	vimm.s32 $0x2F81  }
0x5f: {  	v0 =	vsel vm0, $0x2802, v0  }
0x60: {  	[tilespmem:$0x1B880] =	vst v0;
	v0 =	vimm.s32 $0x2F82  }
0x61: {  	v1 =	vimm.s32 $0x2F83;
	v0 =	vsel vm0, $0x2803, v0  }
0x62: {  	[tilespmem:$0x1B890] =	vst v0;
	v0 =	vsel vm0, $0x2804, v1  }
0x63: {  	[tilespmem:$0x1B8A0] =	vst v0;
	v0 =	vimm.s32 $0x2F84  }
0x64: {  	v0 =	vsel vm0, $0x2805, v0  }
0x65: {  	[tilespmem:$0x1B8B0] =	vst v0;
	v0 =	vimm.s32 $0x2F85  }
0x66: {  	v1 =	vimm.s32 $0x2F86;
	v0 =	vsel vm0, $0x2806, v0  }
0x67: {  	[tilespmem:$0x1B8C0] =	vst v0;
	v0 =	vsel vm0, $0x2807, v1  }
0x68: {  	[tilespmem:$0x1B8D0] =	vst v0;
	v0 =	vimm.s32 $0x2F87  }
0x69: {  	v0 =	vsel vm0, $0x2808, v0  }
0x6a: {  	[tilespmem:$0x1B8E0] =	vst v0;
	v0 =	vimm.s32 $0x2F88  }
0x6b: {  	v1 =	vimm.s32 $0x2F89;
	v0 =	vsel vm0, $0x2809, v0  }
0x6c: {  	[tilespmem:$0x1B8F0] =	vst v0;
	v0 =	vsel vm0, $0x280A, v1  }
0x6d: {  	[tilespmem:$0x1B900] =	vst v0;
	v0 =	vimm.s32 $0x2F8A  }
0x6e: {  	v0 =	vsel vm0, $0x280B, v0  }
0x6f: {  	[tilespmem:$0x1B910] =	vst v0;
	v0 =	vimm.s32 $0x2F8B  }
0x70: {  	v1 =	vimm.s32 $0x2F8C;
	v0 =	vsel vm0, $0x280C, v0  }
0x71: {  	[tilespmem:$0x1B920] =	vst v0;
	v0 =	vsel vm0, $0x280D, v1  }
0x72: {  	[tilespmem:$0x1B930] =	vst v0;
	v0 =	vimm.s32 $0x2F8D  }
0x73: {  	v0 =	vsel vm0, $0x280E, v0  }
0x74: {  	[tilespmem:$0x1B940] =	vst v0;
	v0 =	vimm.s32 $0x2F8E  }
0x75: {  	v1 =	vimm.s32 $0x3780;
	v0 =	vsel vm0, $0x280F, v0  }
0x76: {  	[tilespmem:$0x1B950] =	vst v0;
	v0 =	vsel vm0, $0x3001, v1  }
0x77: {  	[tilespmem:$0x1B960] =	vst v0;
	v0 =	vimm.s32 $0x3781  }
0x78: {  	v0 =	vsel vm0, $0x3002, v0  }
0x79: {  	[tilespmem:$0x1B970] =	vst v0;
	v0 =	vimm.s32 $0x3782  }
0x7a: {  	v1 =	vimm.s32 $0x3783;
	v0 =	vsel vm0, $0x3003, v0  }
0x7b: {  	[tilespmem:$0x1B980] =	vst v0;
	v0 =	vsel vm0, $0x3004, v1  }
0x7c: {  	[tilespmem:$0x1B990] =	vst v0;
	v0 =	vimm.s32 $0x3784  }
0x7d: {  	v0 =	vsel vm0, $0x3005, v0  }
0x7e: {  	[tilespmem:$0x1B9A0] =	vst v0;
	v0 =	vimm.s32 $0x3785  }
0x7f: {  	v1 =	vimm.s32 $0x3786;
	v0 =	vsel vm0, $0x3006, v0  }
0x80: {  	[tilespmem:$0x1B9B0] =	vst v0;
	v0 =	vsel vm0, $0x3007, v1  }
0x81: {  	[tilespmem:$0x1B9C0] =	vst v0;
	v0 =	vimm.s32 $0x3787  }
0x82: {  	v0 =	vsel vm0, $0x3008, v0  }
0x83: {  	[tilespmem:$0x1B9D0] =	vst v0;
	v0 =	vimm.s32 $0x3788  }
0x84: {  	v1 =	vimm.s32 $0x3789;
	v0 =	vsel vm0, $0x3009, v0  }
0x85: {  	[tilespmem:$0x1B9E0] =	vst v0;
	v0 =	vsel vm0, $0x300A, v1  }
0x86: {  	[tilespmem:$0x1B9F0] =	vst v0;
	v0 =	vimm.s32 $0x378A  }
0x87: {  	v0 =	vsel vm0, $0x300B, v0  }
0x88: {  	[tilespmem:$0x1BA00] =	vst v0;
	v0 =	vimm.s32 $0x378B  }
0x89: {  	v1 =	vimm.s32 $0x378C;
	v0 =	vsel vm0, $0x300C, v0  }
0x8a: {  	[tilespmem:$0x1BA10] =	vst v0;
	v0 =	vsel vm0, $0x300D, v1  }
0x8b: {  	[tilespmem:$0x1BA20] =	vst v0;
	v0 =	vimm.s32 $0x378D  }
0x8c: {  	v0 =	vsel vm0, $0x300E, v0  }
0x8d: {  	[tilespmem:$0x1BA30] =	vst v0;
	v0 =	vimm.s32 $0x378E  }
0x8e: {  	v1 =	vimm.s32 $0x3F80;
	v0 =	vsel vm0, $0x300F, v0  }
0x8f: {  	[tilespmem:$0x1BA40] =	vst v0;
	v0 =	vsel vm0, $0x3801, v1  }
0x90: {  	[tilespmem:$0x1BA50] =	vst v0;
	v0 =	vimm.s32 $0x3F81  }
0x91: {  	v0 =	vsel vm0, $0x3802, v0  }
0x92: {  	[tilespmem:$0x1BA60] =	vst v0;
	v0 =	vimm.s32 $0x3F82  }
0x93: {  	v1 =	vimm.s32 $0x3F83;
	v0 =	vsel vm0, $0x3803, v0  }
0x94: {  	[tilespmem:$0x1BA70] =	vst v0;
	v0 =	vsel vm0, $0x3804, v1  }
0x95: {  	[tilespmem:$0x1BA80] =	vst v0;
	v0 =	vimm.s32 $0x3F84  }
0x96: {  	v0 =	vsel vm0, $0x3805, v0  }
0x97: {  	[tilespmem:$0x1BA90] =	vst v0;
	v0 =	vimm.s32 $0x3F85  }
0x98: {  	v1 =	vimm.s32 $0x3F86;
	v0 =	vsel vm0, $0x3806, v0  }
0x99: {  	[tilespmem:$0x1BAA0] =	vst v0;
	v0 =	vsel vm0, $0x3807, v1  }
0x9a: {  	[tilespmem:$0x1BAB0] =	vst v0;
	v0 =	vimm.s32 $0x3F87  }
0x9b: {  	v0 =	vsel vm0, $0x3808, v0  }
0x9c: {  	[tilespmem:$0x1BAC0] =	vst v0;
	v0 =	vimm.s32 $0x3F88  }
0x9d: {  	v1 =	vimm.s32 $0x3F89;
	v0 =	vsel vm0, $0x3809, v0  }
0x9e: {  	[tilespmem:$0x1BAD0] =	vst v0;
	v0 =	vsel vm0, $0x380A, v1  }
0x9f: {  	[tilespmem:$0x1BAE0] =	vst v0;
	v0 =	vimm.s32 $0x3F8A  }
0xa0: {  	v0 =	vsel vm0, $0x380B, v0  }
0xa1: {  	[tilespmem:$0x1BAF0] =	vst v0;
	v0 =	vimm.s32 $0x3F8B  }
0xa2: {  	v1 =	vimm.s32 $0x3F8C;
	v0 =	vsel vm0, $0x380C, v0  }
0xa3: {  	[tilespmem:$0x1BB00] =	vst v0;
	v0 =	vsel vm0, $0x380D, v1  }
0xa4: {  	[tilespmem:$0x1BB10] =	vst v0;
	v0 =	vld [tilespmem:$0x1B6A0];
	_ =	sdelay $0x3  }
0xa5: {  	vm1 =	vcmask $0x704  }
0xa6: {  	v0 =	vsel vm1, $0x1883, v0  }
0xa7: {  	[tilespmem:$0x1BB20] =	vst v0;
	v0 =	vld [tilespmem:$0x1B6B0];
	_ =	sdelay $0x4  }
0xa8: {  	v0 =	vsel vm1, $0x1884, v0  }
0xa9: {  	[tilespmem:$0x1BB30] =	vst v0;
	v0 =	vld [tilespmem:$0x1B6C0];
	_ =	sdelay $0x4  }
0xaa: {  	v0 =	vsel vm1, $0x1885, v0  }
0xab: {  	[tilespmem:$0x1BB40] =	vst v0;
	v0 =	vld [tilespmem:$0x1B6D0];
	_ =	sdelay $0x4  }
0xac: {  	v0 =	vsel vm1, $0x1886, v0  }
0xad: {  	[tilespmem:$0x1BB50] =	vst v0;
	v0 =	vld [tilespmem:$0x1B6E0];
	_ =	sdelay $0x4  }
0xae: {  	v0 =	vsel vm1, $0x1887, v0  }
0xaf: {  	[tilespmem:$0x1BB60] =	vst v0;
	v0 =	vld [tilespmem:$0x1B6F0];
	_ =	sdelay $0x4  }
0xb0: {  	v0 =	vsel vm1, $0x1888, v0  }
0xb1: {  	[tilespmem:$0x1BB70] =	vst v0;
	v0 =	vld [tilespmem:$0x1B700];
	_ =	sdelay $0x4  }
0xb2: {  	v0 =	vsel vm1, $0x1889, v0  }
0xb3: {  	[tilespmem:$0x1BB80] =	vst v0;
	v0 =	vld [tilespmem:$0x1B710];
	_ =	sdelay $0x4  }
0xb4: {  	v0 =	vsel vm1, $0x188A, v0  }
0xb5: {  	[tilespmem:$0x1BB90] =	vst v0;
	v0 =	vld [tilespmem:$0x1B720];
	_ =	sdelay $0x4  }
0xb6: {  	v0 =	vsel vm1, $0x188B, v0  }
0xb7: {  	[tilespmem:$0x1BBA0] =	vst v0;
	v0 =	vld [tilespmem:$0x1B730];
	_ =	sdelay $0x4  }
0xb8: {  	v0 =	vsel vm1, $0x188C, v0  }
0xb9: {  	[tilespmem:$0x1BBB0] =	vst v0;
	v0 =	vld [tilespmem:$0x1B740];
	_ =	sdelay $0x4  }
0xba: {  	v0 =	vsel vm1, $0x188D, v0  }
0xbb: {  	[tilespmem:$0x1BBC0] =	vst v0;
	v0 =	vld [tilespmem:$0x1B750];
	_ =	sdelay $0x4  }
0xbc: {  	v0 =	vsel vm1, $0x188E, v0  }
0xbd: {  	[tilespmem:$0x1BBD0] =	vst v0;
	v0 =	vld [tilespmem:$0x1B760];
	_ =	sdelay $0x4  }
0xbe: {  	v0 =	vsel vm1, $0x188F, v0  }
0xbf: {  	[tilespmem:$0x1BBE0] =	vst v0;
	v0 =	vld [tilespmem:$0x1B770];
	_ =	sdelay $0x4  }
0xc0: {  	v0 =	vsel vm1, $0x1880, v0  }
0xc1: {  	[tilespmem:$0x1BBF0] =	vst v0;
	v0 =	vld [tilespmem:$0x1B780];
	_ =	sdelay $0x4  }
0xc2: {  	v0 =	vsel vm1, $0x2082, v0  }
0xc3: {  	[tilespmem:$0x1BC00] =	vst v0;
	v0 =	vld [tilespmem:$0x1B790];
	_ =	sdelay $0x4  }
0xc4: {  	v0 =	vsel vm1, $0x2083, v0  }
0xc5: {  	[tilespmem:$0x1BC10] =	vst v0;
	v0 =	vld [tilespmem:$0x1B7A0];
	_ =	sdelay $0x4  }
0xc6: {  	v0 =	vsel vm1, $0x2084, v0  }
0xc7: {  	[tilespmem:$0x1BC20] =	vst v0;
	v0 =	vld [tilespmem:$0x1B7B0];
	_ =	sdelay $0x4  }
0xc8: {  	v0 =	vsel vm1, $0x2085, v0  }
0xc9: {  	[tilespmem:$0x1BC30] =	vst v0;
	v0 =	vld [tilespmem:$0x1B7C0];
	_ =	sdelay $0x4  }
0xca: {  	v0 =	vsel vm1, $0x2086, v0  }
0xcb: {  	[tilespmem:$0x1BC40] =	vst v0;
	v0 =	vld [tilespmem:$0x1B7D0];
	_ =	sdelay $0x4  }
0xcc: {  	v0 =	vsel vm1, $0x2087, v0  }
0xcd: {  	[tilespmem:$0x1BC50] =	vst v0;
	v0 =	vld [tilespmem:$0x1B7E0];
	_ =	sdelay $0x4  }
0xce: {  	v0 =	vsel vm1, $0x2088, v0  }
0xcf: {  	[tilespmem:$0x1BC60] =	vst v0;
	v0 =	vld [tilespmem:$0x1B7F0];
	_ =	sdelay $0x4  }
0xd0: {  	v0 =	vsel vm1, $0x2089, v0  }
0xd1: {  	[tilespmem:$0x1BC70] =	vst v0;
	v0 =	vld [tilespmem:$0x1B800];
	_ =	sdelay $0x4  }
0xd2: {  	v0 =	vsel vm1, $0x208A, v0  }
0xd3: {  	[tilespmem:$0x1BC80] =	vst v0;
	v0 =	vld [tilespmem:$0x1B810];
	_ =	sdelay $0x4  }
0xd4: {  	v0 =	vsel vm1, $0x208B, v0  }
0xd5: {  	[tilespmem:$0x1BC90] =	vst v0;
	v0 =	vld [tilespmem:$0x1B820];
	_ =	sdelay $0x4  }
0xd6: {  	v0 =	vsel vm1, $0x208C, v0  }
0xd7: {  	[tilespmem:$0x1BCA0] =	vst v0;
	v0 =	vld [tilespmem:$0x1B830];
	_ =	sdelay $0x4  }
0xd8: {  	v0 =	vsel vm1, $0x208D, v0  }
0xd9: {  	[tilespmem:$0x1BCB0] =	vst v0;
	v0 =	vld [tilespmem:$0x1B840];
	_ =	sdelay $0x4  }
0xda: {  	v0 =	vsel vm1, $0x208E, v0  }
0xdb: {  	[tilespmem:$0x1BCC0] =	vst v0;
	v0 =	vld [tilespmem:$0x1B850];
	_ =	sdelay $0x4  }
0xdc: {  	v0 =	vsel vm1, $0x208F, v0  }
0xdd: {  	[tilespmem:$0x1BCD0] =	vst v0;
	v0 =	vld [tilespmem:$0x1B860];
	_ =	sdelay $0x4  }
0xde: {  	v0 =	vsel vm1, $0x2080, v0  }
0xdf: {  	[tilespmem:$0x1BCE0] =	vst v0;
	v0 =	vld [tilespmem:$0x1B870];
	_ =	sdelay $0x4  }
0xe0: {  	v0 =	vsel vm1, $0x2882, v0  }
0xe1: {  	[tilespmem:$0x1BCF0] =	vst v0;
	v0 =	vld [tilespmem:$0x1B880];
	_ =	sdelay $0x4  }
0xe2: {  	v0 =	vsel vm1, $0x2883, v0  }
0xe3: {  	[tilespmem:$0x1BD00] =	vst v0;
	v0 =	vld [tilespmem:$0x1B890];
	_ =	sdelay $0x4  }
0xe4: {  	v0 =	vsel vm1, $0x2884, v0  }
0xe5: {  	[tilespmem:$0x1BD10] =	vst v0;
	v0 =	vld [tilespmem:$0x1B8A0];
	_ =	sdelay $0x4  }
0xe6: {  	v0 =	vsel vm1, $0x2885, v0  }
0xe7: {  	[tilespmem:$0x1BD20] =	vst v0;
	v0 =	vld [tilespmem:$0x1B8B0];
	_ =	sdelay $0x4  }
0xe8: {  	v0 =	vsel vm1, $0x2886, v0  }
0xe9: {  	[tilespmem:$0x1BD30] =	vst v0;
	v0 =	vld [tilespmem:$0x1B8C0];
	_ =	sdelay $0x4  }
0xea: {  	v0 =	vsel vm1, $0x2887, v0  }
0xeb: {  	[tilespmem:$0x1BD40] =	vst v0;
	v0 =	vld [tilespmem:$0x1B8D0];
	_ =	sdelay $0x4  }
0xec: {  	v0 =	vsel vm1, $0x2888, v0  }
0xed: {  	[tilespmem:$0x1BD50] =	vst v0;
	v0 =	vld [tilespmem:$0x1B8E0];
	_ =	sdelay $0x4  }
0xee: {  	v0 =	vsel vm1, $0x2889, v0  }
0xef: {  	[tilespmem:$0x1BD60] =	vst v0;
	v0 =	vld [tilespmem:$0x1B8F0];
	_ =	sdelay $0x4  }
0xf0: {  	v0 =	vsel vm1, $0x288A, v0  }
0xf1: {  	[tilespmem:$0x1BD70] =	vst v0;
	v0 =	vld [tilespmem:$0x1B900];
	_ =	sdelay $0x4  }
0xf2: {  	v0 =	vsel vm1, $0x288B, v0  }
0xf3: {  	[tilespmem:$0x1BD80] =	vst v0;
	v0 =	vld [tilespmem:$0x1B910];
	_ =	sdelay $0x4  }
0xf4: {  	v0 =	vsel vm1, $0x288C, v0  }
0xf5: {  	[tilespmem:$0x1BD90] =	vst v0;
	v0 =	vld [tilespmem:$0x1B920];
	_ =	sdelay $0x4  }
0xf6: {  	v0 =	vsel vm1, $0x288D, v0  }
0xf7: {  	[tilespmem:$0x1BDA0] =	vst v0;
	v0 =	vld [tilespmem:$0x1B930];
	_ =	sdelay $0x4  }
0xf8: {  	v0 =	vsel vm1, $0x288E, v0  }
0xf9: {  	[tilespmem:$0x1BDB0] =	vst v0;
	v0 =	vld [tilespmem:$0x1B940];
	_ =	sdelay $0x4  }
0xfa: {  	v0 =	vsel vm1, $0x288F, v0  }
0xfb: {  	[tilespmem:$0x1BDC0] =	vst v0;
	v0 =	vld [tilespmem:$0x1B950];
	_ =	sdelay $0x4  }
0xfc: {  	v0 =	vsel vm1, $0x2880, v0  }
0xfd: {  	[tilespmem:$0x1BDD0] =	vst v0;
	v0 =	vld [tilespmem:$0x1B960];
	_ =	sdelay $0x4  }
0xfe: {  	v0 =	vsel vm1, $0x3082, v0  }
0xff: {  	[tilespmem:$0x1BDE0] =	vst v0;
	v0 =	vld [tilespmem:$0x1B970];
	_ =	sdelay $0x4  }
0x100: {  	v0 =	vsel vm1, $0x3083, v0  }
0x101: {  	[tilespmem:$0x1BDF0] =	vst v0;
	v0 =	vld [tilespmem:$0x1B980];
	_ =	sdelay $0x4  }
0x102: {  	v0 =	vsel vm1, $0x3084, v0  }
0x103: {  	[tilespmem:$0x1BE00] =	vst v0;
	v0 =	vld [tilespmem:$0x1B990];
	_ =	sdelay $0x4  }
0x104: {  	v0 =	vsel vm1, $0x3085, v0  }
0x105: {  	[tilespmem:$0x1BE10] =	vst v0;
	v0 =	vld [tilespmem:$0x1B9A0];
	_ =	sdelay $0x4  }
0x106: {  	v0 =	vsel vm1, $0x3086, v0  }
0x107: {  	[tilespmem:$0x1BE20] =	vst v0;
	v0 =	vld [tilespmem:$0x1B9B0];
	_ =	sdelay $0x4  }
0x108: {  	v0 =	vsel vm1, $0x3087, v0  }
0x109: {  	[tilespmem:$0x1BE30] =	vst v0;
	v0 =	vld [tilespmem:$0x1B9C0];
	_ =	sdelay $0x4  }
0x10a: {  	v0 =	vsel vm1, $0x3088, v0  }
0x10b: {  	[tilespmem:$0x1BE40] =	vst v0;
	v0 =	vld [tilespmem:$0x1B9D0];
	_ =	sdelay $0x4  }
0x10c: {  	v0 =	vsel vm1, $0x3089, v0  }
0x10d: {  	[tilespmem:$0x1BE50] =	vst v0;
	v0 =	vld [tilespmem:$0x1B9E0];
	_ =	sdelay $0x4  }
0x10e: {  	v0 =	vsel vm1, $0x308A, v0  }
0x10f: {  	[tilespmem:$0x1BE60] =	vst v0;
	v0 =	vld [tilespmem:$0x1B9F0];
	_ =	sdelay $0x4  }
0x110: {  	v0 =	vsel vm1, $0x308B, v0  }
0x111: {  	[tilespmem:$0x1BE70] =	vst v0;
	v0 =	vld [tilespmem:$0x1BA00];
	_ =	sdelay $0x4  }
0x112: {  	v0 =	vsel vm1, $0x308C, v0  }
0x113: {  	[tilespmem:$0x1BE80] =	vst v0;
	v0 =	vld [tilespmem:$0x1BA10];
	_ =	sdelay $0x4  }
0x114: {  	v0 =	vsel vm1, $0x308D, v0  }
0x115: {  	[tilespmem:$0x1BE90] =	vst v0;
	v0 =	vld [tilespmem:$0x1BA20];
	_ =	sdelay $0x4  }
0x116: {  	v0 =	vsel vm1, $0x308E, v0  }
0x117: {  	[tilespmem:$0x1BEA0] =	vst v0;
	v0 =	vld [tilespmem:$0x1BA30];
	_ =	sdelay $0x4  }
0x118: {  	v0 =	vsel vm1, $0x308F, v0  }
0x119: {  	[tilespmem:$0x1BEB0] =	vst v0;
	v0 =	vld [tilespmem:$0x1BA40];
	_ =	sdelay $0x4  }
0x11a: {  	v0 =	vsel vm1, $0x3080, v0  }
0x11b: {  	[tilespmem:$0x1BEC0] =	vst v0;
	v0 =	vld [tilespmem:$0x1BA50];
	_ =	sdelay $0x4  }
0x11c: {  	v0 =	vsel vm1, $0x3882, v0  }
0x11d: {  	[tilespmem:$0x1BED0] =	vst v0;
	v0 =	vld [tilespmem:$0x1BA60];
	_ =	sdelay $0x4  }
0x11e: {  	v0 =	vsel vm1, $0x3883, v0  }
0x11f: {  	[tilespmem:$0x1BEE0] =	vst v0;
	v0 =	vld [tilespmem:$0x1BA70];
	_ =	sdelay $0x4  }
0x120: {  	v0 =	vsel vm1, $0x3884, v0  }
0x121: {  	[tilespmem:$0x1BEF0] =	vst v0;
	v0 =	vld [tilespmem:$0x1BA80];
	_ =	sdelay $0x4  }
0x122: {  	v0 =	vsel vm1, $0x3885, v0  }
0x123: {  	[tilespmem:$0x1BF00] =	vst v0;
	v0 =	vld [tilespmem:$0x1BA90];
	_ =	sdelay $0x4  }
0x124: {  	v0 =	vsel vm1, $0x3886, v0  }
0x125: {  	[tilespmem:$0x1BF10] =	vst v0;
	v0 =	vld [tilespmem:$0x1BAA0];
	_ =	sdelay $0x4  }
0x126: {  	v0 =	vsel vm1, $0x3887, v0  }
0x127: {  	[tilespmem:$0x1BF20] =	vst v0;
	v0 =	vld [tilespmem:$0x1BAB0];
	_ =	sdelay $0x4  }
0x128: {  	v0 =	vsel vm1, $0x3888, v0  }
0x129: {  	[tilespmem:$0x1BF30] =	vst v0;
	v0 =	vld [tilespmem:$0x1BAC0];
	_ =	sdelay $0x4  }
0x12a: {  	v0 =	vsel vm1, $0x3889, v0  }
0x12b: {  	[tilespmem:$0x1BF40] =	vst v0;
	v0 =	vld [tilespmem:$0x1BAD0];
	_ =	sdelay $0x4  }
0x12c: {  	v0 =	vsel vm1, $0x388A, v0  }
0x12d: {  	[tilespmem:$0x1BF50] =	vst v0;
	v0 =	vld [tilespmem:$0x1BAE0];
	_ =	sdelay $0x4  }
0x12e: {  	v0 =	vsel vm1, $0x388B, v0  }
0x12f: {  	[tilespmem:$0x1BF60] =	vst v0;
	v0 =	vld [tilespmem:$0x1BAF0];
	_ =	sdelay $0x4  }
0x130: {  	v0 =	vsel vm1, $0x388C, v0  }
0x131: {  	[tilespmem:$0x1BF70] =	vst v0;
	v0 =	vld [tilespmem:$0x1BB00];
	_ =	sdelay $0x4  }
0x132: {  	v0 =	vsel vm1, $0x388D, v0  }
0x133: {  	[tilespmem:$0x1BF80] =	vst v0;
	v0 =	vld [tilespmem:$0x1BB10];
	_ =	sdelay $0x3  }
0x134: {  	v2 =	vimm.s32 $0x3F8E;
	vm15 =	vcmask $0xB08;
	v1 =	vimm.s32 $0x3F8D  }
0x135: {  	v3 =	vsel vm0, $0x380F, v2;
	v1 =	vsel vm0, $0x380E, v1;
	v0 =	vsel vm1, $0x388E, v0  }
0x136: {  	v4 =	vsel vm1, $0x0, v4;
	v2 =	vsel vm1, $0x700, v6;
	[tilespmem:$0x1BF90] =	vst v0;
	v0 =	vsel vm1, $0x388F, v1  }
0x137: {  	v1 =	vsel vm1, $0x3880, v3;
	v3 =	vsel vm15, $0x80, v4;
	v4 =	vsel vm15, $0x780, v2;
	v2 =	vld [tilespmem:$0x1BB20];
	_ =	sdelay $0x4  }
0x138: {  	v2 =	vsel vm15, $0x1904, v2  }
0x139: {  	[tilespmem:$0x1BFB0] =	vst v2;
	v2 =	vld [tilespmem:$0x1BB30];
	_ =	sdelay $0x4  }
0x13a: {  	v2 =	vsel vm15, $0x1905, v2  }
0x13b: {  	[tilespmem:$0x1BFC0] =	vst v2;
	v2 =	vld [tilespmem:$0x1BB40];
	_ =	sdelay $0x4  }
0x13c: {  	v2 =	vsel vm15, $0x1906, v2  }
0x13d: {  	[tilespmem:$0x1BFD0] =	vst v2;
	v2 =	vld [tilespmem:$0x1BB50];
	_ =	sdelay $0x4  }
0x13e: {  	v2 =	vsel vm15, $0x1907, v2  }
0x13f: {  	[tilespmem:$0x1BFE0] =	vst v2;
	v2 =	vld [tilespmem:$0x1BB60];
	_ =	sdelay $0x4  }
0x140: {  	v2 =	vsel vm15, $0x1908, v2  }
0x141: {  	[tilespmem:$0x1BFF0] =	vst v2;
	v2 =	vld [tilespmem:$0x1BB70];
	_ =	sdelay $0x3  }
0x142: {  	v48 =	vsel vm1, $0x780, v5  }
0x143: {  	v5 =	vsel vm1, $0x680, v7;
	v6 =	vsel vm1, $0x600, v8;
	v2 =	vsel vm15, $0x1909, v2  }
0x144: {  	v8 =	vsel vm1, $0x500, v10;
	v7 =	vsel vm1, $0x580, v9;
	v9 =	vsel vm1, $0x480, v11;
	[tilespmem:$0x1C000] =	vst v2;
	v2 =	vld [tilespmem:$0x1BB80]  }
0x145: {  	v11 =	vsel vm1, $0x380, v13;
	v10 =	vsel vm1, $0x400, v12;
	v12 =	vsel vm1, $0x300, v14  }
0x146: {  	v14 =	vsel vm1, $0x200, v16;
	v13 =	vsel vm1, $0x280, v15;
	v15 =	vsel vm1, $0x180, v17  }
0x147: {  	v17 =	vsel vm1, $0x82, v19;
	v16 =	vsel vm1, $0x100, v18;
	v18 =	vsel vm1, $0x83, v20  }
0x148: {  	v20 =	vsel vm1, $0x85, v22;
	v19 =	vsel vm1, $0x84, v21;
	v21 =	vsel vm1, $0x86, v23  }
0x149: {  	v23 =	vsel vm1, $0x88, v25;
	v22 =	vsel vm1, $0x87, v24;
	v2 =	vsel vm15, $0x190A, v2  }
0x14a: {  	v24 =	vsel vm1, $0x89, v26;
	v26 =	vsel vm1, $0x8B, v28;
	v25 =	vsel vm1, $0x8A, v27;
	[tilespmem:$0x1C010] =	vst v2;
	v2 =	vld [tilespmem:$0x1BB90]  }
0x14b: {  	v27 =	vsel vm1, $0x8C, v29;
	v29 =	vsel vm1, $0x8E, v31;
	v28 =	vsel vm1, $0x8D, v30  }
0x14c: {  	v30 =	vsel vm1, $0x8F, v32;
	v32 =	vsel vm1, $0x882, v34;
	v31 =	vsel vm1, $0x80, v33  }
0x14d: {  	v33 =	vsel vm1, $0x883, v35;
	v35 =	vsel vm1, $0x885, v37;
	v34 =	vsel vm1, $0x884, v36  }
0x14e: {  	v36 =	vsel vm1, $0x886, v38;
	v38 =	vsel vm1, $0x888, v40;
	v37 =	vsel vm1, $0x887, v39  }
0x14f: {  	v39 =	vsel vm1, $0x889, v41;
	v41 =	vsel vm1, $0x88B, v43;
	v2 =	vsel vm15, $0x190B, v2  }
0x150: {  	v40 =	vsel vm1, $0x88A, v42;
	v42 =	vsel vm1, $0x88C, v44;
	v44 =	vsel vm1, $0x88E, v46;
	[tilespmem:$0x1C020] =	vst v2;
	v2 =	vld [tilespmem:$0x1BBA0]  }
0x151: {  	v43 =	vsel vm1, $0x88D, v45;
	v45 =	vsel vm1, $0x88F, v47;
	v47 =	vsel vm1, $0x1082, v50  }
0x152: {  	v46 =	vsel vm1, $0x880, v49;
	v49 =	vsel vm1, $0x1083, v51;
	v51 =	vsel vm1, $0x1085, v53  }
0x153: {  	v50 =	vsel vm1, $0x1084, v52;
	v52 =	vsel vm1, $0x1086, v54;
	v54 =	vsel vm1, $0x1088, v56  }
0x154: {  	v53 =	vsel vm1, $0x1087, v55;
	v55 =	vsel vm1, $0x1089, v57;
	v56 =	vsel vm1, $0x108A, v58  }
0x155: {  	v58 =	vsel vm1, $0x108C, v60;
	v60 =	vsel vm1, $0x108E, v62;
	v62 =	vld [tilespmem:$0x1B680];
	[tilespmem:$0x1BFA0] =	vst v3;
	v2 =	vsel vm15, $0x190C, v2  }
0x156: {  	v57 =	vsel vm1, $0x108B, v59;
	v59 =	vsel vm1, $0x108D, v61;
	v61 =	vsel vm1, $0x108F, v63;
	v63 =	vld [tilespmem:$0x1B690];
	[tilespmem:$0x1C030] =	vst v2  }
0x157: {  	v2 =	vld [tilespmem:$0x1BBB0];
	_ =	sdelay $0x4  }
0x158: {  	v2 =	vsel vm15, $0x190D, v2  }
0x159: {  	[tilespmem:$0x1C040] =	vst v2;
	v2 =	vld [tilespmem:$0x1BBC0];
	_ =	sdelay $0x4  }
0x15a: {  	v2 =	vsel vm15, $0x190E, v2  }
0x15b: {  	[tilespmem:$0x1C050] =	vst v2;
	v2 =	vld [tilespmem:$0x1BBD0];
	_ =	sdelay $0x4  }
0x15c: {  	v2 =	vsel vm15, $0x190F, v2  }
0x15d: {  	[tilespmem:$0x1C060] =	vst v2;
	v2 =	vld [tilespmem:$0x1BBE0];
	_ =	sdelay $0x4  }
0x15e: {  	v2 =	vsel vm15, $0x1900, v2  }
0x15f: {  	[tilespmem:$0x1C070] =	vst v2;
	v2 =	vld [tilespmem:$0x1BBF0];
	_ =	sdelay $0x4  }
0x160: {  	v2 =	vsel vm15, $0x1901, v2  }
0x161: {  	[tilespmem:$0x1C080] =	vst v2;
	v2 =	vld [tilespmem:$0x1BC00];
	_ =	sdelay $0x4  }
0x162: {  	v2 =	vsel vm15, $0x2103, v2  }
0x163: {  	[tilespmem:$0x1C090] =	vst v2;
	v2 =	vld [tilespmem:$0x1BC10];
	_ =	sdelay $0x4  }
0x164: {  	v2 =	vsel vm15, $0x2104, v2  }
0x165: {  	[tilespmem:$0x1C0A0] =	vst v2;
	v2 =	vld [tilespmem:$0x1BC20];
	_ =	sdelay $0x4  }
0x166: {  	v2 =	vsel vm15, $0x2105, v2  }
0x167: {  	[tilespmem:$0x1C0B0] =	vst v2;
	v2 =	vld [tilespmem:$0x1BC30];
	_ =	sdelay $0x4  }
0x168: {  	v2 =	vsel vm15, $0x2106, v2  }
0x169: {  	[tilespmem:$0x1C0C0] =	vst v2;
	v2 =	vld [tilespmem:$0x1BC40];
	_ =	sdelay $0x4  }
0x16a: {  	v2 =	vsel vm15, $0x2107, v2  }
0x16b: {  	[tilespmem:$0x1C0D0] =	vst v2;
	v2 =	vld [tilespmem:$0x1BC50];
	_ =	sdelay $0x4  }
0x16c: {  	v2 =	vsel vm15, $0x2108, v2  }
0x16d: {  	[tilespmem:$0x1C0E0] =	vst v2;
	v2 =	vld [tilespmem:$0x1BC60];
	_ =	sdelay $0x4  }
0x16e: {  	v2 =	vsel vm15, $0x2109, v2  }
0x16f: {  	[tilespmem:$0x1C0F0] =	vst v2;
	v2 =	vld [tilespmem:$0x1BC70];
	_ =	sdelay $0x4  }
0x170: {  	v2 =	vsel vm15, $0x210A, v2  }
0x171: {  	[tilespmem:$0x1C100] =	vst v2;
	v2 =	vld [tilespmem:$0x1BC80];
	_ =	sdelay $0x4  }
0x172: {  	v2 =	vsel vm15, $0x210B, v2  }
0x173: {  	[tilespmem:$0x1C110] =	vst v2;
	v2 =	vld [tilespmem:$0x1BC90];
	_ =	sdelay $0x4  }
0x174: {  	v2 =	vsel vm15, $0x210C, v2  }
0x175: {  	[tilespmem:$0x1C120] =	vst v2;
	v2 =	vld [tilespmem:$0x1BCA0];
	_ =	sdelay $0x4  }
0x176: {  	v2 =	vsel vm15, $0x210D, v2  }
0x177: {  	[tilespmem:$0x1C130] =	vst v2;
	v2 =	vld [tilespmem:$0x1BCB0];
	_ =	sdelay $0x4  }
0x178: {  	v2 =	vsel vm15, $0x210E, v2  }
0x179: {  	[tilespmem:$0x1C140] =	vst v2;
	v2 =	vld [tilespmem:$0x1BCC0];
	_ =	sdelay $0x4  }
0x17a: {  	v2 =	vsel vm15, $0x210F, v2  }
0x17b: {  	[tilespmem:$0x1C150] =	vst v2;
	v2 =	vld [tilespmem:$0x1BCD0];
	_ =	sdelay $0x4  }
0x17c: {  	v2 =	vsel vm15, $0x2100, v2  }
0x17d: {  	[tilespmem:$0x1C160] =	vst v2;
	v2 =	vld [tilespmem:$0x1BCE0];
	_ =	sdelay $0x4  }
0x17e: {  	v2 =	vsel vm15, $0x2101, v2  }
0x17f: {  	[tilespmem:$0x1C170] =	vst v2;
	v2 =	vld [tilespmem:$0x1BCF0];
	_ =	sdelay $0x4  }
0x180: {  	v2 =	vsel vm15, $0x2903, v2  }
0x181: {  	[tilespmem:$0x1C180] =	vst v2;
	v2 =	vld [tilespmem:$0x1BD00];
	_ =	sdelay $0x4  }
0x182: {  	v2 =	vsel vm15, $0x2904, v2  }
0x183: {  	[tilespmem:$0x1C190] =	vst v2;
	v2 =	vld [tilespmem:$0x1BD10];
	_ =	sdelay $0x4  }
0x184: {  	v2 =	vsel vm15, $0x2905, v2  }
0x185: {  	[tilespmem:$0x1C1A0] =	vst v2;
	v2 =	vld [tilespmem:$0x1BD20];
	_ =	sdelay $0x4  }
0x186: {  	v2 =	vsel vm15, $0x2906, v2  }
0x187: {  	[tilespmem:$0x1C1B0] =	vst v2;
	v2 =	vld [tilespmem:$0x1BD30];
	_ =	sdelay $0x4  }
0x188: {  	v2 =	vsel vm15, $0x2907, v2  }
0x189: {  	[tilespmem:$0x1C1C0] =	vst v2;
	v2 =	vld [tilespmem:$0x1BD40];
	_ =	sdelay $0x4  }
0x18a: {  	v2 =	vsel vm15, $0x2908, v2  }
0x18b: {  	[tilespmem:$0x1C1D0] =	vst v2;
	v2 =	vld [tilespmem:$0x1BD50];
	_ =	sdelay $0x4  }
0x18c: {  	v2 =	vsel vm15, $0x2909, v2  }
0x18d: {  	[tilespmem:$0x1C1E0] =	vst v2;
	v2 =	vld [tilespmem:$0x1BD60];
	_ =	sdelay $0x4  }
0x18e: {  	v2 =	vsel vm15, $0x290A, v2  }
0x18f: {  	[tilespmem:$0x1C1F0] =	vst v2;
	v2 =	vld [tilespmem:$0x1BD70];
	_ =	sdelay $0x4  }
0x190: {  	v2 =	vsel vm15, $0x290B, v2  }
0x191: {  	[tilespmem:$0x1C200] =	vst v2;
	v2 =	vld [tilespmem:$0x1BD80];
	_ =	sdelay $0x4  }
0x192: {  	v2 =	vsel vm15, $0x290C, v2  }
0x193: {  	[tilespmem:$0x1C210] =	vst v2;
	v2 =	vld [tilespmem:$0x1BD90];
	_ =	sdelay $0x4  }
0x194: {  	v2 =	vsel vm15, $0x290D, v2  }
0x195: {  	[tilespmem:$0x1C220] =	vst v2;
	v2 =	vld [tilespmem:$0x1BDA0];
	_ =	sdelay $0x4  }
0x196: {  	v2 =	vsel vm15, $0x290E, v2  }
0x197: {  	[tilespmem:$0x1C230] =	vst v2;
	v2 =	vld [tilespmem:$0x1BDB0];
	_ =	sdelay $0x4  }
0x198: {  	v2 =	vsel vm15, $0x290F, v2  }
0x199: {  	[tilespmem:$0x1C240] =	vst v2;
	v2 =	vld [tilespmem:$0x1BDC0];
	_ =	sdelay $0x4  }
0x19a: {  	v2 =	vsel vm15, $0x2900, v2  }
0x19b: {  	[tilespmem:$0x1C250] =	vst v2;
	v2 =	vld [tilespmem:$0x1BDD0];
	_ =	sdelay $0x4  }
0x19c: {  	v2 =	vsel vm15, $0x2901, v2  }
0x19d: {  	[tilespmem:$0x1C260] =	vst v2;
	v2 =	vld [tilespmem:$0x1BDE0];
	_ =	sdelay $0x4  }
0x19e: {  	v2 =	vsel vm15, $0x3103, v2  }
0x19f: {  	[tilespmem:$0x1C270] =	vst v2;
	v2 =	vld [tilespmem:$0x1BDF0];
	_ =	sdelay $0x4  }
0x1a0: {  	v2 =	vsel vm15, $0x3104, v2  }
0x1a1: {  	[tilespmem:$0x1C280] =	vst v2;
	v2 =	vld [tilespmem:$0x1BE00];
	_ =	sdelay $0x4  }
0x1a2: {  	v2 =	vsel vm15, $0x3105, v2  }
0x1a3: {  	[tilespmem:$0x1C290] =	vst v2;
	v2 =	vld [tilespmem:$0x1BE10];
	_ =	sdelay $0x4  }
0x1a4: {  	v2 =	vsel vm15, $0x3106, v2  }
0x1a5: {  	[tilespmem:$0x1C2A0] =	vst v2;
	v2 =	vld [tilespmem:$0x1BE20];
	_ =	sdelay $0x4  }
0x1a6: {  	v2 =	vsel vm15, $0x3107, v2  }
0x1a7: {  	[tilespmem:$0x1C2B0] =	vst v2;
	v2 =	vld [tilespmem:$0x1BE30];
	_ =	sdelay $0x4  }
0x1a8: {  	v2 =	vsel vm15, $0x3108, v2  }
0x1a9: {  	[tilespmem:$0x1C2C0] =	vst v2;
	v2 =	vld [tilespmem:$0x1BE40];
	_ =	sdelay $0x4  }
0x1aa: {  	v2 =	vsel vm15, $0x3109, v2  }
0x1ab: {  	[tilespmem:$0x1C2D0] =	vst v2;
	v2 =	vld [tilespmem:$0x1BE50];
	_ =	sdelay $0x4  }
0x1ac: {  	v2 =	vsel vm15, $0x310A, v2  }
0x1ad: {  	[tilespmem:$0x1C2E0] =	vst v2;
	v2 =	vld [tilespmem:$0x1BE60];
	_ =	sdelay $0x4  }
0x1ae: {  	v2 =	vsel vm15, $0x310B, v2  }
0x1af: {  	[tilespmem:$0x1C2F0] =	vst v2;
	v2 =	vld [tilespmem:$0x1BE70];
	_ =	sdelay $0x4  }
0x1b0: {  	v2 =	vsel vm15, $0x310C, v2  }
0x1b1: {  	[tilespmem:$0x1C300] =	vst v2;
	v2 =	vld [tilespmem:$0x1BE80];
	_ =	sdelay $0x4  }
0x1b2: {  	v2 =	vsel vm15, $0x310D, v2  }
0x1b3: {  	[tilespmem:$0x1C310] =	vst v2;
	v2 =	vld [tilespmem:$0x1BE90];
	_ =	sdelay $0x4  }
0x1b4: {  	v2 =	vsel vm15, $0x310E, v2  }
0x1b5: {  	[tilespmem:$0x1C320] =	vst v2;
	v2 =	vld [tilespmem:$0x1BEA0];
	_ =	sdelay $0x4  }
0x1b6: {  	v2 =	vsel vm15, $0x310F, v2  }
0x1b7: {  	[tilespmem:$0x1C330] =	vst v2;
	v2 =	vld [tilespmem:$0x1BEB0];
	_ =	sdelay $0x4  }
0x1b8: {  	v2 =	vsel vm15, $0x3100, v2  }
0x1b9: {  	[tilespmem:$0x1C340] =	vst v2;
	v2 =	vld [tilespmem:$0x1BEC0];
	_ =	sdelay $0x4  }
0x1ba: {  	v2 =	vsel vm15, $0x3101, v2  }
0x1bb: {  	[tilespmem:$0x1C350] =	vst v2;
	v2 =	vld [tilespmem:$0x1BED0];
	_ =	sdelay $0x4  }
0x1bc: {  	v2 =	vsel vm15, $0x3903, v2  }
0x1bd: {  	[tilespmem:$0x1C360] =	vst v2;
	v2 =	vld [tilespmem:$0x1BEE0];
	_ =	sdelay $0x4  }
0x1be: {  	v2 =	vsel vm15, $0x3904, v2  }
0x1bf: {  	[tilespmem:$0x1C370] =	vst v2;
	v2 =	vld [tilespmem:$0x1BEF0];
	_ =	sdelay $0x4  }
0x1c0: {  	v2 =	vsel vm15, $0x3905, v2  }
0x1c1: {  	[tilespmem:$0x1C380] =	vst v2;
	v2 =	vld [tilespmem:$0x1BF00];
	_ =	sdelay $0x4  }
0x1c2: {  	v2 =	vsel vm15, $0x3906, v2  }
0x1c3: {  	[tilespmem:$0x1C390] =	vst v2;
	v2 =	vld [tilespmem:$0x1BF10];
	_ =	sdelay $0x4  }
0x1c4: {  	v2 =	vsel vm15, $0x3907, v2  }
0x1c5: {  	[tilespmem:$0x1C3A0] =	vst v2;
	v2 =	vld [tilespmem:$0x1BF20];
	_ =	sdelay $0x4  }
0x1c6: {  	v2 =	vsel vm15, $0x3908, v2  }
0x1c7: {  	[tilespmem:$0x1C3B0] =	vst v2;
	v2 =	vld [tilespmem:$0x1BF30];
	_ =	sdelay $0x4  }
0x1c8: {  	v2 =	vsel vm15, $0x3909, v2  }
0x1c9: {  	[tilespmem:$0x1C3C0] =	vst v2;
	v2 =	vld [tilespmem:$0x1BF40];
	_ =	sdelay $0x4  }
0x1ca: {  	v2 =	vsel vm15, $0x390A, v2  }
0x1cb: {  	[tilespmem:$0x1C3D0] =	vst v2;
	v2 =	vld [tilespmem:$0x1BF50];
	_ =	sdelay $0x4  }
0x1cc: {  	v2 =	vsel vm15, $0x390B, v2  }
0x1cd: {  	[tilespmem:$0x1C3E0] =	vst v2;
	v2 =	vld [tilespmem:$0x1BF60];
	_ =	sdelay $0x4  }
0x1ce: {  	v2 =	vsel vm15, $0x390C, v2  }
0x1cf: {  	[tilespmem:$0x1C3F0] =	vst v2;
	v2 =	vld [tilespmem:$0x1BF70];
	_ =	sdelay $0x4  }
0x1d0: {  	v2 =	vsel vm15, $0x390D, v2  }
0x1d1: {  	[tilespmem:$0x1C400] =	vst v2;
	v2 =	vld [tilespmem:$0x1BF80];
	_ =	sdelay $0x3  }
0x1d2: {  	v0 =	vsel vm15, $0x3900, v0  }
0x1d3: {  	[tilespmem:$0x1C430] =	vst v0;
	v2 =	vsel vm15, $0x390E, v2  }
0x1d4: {  	v0 =	vsel vm15, $0x3901, v1;
	[tilespmem:$0x1C410] =	vst v2;
	v2 =	vld [tilespmem:$0x1BF90]  }
0x1d5: {  	[tilespmem:$0x1C440] =	vst v0;
	v0 =	vld [tilespmem:$0x1BFA0];
	_ =	sdelay $0x3  }
0x1d6: {  	vm4 =	vcmask $0xF0C;
	v1 =	vld [tilespmem:$0x1BFC0];
	v2 =	vsel vm15, $0x390F, v2  }
0x1d7: {  	[tilespmem:$0x1C420] =	vst v2;
	v2 =	vsel vm4, $0x100, v0;
	v0 =	vld [tilespmem:$0x1BFB0];
	_ =	sdelay $0x3  }
0x1d8: {  	v1 =	vsel vm4, $0x1986, v1  }
0x1d9: {  	vm5 =	vcmask $0x1310;
	[tilespmem:$0x1C450] =	vst v1;
	v1 =	vld [tilespmem:$0x1BFD0];
	v0 =	vsel vm4, $0x1985, v0  }
0x1da: {  	v0 =	vsel vm5, $0x1A06, v0  }
0x1db: {  	[tilespmem:$0x1C8E0] =	vst v0;
	v0 =	vld [tilespmem:$0x1C450];
	_ =	sdelay $0x2  }
0x1dc: {  	v1 =	vsel vm4, $0x1987, v1  }
0x1dd: {  	[tilespmem:$0x1C460] =	vst v1;
	v1 =	vld [tilespmem:$0x1BFE0]  }
0x1de: {  	v0 =	vsel vm5, $0x1A07, v0  }
0x1df: {  	[tilespmem:$0x1C8F0] =	vst v0;
	v0 =	vld [tilespmem:$0x1C460];
	_ =	sdelay $0x2  }
0x1e0: {  	v1 =	vsel vm4, $0x1988, v1  }
0x1e1: {  	[tilespmem:$0x1C470] =	vst v1;
	v1 =	vld [tilespmem:$0x1BFF0]  }
0x1e2: {  	v0 =	vsel vm5, $0x1A08, v0  }
0x1e3: {  	[tilespmem:$0x1C900] =	vst v0;
	v0 =	vld [tilespmem:$0x1C470];
	_ =	sdelay $0x2  }
0x1e4: {  	v1 =	vsel vm4, $0x1989, v1  }
0x1e5: {  	[tilespmem:$0x1C480] =	vst v1;
	v1 =	vld [tilespmem:$0x1C000]  }
0x1e6: {  	v0 =	vsel vm5, $0x1A09, v0  }
0x1e7: {  	[tilespmem:$0x1C910] =	vst v0;
	v0 =	vld [tilespmem:$0x1C480];
	_ =	sdelay $0x2  }
0x1e8: {  	v1 =	vsel vm4, $0x198A, v1  }
0x1e9: {  	[tilespmem:$0x1C490] =	vst v1;
	v1 =	vld [tilespmem:$0x1C010]  }
0x1ea: {  	v0 =	vsel vm5, $0x1A0A, v0  }
0x1eb: {  	[tilespmem:$0x1C920] =	vst v0;
	v0 =	vld [tilespmem:$0x1C490];
	_ =	sdelay $0x2  }
0x1ec: {  	v1 =	vsel vm4, $0x198B, v1  }
0x1ed: {  	[tilespmem:$0x1C4A0] =	vst v1;
	v1 =	vld [tilespmem:$0x1C020]  }
0x1ee: {  	v0 =	vsel vm5, $0x1A0B, v0  }
0x1ef: {  	[tilespmem:$0x1C930] =	vst v0;
	v0 =	vld [tilespmem:$0x1C4A0];
	_ =	sdelay $0x2  }
0x1f0: {  	v1 =	vsel vm4, $0x198C, v1  }
0x1f1: {  	[tilespmem:$0x1C4B0] =	vst v1;
	v1 =	vld [tilespmem:$0x1C030]  }
0x1f2: {  	v0 =	vsel vm5, $0x1A0C, v0  }
0x1f3: {  	[tilespmem:$0x1C940] =	vst v0;
	v0 =	vld [tilespmem:$0x1C4B0];
	_ =	sdelay $0x2  }
0x1f4: {  	v1 =	vsel vm4, $0x198D, v1  }
0x1f5: {  	[tilespmem:$0x1C4C0] =	vst v1;
	v1 =	vld [tilespmem:$0x1C040]  }
0x1f6: {  	v0 =	vsel vm5, $0x1A0D, v0  }
0x1f7: {  	[tilespmem:$0x1C950] =	vst v0;
	v0 =	vld [tilespmem:$0x1C4C0];
	_ =	sdelay $0x2  }
0x1f8: {  	v1 =	vsel vm4, $0x198E, v1  }
0x1f9: {  	[tilespmem:$0x1C4D0] =	vst v1;
	v1 =	vld [tilespmem:$0x1C050]  }
0x1fa: {  	v0 =	vsel vm5, $0x1A0E, v0  }
0x1fb: {  	[tilespmem:$0x1C960] =	vst v0;
	v0 =	vld [tilespmem:$0x1C4D0];
	_ =	sdelay $0x2  }
0x1fc: {  	v1 =	vsel vm4, $0x198F, v1  }
0x1fd: {  	[tilespmem:$0x1C4E0] =	vst v1;
	v1 =	vld [tilespmem:$0x1C060]  }
0x1fe: {  	v0 =	vsel vm5, $0x1A0F, v0  }
0x1ff: {  	[tilespmem:$0x1C970] =	vst v0;
	v0 =	vld [tilespmem:$0x1C4E0];
	_ =	sdelay $0x2  }
0x200: {  	v1 =	vsel vm4, $0x1980, v1  }
0x201: {  	[tilespmem:$0x1C4F0] =	vst v1;
	v1 =	vld [tilespmem:$0x1C070]  }
0x202: {  	v0 =	vsel vm5, $0x1A00, v0  }
0x203: {  	[tilespmem:$0x1C980] =	vst v0;
	v0 =	vld [tilespmem:$0x1C4F0];
	_ =	sdelay $0x2  }
0x204: {  	v1 =	vsel vm4, $0x1981, v1  }
0x205: {  	[tilespmem:$0x1C500] =	vst v1;
	v1 =	vld [tilespmem:$0x1C080]  }
0x206: {  	v0 =	vsel vm5, $0x1A01, v0  }
0x207: {  	[tilespmem:$0x1C990] =	vst v0;
	v0 =	vld [tilespmem:$0x1C500];
	_ =	sdelay $0x2  }
0x208: {  	v1 =	vsel vm4, $0x1982, v1  }
0x209: {  	[tilespmem:$0x1C510] =	vst v1;
	v1 =	vld [tilespmem:$0x1C090]  }
0x20a: {  	v0 =	vsel vm5, $0x1A02, v0  }
0x20b: {  	[tilespmem:$0x1C9A0] =	vst v0;
	v0 =	vld [tilespmem:$0x1C510];
	_ =	sdelay $0x2  }
0x20c: {  	v1 =	vsel vm4, $0x2184, v1  }
0x20d: {  	[tilespmem:$0x1C520] =	vst v1;
	v1 =	vld [tilespmem:$0x1C0A0]  }
0x20e: {  	v0 =	vsel vm5, $0x1A03, v0  }
0x20f: {  	[tilespmem:$0x1C9B0] =	vst v0;
	v0 =	vld [tilespmem:$0x1C520];
	_ =	sdelay $0x2  }
0x210: {  	v1 =	vsel vm4, $0x2185, v1  }
0x211: {  	[tilespmem:$0x1C530] =	vst v1;
	v1 =	vld [tilespmem:$0x1C0B0]  }
0x212: {  	v0 =	vsel vm5, $0x2205, v0  }
0x213: {  	[tilespmem:$0x1C9C0] =	vst v0;
	v0 =	vld [tilespmem:$0x1C530];
	_ =	sdelay $0x2  }
0x214: {  	v1 =	vsel vm4, $0x2186, v1  }
0x215: {  	[tilespmem:$0x1C540] =	vst v1;
	v1 =	vld [tilespmem:$0x1C0C0]  }
0x216: {  	v0 =	vsel vm5, $0x2206, v0  }
0x217: {  	[tilespmem:$0x1C9D0] =	vst v0;
	v0 =	vld [tilespmem:$0x1C540];
	_ =	sdelay $0x2  }
0x218: {  	v1 =	vsel vm4, $0x2187, v1  }
0x219: {  	[tilespmem:$0x1C550] =	vst v1;
	v1 =	vld [tilespmem:$0x1C0D0]  }
0x21a: {  	v0 =	vsel vm5, $0x2207, v0  }
0x21b: {  	[tilespmem:$0x1C9E0] =	vst v0;
	v0 =	vld [tilespmem:$0x1C550];
	_ =	sdelay $0x2  }
0x21c: {  	v1 =	vsel vm4, $0x2188, v1  }
0x21d: {  	[tilespmem:$0x1C560] =	vst v1;
	v1 =	vld [tilespmem:$0x1C0E0]  }
0x21e: {  	v0 =	vsel vm5, $0x2208, v0  }
0x21f: {  	[tilespmem:$0x1C9F0] =	vst v0;
	v0 =	vld [tilespmem:$0x1C560];
	_ =	sdelay $0x2  }
0x220: {  	v1 =	vsel vm4, $0x2189, v1  }
0x221: {  	[tilespmem:$0x1C570] =	vst v1;
	v1 =	vld [tilespmem:$0x1C0F0]  }
0x222: {  	v0 =	vsel vm5, $0x2209, v0  }
0x223: {  	[tilespmem:$0x1CA00] =	vst v0;
	v0 =	vld [tilespmem:$0x1C570];
	_ =	sdelay $0x2  }
0x224: {  	v1 =	vsel vm4, $0x218A, v1  }
0x225: {  	[tilespmem:$0x1C580] =	vst v1;
	v1 =	vld [tilespmem:$0x1C100]  }
0x226: {  	v0 =	vsel vm5, $0x220A, v0  }
0x227: {  	[tilespmem:$0x1CA10] =	vst v0;
	v0 =	vld [tilespmem:$0x1C580];
	_ =	sdelay $0x2  }
0x228: {  	v1 =	vsel vm4, $0x218B, v1  }
0x229: {  	[tilespmem:$0x1C590] =	vst v1;
	v1 =	vld [tilespmem:$0x1C110]  }
0x22a: {  	v0 =	vsel vm5, $0x220B, v0  }
0x22b: {  	[tilespmem:$0x1CA20] =	vst v0;
	v0 =	vld [tilespmem:$0x1C590];
	_ =	sdelay $0x2  }
0x22c: {  	v1 =	vsel vm4, $0x218C, v1  }
0x22d: {  	[tilespmem:$0x1C5A0] =	vst v1;
	v1 =	vld [tilespmem:$0x1C120]  }
0x22e: {  	v0 =	vsel vm5, $0x220C, v0  }
0x22f: {  	[tilespmem:$0x1CA30] =	vst v0;
	v0 =	vld [tilespmem:$0x1C5A0];
	_ =	sdelay $0x2  }
0x230: {  	v1 =	vsel vm4, $0x218D, v1  }
0x231: {  	[tilespmem:$0x1C5B0] =	vst v1;
	v1 =	vld [tilespmem:$0x1C130]  }
0x232: {  	v0 =	vsel vm5, $0x220D, v0  }
0x233: {  	[tilespmem:$0x1CA40] =	vst v0;
	v0 =	vld [tilespmem:$0x1C5B0];
	_ =	sdelay $0x2  }
0x234: {  	v1 =	vsel vm4, $0x218E, v1  }
0x235: {  	[tilespmem:$0x1C5C0] =	vst v1;
	v1 =	vld [tilespmem:$0x1C140]  }
0x236: {  	v0 =	vsel vm5, $0x220E, v0  }
0x237: {  	[tilespmem:$0x1CA50] =	vst v0;
	v0 =	vld [tilespmem:$0x1C5C0];
	_ =	sdelay $0x2  }
0x238: {  	v1 =	vsel vm4, $0x218F, v1  }
0x239: {  	[tilespmem:$0x1C5D0] =	vst v1;
	v1 =	vld [tilespmem:$0x1C150]  }
0x23a: {  	v0 =	vsel vm5, $0x220F, v0  }
0x23b: {  	[tilespmem:$0x1CA60] =	vst v0;
	v0 =	vld [tilespmem:$0x1C5D0];
	_ =	sdelay $0x2  }
0x23c: {  	v1 =	vsel vm4, $0x2180, v1  }
0x23d: {  	[tilespmem:$0x1C5E0] =	vst v1;
	v1 =	vld [tilespmem:$0x1C160]  }
0x23e: {  	v0 =	vsel vm5, $0x2200, v0  }
0x23f: {  	[tilespmem:$0x1CA70] =	vst v0;
	v0 =	vld [tilespmem:$0x1C5E0];
	_ =	sdelay $0x2  }
0x240: {  	v1 =	vsel vm4, $0x2181, v1  }
0x241: {  	[tilespmem:$0x1C5F0] =	vst v1;
	v1 =	vld [tilespmem:$0x1C170]  }
0x242: {  	v0 =	vsel vm5, $0x2201, v0  }
0x243: {  	[tilespmem:$0x1CA80] =	vst v0;
	v0 =	vld [tilespmem:$0x1C5F0];
	_ =	sdelay $0x2  }
0x244: {  	v1 =	vsel vm4, $0x2182, v1  }
0x245: {  	[tilespmem:$0x1C600] =	vst v1;
	v1 =	vld [tilespmem:$0x1C180]  }
0x246: {  	v0 =	vsel vm5, $0x2202, v0  }
0x247: {  	[tilespmem:$0x1CA90] =	vst v0;
	v0 =	vld [tilespmem:$0x1C600];
	_ =	sdelay $0x2  }
0x248: {  	v1 =	vsel vm4, $0x2984, v1  }
0x249: {  	[tilespmem:$0x1C610] =	vst v1;
	v1 =	vld [tilespmem:$0x1C190]  }
0x24a: {  	v0 =	vsel vm5, $0x2203, v0  }
0x24b: {  	[tilespmem:$0x1CAA0] =	vst v0;
	v0 =	vld [tilespmem:$0x1C610];
	_ =	sdelay $0x2  }
0x24c: {  	v1 =	vsel vm4, $0x2985, v1  }
0x24d: {  	[tilespmem:$0x1C620] =	vst v1;
	v1 =	vld [tilespmem:$0x1C1A0]  }
0x24e: {  	v0 =	vsel vm5, $0x2A05, v0  }
0x24f: {  	[tilespmem:$0x1CAB0] =	vst v0;
	v0 =	vld [tilespmem:$0x1C620];
	_ =	sdelay $0x2  }
0x250: {  	v1 =	vsel vm4, $0x2986, v1  }
0x251: {  	[tilespmem:$0x1C630] =	vst v1;
	v1 =	vld [tilespmem:$0x1C1B0]  }
0x252: {  	v0 =	vsel vm5, $0x2A06, v0  }
0x253: {  	[tilespmem:$0x1CAC0] =	vst v0;
	v0 =	vld [tilespmem:$0x1C630];
	_ =	sdelay $0x2  }
0x254: {  	v1 =	vsel vm4, $0x2987, v1  }
0x255: {  	[tilespmem:$0x1C640] =	vst v1;
	v2 =	vsel vm5, $0x180, v2  }
0x256: {  	v3 =	vsel vm15, $0x0, v48;
	v1 =	vld [tilespmem:$0x1C1C0];
	[tilespmem:$0x1C8D0] =	vst v2;
	v0 =	vsel vm5, $0x2A07, v0  }
0x257: {  	v3 =	vsel vm4, $0x80, v3;
	[tilespmem:$0x1CAD0] =	vst v0;
	v0 =	vld [tilespmem:$0x1C640]  }
0x258: {  	v2 =	vsel vm5, $0x100, v3;
	v3 =	vld [tilespmem:$0x1C8D0];
	_ =	sdelay $0x2  }
0x259: {  	v1 =	vsel vm4, $0x2988, v1  }
0x25a: {  	vm6 =	vcmask $0x1714;
	[tilespmem:$0x1C650] =	vst v1;
	v1 =	vld [tilespmem:$0x1C1D0];
	v0 =	vsel vm5, $0x2A08, v0  }
0x25b: {  	v3 =	vsel vm6, $0x200, v3;
	[tilespmem:$0x1CAE0] =	vst v0;
	v0 =	vld [tilespmem:$0x1C650]  }
0x25c: {  	[tilespmem:$0x1CD60] =	vst v3;
	v3 =	vsel vm6, $0x180, v2;
	v2 =	vld [tilespmem:$0x1C8E0];
	_ =	sdelay $0x2  }
0x25d: {  	v1 =	vsel vm4, $0x2989, v1  }
0x25e: {  	[tilespmem:$0x1C660] =	vst v1;
	v1 =	vld [tilespmem:$0x1C1E0];
	v0 =	vsel vm5, $0x2A09, v0  }
0x25f: {  	v2 =	vsel vm6, $0x1A87, v2;
	[tilespmem:$0x1CAF0] =	vst v0;
	v0 =	vld [tilespmem:$0x1C660]  }
0x260: {  	[tilespmem:$0x1CD70] =	vst v2;
	v2 =	vld [tilespmem:$0x1C8F0];
	_ =	sdelay $0x2  }
0x261: {  	v1 =	vsel vm4, $0x298A, v1  }
0x262: {  	[tilespmem:$0x1C670] =	vst v1;
	v1 =	vld [tilespmem:$0x1C1F0];
	v0 =	vsel vm5, $0x2A0A, v0  }
0x263: {  	v2 =	vsel vm6, $0x1A88, v2;
	[tilespmem:$0x1CB00] =	vst v0;
	v0 =	vld [tilespmem:$0x1C670]  }
0x264: {  	[tilespmem:$0x1CD80] =	vst v2;
	v2 =	vld [tilespmem:$0x1C900];
	_ =	sdelay $0x2  }
0x265: {  	v1 =	vsel vm4, $0x298B, v1  }
0x266: {  	[tilespmem:$0x1C680] =	vst v1;
	v1 =	vld [tilespmem:$0x1C200];
	v0 =	vsel vm5, $0x2A0B, v0  }
0x267: {  	v2 =	vsel vm6, $0x1A89, v2;
	[tilespmem:$0x1CB10] =	vst v0;
	v0 =	vld [tilespmem:$0x1C680]  }
0x268: {  	[tilespmem:$0x1CD90] =	vst v2;
	v2 =	vld [tilespmem:$0x1C910];
	_ =	sdelay $0x2  }
0x269: {  	v1 =	vsel vm4, $0x298C, v1  }
0x26a: {  	[tilespmem:$0x1C690] =	vst v1;
	v1 =	vld [tilespmem:$0x1C210];
	v0 =	vsel vm5, $0x2A0C, v0  }
0x26b: {  	v2 =	vsel vm6, $0x1A8A, v2;
	[tilespmem:$0x1CB20] =	vst v0;
	v0 =	vld [tilespmem:$0x1C690]  }
0x26c: {  	[tilespmem:$0x1CDA0] =	vst v2;
	v2 =	vld [tilespmem:$0x1C920];
	_ =	sdelay $0x2  }
0x26d: {  	v1 =	vsel vm4, $0x298D, v1  }
0x26e: {  	[tilespmem:$0x1C6A0] =	vst v1;
	v1 =	vld [tilespmem:$0x1C220];
	v0 =	vsel vm5, $0x2A0D, v0  }
0x26f: {  	v2 =	vsel vm6, $0x1A8B, v2;
	[tilespmem:$0x1CB30] =	vst v0;
	v0 =	vld [tilespmem:$0x1C6A0]  }
0x270: {  	[tilespmem:$0x1CDB0] =	vst v2;
	v2 =	vld [tilespmem:$0x1C930];
	_ =	sdelay $0x2  }
0x271: {  	v1 =	vsel vm4, $0x298E, v1  }
0x272: {  	[tilespmem:$0x1C6B0] =	vst v1;
	v1 =	vld [tilespmem:$0x1C230];
	v0 =	vsel vm5, $0x2A0E, v0  }
0x273: {  	v2 =	vsel vm6, $0x1A8C, v2;
	[tilespmem:$0x1CB40] =	vst v0;
	v0 =	vld [tilespmem:$0x1C6B0]  }
0x274: {  	[tilespmem:$0x1CDC0] =	vst v2;
	v2 =	vld [tilespmem:$0x1C940];
	_ =	sdelay $0x2  }
0x275: {  	v1 =	vsel vm4, $0x298F, v1  }
0x276: {  	[tilespmem:$0x1C6C0] =	vst v1;
	v1 =	vld [tilespmem:$0x1C240];
	v0 =	vsel vm5, $0x2A0F, v0  }
0x277: {  	v2 =	vsel vm6, $0x1A8D, v2;
	[tilespmem:$0x1CB50] =	vst v0;
	v0 =	vld [tilespmem:$0x1C6C0]  }
0x278: {  	[tilespmem:$0x1CDD0] =	vst v2;
	v2 =	vld [tilespmem:$0x1C950];
	_ =	sdelay $0x2  }
0x279: {  	v1 =	vsel vm4, $0x2980, v1  }
0x27a: {  	[tilespmem:$0x1C6D0] =	vst v1;
	v1 =	vld [tilespmem:$0x1C250];
	v0 =	vsel vm5, $0x2A00, v0  }
0x27b: {  	v2 =	vsel vm6, $0x1A8E, v2;
	[tilespmem:$0x1CB60] =	vst v0;
	v0 =	vld [tilespmem:$0x1C6D0]  }
0x27c: {  	[tilespmem:$0x1CDE0] =	vst v2;
	v2 =	vld [tilespmem:$0x1C960];
	_ =	sdelay $0x2  }
0x27d: {  	v1 =	vsel vm4, $0x2981, v1  }
0x27e: {  	[tilespmem:$0x1C6E0] =	vst v1;
	v1 =	vld [tilespmem:$0x1C260];
	v0 =	vsel vm5, $0x2A01, v0  }
0x27f: {  	v2 =	vsel vm6, $0x1A8F, v2;
	[tilespmem:$0x1CB70] =	vst v0;
	v0 =	vld [tilespmem:$0x1C6E0]  }
0x280: {  	[tilespmem:$0x1CDF0] =	vst v2;
	v2 =	vld [tilespmem:$0x1C970];
	_ =	sdelay $0x2  }
0x281: {  	v1 =	vsel vm4, $0x2982, v1  }
0x282: {  	[tilespmem:$0x1C6F0] =	vst v1;
	v1 =	vld [tilespmem:$0x1C270];
	v0 =	vsel vm5, $0x2A02, v0  }
0x283: {  	v2 =	vsel vm6, $0x1A80, v2;
	[tilespmem:$0x1CB80] =	vst v0;
	v0 =	vld [tilespmem:$0x1C6F0]  }
0x284: {  	[tilespmem:$0x1CE00] =	vst v2;
	v2 =	vld [tilespmem:$0x1C980];
	_ =	sdelay $0x2  }
0x285: {  	v1 =	vsel vm4, $0x3184, v1  }
0x286: {  	[tilespmem:$0x1C700] =	vst v1;
	v1 =	vld [tilespmem:$0x1C280];
	v0 =	vsel vm5, $0x2A03, v0  }
0x287: {  	v2 =	vsel vm6, $0x1A81, v2;
	[tilespmem:$0x1CB90] =	vst v0;
	v0 =	vld [tilespmem:$0x1C700]  }
0x288: {  	[tilespmem:$0x1CE10] =	vst v2;
	v2 =	vld [tilespmem:$0x1C990];
	_ =	sdelay $0x2  }
0x289: {  	v1 =	vsel vm4, $0x3185, v1  }
0x28a: {  	[tilespmem:$0x1C710] =	vst v1;
	v1 =	vld [tilespmem:$0x1C290];
	v0 =	vsel vm5, $0x3205, v0  }
0x28b: {  	v2 =	vsel vm6, $0x1A82, v2;
	[tilespmem:$0x1CBA0] =	vst v0;
	v0 =	vld [tilespmem:$0x1C710]  }
0x28c: {  	[tilespmem:$0x1CE20] =	vst v2;
	v2 =	vld [tilespmem:$0x1C9A0];
	_ =	sdelay $0x2  }
0x28d: {  	v1 =	vsel vm4, $0x3186, v1  }
0x28e: {  	[tilespmem:$0x1C720] =	vst v1;
	v1 =	vld [tilespmem:$0x1C2A0];
	v0 =	vsel vm5, $0x3206, v0  }
0x28f: {  	v2 =	vsel vm6, $0x1A83, v2;
	[tilespmem:$0x1CBB0] =	vst v0;
	v0 =	vld [tilespmem:$0x1C720]  }
0x290: {  	[tilespmem:$0x1CE30] =	vst v2;
	v2 =	vld [tilespmem:$0x1C9B0];
	_ =	sdelay $0x2  }
0x291: {  	v1 =	vsel vm4, $0x3187, v1  }
0x292: {  	[tilespmem:$0x1C730] =	vst v1;
	v1 =	vld [tilespmem:$0x1C2B0];
	v0 =	vsel vm5, $0x3207, v0  }
0x293: {  	v2 =	vsel vm6, $0x1A84, v2;
	[tilespmem:$0x1CBC0] =	vst v0;
	v0 =	vld [tilespmem:$0x1C730]  }
0x294: {  	[tilespmem:$0x1CE40] =	vst v2;
	v2 =	vld [tilespmem:$0x1C9C0];
	_ =	sdelay $0x2  }
0x295: {  	v1 =	vsel vm4, $0x3188, v1  }
0x296: {  	[tilespmem:$0x1C740] =	vst v1;
	v1 =	vld [tilespmem:$0x1C2C0];
	v0 =	vsel vm5, $0x3208, v0  }
0x297: {  	v2 =	vsel vm6, $0x2286, v2;
	[tilespmem:$0x1CBD0] =	vst v0;
	v0 =	vld [tilespmem:$0x1C740]  }
0x298: {  	[tilespmem:$0x1CE50] =	vst v2;
	v2 =	vld [tilespmem:$0x1C9D0];
	_ =	sdelay $0x2  }
0x299: {  	v1 =	vsel vm4, $0x3189, v1  }
0x29a: {  	[tilespmem:$0x1C750] =	vst v1;
	v1 =	vld [tilespmem:$0x1C2D0];
	v0 =	vsel vm5, $0x3209, v0  }
0x29b: {  	v2 =	vsel vm6, $0x2287, v2;
	[tilespmem:$0x1CBE0] =	vst v0;
	v0 =	vld [tilespmem:$0x1C750]  }
0x29c: {  	[tilespmem:$0x1CE60] =	vst v2;
	v2 =	vld [tilespmem:$0x1C9E0];
	_ =	sdelay $0x2  }
0x29d: {  	v1 =	vsel vm4, $0x318A, v1  }
0x29e: {  	[tilespmem:$0x1C760] =	vst v1;
	v1 =	vld [tilespmem:$0x1C2E0];
	v0 =	vsel vm5, $0x320A, v0  }
0x29f: {  	v2 =	vsel vm6, $0x2288, v2;
	[tilespmem:$0x1CBF0] =	vst v0;
	v0 =	vld [tilespmem:$0x1C760]  }
0x2a0: {  	[tilespmem:$0x1CE70] =	vst v2;
	v2 =	vld [tilespmem:$0x1C9F0];
	_ =	sdelay $0x2  }
0x2a1: {  	v1 =	vsel vm4, $0x318B, v1  }
0x2a2: {  	[tilespmem:$0x1C770] =	vst v1;
	v1 =	vld [tilespmem:$0x1C2F0];
	v0 =	vsel vm5, $0x320B, v0  }
0x2a3: {  	v2 =	vsel vm6, $0x2289, v2;
	[tilespmem:$0x1CC00] =	vst v0;
	v0 =	vld [tilespmem:$0x1C770]  }
0x2a4: {  	[tilespmem:$0x1CE80] =	vst v2;
	v2 =	vld [tilespmem:$0x1CA00];
	_ =	sdelay $0x2  }
0x2a5: {  	v1 =	vsel vm4, $0x318C, v1  }
0x2a6: {  	[tilespmem:$0x1C780] =	vst v1;
	v1 =	vld [tilespmem:$0x1C300];
	v0 =	vsel vm5, $0x320C, v0  }
0x2a7: {  	v2 =	vsel vm6, $0x228A, v2;
	[tilespmem:$0x1CC10] =	vst v0;
	v0 =	vld [tilespmem:$0x1C780]  }
0x2a8: {  	[tilespmem:$0x1CE90] =	vst v2;
	v2 =	vld [tilespmem:$0x1CA10];
	_ =	sdelay $0x2  }
0x2a9: {  	v1 =	vsel vm4, $0x318D, v1  }
0x2aa: {  	[tilespmem:$0x1C790] =	vst v1;
	v1 =	vld [tilespmem:$0x1C310];
	v0 =	vsel vm5, $0x320D, v0  }
0x2ab: {  	v2 =	vsel vm6, $0x228B, v2;
	[tilespmem:$0x1CC20] =	vst v0;
	v0 =	vld [tilespmem:$0x1C790]  }
0x2ac: {  	[tilespmem:$0x1CEA0] =	vst v2;
	v2 =	vld [tilespmem:$0x1CA20];
	_ =	sdelay $0x2  }
0x2ad: {  	v1 =	vsel vm4, $0x318E, v1  }
0x2ae: {  	[tilespmem:$0x1C7A0] =	vst v1;
	v1 =	vld [tilespmem:$0x1C320];
	v0 =	vsel vm5, $0x320E, v0  }
0x2af: {  	v2 =	vsel vm6, $0x228C, v2;
	[tilespmem:$0x1CC30] =	vst v0;
	v0 =	vld [tilespmem:$0x1C7A0]  }
0x2b0: {  	[tilespmem:$0x1CEB0] =	vst v2;
	v2 =	vld [tilespmem:$0x1CA30];
	_ =	sdelay $0x2  }
0x2b1: {  	v1 =	vsel vm4, $0x318F, v1  }
0x2b2: {  	[tilespmem:$0x1C7B0] =	vst v1;
	v1 =	vld [tilespmem:$0x1C330];
	v0 =	vsel vm5, $0x320F, v0  }
0x2b3: {  	v2 =	vsel vm6, $0x228D, v2;
	[tilespmem:$0x1CC40] =	vst v0;
	v0 =	vld [tilespmem:$0x1C7B0]  }
0x2b4: {  	[tilespmem:$0x1CEC0] =	vst v2;
	v2 =	vld [tilespmem:$0x1CA40];
	_ =	sdelay $0x2  }
0x2b5: {  	v1 =	vsel vm4, $0x3180, v1  }
0x2b6: {  	[tilespmem:$0x1C7C0] =	vst v1;
	v1 =	vld [tilespmem:$0x1C340];
	v0 =	vsel vm5, $0x3200, v0  }
0x2b7: {  	v2 =	vsel vm6, $0x228E, v2;
	[tilespmem:$0x1CC50] =	vst v0;
	v0 =	vld [tilespmem:$0x1C7C0]  }
0x2b8: {  	[tilespmem:$0x1CED0] =	vst v2;
	v2 =	vld [tilespmem:$0x1CA50];
	_ =	sdelay $0x2  }
0x2b9: {  	v1 =	vsel vm4, $0x3181, v1  }
0x2ba: {  	[tilespmem:$0x1C7D0] =	vst v1;
	v1 =	vld [tilespmem:$0x1C350];
	v0 =	vsel vm5, $0x3201, v0  }
0x2bb: {  	v2 =	vsel vm6, $0x228F, v2;
	[tilespmem:$0x1CC60] =	vst v0;
	v0 =	vld [tilespmem:$0x1C7D0]  }
0x2bc: {  	[tilespmem:$0x1CEE0] =	vst v2;
	v2 =	vld [tilespmem:$0x1CA60];
	_ =	sdelay $0x2  }
0x2bd: {  	v1 =	vsel vm4, $0x3182, v1  }
0x2be: {  	[tilespmem:$0x1C7E0] =	vst v1;
	v1 =	vld [tilespmem:$0x1C360];
	v0 =	vsel vm5, $0x3202, v0  }
0x2bf: {  	v2 =	vsel vm6, $0x2280, v2;
	[tilespmem:$0x1CC70] =	vst v0;
	v0 =	vld [tilespmem:$0x1C7E0]  }
0x2c0: {  	[tilespmem:$0x1CEF0] =	vst v2;
	v2 =	vld [tilespmem:$0x1CA70];
	_ =	sdelay $0x2  }
0x2c1: {  	v1 =	vsel vm4, $0x3984, v1  }
0x2c2: {  	[tilespmem:$0x1C7F0] =	vst v1;
	v1 =	vld [tilespmem:$0x1C370];
	v0 =	vsel vm5, $0x3203, v0  }
0x2c3: {  	v2 =	vsel vm6, $0x2281, v2;
	[tilespmem:$0x1CC80] =	vst v0;
	v0 =	vld [tilespmem:$0x1C7F0]  }
0x2c4: {  	[tilespmem:$0x1CF00] =	vst v2;
	v2 =	vld [tilespmem:$0x1CA80];
	_ =	sdelay $0x2  }
0x2c5: {  	v1 =	vsel vm4, $0x3985, v1  }
0x2c6: {  	[tilespmem:$0x1C800] =	vst v1;
	v1 =	vld [tilespmem:$0x1C380];
	v0 =	vsel vm5, $0x3A05, v0  }
0x2c7: {  	v2 =	vsel vm6, $0x2282, v2;
	[tilespmem:$0x1CC90] =	vst v0;
	v0 =	vld [tilespmem:$0x1C800]  }
0x2c8: {  	[tilespmem:$0x1CF10] =	vst v2;
	v2 =	vld [tilespmem:$0x1CA90];
	_ =	sdelay $0x2  }
0x2c9: {  	v1 =	vsel vm4, $0x3986, v1  }
0x2ca: {  	[tilespmem:$0x1C810] =	vst v1;
	v1 =	vld [tilespmem:$0x1C390];
	v0 =	vsel vm5, $0x3A06, v0  }
0x2cb: {  	v2 =	vsel vm6, $0x2283, v2;
	[tilespmem:$0x1CCA0] =	vst v0;
	v0 =	vld [tilespmem:$0x1C810]  }
0x2cc: {  	[tilespmem:$0x1CF20] =	vst v2;
	v2 =	vld [tilespmem:$0x1CAA0];
	_ =	sdelay $0x2  }
0x2cd: {  	v1 =	vsel vm4, $0x3987, v1  }
0x2ce: {  	[tilespmem:$0x1C820] =	vst v1;
	v1 =	vld [tilespmem:$0x1C3A0];
	v0 =	vsel vm5, $0x3A07, v0  }
0x2cf: {  	v2 =	vsel vm6, $0x2284, v2;
	[tilespmem:$0x1CCB0] =	vst v0;
	v0 =	vld [tilespmem:$0x1C820]  }
0x2d0: {  	[tilespmem:$0x1CF30] =	vst v2;
	v2 =	vld [tilespmem:$0x1CAB0];
	_ =	sdelay $0x2  }
0x2d1: {  	v1 =	vsel vm4, $0x3988, v1  }
0x2d2: {  	[tilespmem:$0x1C830] =	vst v1;
	v1 =	vld [tilespmem:$0x1C3B0];
	v0 =	vsel vm5, $0x3A08, v0  }
0x2d3: {  	v2 =	vsel vm6, $0x2A86, v2;
	[tilespmem:$0x1CCC0] =	vst v0;
	v0 =	vld [tilespmem:$0x1C830]  }
0x2d4: {  	[tilespmem:$0x1CF40] =	vst v2;
	v2 =	vld [tilespmem:$0x1CAC0];
	_ =	sdelay $0x2  }
0x2d5: {  	v1 =	vsel vm4, $0x3989, v1  }
0x2d6: {  	[tilespmem:$0x1C840] =	vst v1;
	v1 =	vld [tilespmem:$0x1C3C0];
	v0 =	vsel vm5, $0x3A09, v0  }
0x2d7: {  	v2 =	vsel vm6, $0x2A87, v2;
	[tilespmem:$0x1CCD0] =	vst v0;
	v0 =	vld [tilespmem:$0x1C840]  }
0x2d8: {  	[tilespmem:$0x1CF50] =	vst v2;
	v2 =	vld [tilespmem:$0x1CAD0];
	_ =	sdelay $0x2  }
0x2d9: {  	v1 =	vsel vm4, $0x398A, v1  }
0x2da: {  	[tilespmem:$0x1C850] =	vst v1;
	v1 =	vld [tilespmem:$0x1C3D0];
	v0 =	vsel vm5, $0x3A0A, v0  }
0x2db: {  	v2 =	vsel vm6, $0x2A88, v2;
	[tilespmem:$0x1CCE0] =	vst v0;
	v0 =	vld [tilespmem:$0x1C850]  }
0x2dc: {  	[tilespmem:$0x1CF60] =	vst v2;
	v2 =	vld [tilespmem:$0x1CAE0];
	_ =	sdelay $0x2  }
0x2dd: {  	v1 =	vsel vm4, $0x398B, v1  }
0x2de: {  	[tilespmem:$0x1C860] =	vst v1;
	v1 =	vld [tilespmem:$0x1C3E0];
	v0 =	vsel vm5, $0x3A0B, v0  }
0x2df: {  	v2 =	vsel vm6, $0x2A89, v2;
	[tilespmem:$0x1CCF0] =	vst v0;
	v0 =	vld [tilespmem:$0x1C860]  }
0x2e0: {  	[tilespmem:$0x1CF70] =	vst v2;
	v2 =	vld [tilespmem:$0x1CAF0];
	_ =	sdelay $0x2  }
0x2e1: {  	v1 =	vsel vm4, $0x398C, v1  }
0x2e2: {  	[tilespmem:$0x1C870] =	vst v1;
	v1 =	vld [tilespmem:$0x1C3F0];
	v0 =	vsel vm5, $0x3A0C, v0  }
0x2e3: {  	v2 =	vsel vm6, $0x2A8A, v2;
	[tilespmem:$0x1CD00] =	vst v0;
	v0 =	vld [tilespmem:$0x1C870]  }
0x2e4: {  	[tilespmem:$0x1CF80] =	vst v2;
	v2 =	vld [tilespmem:$0x1CB00];
	_ =	sdelay $0x2  }
0x2e5: {  	v1 =	vsel vm4, $0x398D, v1  }
0x2e6: {  	[tilespmem:$0x1C880] =	vst v1;
	v1 =	vld [tilespmem:$0x1C400];
	v0 =	vsel vm5, $0x3A0D, v0  }
0x2e7: {  	v2 =	vsel vm6, $0x2A8B, v2;
	[tilespmem:$0x1CD10] =	vst v0;
	v0 =	vld [tilespmem:$0x1C880]  }
0x2e8: {  	[tilespmem:$0x1CF90] =	vst v2;
	v2 =	vld [tilespmem:$0x1CB10];
	_ =	sdelay $0x2  }
0x2e9: {  	v1 =	vsel vm4, $0x398E, v1  }
0x2ea: {  	[tilespmem:$0x1C890] =	vst v1;
	v1 =	vld [tilespmem:$0x1C410];
	v0 =	vsel vm5, $0x3A0E, v0  }
0x2eb: {  	v2 =	vsel vm6, $0x2A8C, v2;
	[tilespmem:$0x1CD20] =	vst v0;
	v0 =	vld [tilespmem:$0x1C890]  }
0x2ec: {  	[tilespmem:$0x1CFA0] =	vst v2;
	v2 =	vld [tilespmem:$0x1CB20];
	_ =	sdelay $0x2  }
0x2ed: {  	v1 =	vsel vm4, $0x398F, v1  }
0x2ee: {  	[tilespmem:$0x1C8A0] =	vst v1;
	v1 =	vld [tilespmem:$0x1C420];
	v0 =	vsel vm5, $0x3A0F, v0  }
0x2ef: {  	v2 =	vsel vm6, $0x2A8D, v2;
	[tilespmem:$0x1CD30] =	vst v0;
	v0 =	vld [tilespmem:$0x1C8A0]  }
0x2f0: {  	[tilespmem:$0x1CFB0] =	vst v2;
	v2 =	vld [tilespmem:$0x1CB30];
	_ =	sdelay $0x1  }
0x2f1: {  	v46 =	vsel vm15, $0x901, v46  }
0x2f2: {  	v48 =	vsel vm15, $0x1103, v47;
	v47 =	vsel vm4, $0x982, v46;
	v46 =	vld [tilespmem:$0x1C440];
	v1 =	vsel vm4, $0x3980, v1  }
0x2f3: {  	[tilespmem:$0x1C8B0] =	vst v1;
	v1 =	vld [tilespmem:$0x1C430];
	v0 =	vsel vm5, $0x3A00, v0  }
0x2f4: {  	v2 =	vsel vm6, $0x2A8E, v2;
	[tilespmem:$0x1CD40] =	vst v0;
	v0 =	vld [tilespmem:$0x1C8B0]  }
0x2f5: {  	[tilespmem:$0x1CFC0] =	vst v2;
	v2 =	vld [tilespmem:$0x1CB40];
	_ =	sdelay $0x2  }
0x2f6: {  	v46 =	vsel vm4, $0x3982, v46  }
0x2f7: {  	[tilespmem:$0x1C8C0] =	vst v46;
	v0 =	vsel vm5, $0x3A01, v0  }
0x2f8: {  	v1 =	vsel vm4, $0x3981, v1;
	v2 =	vsel vm6, $0x2A8F, v2;
	[tilespmem:$0x1CD50] =	vst v0  }
0x2f9: {  	v0 =	vsel vm5, $0x3A02, v1;
	v1 =	vld [tilespmem:$0x1C8C0];
	[tilespmem:$0x1CFD0] =	vst v2  }
0x2fa: {  	v2 =	vld [tilespmem:$0x1CB50];
	_ =	sdelay $0x4  }
0x2fb: {  	v2 =	vsel vm6, $0x2A80, v2  }
0x2fc: {  	[tilespmem:$0x1CFE0] =	vst v2;
	v2 =	vld [tilespmem:$0x1CB60];
	_ =	sdelay $0x4  }
0x2fd: {  	v2 =	vsel vm6, $0x2A81, v2  }
0x2fe: {  	[tilespmem:$0x1CFF0] =	vst v2;
	v2 =	vld [tilespmem:$0x1CB70];
	_ =	sdelay $0x4  }
0x2ff: {  	v2 =	vsel vm6, $0x2A82, v2  }
0x300: {  	[tilespmem:$0x1D000] =	vst v2;
	v2 =	vld [tilespmem:$0x1CB80];
	_ =	sdelay $0x4  }
0x301: {  	v2 =	vsel vm6, $0x2A83, v2  }
0x302: {  	[tilespmem:$0x1D010] =	vst v2;
	v2 =	vld [tilespmem:$0x1CB90];
	_ =	sdelay $0x4  }
0x303: {  	v2 =	vsel vm6, $0x2A84, v2  }
0x304: {  	[tilespmem:$0x1D020] =	vst v2;
	v2 =	vld [tilespmem:$0x1CBA0];
	_ =	sdelay $0x4  }
0x305: {  	v2 =	vsel vm6, $0x3286, v2  }
0x306: {  	[tilespmem:$0x1D030] =	vst v2;
	v2 =	vld [tilespmem:$0x1CBB0];
	_ =	sdelay $0x4  }
0x307: {  	v2 =	vsel vm6, $0x3287, v2  }
0x308: {  	[tilespmem:$0x1D040] =	vst v2;
	v2 =	vld [tilespmem:$0x1CBC0];
	_ =	sdelay $0x4  }
0x309: {  	v2 =	vsel vm6, $0x3288, v2  }
0x30a: {  	[tilespmem:$0x1D050] =	vst v2;
	v2 =	vld [tilespmem:$0x1CBD0];
	_ =	sdelay $0x4  }
0x30b: {  	v2 =	vsel vm6, $0x3289, v2  }
0x30c: {  	[tilespmem:$0x1D060] =	vst v2;
	v2 =	vld [tilespmem:$0x1CBE0];
	_ =	sdelay $0x4  }
0x30d: {  	v2 =	vsel vm6, $0x328A, v2  }
0x30e: {  	[tilespmem:$0x1D070] =	vst v2;
	v2 =	vld [tilespmem:$0x1CBF0];
	_ =	sdelay $0x4  }
0x30f: {  	v2 =	vsel vm6, $0x328B, v2  }
0x310: {  	[tilespmem:$0x1D080] =	vst v2;
	v2 =	vld [tilespmem:$0x1CC00];
	_ =	sdelay $0x4  }
0x311: {  	v2 =	vsel vm6, $0x328C, v2  }
0x312: {  	[tilespmem:$0x1D090] =	vst v2;
	v2 =	vld [tilespmem:$0x1CC10];
	_ =	sdelay $0x4  }
0x313: {  	v2 =	vsel vm6, $0x328D, v2  }
0x314: {  	[tilespmem:$0x1D0A0] =	vst v2;
	v2 =	vld [tilespmem:$0x1CC20];
	_ =	sdelay $0x4  }
0x315: {  	v2 =	vsel vm6, $0x328E, v2  }
0x316: {  	[tilespmem:$0x1D0B0] =	vst v2;
	v2 =	vld [tilespmem:$0x1CC30];
	_ =	sdelay $0x4  }
0x317: {  	v2 =	vsel vm6, $0x328F, v2  }
0x318: {  	[tilespmem:$0x1D0C0] =	vst v2;
	v2 =	vld [tilespmem:$0x1CC40];
	_ =	sdelay $0x4  }
0x319: {  	v2 =	vsel vm6, $0x3280, v2  }
0x31a: {  	[tilespmem:$0x1D0D0] =	vst v2;
	v2 =	vld [tilespmem:$0x1CC50];
	_ =	sdelay $0x4  }
0x31b: {  	v2 =	vsel vm6, $0x3281, v2  }
0x31c: {  	[tilespmem:$0x1D0E0] =	vst v2;
	v2 =	vld [tilespmem:$0x1CC60];
	_ =	sdelay $0x4  }
0x31d: {  	v2 =	vsel vm6, $0x3282, v2  }
0x31e: {  	[tilespmem:$0x1D0F0] =	vst v2;
	v2 =	vld [tilespmem:$0x1CC70];
	_ =	sdelay $0x4  }
0x31f: {  	v2 =	vsel vm6, $0x3283, v2  }
0x320: {  	[tilespmem:$0x1D100] =	vst v2;
	v2 =	vld [tilespmem:$0x1CC80];
	_ =	sdelay $0x4  }
0x321: {  	v2 =	vsel vm6, $0x3284, v2  }
0x322: {  	[tilespmem:$0x1D110] =	vst v2;
	v2 =	vld [tilespmem:$0x1CC90];
	_ =	sdelay $0x4  }
0x323: {  	v2 =	vsel vm6, $0x3A86, v2  }
0x324: {  	[tilespmem:$0x1D120] =	vst v2;
	v2 =	vld [tilespmem:$0x1CCA0];
	_ =	sdelay $0x4  }
0x325: {  	v2 =	vsel vm6, $0x3A87, v2  }
0x326: {  	[tilespmem:$0x1D130] =	vst v2;
	v2 =	vld [tilespmem:$0x1CCB0];
	_ =	sdelay $0x4  }
0x327: {  	v2 =	vsel vm6, $0x3A88, v2  }
0x328: {  	[tilespmem:$0x1D140] =	vst v2;
	v2 =	vld [tilespmem:$0x1CCC0];
	_ =	sdelay $0x4  }
0x329: {  	v2 =	vsel vm6, $0x3A89, v2  }
0x32a: {  	[tilespmem:$0x1D150] =	vst v2;
	v2 =	vld [tilespmem:$0x1CCD0];
	_ =	sdelay $0x4  }
0x32b: {  	v2 =	vsel vm6, $0x3A8A, v2  }
0x32c: {  	[tilespmem:$0x1D160] =	vst v2;
	v2 =	vld [tilespmem:$0x1CCE0];
	_ =	sdelay $0x4  }
0x32d: {  	v2 =	vsel vm6, $0x3A8B, v2  }
0x32e: {  	[tilespmem:$0x1D170] =	vst v2;
	v2 =	vld [tilespmem:$0x1CCF0];
	_ =	sdelay $0x4  }
0x32f: {  	v2 =	vsel vm6, $0x3A8C, v2  }
0x330: {  	[tilespmem:$0x1D180] =	vst v2;
	v2 =	vld [tilespmem:$0x1CD00];
	_ =	sdelay $0x4  }
0x331: {  	v2 =	vsel vm6, $0x3A8D, v2  }
0x332: {  	[tilespmem:$0x1D190] =	vst v2;
	v2 =	vld [tilespmem:$0x1CD10];
	_ =	sdelay $0x4  }
0x333: {  	v2 =	vsel vm6, $0x3A8E, v2  }
0x334: {  	[tilespmem:$0x1D1A0] =	vst v2;
	v2 =	vld [tilespmem:$0x1CD20];
	_ =	sdelay $0x4  }
0x335: {  	v2 =	vsel vm6, $0x3A8F, v2  }
0x336: {  	[tilespmem:$0x1D1B0] =	vst v2;
	v2 =	vld [tilespmem:$0x1CD30];
	_ =	sdelay $0x4  }
0x337: {  	v2 =	vsel vm6, $0x3A80, v2  }
0x338: {  	[tilespmem:$0x1D1C0] =	vst v2;
	v2 =	vld [tilespmem:$0x1CD40];
	_ =	sdelay $0x3  }
0x339: {  	v0 =	vsel vm6, $0x3A83, v0  }
0x33a: {  	[tilespmem:$0x1D1F0] =	vst v0;
	v1 =	vsel vm5, $0x3A03, v1;
	v2 =	vsel vm6, $0x3A81, v2  }
0x33b: {  	v0 =	vsel vm6, $0x3A84, v1;
	[tilespmem:$0x1D1D0] =	vst v2;
	v2 =	vld [tilespmem:$0x1CD50]  }
0x33c: {  	[tilespmem:$0x1D200] =	vst v0;
	v0 =	vld [tilespmem:$0x1CD60];
	_ =	sdelay $0x3  }
0x33d: {  	vm7 =	vcmask $0x1B18;
	v1 =	vld [tilespmem:$0x1CD80];
	v2 =	vsel vm6, $0x3A82, v2  }
0x33e: {  	[tilespmem:$0x1D1E0] =	vst v2;
	v2 =	vsel vm7, $0x280, v0;
	v0 =	vld [tilespmem:$0x1CD70];
	_ =	sdelay $0x3  }
0x33f: {  	v1 =	vsel vm7, $0x1B09, v1  }
0x340: {  	vm8 =	vcmask $0x1F1C;
	[tilespmem:$0x1D210] =	vst v1;
	v1 =	vld [tilespmem:$0x1CD90];
	v0 =	vsel vm7, $0x1B08, v0  }
0x341: {  	v0 =	vsel vm8, $0x1B89, v0  }
0x342: {  	[tilespmem:$0x1D6A0] =	vst v0;
	v0 =	vld [tilespmem:$0x1D210];
	_ =	sdelay $0x2  }
0x343: {  	v1 =	vsel vm7, $0x1B0A, v1  }
0x344: {  	[tilespmem:$0x1D220] =	vst v1;
	v2 =	vsel vm8, $0x300, v2  }
0x345: {  	v1 =	vld [tilespmem:$0x1CDA0];
	[tilespmem:$0x1D690] =	vst v2;
	v0 =	vsel vm8, $0x1B8A, v0  }
0x346: {  	v3 =	vsel vm7, $0x200, v3;
	[tilespmem:$0x1D6B0] =	vst v0;
	v0 =	vld [tilespmem:$0x1D220]  }
0x347: {  	v2 =	vsel vm8, $0x280, v3;
	v3 =	vld [tilespmem:$0x1D690];
	_ =	sdelay $0x2  }
0x348: {  	v1 =	vsel vm7, $0x1B0B, v1  }
0x349: {  	vm9 =	vcmask $0x2320;
	[tilespmem:$0x1D230] =	vst v1;
	v1 =	vld [tilespmem:$0x1CDB0];
	v0 =	vsel vm8, $0x1B8B, v0  }
0x34a: {  	v3 =	vsel vm9, $0x380, v3;
	[tilespmem:$0x1D6C0] =	vst v0;
	v0 =	vld [tilespmem:$0x1D230]  }
0x34b: {  	[tilespmem:$0x1DB20] =	vst v3;
	v3 =	vsel vm9, $0x300, v2;
	v2 =	vld [tilespmem:$0x1D6A0];
	_ =	sdelay $0x2  }
0x34c: {  	v1 =	vsel vm7, $0x1B0C, v1  }
0x34d: {  	[tilespmem:$0x1D240] =	vst v1;
	v1 =	vld [tilespmem:$0x1CDC0];
	v0 =	vsel vm8, $0x1B8C, v0  }
0x34e: {  	v2 =	vsel vm9, $0x1C0A, v2;
	[tilespmem:$0x1D6D0] =	vst v0;
	v0 =	vld [tilespmem:$0x1D240]  }
0x34f: {  	[tilespmem:$0x1DB30] =	vst v2;
	v2 =	vld [tilespmem:$0x1D6B0];
	_ =	sdelay $0x2  }
0x350: {  	v1 =	vsel vm7, $0x1B0D, v1  }
0x351: {  	[tilespmem:$0x1D250] =	vst v1;
	v1 =	vld [tilespmem:$0x1CDD0];
	v0 =	vsel vm8, $0x1B8D, v0  }
0x352: {  	v2 =	vsel vm9, $0x1C0B, v2;
	[tilespmem:$0x1D6E0] =	vst v0;
	v0 =	vld [tilespmem:$0x1D250]  }
0x353: {  	[tilespmem:$0x1DB40] =	vst v2;
	v2 =	vld [tilespmem:$0x1D6C0];
	_ =	sdelay $0x2  }
0x354: {  	v1 =	vsel vm7, $0x1B0E, v1  }
0x355: {  	[tilespmem:$0x1D260] =	vst v1;
	v1 =	vld [tilespmem:$0x1CDE0];
	v0 =	vsel vm8, $0x1B8E, v0  }
0x356: {  	v2 =	vsel vm9, $0x1C0C, v2;
	[tilespmem:$0x1D6F0] =	vst v0;
	v0 =	vld [tilespmem:$0x1D260]  }
0x357: {  	[tilespmem:$0x1DB50] =	vst v2;
	v2 =	vld [tilespmem:$0x1D6D0];
	_ =	sdelay $0x2  }
0x358: {  	v1 =	vsel vm7, $0x1B0F, v1  }
0x359: {  	[tilespmem:$0x1D270] =	vst v1;
	v1 =	vld [tilespmem:$0x1CDF0];
	v0 =	vsel vm8, $0x1B8F, v0  }
0x35a: {  	v2 =	vsel vm9, $0x1C0D, v2;
	[tilespmem:$0x1D700] =	vst v0;
	v0 =	vld [tilespmem:$0x1D270]  }
0x35b: {  	[tilespmem:$0x1DB60] =	vst v2;
	v2 =	vld [tilespmem:$0x1D6E0];
	_ =	sdelay $0x2  }
0x35c: {  	v1 =	vsel vm7, $0x1B00, v1  }
0x35d: {  	[tilespmem:$0x1D280] =	vst v1;
	v1 =	vld [tilespmem:$0x1CE00];
	v0 =	vsel vm8, $0x1B80, v0  }
0x35e: {  	v2 =	vsel vm9, $0x1C0E, v2;
	[tilespmem:$0x1D710] =	vst v0;
	v0 =	vld [tilespmem:$0x1D280]  }
0x35f: {  	[tilespmem:$0x1DB70] =	vst v2;
	v2 =	vld [tilespmem:$0x1D6F0];
	_ =	sdelay $0x2  }
0x360: {  	v1 =	vsel vm7, $0x1B01, v1  }
0x361: {  	[tilespmem:$0x1D290] =	vst v1;
	v1 =	vld [tilespmem:$0x1CE10];
	v0 =	vsel vm8, $0x1B81, v0  }
0x362: {  	v2 =	vsel vm9, $0x1C0F, v2;
	[tilespmem:$0x1D720] =	vst v0;
	v0 =	vld [tilespmem:$0x1D290]  }
0x363: {  	[tilespmem:$0x1DB80] =	vst v2;
	v2 =	vld [tilespmem:$0x1D700];
	_ =	sdelay $0x2  }
0x364: {  	v1 =	vsel vm7, $0x1B02, v1  }
0x365: {  	[tilespmem:$0x1D2A0] =	vst v1;
	v1 =	vld [tilespmem:$0x1CE20];
	v0 =	vsel vm8, $0x1B82, v0  }
0x366: {  	v2 =	vsel vm9, $0x1C00, v2;
	[tilespmem:$0x1D730] =	vst v0;
	v0 =	vld [tilespmem:$0x1D2A0]  }
0x367: {  	[tilespmem:$0x1DB90] =	vst v2;
	v2 =	vld [tilespmem:$0x1D710];
	_ =	sdelay $0x2  }
0x368: {  	v1 =	vsel vm7, $0x1B03, v1  }
0x369: {  	[tilespmem:$0x1D2B0] =	vst v1;
	v1 =	vld [tilespmem:$0x1CE30];
	v0 =	vsel vm8, $0x1B83, v0  }
0x36a: {  	v2 =	vsel vm9, $0x1C01, v2;
	[tilespmem:$0x1D740] =	vst v0;
	v0 =	vld [tilespmem:$0x1D2B0]  }
0x36b: {  	[tilespmem:$0x1DBA0] =	vst v2;
	v2 =	vld [tilespmem:$0x1D720];
	_ =	sdelay $0x2  }
0x36c: {  	v1 =	vsel vm7, $0x1B04, v1  }
0x36d: {  	[tilespmem:$0x1D2C0] =	vst v1;
	v1 =	vld [tilespmem:$0x1CE40];
	v0 =	vsel vm8, $0x1B84, v0  }
0x36e: {  	v2 =	vsel vm9, $0x1C02, v2;
	[tilespmem:$0x1D750] =	vst v0;
	v0 =	vld [tilespmem:$0x1D2C0]  }
0x36f: {  	[tilespmem:$0x1DBB0] =	vst v2;
	v2 =	vld [tilespmem:$0x1D730];
	_ =	sdelay $0x2  }
0x370: {  	v1 =	vsel vm7, $0x1B05, v1  }
0x371: {  	[tilespmem:$0x1D2D0] =	vst v1;
	v1 =	vld [tilespmem:$0x1CE50];
	v0 =	vsel vm8, $0x1B85, v0  }
0x372: {  	v2 =	vsel vm9, $0x1C03, v2;
	[tilespmem:$0x1D760] =	vst v0;
	v0 =	vld [tilespmem:$0x1D2D0]  }
0x373: {  	[tilespmem:$0x1DBC0] =	vst v2;
	v2 =	vld [tilespmem:$0x1D740];
	_ =	sdelay $0x2  }
0x374: {  	v1 =	vsel vm7, $0x2307, v1  }
0x375: {  	[tilespmem:$0x1D2E0] =	vst v1;
	v1 =	vld [tilespmem:$0x1CE60];
	v0 =	vsel vm8, $0x1B86, v0  }
0x376: {  	v2 =	vsel vm9, $0x1C04, v2;
	[tilespmem:$0x1D770] =	vst v0;
	v0 =	vld [tilespmem:$0x1D2E0]  }
0x377: {  	[tilespmem:$0x1DBD0] =	vst v2;
	v2 =	vld [tilespmem:$0x1D750];
	_ =	sdelay $0x2  }
0x378: {  	v1 =	vsel vm7, $0x2308, v1  }
0x379: {  	[tilespmem:$0x1D2F0] =	vst v1;
	v1 =	vld [tilespmem:$0x1CE70];
	v0 =	vsel vm8, $0x2388, v0  }
0x37a: {  	v2 =	vsel vm9, $0x1C05, v2;
	[tilespmem:$0x1D780] =	vst v0;
	v0 =	vld [tilespmem:$0x1D2F0]  }
0x37b: {  	[tilespmem:$0x1DBE0] =	vst v2;
	v2 =	vld [tilespmem:$0x1D760];
	_ =	sdelay $0x2  }
0x37c: {  	v1 =	vsel vm7, $0x2309, v1  }
0x37d: {  	[tilespmem:$0x1D300] =	vst v1;
	v1 =	vld [tilespmem:$0x1CE80];
	v0 =	vsel vm8, $0x2389, v0  }
0x37e: {  	v2 =	vsel vm9, $0x1C06, v2;
	[tilespmem:$0x1D790] =	vst v0;
	v0 =	vld [tilespmem:$0x1D300]  }
0x37f: {  	[tilespmem:$0x1DBF0] =	vst v2;
	v2 =	vld [tilespmem:$0x1D770];
	_ =	sdelay $0x2  }
0x380: {  	v1 =	vsel vm7, $0x230A, v1  }
0x381: {  	[tilespmem:$0x1D310] =	vst v1;
	v1 =	vld [tilespmem:$0x1CE90];
	v0 =	vsel vm8, $0x238A, v0  }
0x382: {  	v2 =	vsel vm9, $0x1C07, v2;
	[tilespmem:$0x1D7A0] =	vst v0;
	v0 =	vld [tilespmem:$0x1D310]  }
0x383: {  	[tilespmem:$0x1DC00] =	vst v2;
	v2 =	vld [tilespmem:$0x1D780];
	_ =	sdelay $0x2  }
0x384: {  	v1 =	vsel vm7, $0x230B, v1  }
0x385: {  	[tilespmem:$0x1D320] =	vst v1;
	v1 =	vld [tilespmem:$0x1CEA0];
	v0 =	vsel vm8, $0x238B, v0  }
0x386: {  	v2 =	vsel vm9, $0x2409, v2;
	[tilespmem:$0x1D7B0] =	vst v0;
	v0 =	vld [tilespmem:$0x1D320]  }
0x387: {  	[tilespmem:$0x1DC10] =	vst v2;
	v2 =	vld [tilespmem:$0x1D790];
	_ =	sdelay $0x2  }
0x388: {  	v1 =	vsel vm7, $0x230C, v1  }
0x389: {  	[tilespmem:$0x1D330] =	vst v1;
	v1 =	vld [tilespmem:$0x1CEB0];
	v0 =	vsel vm8, $0x238C, v0  }
0x38a: {  	v2 =	vsel vm9, $0x240A, v2;
	[tilespmem:$0x1D7C0] =	vst v0;
	v0 =	vld [tilespmem:$0x1D330]  }
0x38b: {  	[tilespmem:$0x1DC20] =	vst v2;
	v2 =	vld [tilespmem:$0x1D7A0];
	_ =	sdelay $0x2  }
0x38c: {  	v1 =	vsel vm7, $0x230D, v1  }
0x38d: {  	[tilespmem:$0x1D340] =	vst v1;
	v1 =	vld [tilespmem:$0x1CEC0];
	v0 =	vsel vm8, $0x238D, v0  }
0x38e: {  	v2 =	vsel vm9, $0x240B, v2;
	[tilespmem:$0x1D7D0] =	vst v0;
	v0 =	vld [tilespmem:$0x1D340]  }
0x38f: {  	[tilespmem:$0x1DC30] =	vst v2;
	v2 =	vld [tilespmem:$0x1D7B0];
	_ =	sdelay $0x2  }
0x390: {  	v1 =	vsel vm7, $0x230E, v1  }
0x391: {  	[tilespmem:$0x1D350] =	vst v1;
	v1 =	vld [tilespmem:$0x1CED0];
	v0 =	vsel vm8, $0x238E, v0  }
0x392: {  	v2 =	vsel vm9, $0x240C, v2;
	[tilespmem:$0x1D7E0] =	vst v0;
	v0 =	vld [tilespmem:$0x1D350]  }
0x393: {  	[tilespmem:$0x1DC40] =	vst v2;
	v2 =	vld [tilespmem:$0x1D7C0];
	_ =	sdelay $0x2  }
0x394: {  	v1 =	vsel vm7, $0x230F, v1  }
0x395: {  	[tilespmem:$0x1D360] =	vst v1;
	v1 =	vld [tilespmem:$0x1CEE0];
	v0 =	vsel vm8, $0x238F, v0  }
0x396: {  	v2 =	vsel vm9, $0x240D, v2;
	[tilespmem:$0x1D7F0] =	vst v0;
	v0 =	vld [tilespmem:$0x1D360]  }
0x397: {  	[tilespmem:$0x1DC50] =	vst v2;
	v2 =	vld [tilespmem:$0x1D7D0];
	_ =	sdelay $0x2  }
0x398: {  	v1 =	vsel vm7, $0x2300, v1  }
0x399: {  	[tilespmem:$0x1D370] =	vst v1;
	v1 =	vld [tilespmem:$0x1CEF0];
	v0 =	vsel vm8, $0x2380, v0  }
0x39a: {  	v2 =	vsel vm9, $0x240E, v2;
	[tilespmem:$0x1D800] =	vst v0;
	v0 =	vld [tilespmem:$0x1D370]  }
0x39b: {  	[tilespmem:$0x1DC60] =	vst v2;
	v2 =	vld [tilespmem:$0x1D7E0];
	_ =	sdelay $0x2  }
0x39c: {  	v1 =	vsel vm7, $0x2301, v1  }
0x39d: {  	[tilespmem:$0x1D380] =	vst v1;
	v1 =	vld [tilespmem:$0x1CF00];
	v0 =	vsel vm8, $0x2381, v0  }
0x39e: {  	v2 =	vsel vm9, $0x240F, v2;
	[tilespmem:$0x1D810] =	vst v0;
	v0 =	vld [tilespmem:$0x1D380]  }
0x39f: {  	[tilespmem:$0x1DC70] =	vst v2;
	v2 =	vld [tilespmem:$0x1D7F0];
	_ =	sdelay $0x2  }
0x3a0: {  	v1 =	vsel vm7, $0x2302, v1  }
0x3a1: {  	[tilespmem:$0x1D390] =	vst v1;
	v1 =	vld [tilespmem:$0x1CF10];
	v0 =	vsel vm8, $0x2382, v0  }
0x3a2: {  	v2 =	vsel vm9, $0x2400, v2;
	[tilespmem:$0x1D820] =	vst v0;
	v0 =	vld [tilespmem:$0x1D390]  }
0x3a3: {  	[tilespmem:$0x1DC80] =	vst v2;
	v2 =	vld [tilespmem:$0x1D800];
	_ =	sdelay $0x2  }
0x3a4: {  	v1 =	vsel vm7, $0x2303, v1  }
0x3a5: {  	[tilespmem:$0x1D3A0] =	vst v1;
	v1 =	vld [tilespmem:$0x1CF20];
	v0 =	vsel vm8, $0x2383, v0  }
0x3a6: {  	v2 =	vsel vm9, $0x2401, v2;
	[tilespmem:$0x1D830] =	vst v0;
	v0 =	vld [tilespmem:$0x1D3A0]  }
0x3a7: {  	[tilespmem:$0x1DC90] =	vst v2;
	v2 =	vld [tilespmem:$0x1D810];
	_ =	sdelay $0x2  }
0x3a8: {  	v1 =	vsel vm7, $0x2304, v1  }
0x3a9: {  	[tilespmem:$0x1D3B0] =	vst v1;
	v1 =	vld [tilespmem:$0x1CF30];
	v0 =	vsel vm8, $0x2384, v0  }
0x3aa: {  	v2 =	vsel vm9, $0x2402, v2;
	[tilespmem:$0x1D840] =	vst v0;
	v0 =	vld [tilespmem:$0x1D3B0]  }
0x3ab: {  	[tilespmem:$0x1DCA0] =	vst v2;
	v2 =	vld [tilespmem:$0x1D820];
	_ =	sdelay $0x2  }
0x3ac: {  	v1 =	vsel vm7, $0x2305, v1  }
0x3ad: {  	[tilespmem:$0x1D3C0] =	vst v1;
	v1 =	vld [tilespmem:$0x1CF40];
	v0 =	vsel vm8, $0x2385, v0  }
0x3ae: {  	v2 =	vsel vm9, $0x2403, v2;
	[tilespmem:$0x1D850] =	vst v0;
	v0 =	vld [tilespmem:$0x1D3C0]  }
0x3af: {  	[tilespmem:$0x1DCB0] =	vst v2;
	v2 =	vld [tilespmem:$0x1D830];
	_ =	sdelay $0x2  }
0x3b0: {  	v1 =	vsel vm7, $0x2B07, v1  }
0x3b1: {  	[tilespmem:$0x1D3D0] =	vst v1;
	v1 =	vld [tilespmem:$0x1CF50];
	v0 =	vsel vm8, $0x2386, v0  }
0x3b2: {  	v2 =	vsel vm9, $0x2404, v2;
	[tilespmem:$0x1D860] =	vst v0;
	v0 =	vld [tilespmem:$0x1D3D0]  }
0x3b3: {  	[tilespmem:$0x1DCC0] =	vst v2;
	v2 =	vld [tilespmem:$0x1D840];
	_ =	sdelay $0x2  }
0x3b4: {  	v1 =	vsel vm7, $0x2B08, v1  }
0x3b5: {  	[tilespmem:$0x1D3E0] =	vst v1;
	v1 =	vld [tilespmem:$0x1CF60];
	v0 =	vsel vm8, $0x2B88, v0  }
0x3b6: {  	v2 =	vsel vm9, $0x2405, v2;
	[tilespmem:$0x1D870] =	vst v0;
	v0 =	vld [tilespmem:$0x1D3E0]  }
0x3b7: {  	[tilespmem:$0x1DCD0] =	vst v2;
	v2 =	vld [tilespmem:$0x1D850];
	_ =	sdelay $0x2  }
0x3b8: {  	v1 =	vsel vm7, $0x2B09, v1  }
0x3b9: {  	[tilespmem:$0x1D3F0] =	vst v1;
	v1 =	vld [tilespmem:$0x1CF70];
	v0 =	vsel vm8, $0x2B89, v0  }
0x3ba: {  	v2 =	vsel vm9, $0x2406, v2;
	[tilespmem:$0x1D880] =	vst v0;
	v0 =	vld [tilespmem:$0x1D3F0]  }
0x3bb: {  	[tilespmem:$0x1DCE0] =	vst v2;
	v2 =	vld [tilespmem:$0x1D860];
	_ =	sdelay $0x2  }
0x3bc: {  	v1 =	vsel vm7, $0x2B0A, v1  }
0x3bd: {  	[tilespmem:$0x1D400] =	vst v1;
	v1 =	vld [tilespmem:$0x1CF80];
	v0 =	vsel vm8, $0x2B8A, v0  }
0x3be: {  	v2 =	vsel vm9, $0x2407, v2;
	[tilespmem:$0x1D890] =	vst v0;
	v0 =	vld [tilespmem:$0x1D400]  }
0x3bf: {  	[tilespmem:$0x1DCF0] =	vst v2;
	v2 =	vld [tilespmem:$0x1D870];
	_ =	sdelay $0x2  }
0x3c0: {  	v1 =	vsel vm7, $0x2B0B, v1  }
0x3c1: {  	[tilespmem:$0x1D410] =	vst v1;
	v1 =	vld [tilespmem:$0x1CF90];
	v0 =	vsel vm8, $0x2B8B, v0  }
0x3c2: {  	v2 =	vsel vm9, $0x2C09, v2;
	[tilespmem:$0x1D8A0] =	vst v0;
	v0 =	vld [tilespmem:$0x1D410]  }
0x3c3: {  	[tilespmem:$0x1DD00] =	vst v2;
	v2 =	vld [tilespmem:$0x1D880];
	_ =	sdelay $0x2  }
0x3c4: {  	v1 =	vsel vm7, $0x2B0C, v1  }
0x3c5: {  	[tilespmem:$0x1D420] =	vst v1;
	v1 =	vld [tilespmem:$0x1CFA0];
	v0 =	vsel vm8, $0x2B8C, v0  }
0x3c6: {  	v2 =	vsel vm9, $0x2C0A, v2;
	[tilespmem:$0x1D8B0] =	vst v0;
	v0 =	vld [tilespmem:$0x1D420]  }
0x3c7: {  	[tilespmem:$0x1DD10] =	vst v2;
	v2 =	vld [tilespmem:$0x1D890];
	_ =	sdelay $0x2  }
0x3c8: {  	v1 =	vsel vm7, $0x2B0D, v1  }
0x3c9: {  	[tilespmem:$0x1D430] =	vst v1;
	v1 =	vld [tilespmem:$0x1CFB0];
	v0 =	vsel vm8, $0x2B8D, v0  }
0x3ca: {  	v2 =	vsel vm9, $0x2C0B, v2;
	[tilespmem:$0x1D8C0] =	vst v0;
	v0 =	vld [tilespmem:$0x1D430]  }
0x3cb: {  	[tilespmem:$0x1DD20] =	vst v2;
	v2 =	vld [tilespmem:$0x1D8A0];
	_ =	sdelay $0x2  }
0x3cc: {  	v1 =	vsel vm7, $0x2B0E, v1  }
0x3cd: {  	[tilespmem:$0x1D440] =	vst v1;
	v1 =	vld [tilespmem:$0x1CFC0];
	v0 =	vsel vm8, $0x2B8E, v0  }
0x3ce: {  	v2 =	vsel vm9, $0x2C0C, v2;
	[tilespmem:$0x1D8D0] =	vst v0;
	v0 =	vld [tilespmem:$0x1D440]  }
0x3cf: {  	[tilespmem:$0x1DD30] =	vst v2;
	v2 =	vld [tilespmem:$0x1D8B0];
	_ =	sdelay $0x2  }
0x3d0: {  	v1 =	vsel vm7, $0x2B0F, v1  }
0x3d1: {  	[tilespmem:$0x1D450] =	vst v1;
	v1 =	vld [tilespmem:$0x1CFD0];
	v0 =	vsel vm8, $0x2B8F, v0  }
0x3d2: {  	v2 =	vsel vm9, $0x2C0D, v2;
	[tilespmem:$0x1D8E0] =	vst v0;
	v0 =	vld [tilespmem:$0x1D450]  }
0x3d3: {  	[tilespmem:$0x1DD40] =	vst v2;
	v2 =	vld [tilespmem:$0x1D8C0];
	_ =	sdelay $0x2  }
0x3d4: {  	v1 =	vsel vm7, $0x2B00, v1  }
0x3d5: {  	[tilespmem:$0x1D460] =	vst v1;
	v1 =	vld [tilespmem:$0x1CFE0];
	v0 =	vsel vm8, $0x2B80, v0  }
0x3d6: {  	v2 =	vsel vm9, $0x2C0E, v2;
	[tilespmem:$0x1D8F0] =	vst v0;
	v0 =	vld [tilespmem:$0x1D460]  }
0x3d7: {  	[tilespmem:$0x1DD50] =	vst v2;
	v2 =	vld [tilespmem:$0x1D8D0];
	_ =	sdelay $0x2  }
0x3d8: {  	v1 =	vsel vm7, $0x2B01, v1  }
0x3d9: {  	[tilespmem:$0x1D470] =	vst v1;
	v1 =	vld [tilespmem:$0x1CFF0];
	v0 =	vsel vm8, $0x2B81, v0  }
0x3da: {  	v2 =	vsel vm9, $0x2C0F, v2;
	[tilespmem:$0x1D900] =	vst v0;
	v0 =	vld [tilespmem:$0x1D470]  }
0x3db: {  	[tilespmem:$0x1DD60] =	vst v2;
	v2 =	vld [tilespmem:$0x1D8E0];
	_ =	sdelay $0x2  }
0x3dc: {  	v1 =	vsel vm7, $0x2B02, v1  }
0x3dd: {  	[tilespmem:$0x1D480] =	vst v1;
	v1 =	vld [tilespmem:$0x1D000];
	v0 =	vsel vm8, $0x2B82, v0  }
0x3de: {  	v2 =	vsel vm9, $0x2C00, v2;
	[tilespmem:$0x1D910] =	vst v0;
	v0 =	vld [tilespmem:$0x1D480]  }
0x3df: {  	[tilespmem:$0x1DD70] =	vst v2;
	v2 =	vld [tilespmem:$0x1D8F0];
	_ =	sdelay $0x2  }
0x3e0: {  	v1 =	vsel vm7, $0x2B03, v1  }
0x3e1: {  	[tilespmem:$0x1D490] =	vst v1;
	v1 =	vld [tilespmem:$0x1D010];
	v0 =	vsel vm8, $0x2B83, v0  }
0x3e2: {  	v2 =	vsel vm9, $0x2C01, v2;
	[tilespmem:$0x1D920] =	vst v0;
	v0 =	vld [tilespmem:$0x1D490]  }
0x3e3: {  	[tilespmem:$0x1DD80] =	vst v2;
	v2 =	vld [tilespmem:$0x1D900];
	_ =	sdelay $0x2  }
0x3e4: {  	v1 =	vsel vm7, $0x2B04, v1  }
0x3e5: {  	[tilespmem:$0x1D4A0] =	vst v1;
	v1 =	vld [tilespmem:$0x1D020];
	v0 =	vsel vm8, $0x2B84, v0  }
0x3e6: {  	v2 =	vsel vm9, $0x2C02, v2;
	[tilespmem:$0x1D930] =	vst v0;
	v0 =	vld [tilespmem:$0x1D4A0]  }
0x3e7: {  	[tilespmem:$0x1DD90] =	vst v2;
	v2 =	vld [tilespmem:$0x1D910];
	_ =	sdelay $0x2  }
0x3e8: {  	v1 =	vsel vm7, $0x2B05, v1  }
0x3e9: {  	[tilespmem:$0x1D4B0] =	vst v1;
	v1 =	vld [tilespmem:$0x1D030];
	v0 =	vsel vm8, $0x2B85, v0  }
0x3ea: {  	v2 =	vsel vm9, $0x2C03, v2;
	[tilespmem:$0x1D940] =	vst v0;
	v0 =	vld [tilespmem:$0x1D4B0]  }
0x3eb: {  	[tilespmem:$0x1DDA0] =	vst v2;
	v2 =	vld [tilespmem:$0x1D920];
	_ =	sdelay $0x2  }
0x3ec: {  	v1 =	vsel vm7, $0x3307, v1  }
0x3ed: {  	[tilespmem:$0x1D4C0] =	vst v1;
	v1 =	vld [tilespmem:$0x1D040];
	v0 =	vsel vm8, $0x2B86, v0  }
0x3ee: {  	v2 =	vsel vm9, $0x2C04, v2;
	[tilespmem:$0x1D950] =	vst v0;
	v0 =	vld [tilespmem:$0x1D4C0]  }
0x3ef: {  	[tilespmem:$0x1DDB0] =	vst v2;
	v2 =	vld [tilespmem:$0x1D930];
	_ =	sdelay $0x2  }
0x3f0: {  	v1 =	vsel vm7, $0x3308, v1  }
0x3f1: {  	[tilespmem:$0x1D4D0] =	vst v1;
	v1 =	vld [tilespmem:$0x1D050];
	v0 =	vsel vm8, $0x3388, v0  }
0x3f2: {  	v2 =	vsel vm9, $0x2C05, v2;
	[tilespmem:$0x1D960] =	vst v0;
	v0 =	vld [tilespmem:$0x1D4D0]  }
0x3f3: {  	[tilespmem:$0x1DDC0] =	vst v2;
	v2 =	vld [tilespmem:$0x1D940];
	_ =	sdelay $0x2  }
0x3f4: {  	v1 =	vsel vm7, $0x3309, v1  }
0x3f5: {  	[tilespmem:$0x1D4E0] =	vst v1;
	v1 =	vld [tilespmem:$0x1D060];
	v0 =	vsel vm8, $0x3389, v0  }
0x3f6: {  	v2 =	vsel vm9, $0x2C06, v2;
	[tilespmem:$0x1D970] =	vst v0;
	v0 =	vld [tilespmem:$0x1D4E0]  }
0x3f7: {  	[tilespmem:$0x1DDD0] =	vst v2;
	v2 =	vld [tilespmem:$0x1D950];
	_ =	sdelay $0x2  }
0x3f8: {  	v1 =	vsel vm7, $0x330A, v1  }
0x3f9: {  	[tilespmem:$0x1D4F0] =	vst v1;
	v1 =	vld [tilespmem:$0x1D070];
	v0 =	vsel vm8, $0x338A, v0  }
0x3fa: {  	v2 =	vsel vm9, $0x2C07, v2;
	[tilespmem:$0x1D980] =	vst v0;
	v0 =	vld [tilespmem:$0x1D4F0]  }
0x3fb: {  	[tilespmem:$0x1DDE0] =	vst v2;
	v2 =	vld [tilespmem:$0x1D960];
	_ =	sdelay $0x2  }
0x3fc: {  	v1 =	vsel vm7, $0x330B, v1  }
0x3fd: {  	[tilespmem:$0x1D500] =	vst v1;
	v1 =	vld [tilespmem:$0x1D080];
	v0 =	vsel vm8, $0x338B, v0  }
0x3fe: {  	v2 =	vsel vm9, $0x3409, v2;
	[tilespmem:$0x1D990] =	vst v0;
	v0 =	vld [tilespmem:$0x1D500]  }
0x3ff: {  	[tilespmem:$0x1DDF0] =	vst v2;
	v2 =	vld [tilespmem:$0x1D970];
	_ =	sdelay $0x2  }
0x400: {  	v1 =	vsel vm7, $0x330C, v1  }
0x401: {  	[tilespmem:$0x1D510] =	vst v1;
	v1 =	vld [tilespmem:$0x1D090];
	v0 =	vsel vm8, $0x338C, v0  }
0x402: {  	v2 =	vsel vm9, $0x340A, v2;
	[tilespmem:$0x1D9A0] =	vst v0;
	v0 =	vld [tilespmem:$0x1D510]  }
0x403: {  	[tilespmem:$0x1DE00] =	vst v2;
	v2 =	vld [tilespmem:$0x1D980];
	_ =	sdelay $0x2  }
0x404: {  	v1 =	vsel vm7, $0x330D, v1  }
0x405: {  	[tilespmem:$0x1D520] =	vst v1;
	v1 =	vld [tilespmem:$0x1D0A0];
	v0 =	vsel vm8, $0x338D, v0  }
0x406: {  	v2 =	vsel vm9, $0x340B, v2;
	[tilespmem:$0x1D9B0] =	vst v0;
	v0 =	vld [tilespmem:$0x1D520]  }
0x407: {  	[tilespmem:$0x1DE10] =	vst v2;
	v2 =	vld [tilespmem:$0x1D990];
	_ =	sdelay $0x2  }
0x408: {  	v1 =	vsel vm7, $0x330E, v1  }
0x409: {  	[tilespmem:$0x1D530] =	vst v1;
	v1 =	vld [tilespmem:$0x1D0B0];
	v0 =	vsel vm8, $0x338E, v0  }
0x40a: {  	v2 =	vsel vm9, $0x340C, v2;
	[tilespmem:$0x1D9C0] =	vst v0;
	v0 =	vld [tilespmem:$0x1D530]  }
0x40b: {  	[tilespmem:$0x1DE20] =	vst v2;
	v2 =	vld [tilespmem:$0x1D9A0];
	_ =	sdelay $0x2  }
0x40c: {  	v1 =	vsel vm7, $0x330F, v1  }
0x40d: {  	[tilespmem:$0x1D540] =	vst v1;
	v1 =	vld [tilespmem:$0x1D0C0];
	v0 =	vsel vm8, $0x338F, v0  }
0x40e: {  	v2 =	vsel vm9, $0x340D, v2;
	[tilespmem:$0x1D9D0] =	vst v0;
	v0 =	vld [tilespmem:$0x1D540]  }
0x40f: {  	[tilespmem:$0x1DE30] =	vst v2;
	v2 =	vld [tilespmem:$0x1D9B0];
	_ =	sdelay $0x2  }
0x410: {  	v1 =	vsel vm7, $0x3300, v1  }
0x411: {  	[tilespmem:$0x1D550] =	vst v1;
	v1 =	vld [tilespmem:$0x1D0D0];
	v0 =	vsel vm8, $0x3380, v0  }
0x412: {  	v2 =	vsel vm9, $0x340E, v2;
	[tilespmem:$0x1D9E0] =	vst v0;
	v0 =	vld [tilespmem:$0x1D550]  }
0x413: {  	[tilespmem:$0x1DE40] =	vst v2;
	v2 =	vld [tilespmem:$0x1D9C0];
	_ =	sdelay $0x2  }
0x414: {  	v1 =	vsel vm7, $0x3301, v1  }
0x415: {  	[tilespmem:$0x1D560] =	vst v1;
	v1 =	vld [tilespmem:$0x1D0E0];
	v0 =	vsel vm8, $0x3381, v0  }
0x416: {  	v2 =	vsel vm9, $0x340F, v2;
	[tilespmem:$0x1D9F0] =	vst v0;
	v0 =	vld [tilespmem:$0x1D560]  }
0x417: {  	[tilespmem:$0x1DE50] =	vst v2;
	v2 =	vld [tilespmem:$0x1D9D0];
	_ =	sdelay $0x2  }
0x418: {  	v1 =	vsel vm7, $0x3302, v1  }
0x419: {  	[tilespmem:$0x1D570] =	vst v1;
	v1 =	vld [tilespmem:$0x1D0F0];
	v0 =	vsel vm8, $0x3382, v0  }
0x41a: {  	v2 =	vsel vm9, $0x3400, v2;
	[tilespmem:$0x1DA00] =	vst v0;
	v0 =	vld [tilespmem:$0x1D570]  }
0x41b: {  	[tilespmem:$0x1DE60] =	vst v2;
	v2 =	vld [tilespmem:$0x1D9E0];
	_ =	sdelay $0x2  }
0x41c: {  	v1 =	vsel vm7, $0x3303, v1  }
0x41d: {  	[tilespmem:$0x1D580] =	vst v1;
	v1 =	vld [tilespmem:$0x1D100];
	v0 =	vsel vm8, $0x3383, v0  }
0x41e: {  	v2 =	vsel vm9, $0x3401, v2;
	[tilespmem:$0x1DA10] =	vst v0;
	v0 =	vld [tilespmem:$0x1D580]  }
0x41f: {  	[tilespmem:$0x1DE70] =	vst v2;
	v2 =	vld [tilespmem:$0x1D9F0];
	_ =	sdelay $0x2  }
0x420: {  	v1 =	vsel vm7, $0x3304, v1  }
0x421: {  	[tilespmem:$0x1D590] =	vst v1;
	v1 =	vld [tilespmem:$0x1D110];
	v0 =	vsel vm8, $0x3384, v0  }
0x422: {  	v2 =	vsel vm9, $0x3402, v2;
	[tilespmem:$0x1DA20] =	vst v0;
	v0 =	vld [tilespmem:$0x1D590]  }
0x423: {  	[tilespmem:$0x1DE80] =	vst v2;
	v2 =	vld [tilespmem:$0x1DA00];
	_ =	sdelay $0x2  }
0x424: {  	v1 =	vsel vm7, $0x3305, v1  }
0x425: {  	[tilespmem:$0x1D5A0] =	vst v1;
	v1 =	vld [tilespmem:$0x1D120];
	v0 =	vsel vm8, $0x3385, v0  }
0x426: {  	v2 =	vsel vm9, $0x3403, v2;
	[tilespmem:$0x1DA30] =	vst v0;
	v0 =	vld [tilespmem:$0x1D5A0]  }
0x427: {  	[tilespmem:$0x1DE90] =	vst v2;
	v2 =	vld [tilespmem:$0x1DA10];
	_ =	sdelay $0x2  }
0x428: {  	v1 =	vsel vm7, $0x3B07, v1  }
0x429: {  	[tilespmem:$0x1D5B0] =	vst v1;
	v1 =	vld [tilespmem:$0x1D130];
	v0 =	vsel vm8, $0x3386, v0  }
0x42a: {  	v2 =	vsel vm9, $0x3404, v2;
	[tilespmem:$0x1DA40] =	vst v0;
	v0 =	vld [tilespmem:$0x1D5B0]  }
0x42b: {  	[tilespmem:$0x1DEA0] =	vst v2;
	v2 =	vld [tilespmem:$0x1DA20];
	_ =	sdelay $0x2  }
0x42c: {  	v1 =	vsel vm7, $0x3B08, v1  }
0x42d: {  	[tilespmem:$0x1D5C0] =	vst v1;
	v1 =	vld [tilespmem:$0x1D140];
	v0 =	vsel vm8, $0x3B88, v0  }
0x42e: {  	v2 =	vsel vm9, $0x3405, v2;
	[tilespmem:$0x1DA50] =	vst v0;
	v0 =	vld [tilespmem:$0x1D5C0]  }
0x42f: {  	[tilespmem:$0x1DEB0] =	vst v2;
	v2 =	vld [tilespmem:$0x1DA30];
	_ =	sdelay $0x2  }
0x430: {  	v1 =	vsel vm7, $0x3B09, v1  }
0x431: {  	[tilespmem:$0x1D5D0] =	vst v1;
	v1 =	vld [tilespmem:$0x1D150];
	v0 =	vsel vm8, $0x3B89, v0  }
0x432: {  	v2 =	vsel vm9, $0x3406, v2;
	[tilespmem:$0x1DA60] =	vst v0;
	v0 =	vld [tilespmem:$0x1D5D0]  }
0x433: {  	[tilespmem:$0x1DEC0] =	vst v2;
	v2 =	vld [tilespmem:$0x1DA40];
	_ =	sdelay $0x2  }
0x434: {  	v1 =	vsel vm7, $0x3B0A, v1  }
0x435: {  	[tilespmem:$0x1D5E0] =	vst v1;
	v1 =	vld [tilespmem:$0x1D160];
	v0 =	vsel vm8, $0x3B8A, v0  }
0x436: {  	v2 =	vsel vm9, $0x3407, v2;
	[tilespmem:$0x1DA70] =	vst v0;
	v0 =	vld [tilespmem:$0x1D5E0]  }
0x437: {  	[tilespmem:$0x1DED0] =	vst v2;
	v2 =	vld [tilespmem:$0x1DA50];
	_ =	sdelay $0x2  }
0x438: {  	v1 =	vsel vm7, $0x3B0B, v1  }
0x439: {  	[tilespmem:$0x1D5F0] =	vst v1;
	v1 =	vld [tilespmem:$0x1D170];
	v0 =	vsel vm8, $0x3B8B, v0  }
0x43a: {  	v2 =	vsel vm9, $0x3C09, v2;
	[tilespmem:$0x1DA80] =	vst v0;
	v0 =	vld [tilespmem:$0x1D5F0]  }
0x43b: {  	[tilespmem:$0x1DEE0] =	vst v2;
	v2 =	vld [tilespmem:$0x1DA60];
	_ =	sdelay $0x2  }
0x43c: {  	v1 =	vsel vm7, $0x3B0C, v1  }
0x43d: {  	[tilespmem:$0x1D600] =	vst v1;
	v1 =	vld [tilespmem:$0x1D180];
	v0 =	vsel vm8, $0x3B8C, v0  }
0x43e: {  	v2 =	vsel vm9, $0x3C0A, v2;
	[tilespmem:$0x1DA90] =	vst v0;
	v0 =	vld [tilespmem:$0x1D600]  }
0x43f: {  	[tilespmem:$0x1DEF0] =	vst v2;
	v2 =	vld [tilespmem:$0x1DA70];
	_ =	sdelay $0x2  }
0x440: {  	v1 =	vsel vm7, $0x3B0D, v1  }
0x441: {  	[tilespmem:$0x1D610] =	vst v1;
	v1 =	vld [tilespmem:$0x1D190];
	v0 =	vsel vm8, $0x3B8D, v0  }
0x442: {  	v2 =	vsel vm9, $0x3C0B, v2;
	[tilespmem:$0x1DAA0] =	vst v0;
	v0 =	vld [tilespmem:$0x1D610]  }
0x443: {  	[tilespmem:$0x1DF00] =	vst v2;
	v2 =	vld [tilespmem:$0x1DA80];
	_ =	sdelay $0x2  }
0x444: {  	v1 =	vsel vm7, $0x3B0E, v1  }
0x445: {  	[tilespmem:$0x1D620] =	vst v1;
	v1 =	vld [tilespmem:$0x1D1A0];
	v0 =	vsel vm8, $0x3B8E, v0  }
0x446: {  	v2 =	vsel vm9, $0x3C0C, v2;
	[tilespmem:$0x1DAB0] =	vst v0;
	v0 =	vld [tilespmem:$0x1D620]  }
0x447: {  	[tilespmem:$0x1DF10] =	vst v2;
	v2 =	vld [tilespmem:$0x1DA90];
	_ =	sdelay $0x2  }
0x448: {  	v1 =	vsel vm7, $0x3B0F, v1  }
0x449: {  	[tilespmem:$0x1D630] =	vst v1;
	v1 =	vld [tilespmem:$0x1D1B0];
	v0 =	vsel vm8, $0x3B8F, v0  }
0x44a: {  	v2 =	vsel vm9, $0x3C0D, v2;
	[tilespmem:$0x1DAC0] =	vst v0;
	v0 =	vld [tilespmem:$0x1D630]  }
0x44b: {  	[tilespmem:$0x1DF20] =	vst v2;
	v2 =	vld [tilespmem:$0x1DAA0];
	_ =	sdelay $0x2  }
0x44c: {  	v1 =	vsel vm7, $0x3B00, v1  }
0x44d: {  	[tilespmem:$0x1D640] =	vst v1;
	v1 =	vld [tilespmem:$0x1D1C0];
	v0 =	vsel vm8, $0x3B80, v0  }
0x44e: {  	v2 =	vsel vm9, $0x3C0E, v2;
	[tilespmem:$0x1DAD0] =	vst v0;
	v0 =	vld [tilespmem:$0x1D640]  }
0x44f: {  	[tilespmem:$0x1DF30] =	vst v2;
	v2 =	vld [tilespmem:$0x1DAB0];
	_ =	sdelay $0x1  }
0x450: {  	vm10 =	vcmask $0x2724  }
0x451: {  	vm11 =	vcmask $0x2B28;
	v5 =	vsel vm15, $0x700, v5;
	v1 =	vsel vm7, $0x3B01, v1  }
0x452: {  	vm12 =	vcmask $0x2F2C;
	v5 =	vsel vm4, $0x780, v5;
	[tilespmem:$0x1D650] =	vst v1;
	v1 =	vld [tilespmem:$0x1D1D0];
	v0 =	vsel vm8, $0x3B81, v0  }
0x453: {  	v6 =	vsel vm15, $0x680, v6;
	v8 =	vsel vm15, $0x580, v8;
	v2 =	vsel vm9, $0x3C0F, v2;
	[tilespmem:$0x1DAE0] =	vst v0;
	v0 =	vld [tilespmem:$0x1D650]  }
0x454: {  	v5 =	vsel vm5, $0x0, v5;
	v7 =	vsel vm15, $0x600, v7;
	v6 =	vsel vm4, $0x700, v6;
	[tilespmem:$0x1DF40] =	vst v2;
	v2 =	vld [tilespmem:$0x1DAC0]  }
0x455: {  	v8 =	vsel vm4, $0x600, v8;
	v5 =	vsel vm6, $0x80, v5;
	v9 =	vsel vm15, $0x500, v9  }
0x456: {  	v7 =	vsel vm4, $0x680, v7;
	v6 =	vsel vm5, $0x780, v6;
	v8 =	vsel vm5, $0x680, v8  }
0x457: {  	v5 =	vsel vm7, $0x100, v5;
	v9 =	vsel vm4, $0x580, v9;
	v1 =	vsel vm7, $0x3B02, v1  }
0x458: {  	v7 =	vsel vm5, $0x700, v7;
	v6 =	vsel vm6, $0x0, v6;
	[tilespmem:$0x1D660] =	vst v1;
	v1 =	vld [tilespmem:$0x1D1E0];
	v0 =	vsel vm8, $0x3B82, v0  }
0x459: {  	v8 =	vsel vm6, $0x700, v8;
	v43 =	vsel vm15, $0x90E, v43;
	v2 =	vsel vm9, $0x3C00, v2;
	[tilespmem:$0x1DAF0] =	vst v0;
	v0 =	vld [tilespmem:$0x1D660]  }
0x45a: {  	v44 =	vsel vm15, $0x90F, v44;
	v45 =	vsel vm15, $0x900, v45;
	v43 =	vsel vm4, $0x98F, v43;
	[tilespmem:$0x1DF50] =	vst v2;
	v2 =	vld [tilespmem:$0x1DAD0]  }
0x45b: {  	v44 =	vsel vm4, $0x980, v44;
	v45 =	vsel vm4, $0x981, v45;
	v43 =	vsel vm5, $0xA00, v43  }
0x45c: {  	v44 =	vsel vm5, $0xA01, v44;
	v43 =	vsel vm6, $0xA81, v43;
	v46 =	vsel vm5, $0xA02, v45  }
0x45d: {  	v45 =	vsel vm6, $0xA82, v44;
	v44 =	vsel vm7, $0xB02, v43;
	v43 =	vld [tilespmem:$0x1D200];
	v1 =	vsel vm7, $0x3B03, v1  }
0x45e: {  	v5 =	vsel vm8, $0x180, v5;
	v9 =	vsel vm5, $0x600, v9;
	[tilespmem:$0x1D670] =	vst v1;
	v1 =	vld [tilespmem:$0x1D1F0];
	v0 =	vsel vm8, $0x3B83, v0  }
0x45f: {  	v7 =	vsel vm6, $0x780, v7;
	v6 =	vsel vm7, $0x80, v6;
	v2 =	vsel vm9, $0x3C01, v2;
	[tilespmem:$0x1DB00] =	vst v0;
	v0 =	vld [tilespmem:$0x1D670]  }
0x460: {  	v8 =	vsel vm7, $0x780, v8;
	v5 =	vsel vm9, $0x200, v5;
	v9 =	vsel vm6, $0x680, v9;
	[tilespmem:$0x1DF60] =	vst v2;
	v2 =	vld [tilespmem:$0x1DAE0]  }
0x461: {  	v7 =	vsel vm7, $0x0, v7;
	v6 =	vsel vm8, $0x100, v6;
	v8 =	vsel vm8, $0x0, v8  }
0x462: {  	v5 =	vsel vm10, $0x280, v5;
	v9 =	vsel vm7, $0x700, v9;
	v7 =	vsel vm8, $0x80, v7  }
0x463: {  	v6 =	vsel vm9, $0x180, v6;
	v8 =	vsel vm9, $0x80, v8;
	v43 =	vsel vm7, $0x3B05, v43  }
0x464: {  	v9 =	vsel vm8, $0x780, v9;
	v7 =	vsel vm9, $0x100, v7;
	[tilespmem:$0x1D680] =	vst v43;
	v0 =	vsel vm8, $0x3B84, v0  }
0x465: {  	v6 =	vsel vm10, $0x200, v6;
	v1 =	vsel vm7, $0x3B04, v1;
	v2 =	vsel vm9, $0x3C02, v2;
	[tilespmem:$0x1DB10] =	vst v0  }
0x466: {  	v8 =	vsel vm10, $0x100, v8;
	v9 =	vsel vm9, $0x0, v9;
	v0 =	vsel vm8, $0x3B85, v1;
	v1 =	vld [tilespmem:$0x1D680];
	[tilespmem:$0x1DF70] =	vst v2  }
0x467: {  	v7 =	vsel vm10, $0x180, v7;
	v9 =	vsel vm10, $0x80, v9;
	v57 =	vsel vm15, $0x110C, v57;
	v2 =	vld [tilespmem:$0x1DAF0]  }
0x468: {  	v57 =	vsel vm4, $0x118D, v57;
	v58 =	vsel vm15, $0x110D, v58;
	v60 =	vsel vm15, $0x110F, v60  }
0x469: {  	v57 =	vsel vm5, $0x120E, v57;
	v59 =	vsel vm15, $0x110E, v59;
	v58 =	vsel vm4, $0x118E, v58  }
0x46a: {  	v60 =	vsel vm4, $0x1180, v60;
	v57 =	vsel vm6, $0x128F, v57;
	v61 =	vsel vm15, $0x1100, v61  }
0x46b: {  	v59 =	vsel vm4, $0x118F, v59;
	v58 =	vsel vm5, $0x120F, v58;
	v60 =	vsel vm5, $0x1201, v60  }
0x46c: {  	v57 =	vsel vm7, $0x1300, v57;
	v61 =	vsel vm4, $0x1181, v61;
	v2 =	vsel vm9, $0x3C03, v2  }
0x46d: {  	v59 =	vsel vm5, $0x1200, v59;
	v58 =	vsel vm6, $0x1280, v58;
	v60 =	vsel vm6, $0x1282, v60;
	[tilespmem:$0x1DF80] =	vst v2;
	v2 =	vld [tilespmem:$0x1DB00]  }
0x46e: {  	v57 =	vsel vm8, $0x1381, v57;
	v61 =	vsel vm5, $0x1202, v61;
	v59 =	vsel vm6, $0x1281, v59  }
0x46f: {  	v58 =	vsel vm7, $0x1301, v58;
	v60 =	vsel vm7, $0x1303, v60;
	v57 =	vsel vm9, $0x1402, v57  }
0x470: {  	v61 =	vsel vm6, $0x1283, v61;
	v59 =	vsel vm7, $0x1302, v59;
	v58 =	vsel vm8, $0x1382, v58  }
0x471: {  	v60 =	vsel vm8, $0x1384, v60;
	v57 =	vsel vm10, $0x1483, v57;
	v0 =	vsel vm9, $0x3C06, v0  }
0x472: {  	v61 =	vsel vm7, $0x1304, v61;
	[tilespmem:$0x1DFB0] =	vst v0;
	v1 =	vsel vm8, $0x3B86, v1;
	v2 =	vsel vm9, $0x3C04, v2  }
0x473: {  	v59 =	vsel vm8, $0x1383, v59;
	v58 =	vsel vm9, $0x1403, v58;
	v0 =	vsel vm9, $0x3C07, v1;
	[tilespmem:$0x1DF90] =	vst v2;
	v2 =	vld [tilespmem:$0x1DB10]  }
0x474: {  	v60 =	vsel vm9, $0x1405, v60;
	v57 =	vsel vm11, $0x1504, v57;
	v61 =	vsel vm8, $0x1385, v61;
	[tilespmem:$0x1DFC0] =	vst v0;
	v0 =	vld [tilespmem:$0x1DB20]  }
0x475: {  	v59 =	vsel vm9, $0x1404, v59;
	v58 =	vsel vm10, $0x1484, v58;
	v4 =	vsel vm4, $0x0, v4  }
0x476: {  	v60 =	vsel vm10, $0x1486, v60;
	v62 =	vsel vm1, $0x1080, v62;
	v4 =	vsel vm5, $0x80, v4  }
0x477: {  	v61 =	vsel vm9, $0x1406, v61;
	v59 =	vsel vm10, $0x1485, v59;
	v4 =	vsel vm6, $0x100, v4  }
0x478: {  	v58 =	vsel vm11, $0x1505, v58;
	v4 =	vsel vm7, $0x180, v4;
	v2 =	vsel vm9, $0x3C05, v2  }
0x479: {  	v60 =	vsel vm11, $0x1507, v60;
	v4 =	vsel vm8, $0x200, v4;
	[tilespmem:$0x1DFA0] =	vst v2;
	v2 =	vsel vm10, $0x400, v0  }
0x47a: {  	v4 =	vsel vm9, $0x280, v4;
	v3 =	vsel vm10, $0x380, v3;
	v1 =	vld [tilespmem:$0x1DB40];
	v2 =	vsel vm11, $0x480, v2  }
0x47b: {  	v63 =	vsel vm1, $0x1882, v63;
	v4 =	vsel vm10, $0x300, v4;
	v0 =	vld [tilespmem:$0x1DB30];
	[tilespmem:$0x1E450] =	vst v2;
	v2 =	vsel vm11, $0x400, v3  }
0x47c: {  	v3 =	vsel vm11, $0x380, v4;
	v4 =	vsel vm11, $0x300, v5;
	v5 =	vsel vm11, $0x280, v6  }
0x47d: {  	v6 =	vsel vm11, $0x200, v7;
	v7 =	vsel vm11, $0x180, v8;
	v8 =	vsel vm11, $0x100, v9;
	v9 =	vld [tilespmem:$0x1E450]  }
0x47e: {  	v62 =	vsel vm15, $0x1101, v62;
	v61 =	vsel vm10, $0x1487, v61;
	v59 =	vsel vm11, $0x1506, v59  }
0x47f: {  	v63 =	vsel vm15, $0x1903, v63;
	v62 =	vsel vm4, $0x1182, v62;
	v61 =	vsel vm11, $0x1508, v61  }
0x480: {  	v63 =	vsel vm4, $0x1984, v63;
	v1 =	vsel vm10, $0x1C8C, v1;
	v0 =	vsel vm10, $0x1C8B, v0  }
0x481: {  	v62 =	vsel vm5, $0x1203, v62;
	v63 =	vsel vm5, $0x1A05, v63;
	[tilespmem:$0x1DFD0] =	vst v1;
	v0 =	vsel vm11, $0x1D0C, v0  }
0x482: {  	v62 =	vsel vm6, $0x1284, v62;
	v63 =	vsel vm6, $0x1A86, v63;
	[tilespmem:$0x1E460] =	vst v0;
	v9 =	vsel vm12, $0x500, v9  }
0x483: {  	v62 =	vsel vm7, $0x1305, v62;
	[tilespmem:$0x1E8E0] =	vst v9;
	v9 =	vsel vm12, $0x180, v8;
	v8 =	vsel vm12, $0x1585, v57  }
0x484: {  	v63 =	vsel vm7, $0x1B07, v63;
	v62 =	vsel vm8, $0x1386, v62;
	[tilespmem:$0x1E8F0] =	vst v8;
	v8 =	vsel vm12, $0x1586, v58  }
0x485: {  	v63 =	vsel vm8, $0x1B88, v63;
	v62 =	vsel vm9, $0x1407, v62;
	[tilespmem:$0x1E900] =	vst v8;
	v8 =	vsel vm12, $0x1587, v59  }
0x486: {  	v63 =	vsel vm9, $0x1C09, v63;
	v62 =	vsel vm10, $0x1488, v62;
	[tilespmem:$0x1E910] =	vst v8;
	v8 =	vsel vm12, $0x1588, v60  }
0x487: {  	v63 =	vsel vm10, $0x1C8A, v63;
	v62 =	vsel vm11, $0x1509, v62;
	v1 =	vld [tilespmem:$0x1DB50];
	[tilespmem:$0x1E920] =	vst v8;
	v8 =	vsel vm12, $0x1589, v61  }
0x488: {  	v63 =	vsel vm11, $0x1D0B, v63;
	v0 =	vld [tilespmem:$0x1DFD0];
	[tilespmem:$0x1E930] =	vst v8;
	v8 =	vsel vm12, $0x158A, v62  }
0x489: {  	[tilespmem:$0x1E940] =	vst v8;
	v8 =	vsel vm12, $0x1D8C, v63  }
0x48a: {  	[tilespmem:$0x1E950] =	vst v8;
	v8 =	vld [tilespmem:$0x1E460];
	_ =	sdelay $0x1  }
0x48b: {  	v1 =	vsel vm10, $0x1C8D, v1  }
0x48c: {  	[tilespmem:$0x1DFE0] =	vst v1;
	v1 =	vld [tilespmem:$0x1DB60];
	v0 =	vsel vm11, $0x1D0D, v0  }
0x48d: {  	[tilespmem:$0x1E470] =	vst v0;
	v0 =	vld [tilespmem:$0x1DFE0]  }
0x48e: {  	v8 =	vsel vm12, $0x1D8D, v8  }
0x48f: {  	[tilespmem:$0x1E960] =	vst v8;
	v8 =	vld [tilespmem:$0x1E470];
	_ =	sdelay $0x1  }
0x490: {  	v1 =	vsel vm10, $0x1C8E, v1  }
0x491: {  	[tilespmem:$0x1DFF0] =	vst v1;
	v1 =	vld [tilespmem:$0x1DB70];
	v0 =	vsel vm11, $0x1D0E, v0  }
0x492: {  	[tilespmem:$0x1E480] =	vst v0;
	v0 =	vld [tilespmem:$0x1DFF0]  }
0x493: {  	v8 =	vsel vm12, $0x1D8E, v8  }
0x494: {  	[tilespmem:$0x1E970] =	vst v8;
	v8 =	vld [tilespmem:$0x1E480];
	_ =	sdelay $0x1  }
0x495: {  	v1 =	vsel vm10, $0x1C8F, v1  }
0x496: {  	[tilespmem:$0x1E000] =	vst v1;
	v1 =	vld [tilespmem:$0x1DB80];
	v0 =	vsel vm11, $0x1D0F, v0  }
0x497: {  	[tilespmem:$0x1E490] =	vst v0;
	v0 =	vld [tilespmem:$0x1E000]  }
0x498: {  	v8 =	vsel vm12, $0x1D8F, v8  }
0x499: {  	[tilespmem:$0x1E980] =	vst v8;
	v8 =	vld [tilespmem:$0x1E490];
	_ =	sdelay $0x1  }
0x49a: {  	v1 =	vsel vm10, $0x1C80, v1  }
0x49b: {  	[tilespmem:$0x1E010] =	vst v1;
	v1 =	vld [tilespmem:$0x1DB90];
	v0 =	vsel vm11, $0x1D00, v0  }
0x49c: {  	[tilespmem:$0x1E4A0] =	vst v0;
	v0 =	vld [tilespmem:$0x1E010]  }
0x49d: {  	v8 =	vsel vm12, $0x1D80, v8  }
0x49e: {  	[tilespmem:$0x1E990] =	vst v8;
	v8 =	vld [tilespmem:$0x1E4A0];
	_ =	sdelay $0x1  }
0x49f: {  	v1 =	vsel vm10, $0x1C81, v1  }
0x4a0: {  	[tilespmem:$0x1E020] =	vst v1;
	v1 =	vld [tilespmem:$0x1DBA0];
	v0 =	vsel vm11, $0x1D01, v0  }
0x4a1: {  	[tilespmem:$0x1E4B0] =	vst v0;
	v0 =	vld [tilespmem:$0x1E020]  }
0x4a2: {  	v8 =	vsel vm12, $0x1D81, v8  }
0x4a3: {  	[tilespmem:$0x1E9A0] =	vst v8;
	v8 =	vld [tilespmem:$0x1E4B0];
	_ =	sdelay $0x1  }
0x4a4: {  	v1 =	vsel vm10, $0x1C82, v1  }
0x4a5: {  	[tilespmem:$0x1E030] =	vst v1;
	v1 =	vld [tilespmem:$0x1DBB0];
	v0 =	vsel vm11, $0x1D02, v0  }
0x4a6: {  	[tilespmem:$0x1E4C0] =	vst v0;
	v0 =	vld [tilespmem:$0x1E030]  }
0x4a7: {  	v8 =	vsel vm12, $0x1D82, v8  }
0x4a8: {  	[tilespmem:$0x1E9B0] =	vst v8;
	v8 =	vld [tilespmem:$0x1E4C0];
	_ =	sdelay $0x1  }
0x4a9: {  	v1 =	vsel vm10, $0x1C83, v1  }
0x4aa: {  	[tilespmem:$0x1E040] =	vst v1;
	v1 =	vld [tilespmem:$0x1DBC0];
	v0 =	vsel vm11, $0x1D03, v0  }
0x4ab: {  	[tilespmem:$0x1E4D0] =	vst v0;
	v0 =	vld [tilespmem:$0x1E040]  }
0x4ac: {  	v8 =	vsel vm12, $0x1D83, v8  }
0x4ad: {  	[tilespmem:$0x1E9C0] =	vst v8;
	v8 =	vld [tilespmem:$0x1E4D0];
	_ =	sdelay $0x1  }
0x4ae: {  	v1 =	vsel vm10, $0x1C84, v1  }
0x4af: {  	[tilespmem:$0x1E050] =	vst v1;
	v1 =	vld [tilespmem:$0x1DBD0];
	v0 =	vsel vm11, $0x1D04, v0  }
0x4b0: {  	[tilespmem:$0x1E4E0] =	vst v0;
	v0 =	vld [tilespmem:$0x1E050]  }
0x4b1: {  	v8 =	vsel vm12, $0x1D84, v8  }
0x4b2: {  	[tilespmem:$0x1E9D0] =	vst v8;
	v8 =	vld [tilespmem:$0x1E4E0];
	_ =	sdelay $0x1  }
0x4b3: {  	v1 =	vsel vm10, $0x1C85, v1  }
0x4b4: {  	[tilespmem:$0x1E060] =	vst v1;
	v1 =	vld [tilespmem:$0x1DBE0];
	v0 =	vsel vm11, $0x1D05, v0  }
0x4b5: {  	[tilespmem:$0x1E4F0] =	vst v0;
	v0 =	vld [tilespmem:$0x1E060]  }
0x4b6: {  	v8 =	vsel vm12, $0x1D85, v8  }
0x4b7: {  	[tilespmem:$0x1E9E0] =	vst v8;
	v8 =	vld [tilespmem:$0x1E4F0];
	_ =	sdelay $0x1  }
0x4b8: {  	v1 =	vsel vm10, $0x1C86, v1  }
0x4b9: {  	[tilespmem:$0x1E070] =	vst v1;
	v1 =	vld [tilespmem:$0x1DBF0];
	v0 =	vsel vm11, $0x1D06, v0  }
0x4ba: {  	[tilespmem:$0x1E500] =	vst v0;
	v0 =	vld [tilespmem:$0x1E070]  }
0x4bb: {  	v8 =	vsel vm12, $0x1D86, v8  }
0x4bc: {  	[tilespmem:$0x1E9F0] =	vst v8;
	v8 =	vld [tilespmem:$0x1E500];
	_ =	sdelay $0x1  }
0x4bd: {  	v1 =	vsel vm10, $0x1C87, v1  }
0x4be: {  	[tilespmem:$0x1E080] =	vst v1;
	v1 =	vld [tilespmem:$0x1DC00];
	v0 =	vsel vm11, $0x1D07, v0  }
0x4bf: {  	[tilespmem:$0x1E510] =	vst v0;
	v0 =	vld [tilespmem:$0x1E080]  }
0x4c0: {  	v8 =	vsel vm12, $0x1D87, v8  }
0x4c1: {  	[tilespmem:$0x1EA00] =	vst v8;
	v8 =	vld [tilespmem:$0x1E510];
	_ =	sdelay $0x1  }
0x4c2: {  	v1 =	vsel vm10, $0x1C88, v1  }
0x4c3: {  	[tilespmem:$0x1E090] =	vst v1;
	v1 =	vld [tilespmem:$0x1DC10];
	v0 =	vsel vm11, $0x1D08, v0  }
0x4c4: {  	[tilespmem:$0x1E520] =	vst v0;
	v0 =	vld [tilespmem:$0x1E090]  }
0x4c5: {  	v8 =	vsel vm12, $0x1D88, v8  }
0x4c6: {  	[tilespmem:$0x1EA10] =	vst v8;
	v8 =	vld [tilespmem:$0x1E520];
	_ =	sdelay $0x1  }
0x4c7: {  	v1 =	vsel vm10, $0x248A, v1  }
0x4c8: {  	[tilespmem:$0x1E0A0] =	vst v1;
	v1 =	vld [tilespmem:$0x1DC20];
	v0 =	vsel vm11, $0x1D09, v0  }
0x4c9: {  	[tilespmem:$0x1E530] =	vst v0;
	v0 =	vld [tilespmem:$0x1E0A0]  }
0x4ca: {  	v8 =	vsel vm12, $0x1D89, v8  }
0x4cb: {  	[tilespmem:$0x1EA20] =	vst v8;
	v8 =	vld [tilespmem:$0x1E530];
	_ =	sdelay $0x1  }
0x4cc: {  	v1 =	vsel vm10, $0x248B, v1  }
0x4cd: {  	[tilespmem:$0x1E0B0] =	vst v1;
	v1 =	vld [tilespmem:$0x1DC30];
	v0 =	vsel vm11, $0x250B, v0  }
0x4ce: {  	[tilespmem:$0x1E540] =	vst v0;
	v0 =	vld [tilespmem:$0x1E0B0]  }
0x4cf: {  	v8 =	vsel vm12, $0x1D8A, v8  }
0x4d0: {  	[tilespmem:$0x1EA30] =	vst v8;
	v8 =	vld [tilespmem:$0x1E540];
	_ =	sdelay $0x1  }
0x4d1: {  	v1 =	vsel vm10, $0x248C, v1  }
0x4d2: {  	[tilespmem:$0x1E0C0] =	vst v1;
	v1 =	vld [tilespmem:$0x1DC40];
	v0 =	vsel vm11, $0x250C, v0  }
0x4d3: {  	[tilespmem:$0x1E550] =	vst v0;
	v0 =	vld [tilespmem:$0x1E0C0]  }
0x4d4: {  	v8 =	vsel vm12, $0x258C, v8  }
0x4d5: {  	[tilespmem:$0x1EA40] =	vst v8;
	v8 =	vld [tilespmem:$0x1E550];
	_ =	sdelay $0x1  }
0x4d6: {  	v1 =	vsel vm10, $0x248D, v1  }
0x4d7: {  	[tilespmem:$0x1E0D0] =	vst v1;
	v1 =	vld [tilespmem:$0x1DC50];
	v0 =	vsel vm11, $0x250D, v0  }
0x4d8: {  	[tilespmem:$0x1E560] =	vst v0;
	v0 =	vld [tilespmem:$0x1E0D0]  }
0x4d9: {  	v8 =	vsel vm12, $0x258D, v8  }
0x4da: {  	[tilespmem:$0x1EA50] =	vst v8;
	v8 =	vld [tilespmem:$0x1E560];
	_ =	sdelay $0x1  }
0x4db: {  	v1 =	vsel vm10, $0x248E, v1  }
0x4dc: {  	[tilespmem:$0x1E0E0] =	vst v1;
	v1 =	vld [tilespmem:$0x1DC60];
	v0 =	vsel vm11, $0x250E, v0  }
0x4dd: {  	[tilespmem:$0x1E570] =	vst v0;
	v0 =	vld [tilespmem:$0x1E0E0]  }
0x4de: {  	v8 =	vsel vm12, $0x258E, v8  }
0x4df: {  	[tilespmem:$0x1EA60] =	vst v8;
	v8 =	vld [tilespmem:$0x1E570];
	_ =	sdelay $0x1  }
0x4e0: {  	v1 =	vsel vm10, $0x248F, v1  }
0x4e1: {  	[tilespmem:$0x1E0F0] =	vst v1;
	v1 =	vld [tilespmem:$0x1DC70];
	v0 =	vsel vm11, $0x250F, v0  }
0x4e2: {  	[tilespmem:$0x1E580] =	vst v0;
	v0 =	vld [tilespmem:$0x1E0F0]  }
0x4e3: {  	v8 =	vsel vm12, $0x258F, v8  }
0x4e4: {  	[tilespmem:$0x1EA70] =	vst v8;
	v8 =	vld [tilespmem:$0x1E580];
	_ =	sdelay $0x1  }
0x4e5: {  	v1 =	vsel vm10, $0x2480, v1  }
0x4e6: {  	[tilespmem:$0x1E100] =	vst v1;
	v1 =	vld [tilespmem:$0x1DC80];
	v0 =	vsel vm11, $0x2500, v0  }
0x4e7: {  	[tilespmem:$0x1E590] =	vst v0;
	v0 =	vld [tilespmem:$0x1E100]  }
0x4e8: {  	v8 =	vsel vm12, $0x2580, v8  }
0x4e9: {  	[tilespmem:$0x1EA80] =	vst v8;
	v8 =	vld [tilespmem:$0x1E590];
	_ =	sdelay $0x1  }
0x4ea: {  	v1 =	vsel vm10, $0x2481, v1  }
0x4eb: {  	[tilespmem:$0x1E110] =	vst v1;
	v1 =	vld [tilespmem:$0x1DC90];
	v0 =	vsel vm11, $0x2501, v0  }
0x4ec: {  	[tilespmem:$0x1E5A0] =	vst v0;
	v0 =	vld [tilespmem:$0x1E110]  }
0x4ed: {  	v8 =	vsel vm12, $0x2581, v8  }
0x4ee: {  	[tilespmem:$0x1EA90] =	vst v8;
	v8 =	vld [tilespmem:$0x1E5A0];
	_ =	sdelay $0x1  }
0x4ef: {  	v1 =	vsel vm10, $0x2482, v1  }
0x4f0: {  	[tilespmem:$0x1E120] =	vst v1;
	v1 =	vld [tilespmem:$0x1DCA0];
	v0 =	vsel vm11, $0x2502, v0  }
0x4f1: {  	[tilespmem:$0x1E5B0] =	vst v0;
	v0 =	vld [tilespmem:$0x1E120]  }
0x4f2: {  	v8 =	vsel vm12, $0x2582, v8  }
0x4f3: {  	[tilespmem:$0x1EAA0] =	vst v8;
	v8 =	vld [tilespmem:$0x1E5B0];
	_ =	sdelay $0x1  }
0x4f4: {  	v1 =	vsel vm10, $0x2483, v1  }
0x4f5: {  	[tilespmem:$0x1E130] =	vst v1;
	v1 =	vld [tilespmem:$0x1DCB0];
	v0 =	vsel vm11, $0x2503, v0  }
0x4f6: {  	[tilespmem:$0x1E5C0] =	vst v0;
	v0 =	vld [tilespmem:$0x1E130]  }
0x4f7: {  	v8 =	vsel vm12, $0x2583, v8  }
0x4f8: {  	[tilespmem:$0x1EAB0] =	vst v8;
	v8 =	vld [tilespmem:$0x1E5C0];
	_ =	sdelay $0x1  }
0x4f9: {  	v1 =	vsel vm10, $0x2484, v1  }
0x4fa: {  	[tilespmem:$0x1E140] =	vst v1;
	v1 =	vld [tilespmem:$0x1DCC0];
	v0 =	vsel vm11, $0x2504, v0  }
0x4fb: {  	[tilespmem:$0x1E5D0] =	vst v0;
	v0 =	vld [tilespmem:$0x1E140]  }
0x4fc: {  	v8 =	vsel vm12, $0x2584, v8  }
0x4fd: {  	[tilespmem:$0x1EAC0] =	vst v8;
	v8 =	vld [tilespmem:$0x1E5D0];
	_ =	sdelay $0x1  }
0x4fe: {  	v1 =	vsel vm10, $0x2485, v1  }
0x4ff: {  	[tilespmem:$0x1E150] =	vst v1;
	v1 =	vld [tilespmem:$0x1DCD0];
	v0 =	vsel vm11, $0x2505, v0  }
0x500: {  	[tilespmem:$0x1E5E0] =	vst v0;
	v0 =	vld [tilespmem:$0x1E150]  }
0x501: {  	v8 =	vsel vm12, $0x2585, v8  }
0x502: {  	[tilespmem:$0x1EAD0] =	vst v8;
	v8 =	vld [tilespmem:$0x1E5E0];
	_ =	sdelay $0x1  }
0x503: {  	v1 =	vsel vm10, $0x2486, v1  }
0x504: {  	[tilespmem:$0x1E160] =	vst v1;
	v1 =	vld [tilespmem:$0x1DCE0];
	v0 =	vsel vm11, $0x2506, v0  }
0x505: {  	[tilespmem:$0x1E5F0] =	vst v0;
	v0 =	vld [tilespmem:$0x1E160]  }
0x506: {  	v8 =	vsel vm12, $0x2586, v8  }
0x507: {  	[tilespmem:$0x1EAE0] =	vst v8;
	v8 =	vld [tilespmem:$0x1E5F0];
	_ =	sdelay $0x1  }
0x508: {  	v1 =	vsel vm10, $0x2487, v1  }
0x509: {  	[tilespmem:$0x1E170] =	vst v1;
	v1 =	vld [tilespmem:$0x1DCF0];
	v0 =	vsel vm11, $0x2507, v0  }
0x50a: {  	[tilespmem:$0x1E600] =	vst v0;
	v0 =	vld [tilespmem:$0x1E170]  }
0x50b: {  	v8 =	vsel vm12, $0x2587, v8  }
0x50c: {  	[tilespmem:$0x1EAF0] =	vst v8;
	v8 =	vld [tilespmem:$0x1E600];
	_ =	sdelay $0x1  }
0x50d: {  	v1 =	vsel vm10, $0x2488, v1  }
0x50e: {  	[tilespmem:$0x1E180] =	vst v1;
	v1 =	vld [tilespmem:$0x1DD00];
	v0 =	vsel vm11, $0x2508, v0  }
0x50f: {  	[tilespmem:$0x1E610] =	vst v0;
	v0 =	vld [tilespmem:$0x1E180]  }
0x510: {  	v8 =	vsel vm12, $0x2588, v8  }
0x511: {  	[tilespmem:$0x1EB00] =	vst v8;
	v8 =	vld [tilespmem:$0x1E610];
	_ =	sdelay $0x1  }
0x512: {  	v1 =	vsel vm10, $0x2C8A, v1  }
0x513: {  	[tilespmem:$0x1E190] =	vst v1;
	v1 =	vld [tilespmem:$0x1DD10];
	v0 =	vsel vm11, $0x2509, v0  }
0x514: {  	[tilespmem:$0x1E620] =	vst v0;
	v0 =	vld [tilespmem:$0x1E190]  }
0x515: {  	v8 =	vsel vm12, $0x2589, v8  }
0x516: {  	[tilespmem:$0x1EB10] =	vst v8;
	v8 =	vld [tilespmem:$0x1E620];
	_ =	sdelay $0x1  }
0x517: {  	v1 =	vsel vm10, $0x2C8B, v1  }
0x518: {  	[tilespmem:$0x1E1A0] =	vst v1;
	v1 =	vld [tilespmem:$0x1DD20];
	v0 =	vsel vm11, $0x2D0B, v0  }
0x519: {  	[tilespmem:$0x1E630] =	vst v0;
	v0 =	vld [tilespmem:$0x1E1A0]  }
0x51a: {  	v8 =	vsel vm12, $0x258A, v8  }
0x51b: {  	[tilespmem:$0x1EB20] =	vst v8;
	v8 =	vld [tilespmem:$0x1E630];
	_ =	sdelay $0x1  }
0x51c: {  	v1 =	vsel vm10, $0x2C8C, v1  }
0x51d: {  	[tilespmem:$0x1E1B0] =	vst v1;
	v1 =	vld [tilespmem:$0x1DD30];
	v0 =	vsel vm11, $0x2D0C, v0  }
0x51e: {  	[tilespmem:$0x1E640] =	vst v0;
	v0 =	vld [tilespmem:$0x1E1B0]  }
0x51f: {  	v8 =	vsel vm12, $0x2D8C, v8  }
0x520: {  	[tilespmem:$0x1EB30] =	vst v8;
	v8 =	vld [tilespmem:$0x1E640];
	_ =	sdelay $0x1  }
0x521: {  	v1 =	vsel vm10, $0x2C8D, v1  }
0x522: {  	[tilespmem:$0x1E1C0] =	vst v1;
	v1 =	vld [tilespmem:$0x1DD40];
	v0 =	vsel vm11, $0x2D0D, v0  }
0x523: {  	[tilespmem:$0x1E650] =	vst v0;
	v0 =	vld [tilespmem:$0x1E1C0]  }
0x524: {  	v8 =	vsel vm12, $0x2D8D, v8  }
0x525: {  	[tilespmem:$0x1EB40] =	vst v8;
	v8 =	vld [tilespmem:$0x1E650];
	_ =	sdelay $0x1  }
0x526: {  	v1 =	vsel vm10, $0x2C8E, v1  }
0x527: {  	[tilespmem:$0x1E1D0] =	vst v1;
	v1 =	vld [tilespmem:$0x1DD50];
	v0 =	vsel vm11, $0x2D0E, v0  }
0x528: {  	[tilespmem:$0x1E660] =	vst v0;
	v0 =	vld [tilespmem:$0x1E1D0]  }
0x529: {  	v8 =	vsel vm12, $0x2D8E, v8  }
0x52a: {  	[tilespmem:$0x1EB50] =	vst v8;
	v8 =	vld [tilespmem:$0x1E660];
	_ =	sdelay $0x1  }
0x52b: {  	v1 =	vsel vm10, $0x2C8F, v1  }
0x52c: {  	[tilespmem:$0x1E1E0] =	vst v1;
	v1 =	vld [tilespmem:$0x1DD60];
	v0 =	vsel vm11, $0x2D0F, v0  }
0x52d: {  	[tilespmem:$0x1E670] =	vst v0;
	v0 =	vld [tilespmem:$0x1E1E0]  }
0x52e: {  	v8 =	vsel vm12, $0x2D8F, v8  }
0x52f: {  	[tilespmem:$0x1EB60] =	vst v8;
	v8 =	vld [tilespmem:$0x1E670];
	_ =	sdelay $0x1  }
0x530: {  	v1 =	vsel vm10, $0x2C80, v1  }
0x531: {  	[tilespmem:$0x1E1F0] =	vst v1;
	v1 =	vld [tilespmem:$0x1DD70];
	v0 =	vsel vm11, $0x2D00, v0  }
0x532: {  	[tilespmem:$0x1E680] =	vst v0;
	v0 =	vld [tilespmem:$0x1E1F0]  }
0x533: {  	v8 =	vsel vm12, $0x2D80, v8  }
0x534: {  	[tilespmem:$0x1EB70] =	vst v8;
	v8 =	vld [tilespmem:$0x1E680];
	_ =	sdelay $0x1  }
0x535: {  	v1 =	vsel vm10, $0x2C81, v1  }
0x536: {  	[tilespmem:$0x1E200] =	vst v1;
	v1 =	vld [tilespmem:$0x1DD80];
	v0 =	vsel vm11, $0x2D01, v0  }
0x537: {  	[tilespmem:$0x1E690] =	vst v0;
	v0 =	vld [tilespmem:$0x1E200]  }
0x538: {  	v8 =	vsel vm12, $0x2D81, v8  }
0x539: {  	[tilespmem:$0x1EB80] =	vst v8;
	v8 =	vld [tilespmem:$0x1E690];
	_ =	sdelay $0x1  }
0x53a: {  	v1 =	vsel vm10, $0x2C82, v1  }
0x53b: {  	[tilespmem:$0x1E210] =	vst v1;
	v1 =	vld [tilespmem:$0x1DD90];
	v0 =	vsel vm11, $0x2D02, v0  }
0x53c: {  	[tilespmem:$0x1E6A0] =	vst v0;
	v0 =	vld [tilespmem:$0x1E210]  }
0x53d: {  	v8 =	vsel vm12, $0x2D82, v8  }
0x53e: {  	[tilespmem:$0x1EB90] =	vst v8;
	v8 =	vld [tilespmem:$0x1E6A0];
	_ =	sdelay $0x1  }
0x53f: {  	v1 =	vsel vm10, $0x2C83, v1  }
0x540: {  	[tilespmem:$0x1E220] =	vst v1;
	v1 =	vld [tilespmem:$0x1DDA0];
	v0 =	vsel vm11, $0x2D03, v0  }
0x541: {  	[tilespmem:$0x1E6B0] =	vst v0;
	v0 =	vld [tilespmem:$0x1E220]  }
0x542: {  	v8 =	vsel vm12, $0x2D83, v8  }
0x543: {  	[tilespmem:$0x1EBA0] =	vst v8;
	v8 =	vld [tilespmem:$0x1E6B0];
	_ =	sdelay $0x1  }
0x544: {  	v1 =	vsel vm10, $0x2C84, v1  }
0x545: {  	[tilespmem:$0x1E230] =	vst v1;
	v1 =	vld [tilespmem:$0x1DDB0];
	v0 =	vsel vm11, $0x2D04, v0  }
0x546: {  	[tilespmem:$0x1E6C0] =	vst v0;
	v0 =	vld [tilespmem:$0x1E230]  }
0x547: {  	v8 =	vsel vm12, $0x2D84, v8  }
0x548: {  	[tilespmem:$0x1EBB0] =	vst v8;
	v8 =	vld [tilespmem:$0x1E6C0];
	_ =	sdelay $0x1  }
0x549: {  	v1 =	vsel vm10, $0x2C85, v1  }
0x54a: {  	[tilespmem:$0x1E240] =	vst v1;
	v1 =	vld [tilespmem:$0x1DDC0];
	v0 =	vsel vm11, $0x2D05, v0  }
0x54b: {  	[tilespmem:$0x1E6D0] =	vst v0;
	v0 =	vld [tilespmem:$0x1E240]  }
0x54c: {  	v8 =	vsel vm12, $0x2D85, v8  }
0x54d: {  	[tilespmem:$0x1EBC0] =	vst v8;
	v8 =	vld [tilespmem:$0x1E6D0];
	_ =	sdelay $0x1  }
0x54e: {  	v1 =	vsel vm10, $0x2C86, v1  }
0x54f: {  	[tilespmem:$0x1E250] =	vst v1;
	v1 =	vld [tilespmem:$0x1DDD0];
	v0 =	vsel vm11, $0x2D06, v0  }
0x550: {  	[tilespmem:$0x1E6E0] =	vst v0;
	v0 =	vld [tilespmem:$0x1E250]  }
0x551: {  	v8 =	vsel vm12, $0x2D86, v8  }
0x552: {  	[tilespmem:$0x1EBD0] =	vst v8;
	v8 =	vld [tilespmem:$0x1E6E0];
	_ =	sdelay $0x1  }
0x553: {  	v1 =	vsel vm10, $0x2C87, v1  }
0x554: {  	[tilespmem:$0x1E260] =	vst v1;
	v1 =	vld [tilespmem:$0x1DDE0];
	v0 =	vsel vm11, $0x2D07, v0  }
0x555: {  	[tilespmem:$0x1E6F0] =	vst v0;
	v0 =	vld [tilespmem:$0x1E260]  }
0x556: {  	v8 =	vsel vm12, $0x2D87, v8  }
0x557: {  	[tilespmem:$0x1EBE0] =	vst v8;
	v8 =	vld [tilespmem:$0x1E6F0];
	_ =	sdelay $0x1  }
0x558: {  	v1 =	vsel vm10, $0x2C88, v1  }
0x559: {  	[tilespmem:$0x1E270] =	vst v1;
	v1 =	vld [tilespmem:$0x1DDF0];
	v0 =	vsel vm11, $0x2D08, v0  }
0x55a: {  	[tilespmem:$0x1E700] =	vst v0;
	v0 =	vld [tilespmem:$0x1E270]  }
0x55b: {  	v8 =	vsel vm12, $0x2D88, v8  }
0x55c: {  	[tilespmem:$0x1EBF0] =	vst v8;
	v8 =	vld [tilespmem:$0x1E700];
	_ =	sdelay $0x1  }
0x55d: {  	v1 =	vsel vm10, $0x348A, v1  }
0x55e: {  	[tilespmem:$0x1E280] =	vst v1;
	v1 =	vld [tilespmem:$0x1DE00];
	v0 =	vsel vm11, $0x2D09, v0  }
0x55f: {  	[tilespmem:$0x1E710] =	vst v0;
	v0 =	vld [tilespmem:$0x1E280]  }
0x560: {  	v8 =	vsel vm12, $0x2D89, v8  }
0x561: {  	[tilespmem:$0x1EC00] =	vst v8;
	v8 =	vld [tilespmem:$0x1E710];
	_ =	sdelay $0x1  }
0x562: {  	v1 =	vsel vm10, $0x348B, v1  }
0x563: {  	[tilespmem:$0x1E290] =	vst v1;
	v1 =	vld [tilespmem:$0x1DE10];
	v0 =	vsel vm11, $0x350B, v0  }
0x564: {  	[tilespmem:$0x1E720] =	vst v0;
	v0 =	vld [tilespmem:$0x1E290]  }
0x565: {  	v8 =	vsel vm12, $0x2D8A, v8  }
0x566: {  	[tilespmem:$0x1EC10] =	vst v8;
	v8 =	vld [tilespmem:$0x1E720];
	_ =	sdelay $0x1  }
0x567: {  	v1 =	vsel vm10, $0x348C, v1  }
0x568: {  	v29 =	vsel vm15, $0x10F, v29;
	[tilespmem:$0x1E2A0] =	vst v1;
	v1 =	vld [tilespmem:$0x1DE20];
	v0 =	vsel vm11, $0x350C, v0  }
0x569: {  	v29 =	vsel vm4, $0x180, v29;
	[tilespmem:$0x1E730] =	vst v0;
	v0 =	vld [tilespmem:$0x1E2A0]  }
0x56a: {  	v29 =	vsel vm5, $0x201, v29;
	v8 =	vsel vm12, $0x358C, v8  }
0x56b: {  	v29 =	vsel vm6, $0x282, v29;
	[tilespmem:$0x1EC20] =	vst v8;
	v8 =	vld [tilespmem:$0x1E730]  }
0x56c: {  	vm13 =	vcmask $0x3330;
	v29 =	vsel vm7, $0x303, v29  }
0x56d: {  	v29 =	vsel vm8, $0x384, v29;
	v38 =	vsel vm15, $0x909, v38;
	v1 =	vsel vm10, $0x348D, v1  }
0x56e: {  	v29 =	vsel vm9, $0x405, v29;
	v38 =	vsel vm4, $0x98A, v38;
	[tilespmem:$0x1E2B0] =	vst v1;
	v1 =	vld [tilespmem:$0x1DE30];
	v0 =	vsel vm11, $0x350D, v0  }
0x56f: {  	v29 =	vsel vm10, $0x486, v29;
	v39 =	vsel vm15, $0x90A, v39;
	v41 =	vsel vm15, $0x90C, v41;
	[tilespmem:$0x1E740] =	vst v0;
	v0 =	vld [tilespmem:$0x1E2B0]  }
0x570: {  	v38 =	vsel vm5, $0xA0B, v38;
	v29 =	vsel vm11, $0x507, v29;
	v8 =	vsel vm12, $0x358D, v8  }
0x571: {  	v40 =	vsel vm15, $0x90B, v40;
	v39 =	vsel vm4, $0x98B, v39;
	v41 =	vsel vm4, $0x98D, v41;
	[tilespmem:$0x1EC30] =	vst v8;
	v8 =	vld [tilespmem:$0x1E740]  }
0x572: {  	v38 =	vsel vm6, $0xA8C, v38;
	v29 =	vsel vm12, $0x588, v29;
	v42 =	vsel vm15, $0x90D, v42  }
0x573: {  	v40 =	vsel vm4, $0x98C, v40;
	v39 =	vsel vm5, $0xA0C, v39;
	v1 =	vsel vm10, $0x348E, v1  }
0x574: {  	v41 =	vsel vm5, $0xA0E, v41;
	v38 =	vsel vm7, $0xB0D, v38;
	[tilespmem:$0x1E2C0] =	vst v1;
	v1 =	vld [tilespmem:$0x1DE40];
	v0 =	vsel vm11, $0x350E, v0  }
0x575: {  	v42 =	vsel vm4, $0x98E, v42;
	v40 =	vsel vm5, $0xA0D, v40;
	v39 =	vsel vm6, $0xA8D, v39;
	[tilespmem:$0x1E750] =	vst v0;
	v0 =	vld [tilespmem:$0x1E2C0]  }
0x576: {  	v41 =	vsel vm6, $0xA8F, v41;
	v38 =	vsel vm8, $0xB8E, v38;
	v8 =	vsel vm12, $0x358E, v8  }
0x577: {  	v42 =	vsel vm5, $0xA0F, v42;
	v40 =	vsel vm6, $0xA8E, v40;
	v39 =	vsel vm7, $0xB0E, v39;
	[tilespmem:$0x1EC40] =	vst v8;
	v8 =	vld [tilespmem:$0x1E750]  }
0x578: {  	v41 =	vsel vm7, $0xB00, v41;
	v38 =	vsel vm9, $0xC0F, v38;
	v42 =	vsel vm6, $0xA80, v42  }
0x579: {  	v40 =	vsel vm7, $0xB0F, v40;
	v39 =	vsel vm8, $0xB8F, v39;
	v1 =	vsel vm10, $0x348F, v1  }
0x57a: {  	v41 =	vsel vm8, $0xB81, v41;
	v38 =	vsel vm10, $0xC80, v38;
	[tilespmem:$0x1E2D0] =	vst v1;
	v1 =	vld [tilespmem:$0x1DE50];
	v0 =	vsel vm11, $0x350F, v0  }
0x57b: {  	v49 =	vsel vm15, $0x1104, v49;
	v51 =	vsel vm15, $0x1106, v51;
	v42 =	vsel vm7, $0xB01, v42;
	[tilespmem:$0x1E760] =	vst v0;
	v0 =	vld [tilespmem:$0x1E2D0]  }
0x57c: {  	v40 =	vsel vm8, $0xB80, v40;
	v39 =	vsel vm9, $0xC00, v39;
	v8 =	vsel vm12, $0x358F, v8  }
0x57d: {  	v38 =	vsel vm11, $0xD01, v38;
	v50 =	vsel vm15, $0x1105, v50;
	v49 =	vsel vm4, $0x1185, v49;
	[tilespmem:$0x1EC50] =	vst v8;
	v8 =	vld [tilespmem:$0x1E760]  }
0x57e: {  	v51 =	vsel vm4, $0x1187, v51;
	v40 =	vsel vm9, $0xC01, v40;
	v39 =	vsel vm10, $0xC81, v39  }
0x57f: {  	v52 =	vsel vm15, $0x1107, v52;
	v54 =	vsel vm15, $0x1109, v54;
	v1 =	vsel vm10, $0x3480, v1  }
0x580: {  	v50 =	vsel vm4, $0x1186, v50;
	v49 =	vsel vm5, $0x1206, v49;
	[tilespmem:$0x1E2E0] =	vst v1;
	v1 =	vld [tilespmem:$0x1DE60];
	v0 =	vsel vm11, $0x3500, v0  }
0x581: {  	v51 =	vsel vm5, $0x1208, v51;
	v53 =	vsel vm15, $0x1108, v53;
	v52 =	vsel vm4, $0x1188, v52;
	[tilespmem:$0x1E770] =	vst v0;
	v0 =	vld [tilespmem:$0x1E2E0]  }
0x582: {  	v54 =	vsel vm4, $0x118A, v54;
	v50 =	vsel vm5, $0x1207, v50;
	v8 =	vsel vm12, $0x3580, v8  }
0x583: {  	v49 =	vsel vm6, $0x1287, v49;
	v51 =	vsel vm6, $0x1289, v51;
	v55 =	vsel vm15, $0x110A, v55;
	[tilespmem:$0x1EC60] =	vst v8;
	v8 =	vld [tilespmem:$0x1E770]  }
0x584: {  	v53 =	vsel vm4, $0x1189, v53;
	v52 =	vsel vm5, $0x1209, v52;
	v54 =	vsel vm5, $0x120B, v54  }
0x585: {  	v50 =	vsel vm6, $0x1288, v50;
	v49 =	vsel vm7, $0x1308, v49;
	v1 =	vsel vm10, $0x3481, v1  }
0x586: {  	v51 =	vsel vm7, $0x130A, v51;
	v56 =	vsel vm15, $0x110B, v56;
	[tilespmem:$0x1E2F0] =	vst v1;
	v1 =	vld [tilespmem:$0x1DE70];
	v0 =	vsel vm11, $0x3501, v0  }
0x587: {  	v55 =	vsel vm4, $0x118B, v55;
	v53 =	vsel vm5, $0x120A, v53;
	v52 =	vsel vm6, $0x128A, v52;
	[tilespmem:$0x1E780] =	vst v0;
	v0 =	vld [tilespmem:$0x1E2F0]  }
0x588: {  	v54 =	vsel vm6, $0x128C, v54;
	v50 =	vsel vm7, $0x1309, v50;
	v8 =	vsel vm12, $0x3581, v8  }
0x589: {  	v49 =	vsel vm8, $0x1389, v49;
	v51 =	vsel vm8, $0x138B, v51;
	v56 =	vsel vm4, $0x118C, v56;
	[tilespmem:$0x1EC70] =	vst v8;
	v8 =	vld [tilespmem:$0x1E780]  }
0x58a: {  	v55 =	vsel vm5, $0x120C, v55;
	v53 =	vsel vm6, $0x128B, v53;
	v52 =	vsel vm7, $0x130B, v52  }
0x58b: {  	v54 =	vsel vm7, $0x130D, v54;
	v50 =	vsel vm8, $0x138A, v50;
	v1 =	vsel vm10, $0x3482, v1  }
0x58c: {  	v49 =	vsel vm9, $0x140A, v49;
	v56 =	vsel vm5, $0x120D, v56;
	[tilespmem:$0x1E300] =	vst v1;
	v1 =	vld [tilespmem:$0x1DE80];
	v0 =	vsel vm11, $0x3502, v0  }
0x58d: {  	v51 =	vsel vm9, $0x140C, v51;
	v55 =	vsel vm6, $0x128D, v55;
	v56 =	vsel vm6, $0x128E, v56;
	[tilespmem:$0x1E790] =	vst v0;
	v0 =	vld [tilespmem:$0x1E300]  }
0x58e: {  	v53 =	vsel vm7, $0x130C, v53;
	v56 =	vsel vm7, $0x130F, v56;
	v8 =	vsel vm12, $0x3582, v8  }
0x58f: {  	v52 =	vsel vm8, $0x138C, v52;
	v54 =	vsel vm8, $0x138E, v54;
	v56 =	vsel vm8, $0x1380, v56;
	[tilespmem:$0x1EC80] =	vst v8;
	v8 =	vld [tilespmem:$0x1E790]  }
0x590: {  	v56 =	vsel vm9, $0x1401, v56;
	v48 =	vsel vm4, $0x1184, v48;
	v43 =	vsel vm8, $0xB82, v42  }
0x591: {  	v42 =	vsel vm9, $0xC02, v41;
	v41 =	vsel vm10, $0xC82, v40;
	v40 =	vld [tilespmem:$0x1DFC0];
	v1 =	vsel vm10, $0x3483, v1  }
0x592: {  	v47 =	vsel vm5, $0xA03, v47;
	v48 =	vsel vm5, $0x1205, v48;
	[tilespmem:$0x1E310] =	vst v1;
	v1 =	vld [tilespmem:$0x1DE90];
	v0 =	vsel vm11, $0x3503, v0  }
0x593: {  	v56 =	vsel vm10, $0x1482, v56;
	v47 =	vsel vm6, $0xA84, v47;
	v48 =	vsel vm6, $0x1286, v48;
	[tilespmem:$0x1E7A0] =	vst v0;
	v0 =	vld [tilespmem:$0x1E310]  }
0x594: {  	v47 =	vsel vm7, $0xB05, v47;
	v48 =	vsel vm7, $0x1307, v48;
	v8 =	vsel vm12, $0x3583, v8  }
0x595: {  	v56 =	vsel vm11, $0x1503, v56;
	v47 =	vsel vm8, $0xB86, v47;
	v48 =	vsel vm8, $0x1388, v48;
	[tilespmem:$0x1EC90] =	vst v8;
	v8 =	vld [tilespmem:$0x1E7A0]  }
0x596: {  	v47 =	vsel vm9, $0xC07, v47;
	v46 =	vsel vm6, $0xA83, v46;
	v40 =	vsel vm10, $0x3C88, v40  }
0x597: {  	v45 =	vsel vm7, $0xB03, v45;
	v44 =	vsel vm8, $0xB83, v44;
	[tilespmem:$0x1E440] =	vst v40;
	v1 =	vsel vm10, $0x3484, v1  }
0x598: {  	v46 =	vsel vm7, $0xB04, v46;
	v41 =	vsel vm11, $0xD03, v41;
	[tilespmem:$0x1E320] =	vst v1;
	v1 =	vld [tilespmem:$0x1DEA0];
	v0 =	vsel vm11, $0x3504, v0  }
0x599: {  	v45 =	vsel vm8, $0xB84, v45;
	v41 =	vsel vm12, $0xD84, v41;
	v40 =	vsel vm11, $0xD02, v39;
	[tilespmem:$0x1E7B0] =	vst v0;
	v0 =	vld [tilespmem:$0x1E320]  }
0x59a: {  	v39 =	vsel vm12, $0xD82, v38;
	v40 =	vsel vm12, $0xD83, v40;
	v8 =	vsel vm12, $0x3584, v8  }
0x59b: {  	v38 =	vsel vm12, $0x1584, v56;
	v56 =	vsel vm13, $0x609, v29;
	v29 =	vsel vm13, $0xE04, v40;
	[tilespmem:$0x1ECA0] =	vst v8;
	v8 =	vld [tilespmem:$0x1E7B0]  }
0x59c: {  	v44 =	vsel vm9, $0xC04, v44;
	v42 =	vsel vm10, $0xC83, v42;
	[tilespmem:$0x1EE00] =	vst v29;
	v29 =	vsel vm13, $0xE05, v41  }
0x59d: {  	v43 =	vsel vm9, $0xC03, v43;
	v42 =	vsel vm11, $0xD04, v42;
	[tilespmem:$0x1EE10] =	vst v29;
	v1 =	vsel vm10, $0x3485, v1  }
0x59e: {  	v43 =	vsel vm10, $0xC84, v43;
	v42 =	vsel vm12, $0xD85, v42;
	[tilespmem:$0x1E330] =	vst v1;
	v1 =	vld [tilespmem:$0x1DEB0];
	v0 =	vsel vm11, $0x3505, v0  }
0x59f: {  	v44 =	vsel vm10, $0xC85, v44;
	v43 =	vsel vm11, $0xD05, v43;
	v29 =	vsel vm13, $0xE06, v42;
	[tilespmem:$0x1E7C0] =	vst v0;
	v0 =	vld [tilespmem:$0x1E330]  }
0x5a0: {  	v44 =	vsel vm11, $0xD06, v44;
	v43 =	vsel vm12, $0xD86, v43;
	[tilespmem:$0x1EE20] =	vst v29;
	v8 =	vsel vm12, $0x3585, v8  }
0x5a1: {  	v45 =	vsel vm9, $0xC05, v45;
	v44 =	vsel vm12, $0xD87, v44;
	v29 =	vsel vm13, $0xE07, v43;
	[tilespmem:$0x1ECB0] =	vst v8;
	v8 =	vld [tilespmem:$0x1E7C0]  }
0x5a2: {  	v46 =	vsel vm8, $0xB85, v46;
	v45 =	vsel vm10, $0xC86, v45;
	[tilespmem:$0x1EE30] =	vst v29;
	v29 =	vsel vm13, $0xE08, v44  }
0x5a3: {  	v46 =	vsel vm9, $0xC06, v46;
	v45 =	vsel vm11, $0xD07, v45;
	[tilespmem:$0x1EE40] =	vst v29;
	v1 =	vsel vm10, $0x3486, v1  }
0x5a4: {  	v46 =	vsel vm10, $0xC87, v46;
	v45 =	vsel vm12, $0xD88, v45;
	[tilespmem:$0x1E340] =	vst v1;
	v1 =	vld [tilespmem:$0x1DEC0];
	v0 =	vsel vm11, $0x3506, v0  }
0x5a5: {  	v47 =	vsel vm10, $0xC88, v47;
	v46 =	vsel vm11, $0xD08, v46;
	v29 =	vsel vm13, $0xE09, v45;
	[tilespmem:$0x1E7D0] =	vst v0;
	v0 =	vld [tilespmem:$0x1E340]  }
0x5a6: {  	v47 =	vsel vm11, $0xD09, v47;
	v46 =	vsel vm12, $0xD89, v46;
	[tilespmem:$0x1EE50] =	vst v29;
	v8 =	vsel vm12, $0x3586, v8  }
0x5a7: {  	v48 =	vsel vm9, $0x1409, v48;
	v47 =	vsel vm12, $0xD8A, v47;
	v29 =	vsel vm13, $0xE0A, v46;
	[tilespmem:$0x1ECC0] =	vst v8;
	v8 =	vld [tilespmem:$0x1E7D0]  }
0x5a8: {  	v50 =	vsel vm9, $0x140B, v50;
	v48 =	vsel vm10, $0x148A, v48;
	[tilespmem:$0x1EE60] =	vst v29;
	v29 =	vsel vm13, $0xE0B, v47  }
0x5a9: {  	v49 =	vsel vm10, $0x148B, v49;
	v48 =	vsel vm11, $0x150B, v48;
	[tilespmem:$0x1EE70] =	vst v29;
	v1 =	vsel vm10, $0x3487, v1  }
0x5aa: {  	v51 =	vsel vm10, $0x148D, v51;
	v48 =	vsel vm12, $0x158C, v48;
	[tilespmem:$0x1E350] =	vst v1;
	v1 =	vld [tilespmem:$0x1DED0];
	v0 =	vsel vm11, $0x3507, v0  }
0x5ab: {  	v50 =	vsel vm10, $0x148C, v50;
	v49 =	vsel vm11, $0x150C, v49;
	v29 =	vsel vm13, $0x160D, v48;
	[tilespmem:$0x1E7E0] =	vst v0;
	v0 =	vld [tilespmem:$0x1E350]  }
0x5ac: {  	v50 =	vsel vm11, $0x150D, v50;
	v49 =	vsel vm12, $0x158D, v49;
	[tilespmem:$0x1EE80] =	vst v29;
	v8 =	vsel vm12, $0x3587, v8  }
0x5ad: {  	v55 =	vsel vm7, $0x130E, v55;
	v50 =	vsel vm12, $0x158E, v50;
	v29 =	vsel vm13, $0x160E, v49;
	[tilespmem:$0x1ECD0] =	vst v8;
	v8 =	vld [tilespmem:$0x1E7E0]  }
0x5ae: {  	v53 =	vsel vm8, $0x138D, v53;
	v52 =	vsel vm9, $0x140D, v52;
	[tilespmem:$0x1EE90] =	vst v29;
	v29 =	vsel vm13, $0x160F, v50  }
0x5af: {  	v51 =	vsel vm11, $0x150E, v51;
	v53 =	vsel vm9, $0x140E, v53;
	[tilespmem:$0x1EEA0] =	vst v29;
	v1 =	vsel vm10, $0x3488, v1  }
0x5b0: {  	v52 =	vsel vm10, $0x148E, v52;
	v51 =	vsel vm12, $0x158F, v51;
	[tilespmem:$0x1E360] =	vst v1;
	v1 =	vld [tilespmem:$0x1DEE0];
	v0 =	vsel vm11, $0x3508, v0  }
0x5b1: {  	v53 =	vsel vm10, $0x148F, v53;
	v52 =	vsel vm11, $0x150F, v52;
	v29 =	vsel vm13, $0x1600, v51;
	[tilespmem:$0x1E7F0] =	vst v0;
	v0 =	vld [tilespmem:$0x1E360]  }
0x5b2: {  	v53 =	vsel vm11, $0x1500, v53;
	v52 =	vsel vm12, $0x1580, v52;
	[tilespmem:$0x1EEB0] =	vst v29;
	v8 =	vsel vm12, $0x3588, v8  }
0x5b3: {  	v54 =	vsel vm9, $0x140F, v54;
	v53 =	vsel vm12, $0x1581, v53;
	v29 =	vsel vm13, $0x1601, v52;
	[tilespmem:$0x1ECE0] =	vst v8;
	v8 =	vld [tilespmem:$0x1E7F0]  }
0x5b4: {  	v55 =	vsel vm8, $0x138F, v55;
	v54 =	vsel vm10, $0x1480, v54;
	[tilespmem:$0x1EEC0] =	vst v29;
	v29 =	vsel vm13, $0x1602, v53  }
0x5b5: {  	v55 =	vsel vm9, $0x1400, v55;
	v54 =	vsel vm11, $0x1501, v54;
	[tilespmem:$0x1EED0] =	vst v29;
	v1 =	vsel vm10, $0x3C8A, v1  }
0x5b6: {  	v55 =	vsel vm10, $0x1481, v55;
	v54 =	vsel vm12, $0x1582, v54;
	[tilespmem:$0x1E370] =	vst v1;
	v1 =	vld [tilespmem:$0x1DEF0];
	v0 =	vsel vm11, $0x3509, v0  }
0x5b7: {  	v55 =	vsel vm11, $0x1502, v55;
	v29 =	vsel vm13, $0x1603, v54;
	[tilespmem:$0x1E800] =	vst v0;
	v0 =	vld [tilespmem:$0x1E370]  }
0x5b8: {  	v55 =	vsel vm12, $0x1583, v55;
	[tilespmem:$0x1EEE0] =	vst v29;
	v8 =	vsel vm12, $0x3589, v8  }
0x5b9: {  	v29 =	vsel vm13, $0x1604, v55;
	[tilespmem:$0x1ECF0] =	vst v8;
	v8 =	vld [tilespmem:$0x1E800]  }
0x5ba: {  	[tilespmem:$0x1EEF0] =	vst v29;
	v29 =	vsel vm13, $0x1605, v38  }
0x5bb: {  	[tilespmem:$0x1EF00] =	vst v29;
	v29 =	vld [tilespmem:$0x1E8F0];
	v1 =	vsel vm10, $0x3C8B, v1  }
0x5bc: {  	[tilespmem:$0x1E380] =	vst v1;
	v1 =	vld [tilespmem:$0x1DF00];
	v0 =	vsel vm11, $0x3D0B, v0  }
0x5bd: {  	[tilespmem:$0x1E810] =	vst v0;
	v0 =	vld [tilespmem:$0x1E380]  }
0x5be: {  	v8 =	vsel vm12, $0x358A, v8  }
0x5bf: {  	[tilespmem:$0x1ED00] =	vst v8;
	v8 =	vld [tilespmem:$0x1E810]  }
0x5c0: {  	v29 =	vsel vm13, $0x1606, v29  }
0x5c1: {  	[tilespmem:$0x1EF10] =	vst v29;
	v29 =	vld [tilespmem:$0x1E900];
	v1 =	vsel vm10, $0x3C8C, v1  }
0x5c2: {  	[tilespmem:$0x1E390] =	vst v1;
	v1 =	vld [tilespmem:$0x1DF10];
	v0 =	vsel vm11, $0x3D0C, v0  }
0x5c3: {  	[tilespmem:$0x1E820] =	vst v0;
	v0 =	vld [tilespmem:$0x1E390]  }
0x5c4: {  	v8 =	vsel vm12, $0x3D8C, v8  }
0x5c5: {  	[tilespmem:$0x1ED10] =	vst v8;
	v8 =	vld [tilespmem:$0x1E820]  }
0x5c6: {  	v29 =	vsel vm13, $0x1607, v29  }
0x5c7: {  	[tilespmem:$0x1EF20] =	vst v29;
	v29 =	vld [tilespmem:$0x1E910];
	v1 =	vsel vm10, $0x3C8D, v1  }
0x5c8: {  	[tilespmem:$0x1E3A0] =	vst v1;
	v1 =	vld [tilespmem:$0x1DF20];
	v0 =	vsel vm11, $0x3D0D, v0  }
0x5c9: {  	[tilespmem:$0x1E830] =	vst v0;
	v0 =	vld [tilespmem:$0x1E3A0]  }
0x5ca: {  	v8 =	vsel vm12, $0x3D8D, v8  }
0x5cb: {  	[tilespmem:$0x1ED20] =	vst v8;
	v8 =	vld [tilespmem:$0x1E830]  }
0x5cc: {  	v29 =	vsel vm13, $0x1608, v29  }
0x5cd: {  	[tilespmem:$0x1EF30] =	vst v29;
	v29 =	vld [tilespmem:$0x1E920];
	v1 =	vsel vm10, $0x3C8E, v1  }
0x5ce: {  	[tilespmem:$0x1E3B0] =	vst v1;
	v1 =	vld [tilespmem:$0x1DF30];
	v0 =	vsel vm11, $0x3D0E, v0  }
0x5cf: {  	[tilespmem:$0x1E840] =	vst v0;
	v0 =	vld [tilespmem:$0x1E3B0]  }
0x5d0: {  	v8 =	vsel vm12, $0x3D8E, v8  }
0x5d1: {  	[tilespmem:$0x1ED30] =	vst v8;
	v8 =	vld [tilespmem:$0x1E840]  }
0x5d2: {  	v29 =	vsel vm13, $0x1609, v29  }
0x5d3: {  	[tilespmem:$0x1EF40] =	vst v29;
	v29 =	vld [tilespmem:$0x1E930];
	v1 =	vsel vm10, $0x3C8F, v1  }
0x5d4: {  	[tilespmem:$0x1E3C0] =	vst v1;
	v1 =	vld [tilespmem:$0x1DF40];
	v0 =	vsel vm11, $0x3D0F, v0  }
0x5d5: {  	[tilespmem:$0x1E850] =	vst v0;
	v0 =	vld [tilespmem:$0x1E3C0]  }
0x5d6: {  	v8 =	vsel vm12, $0x3D8F, v8  }
0x5d7: {  	[tilespmem:$0x1ED40] =	vst v8;
	v8 =	vld [tilespmem:$0x1E850]  }
0x5d8: {  	v29 =	vsel vm13, $0x160A, v29  }
0x5d9: {  	[tilespmem:$0x1EF50] =	vst v29;
	v29 =	vld [tilespmem:$0x1E940];
	v1 =	vsel vm10, $0x3C80, v1  }
0x5da: {  	[tilespmem:$0x1E3D0] =	vst v1;
	v1 =	vld [tilespmem:$0x1DF50];
	v0 =	vsel vm11, $0x3D00, v0  }
0x5db: {  	[tilespmem:$0x1E860] =	vst v0;
	v0 =	vld [tilespmem:$0x1E3D0]  }
0x5dc: {  	v8 =	vsel vm12, $0x3D80, v8  }
0x5dd: {  	[tilespmem:$0x1ED50] =	vst v8;
	v8 =	vld [tilespmem:$0x1E860]  }
0x5de: {  	v29 =	vsel vm13, $0x160B, v29  }
0x5df: {  	[tilespmem:$0x1EF60] =	vst v29;
	v29 =	vld [tilespmem:$0x1E950];
	v1 =	vsel vm10, $0x3C81, v1  }
0x5e0: {  	[tilespmem:$0x1E3E0] =	vst v1;
	v1 =	vld [tilespmem:$0x1DF60];
	v0 =	vsel vm11, $0x3D01, v0  }
0x5e1: {  	[tilespmem:$0x1E870] =	vst v0;
	v0 =	vld [tilespmem:$0x1E3E0]  }
0x5e2: {  	v8 =	vsel vm12, $0x3D81, v8  }
0x5e3: {  	[tilespmem:$0x1ED60] =	vst v8;
	v8 =	vld [tilespmem:$0x1E870]  }
0x5e4: {  	v29 =	vsel vm13, $0x1E0D, v29  }
0x5e5: {  	[tilespmem:$0x1EF70] =	vst v29;
	v29 =	vld [tilespmem:$0x1E960];
	v1 =	vsel vm10, $0x3C82, v1  }
0x5e6: {  	[tilespmem:$0x1E3F0] =	vst v1;
	v1 =	vld [tilespmem:$0x1DF70];
	v0 =	vsel vm11, $0x3D02, v0  }
0x5e7: {  	[tilespmem:$0x1E880] =	vst v0;
	v0 =	vld [tilespmem:$0x1E3F0]  }
0x5e8: {  	v8 =	vsel vm12, $0x3D82, v8  }
0x5e9: {  	[tilespmem:$0x1ED70] =	vst v8;
	v8 =	vld [tilespmem:$0x1E880]  }
0x5ea: {  	v29 =	vsel vm13, $0x1E0E, v29  }
0x5eb: {  	[tilespmem:$0x1EF80] =	vst v29;
	v29 =	vld [tilespmem:$0x1E970];
	v1 =	vsel vm10, $0x3C83, v1  }
0x5ec: {  	[tilespmem:$0x1E400] =	vst v1;
	v1 =	vld [tilespmem:$0x1DF80];
	v0 =	vsel vm11, $0x3D03, v0  }
0x5ed: {  	[tilespmem:$0x1E890] =	vst v0;
	v0 =	vld [tilespmem:$0x1E400]  }
0x5ee: {  	v8 =	vsel vm12, $0x3D83, v8  }
0x5ef: {  	[tilespmem:$0x1ED80] =	vst v8;
	v8 =	vld [tilespmem:$0x1E890]  }
0x5f0: {  	v29 =	vsel vm13, $0x1E0F, v29  }
0x5f1: {  	[tilespmem:$0x1EF90] =	vst v29;
	v29 =	vld [tilespmem:$0x1E980];
	v1 =	vsel vm10, $0x3C84, v1  }
0x5f2: {  	[tilespmem:$0x1E410] =	vst v1;
	v1 =	vld [tilespmem:$0x1DF90];
	v0 =	vsel vm11, $0x3D04, v0  }
0x5f3: {  	[tilespmem:$0x1E8A0] =	vst v0;
	v0 =	vld [tilespmem:$0x1E410]  }
0x5f4: {  	v8 =	vsel vm12, $0x3D84, v8  }
0x5f5: {  	[tilespmem:$0x1ED90] =	vst v8;
	v8 =	vld [tilespmem:$0x1E8A0]  }
0x5f6: {  	v29 =	vsel vm13, $0x1E00, v29  }
0x5f7: {  	[tilespmem:$0x1EFA0] =	vst v29;
	v29 =	vld [tilespmem:$0x1E990];
	v1 =	vsel vm10, $0x3C85, v1  }
0x5f8: {  	[tilespmem:$0x1E420] =	vst v1;
	v1 =	vld [tilespmem:$0x1DFA0];
	v0 =	vsel vm11, $0x3D05, v0  }
0x5f9: {  	[tilespmem:$0x1E8B0] =	vst v0;
	v0 =	vld [tilespmem:$0x1E420]  }
0x5fa: {  	v8 =	vsel vm12, $0x3D85, v8  }
0x5fb: {  	[tilespmem:$0x1EDA0] =	vst v8;
	v8 =	vld [tilespmem:$0x1E8B0]  }
0x5fc: {  	v29 =	vsel vm13, $0x1E01, v29  }
0x5fd: {  	[tilespmem:$0x1EFB0] =	vst v29;
	v29 =	vld [tilespmem:$0x1E9A0];
	v1 =	vsel vm10, $0x3C86, v1  }
0x5fe: {  	[tilespmem:$0x1E430] =	vst v1;
	v1 =	vld [tilespmem:$0x1DFB0];
	v0 =	vsel vm11, $0x3D06, v0  }
0x5ff: {  	[tilespmem:$0x1E8C0] =	vst v0;
	v0 =	vld [tilespmem:$0x1E430]  }
0x600: {  	v8 =	vsel vm12, $0x3D86, v8  }
0x601: {  	[tilespmem:$0x1EDB0] =	vst v8;
	v8 =	vld [tilespmem:$0x1E8C0];
	_ =	sdelay $0x1  }
0x602: {  	v29 =	vsel vm13, $0x1E02, v29  }
0x603: {  	[tilespmem:$0x1EFC0] =	vst v29;
	v29 =	vld [tilespmem:$0x1E9B0];
	v1 =	vsel vm10, $0x3C87, v1;
	v0 =	vsel vm11, $0x3D07, v0  }
0x604: {  	[tilespmem:$0x1E8D0] =	vst v0;
	v0 =	vsel vm11, $0x3D08, v1;
	v1 =	vld [tilespmem:$0x1E440]  }
0x605: {  	v8 =	vsel vm12, $0x3D87, v8  }
0x606: {  	[tilespmem:$0x1EDC0] =	vst v8;
	v8 =	vld [tilespmem:$0x1E8D0];
	_ =	sdelay $0x1  }
0x607: {  	v29 =	vsel vm13, $0x1E03, v29  }
0x608: {  	[tilespmem:$0x1EFD0] =	vst v29;
	v0 =	vsel vm12, $0x3D89, v0;
	v1 =	vsel vm11, $0x3D09, v1  }
0x609: {  	[tilespmem:$0x1EDE0] =	vst v0;
	v0 =	vsel vm12, $0x3D8A, v1  }
0x60a: {  	[tilespmem:$0x1EDF0] =	vst v0;
	v8 =	vsel vm12, $0x3D88, v8  }
0x60b: {  	v0 =	vld [tilespmem:$0x1E8E0];
	[tilespmem:$0x1EDD0] =	vst v8  }
0x60c: {  	v29 =	vld [tilespmem:$0x1E9C0];
	_ =	sdelay $0x4  }
0x60d: {  	v29 =	vsel vm13, $0x1E04, v29  }
0x60e: {  	[tilespmem:$0x1EFE0] =	vst v29;
	v29 =	vld [tilespmem:$0x1E9D0];
	_ =	sdelay $0x4  }
0x60f: {  	v29 =	vsel vm13, $0x1E05, v29  }
0x610: {  	[tilespmem:$0x1EFF0] =	vst v29;
	v29 =	vld [tilespmem:$0x1E9E0];
	_ =	sdelay $0x4  }
0x611: {  	v29 =	vsel vm13, $0x1E06, v29  }
0x612: {  	[tilespmem:$0x1F000] =	vst v29;
	v29 =	vld [tilespmem:$0x1E9F0];
	_ =	sdelay $0x4  }
0x613: {  	v29 =	vsel vm13, $0x1E07, v29  }
0x614: {  	[tilespmem:$0x1F010] =	vst v29;
	v29 =	vld [tilespmem:$0x1EA00];
	_ =	sdelay $0x4  }
0x615: {  	v29 =	vsel vm13, $0x1E08, v29  }
0x616: {  	[tilespmem:$0x1F020] =	vst v29;
	v29 =	vld [tilespmem:$0x1EA10];
	_ =	sdelay $0x4  }
0x617: {  	v29 =	vsel vm13, $0x1E09, v29  }
0x618: {  	[tilespmem:$0x1F030] =	vst v29;
	v29 =	vld [tilespmem:$0x1EA20];
	_ =	sdelay $0x4  }
0x619: {  	v29 =	vsel vm13, $0x1E0A, v29  }
0x61a: {  	[tilespmem:$0x1F040] =	vst v29;
	v29 =	vld [tilespmem:$0x1EA30];
	_ =	sdelay $0x4  }
0x61b: {  	v29 =	vsel vm13, $0x1E0B, v29  }
0x61c: {  	[tilespmem:$0x1F050] =	vst v29;
	v29 =	vld [tilespmem:$0x1EA40];
	_ =	sdelay $0x4  }
0x61d: {  	v29 =	vsel vm13, $0x260D, v29  }
0x61e: {  	[tilespmem:$0x1F060] =	vst v29;
	v29 =	vld [tilespmem:$0x1EA50];
	_ =	sdelay $0x4  }
0x61f: {  	v29 =	vsel vm13, $0x260E, v29  }
0x620: {  	[tilespmem:$0x1F070] =	vst v29;
	v29 =	vld [tilespmem:$0x1EA60];
	_ =	sdelay $0x4  }
0x621: {  	v29 =	vsel vm13, $0x260F, v29  }
0x622: {  	[tilespmem:$0x1F080] =	vst v29;
	v29 =	vld [tilespmem:$0x1EA70];
	_ =	sdelay $0x4  }
0x623: {  	v29 =	vsel vm13, $0x2600, v29  }
0x624: {  	[tilespmem:$0x1F090] =	vst v29;
	v29 =	vld [tilespmem:$0x1EA80];
	_ =	sdelay $0x4  }
0x625: {  	v29 =	vsel vm13, $0x2601, v29  }
0x626: {  	[tilespmem:$0x1F0A0] =	vst v29;
	v29 =	vld [tilespmem:$0x1EA90];
	_ =	sdelay $0x4  }
0x627: {  	v29 =	vsel vm13, $0x2602, v29  }
0x628: {  	[tilespmem:$0x1F0B0] =	vst v29;
	v29 =	vld [tilespmem:$0x1EAA0];
	_ =	sdelay $0x4  }
0x629: {  	v29 =	vsel vm13, $0x2603, v29  }
0x62a: {  	[tilespmem:$0x1F0C0] =	vst v29;
	v29 =	vld [tilespmem:$0x1EAB0];
	_ =	sdelay $0x4  }
0x62b: {  	v29 =	vsel vm13, $0x2604, v29  }
0x62c: {  	[tilespmem:$0x1F0D0] =	vst v29;
	v29 =	vld [tilespmem:$0x1EAC0];
	_ =	sdelay $0x4  }
0x62d: {  	v29 =	vsel vm13, $0x2605, v29  }
0x62e: {  	[tilespmem:$0x1F0E0] =	vst v29;
	v29 =	vld [tilespmem:$0x1EAD0];
	_ =	sdelay $0x4  }
0x62f: {  	v29 =	vsel vm13, $0x2606, v29  }
0x630: {  	[tilespmem:$0x1F0F0] =	vst v29;
	v29 =	vld [tilespmem:$0x1EAE0];
	_ =	sdelay $0x4  }
0x631: {  	v29 =	vsel vm13, $0x2607, v29  }
0x632: {  	[tilespmem:$0x1F100] =	vst v29;
	v29 =	vld [tilespmem:$0x1EAF0];
	_ =	sdelay $0x4  }
0x633: {  	v29 =	vsel vm13, $0x2608, v29  }
0x634: {  	[tilespmem:$0x1F110] =	vst v29;
	v29 =	vld [tilespmem:$0x1EB00];
	_ =	sdelay $0x4  }
0x635: {  	v29 =	vsel vm13, $0x2609, v29  }
0x636: {  	[tilespmem:$0x1F120] =	vst v29;
	v29 =	vld [tilespmem:$0x1EB10];
	_ =	sdelay $0x4  }
0x637: {  	v29 =	vsel vm13, $0x260A, v29  }
0x638: {  	[tilespmem:$0x1F130] =	vst v29;
	v29 =	vld [tilespmem:$0x1EB20];
	_ =	sdelay $0x4  }
0x639: {  	v29 =	vsel vm13, $0x260B, v29  }
0x63a: {  	[tilespmem:$0x1F140] =	vst v29;
	v29 =	vld [tilespmem:$0x1EB30];
	_ =	sdelay $0x4  }
0x63b: {  	v29 =	vsel vm13, $0x2E0D, v29  }
0x63c: {  	[tilespmem:$0x1F150] =	vst v29;
	v29 =	vld [tilespmem:$0x1EB40];
	_ =	sdelay $0x4  }
0x63d: {  	v29 =	vsel vm13, $0x2E0E, v29  }
0x63e: {  	[tilespmem:$0x1F160] =	vst v29;
	v29 =	vld [tilespmem:$0x1EB50];
	_ =	sdelay $0x4  }
0x63f: {  	v29 =	vsel vm13, $0x2E0F, v29  }
0x640: {  	[tilespmem:$0x1F170] =	vst v29;
	v29 =	vld [tilespmem:$0x1EB60];
	_ =	sdelay $0x4  }
0x641: {  	v29 =	vsel vm13, $0x2E00, v29  }
0x642: {  	[tilespmem:$0x1F180] =	vst v29;
	v29 =	vld [tilespmem:$0x1EB70];
	_ =	sdelay $0x4  }
0x643: {  	v29 =	vsel vm13, $0x2E01, v29  }
0x644: {  	[tilespmem:$0x1F190] =	vst v29;
	v29 =	vld [tilespmem:$0x1EB80];
	_ =	sdelay $0x4  }
0x645: {  	v29 =	vsel vm13, $0x2E02, v29  }
0x646: {  	[tilespmem:$0x1F1A0] =	vst v29;
	v29 =	vld [tilespmem:$0x1EB90];
	_ =	sdelay $0x4  }
0x647: {  	v29 =	vsel vm13, $0x2E03, v29  }
0x648: {  	[tilespmem:$0x1F1B0] =	vst v29;
	v29 =	vld [tilespmem:$0x1EBA0];
	_ =	sdelay $0x4  }
0x649: {  	v29 =	vsel vm13, $0x2E04, v29  }
0x64a: {  	[tilespmem:$0x1F1C0] =	vst v29;
	v29 =	vld [tilespmem:$0x1EBB0];
	_ =	sdelay $0x4  }
0x64b: {  	v29 =	vsel vm13, $0x2E05, v29  }
0x64c: {  	[tilespmem:$0x1F1D0] =	vst v29;
	v29 =	vld [tilespmem:$0x1EBC0];
	_ =	sdelay $0x4  }
0x64d: {  	v29 =	vsel vm13, $0x2E06, v29  }
0x64e: {  	[tilespmem:$0x1F1E0] =	vst v29;
	v29 =	vld [tilespmem:$0x1EBD0];
	_ =	sdelay $0x4  }
0x64f: {  	v29 =	vsel vm13, $0x2E07, v29  }
0x650: {  	[tilespmem:$0x1F1F0] =	vst v29;
	v29 =	vld [tilespmem:$0x1EBE0];
	_ =	sdelay $0x4  }
0x651: {  	v29 =	vsel vm13, $0x2E08, v29  }
0x652: {  	[tilespmem:$0x1F200] =	vst v29;
	v29 =	vld [tilespmem:$0x1EBF0];
	_ =	sdelay $0x4  }
0x653: {  	v29 =	vsel vm13, $0x2E09, v29  }
0x654: {  	[tilespmem:$0x1F210] =	vst v29;
	v29 =	vld [tilespmem:$0x1EC00];
	_ =	sdelay $0x4  }
0x655: {  	v29 =	vsel vm13, $0x2E0A, v29  }
0x656: {  	[tilespmem:$0x1F220] =	vst v29;
	v29 =	vld [tilespmem:$0x1EC10];
	_ =	sdelay $0x4  }
0x657: {  	v29 =	vsel vm13, $0x2E0B, v29  }
0x658: {  	[tilespmem:$0x1F230] =	vst v29;
	v29 =	vld [tilespmem:$0x1EC20];
	_ =	sdelay $0x4  }
0x659: {  	v29 =	vsel vm13, $0x360D, v29  }
0x65a: {  	[tilespmem:$0x1F240] =	vst v29;
	v29 =	vld [tilespmem:$0x1EC30];
	_ =	sdelay $0x4  }
0x65b: {  	v29 =	vsel vm13, $0x360E, v29  }
0x65c: {  	[tilespmem:$0x1F250] =	vst v29;
	v29 =	vld [tilespmem:$0x1EC40];
	_ =	sdelay $0x4  }
0x65d: {  	v29 =	vsel vm13, $0x360F, v29  }
0x65e: {  	[tilespmem:$0x1F260] =	vst v29;
	v29 =	vld [tilespmem:$0x1EC50];
	_ =	sdelay $0x4  }
0x65f: {  	v29 =	vsel vm13, $0x3600, v29  }
0x660: {  	[tilespmem:$0x1F270] =	vst v29;
	v29 =	vld [tilespmem:$0x1EC60];
	_ =	sdelay $0x4  }
0x661: {  	v29 =	vsel vm13, $0x3601, v29  }
0x662: {  	[tilespmem:$0x1F280] =	vst v29;
	v29 =	vld [tilespmem:$0x1EC70];
	_ =	sdelay $0x4  }
0x663: {  	v29 =	vsel vm13, $0x3602, v29  }
0x664: {  	[tilespmem:$0x1F290] =	vst v29;
	v29 =	vld [tilespmem:$0x1EC80];
	_ =	sdelay $0x4  }
0x665: {  	v29 =	vsel vm13, $0x3603, v29  }
0x666: {  	[tilespmem:$0x1F2A0] =	vst v29;
	v29 =	vld [tilespmem:$0x1EC90];
	_ =	sdelay $0x4  }
0x667: {  	v29 =	vsel vm13, $0x3604, v29  }
0x668: {  	[tilespmem:$0x1F2B0] =	vst v29;
	v29 =	vld [tilespmem:$0x1ECA0];
	_ =	sdelay $0x4  }
0x669: {  	v29 =	vsel vm13, $0x3605, v29  }
0x66a: {  	[tilespmem:$0x1F2C0] =	vst v29;
	v29 =	vld [tilespmem:$0x1ECB0];
	_ =	sdelay $0x4  }
0x66b: {  	v29 =	vsel vm13, $0x3606, v29  }
0x66c: {  	[tilespmem:$0x1F2D0] =	vst v29;
	v29 =	vld [tilespmem:$0x1ECC0];
	_ =	sdelay $0x4  }
0x66d: {  	v29 =	vsel vm13, $0x3607, v29  }
0x66e: {  	[tilespmem:$0x1F2E0] =	vst v29;
	v29 =	vld [tilespmem:$0x1ECD0];
	_ =	sdelay $0x4  }
0x66f: {  	v29 =	vsel vm13, $0x3608, v29  }
0x670: {  	[tilespmem:$0x1F2F0] =	vst v29;
	v29 =	vld [tilespmem:$0x1ECE0];
	_ =	sdelay $0x4  }
0x671: {  	v29 =	vsel vm13, $0x3609, v29  }
0x672: {  	[tilespmem:$0x1F300] =	vst v29;
	v29 =	vld [tilespmem:$0x1ECF0];
	_ =	sdelay $0x4  }
0x673: {  	v29 =	vsel vm13, $0x360A, v29  }
0x674: {  	[tilespmem:$0x1F310] =	vst v29;
	v29 =	vld [tilespmem:$0x1ED00];
	_ =	sdelay $0x4  }
0x675: {  	v29 =	vsel vm13, $0x360B, v29  }
0x676: {  	[tilespmem:$0x1F320] =	vst v29;
	v29 =	vld [tilespmem:$0x1ED10];
	_ =	sdelay $0x4  }
0x677: {  	v29 =	vsel vm13, $0x3E0D, v29  }
0x678: {  	[tilespmem:$0x1F330] =	vst v29;
	v29 =	vld [tilespmem:$0x1ED20];
	_ =	sdelay $0x4  }
0x679: {  	v29 =	vsel vm13, $0x3E0E, v29  }
0x67a: {  	[tilespmem:$0x1F340] =	vst v29;
	v29 =	vld [tilespmem:$0x1ED30];
	_ =	sdelay $0x4  }
0x67b: {  	v29 =	vsel vm13, $0x3E0F, v29  }
0x67c: {  	[tilespmem:$0x1F350] =	vst v29;
	v29 =	vld [tilespmem:$0x1ED40];
	_ =	sdelay $0x4  }
0x67d: {  	v29 =	vsel vm13, $0x3E00, v29  }
0x67e: {  	[tilespmem:$0x1F360] =	vst v29;
	v29 =	vld [tilespmem:$0x1ED50];
	_ =	sdelay $0x4  }
0x67f: {  	v29 =	vsel vm13, $0x3E01, v29  }
0x680: {  	[tilespmem:$0x1F370] =	vst v29;
	v29 =	vld [tilespmem:$0x1ED60];
	_ =	sdelay $0x4  }
0x681: {  	v29 =	vsel vm13, $0x3E02, v29  }
0x682: {  	[tilespmem:$0x1F380] =	vst v29;
	v29 =	vld [tilespmem:$0x1ED70];
	_ =	sdelay $0x4  }
0x683: {  	v29 =	vsel vm13, $0x3E03, v29  }
0x684: {  	[tilespmem:$0x1F390] =	vst v29;
	v29 =	vld [tilespmem:$0x1ED80];
	_ =	sdelay $0x4  }
0x685: {  	v37 =	vsel vm15, $0x908, v37;
	v29 =	vsel vm13, $0x3E04, v29  }
0x686: {  	v37 =	vsel vm4, $0x989, v37;
	[tilespmem:$0x1F3A0] =	vst v29;
	v29 =	vld [tilespmem:$0x1ED90]  }
0x687: {  	v37 =	vsel vm5, $0xA0A, v37  }
0x688: {  	v37 =	vsel vm6, $0xA8B, v37  }
0x689: {  	v37 =	vsel vm7, $0xB0C, v37  }
0x68a: {  	v37 =	vsel vm8, $0xB8D, v37  }
0x68b: {  	v37 =	vsel vm9, $0xC0E, v37;
	v29 =	vsel vm13, $0x3E05, v29  }
0x68c: {  	v30 =	vsel vm15, $0x100, v30;
	v37 =	vsel vm10, $0xC8F, v37;
	[tilespmem:$0x1F3B0] =	vst v29;
	v29 =	vld [tilespmem:$0x1EDA0]  }
0x68d: {  	v30 =	vsel vm4, $0x181, v30;
	v37 =	vsel vm11, $0xD00, v37  }
0x68e: {  	vm14 =	vcmask $0x3734;
	v30 =	vsel vm5, $0x202, v30;
	v37 =	vsel vm12, $0xD81, v37  }
0x68f: {  	v30 =	vsel vm6, $0x283, v30;
	v1 =	vsel vm13, $0x580, v0;
	v0 =	vsel vm13, $0xE02, v37  }
0x690: {  	v30 =	vsel vm7, $0x304, v30;
	v0 =	vsel vm14, $0xE83, v0  }
0x691: {  	v31 =	vsel vm15, $0x101, v31;
	v30 =	vsel vm8, $0x385, v30;
	[tilespmem:$0x1F4E0] =	vst v0;
	v0 =	vld [tilespmem:$0x1EE00];
	v29 =	vsel vm13, $0x3E06, v29  }
0x692: {  	v32 =	vsel vm15, $0x903, v32;
	v31 =	vsel vm4, $0x182, v31;
	v30 =	vsel vm9, $0x406, v30;
	[tilespmem:$0x1F3C0] =	vst v29;
	v29 =	vld [tilespmem:$0x1EDB0]  }
0x693: {  	v32 =	vsel vm4, $0x984, v32;
	v31 =	vsel vm5, $0x203, v31;
	v30 =	vsel vm10, $0x487, v30  }
0x694: {  	v33 =	vsel vm15, $0x904, v33;
	v31 =	vsel vm6, $0x284, v31;
	v30 =	vsel vm11, $0x508, v30  }
0x695: {  	v31 =	vsel vm7, $0x305, v31;
	v30 =	vsel vm12, $0x589, v30;
	v2 =	vsel vm12, $0x480, v2  }
0x696: {  	v31 =	vsel vm8, $0x386, v31;
	v2 =	vsel vm13, $0x500, v2;
	v57 =	vsel vm13, $0x60A, v30  }
0x697: {  	v30 =	vsel vm14, $0x580, v2;
	v2 =	vsel vm14, $0xE85, v0;
	v0 =	vld [tilespmem:$0x1EE10];
	v29 =	vsel vm13, $0x3E07, v29  }
0x698: {  	v32 =	vsel vm5, $0xA05, v32;
	v34 =	vsel vm15, $0x905, v34;
	v31 =	vsel vm9, $0x407, v31;
	[tilespmem:$0x1F3D0] =	vst v29;
	v29 =	vld [tilespmem:$0x1EDC0]  }
0x699: {  	v33 =	vsel vm4, $0x985, v33;
	v32 =	vsel vm6, $0xA86, v32;
	v31 =	vsel vm10, $0x488, v31  }
0x69a: {  	v32 =	vsel vm7, $0xB07, v32;
	v31 =	vsel vm11, $0x509, v31;
	v3 =	vsel vm12, $0x400, v3  }
0x69b: {  	v32 =	vsel vm8, $0xB88, v32;
	v31 =	vsel vm12, $0x58A, v31;
	v3 =	vsel vm13, $0x480, v3  }
0x69c: {  	v58 =	vsel vm13, $0x60B, v31;
	v31 =	vsel vm14, $0x500, v3;
	v3 =	vsel vm14, $0xE86, v0;
	v0 =	vld [tilespmem:$0x1EE20]  }
0x69d: {  	v33 =	vsel vm5, $0xA06, v33;
	v32 =	vsel vm9, $0xC09, v32;
	v29 =	vsel vm13, $0x3E08, v29  }
0x69e: {  	v34 =	vsel vm4, $0x986, v34;
	v33 =	vsel vm6, $0xA87, v33;
	v32 =	vsel vm10, $0xC8A, v32;
	[tilespmem:$0x1F3E0] =	vst v29;
	v29 =	vld [tilespmem:$0x1EDD0]  }
0x69f: {  	v33 =	vsel vm7, $0xB08, v33;
	v32 =	vsel vm11, $0xD0B, v32;
	v4 =	vsel vm12, $0x380, v4  }
0x6a0: {  	v33 =	vsel vm8, $0xB89, v33;
	v32 =	vsel vm12, $0xD8C, v32;
	v4 =	vsel vm13, $0x400, v4  }
0x6a1: {  	v59 =	vsel vm13, $0xE0D, v32;
	v32 =	vsel vm14, $0x480, v4;
	v4 =	vsel vm14, $0xE87, v0;
	v0 =	vld [tilespmem:$0x1EE30]  }
0x6a2: {  	v34 =	vsel vm5, $0xA07, v34;
	v33 =	vsel vm9, $0xC0A, v33  }
0x6a3: {  	v34 =	vsel vm6, $0xA88, v34;
	v33 =	vsel vm10, $0xC8B, v33;
	v29 =	vsel vm13, $0x3E09, v29  }
0x6a4: {  	v34 =	vsel vm7, $0xB09, v34;
	v33 =	vsel vm11, $0xD0C, v33;
	v5 =	vsel vm12, $0x300, v5;
	[tilespmem:$0x1F3F0] =	vst v29;
	v29 =	vld [tilespmem:$0x1EDE0]  }
0x6a5: {  	v34 =	vsel vm8, $0xB8A, v34;
	v33 =	vsel vm12, $0xD8D, v33;
	v5 =	vsel vm13, $0x380, v5  }
0x6a6: {  	v60 =	vsel vm13, $0xE0E, v33;
	v33 =	vsel vm14, $0x400, v5;
	v5 =	vsel vm14, $0xE88, v0;
	v0 =	vld [tilespmem:$0x1EE40]  }
0x6a7: {  	v35 =	vsel vm15, $0x906, v35;
	v34 =	vsel vm9, $0xC0B, v34  }
0x6a8: {  	v35 =	vsel vm4, $0x987, v35;
	v34 =	vsel vm10, $0xC8C, v34  }
0x6a9: {  	v34 =	vsel vm11, $0xD0D, v34;
	v6 =	vsel vm12, $0x280, v6;
	v29 =	vsel vm13, $0x3E0A, v29  }
0x6aa: {  	v35 =	vsel vm5, $0xA08, v35;
	v34 =	vsel vm12, $0xD8E, v34;
	v6 =	vsel vm13, $0x300, v6;
	[tilespmem:$0x1F400] =	vst v29;
	v29 =	vld [tilespmem:$0x1EDF0]  }
0x6ab: {  	v61 =	vsel vm13, $0xE0F, v34;
	v34 =	vsel vm14, $0x380, v6;
	v6 =	vsel vm14, $0xE89, v0;
	v0 =	vld [tilespmem:$0x1EE50]  }
0x6ac: {  	v35 =	vsel vm6, $0xA89, v35  }
0x6ad: {  	v36 =	vsel vm15, $0x907, v36;
	v35 =	vsel vm7, $0xB0A, v35  }
0x6ae: {  	v36 =	vsel vm4, $0x988, v36;
	v35 =	vsel vm8, $0xB8B, v35;
	v7 =	vsel vm12, $0x200, v7  }
0x6af: {  	v8 =	vsel vm13, $0x280, v7;
	v7 =	vsel vm13, $0xE03, v39;
	v29 =	vsel vm13, $0x3E0B, v29  }
0x6b0: {  	[tilespmem:$0x1F410] =	vst v29;
	v29 =	vsel vm14, $0x600, v1;
	v1 =	vsel vm14, $0xE84, v7;
	v7 =	vsel vm14, $0xE8A, v0;
	v0 =	vld [tilespmem:$0x1EE60]  }
0x6b1: {  	v36 =	vsel vm5, $0xA09, v36;
	v35 =	vsel vm9, $0xC0C, v35  }
0x6b2: {  	v10 =	vsel vm15, $0x480, v10;
	v36 =	vsel vm6, $0xA8A, v36;
	v35 =	vsel vm10, $0xC8D, v35  }
0x6b3: {  	v10 =	vsel vm4, $0x500, v10;
	v36 =	vsel vm7, $0xB0B, v36;
	v35 =	vsel vm11, $0xD0E, v35  }
0x6b4: {  	v10 =	vsel vm5, $0x580, v10;
	v36 =	vsel vm8, $0xB8C, v36;
	v35 =	vsel vm12, $0xD8F, v35  }
0x6b5: {  	v62 =	vsel vm13, $0xE00, v35;
	v35 =	vsel vm14, $0x300, v8;
	v8 =	vsel vm14, $0xE8B, v0;
	v0 =	vld [tilespmem:$0x1EE70]  }
0x6b6: {  	v10 =	vsel vm6, $0x600, v10;
	v36 =	vsel vm9, $0xC0D, v36  }
0x6b7: {  	v11 =	vsel vm15, $0x400, v11;
	v10 =	vsel vm7, $0x680, v10;
	v36 =	vsel vm10, $0xC8E, v36  }
0x6b8: {  	v11 =	vsel vm4, $0x480, v11;
	v10 =	vsel vm8, $0x700, v10;
	v36 =	vsel vm11, $0xD0F, v36  }
0x6b9: {  	v10 =	vsel vm9, $0x780, v10;
	v36 =	vsel vm12, $0xD80, v36;
	v9 =	vsel vm13, $0x200, v9  }
0x6ba: {  	v63 =	vsel vm13, $0xE01, v36;
	v36 =	vsel vm14, $0x280, v9;
	v9 =	vsel vm14, $0xE8C, v0;
	v0 =	vld [tilespmem:$0x1EE80]  }
0x6bb: {  	v11 =	vsel vm5, $0x500, v11;
	v10 =	vsel vm10, $0x0, v10  }
0x6bc: {  	v11 =	vsel vm6, $0x580, v11;
	v10 =	vsel vm11, $0x80, v10  }
0x6bd: {  	v12 =	vsel vm15, $0x380, v12;
	v11 =	vsel vm7, $0x600, v11;
	v10 =	vsel vm12, $0x100, v10  }
0x6be: {  	v12 =	vsel vm4, $0x400, v12;
	v11 =	vsel vm8, $0x680, v11;
	v10 =	vsel vm13, $0x180, v10  }
0x6bf: {  	v11 =	vsel vm9, $0x700, v11;
	v37 =	vsel vm14, $0x200, v10;
	v10 =	vsel vm14, $0x168E, v0;
	v0 =	vld [tilespmem:$0x1EE90]  }
0x6c0: {  	v12 =	vsel vm5, $0x480, v12;
	v11 =	vsel vm10, $0x780, v11  }
0x6c1: {  	v12 =	vsel vm6, $0x500, v12;
	v11 =	vsel vm11, $0x0, v11  }
0x6c2: {  	v13 =	vsel vm15, $0x300, v13;
	v12 =	vsel vm7, $0x580, v12;
	v11 =	vsel vm12, $0x80, v11  }
0x6c3: {  	v13 =	vsel vm4, $0x380, v13;
	v12 =	vsel vm8, $0x600, v12;
	v11 =	vsel vm13, $0x100, v11  }
0x6c4: {  	v12 =	vsel vm9, $0x680, v12;
	v38 =	vsel vm14, $0x180, v11;
	v11 =	vsel vm14, $0x168F, v0;
	v0 =	vld [tilespmem:$0x1EEA0]  }
0x6c5: {  	v13 =	vsel vm5, $0x400, v13;
	v12 =	vsel vm10, $0x700, v12  }
0x6c6: {  	v13 =	vsel vm6, $0x480, v13;
	v12 =	vsel vm11, $0x780, v12  }
0x6c7: {  	v14 =	vsel vm15, $0x280, v14;
	v13 =	vsel vm7, $0x500, v13;
	v12 =	vsel vm12, $0x0, v12  }
0x6c8: {  	v14 =	vsel vm4, $0x300, v14;
	v13 =	vsel vm8, $0x580, v13;
	v12 =	vsel vm13, $0x80, v12  }
0x6c9: {  	v13 =	vsel vm9, $0x600, v13;
	v39 =	vsel vm14, $0x100, v12;
	v12 =	vsel vm14, $0x1680, v0;
	v0 =	vld [tilespmem:$0x1EEB0]  }
0x6ca: {  	v14 =	vsel vm5, $0x380, v14;
	v13 =	vsel vm10, $0x680, v13  }
0x6cb: {  	v14 =	vsel vm6, $0x400, v14;
	v13 =	vsel vm11, $0x700, v13  }
0x6cc: {  	v15 =	vsel vm15, $0x200, v15;
	v14 =	vsel vm7, $0x480, v14;
	v13 =	vsel vm12, $0x780, v13  }
0x6cd: {  	v15 =	vsel vm4, $0x280, v15;
	v14 =	vsel vm8, $0x500, v14;
	v13 =	vsel vm13, $0x0, v13  }
0x6ce: {  	v14 =	vsel vm9, $0x580, v14;
	v40 =	vsel vm14, $0x80, v13;
	v13 =	vsel vm14, $0x1681, v0;
	v0 =	vld [tilespmem:$0x1EEC0]  }
0x6cf: {  	v15 =	vsel vm5, $0x300, v15;
	v14 =	vsel vm10, $0x600, v14  }
0x6d0: {  	v15 =	vsel vm6, $0x380, v15;
	v14 =	vsel vm11, $0x680, v14  }
0x6d1: {  	v16 =	vsel vm15, $0x180, v16;
	v15 =	vsel vm7, $0x400, v15;
	v14 =	vsel vm12, $0x700, v14  }
0x6d2: {  	v16 =	vsel vm4, $0x200, v16;
	v15 =	vsel vm8, $0x480, v15;
	v14 =	vsel vm13, $0x780, v14  }
0x6d3: {  	v15 =	vsel vm9, $0x500, v15;
	v41 =	vsel vm14, $0x0, v14;
	v14 =	vsel vm14, $0x1682, v0;
	v0 =	vld [tilespmem:$0x1EED0]  }
0x6d4: {  	v16 =	vsel vm5, $0x280, v16;
	v15 =	vsel vm10, $0x580, v15  }
0x6d5: {  	v16 =	vsel vm6, $0x300, v16;
	v15 =	vsel vm11, $0x600, v15  }
0x6d6: {  	v17 =	vsel vm15, $0x103, v17;
	v16 =	vsel vm7, $0x380, v16;
	v15 =	vsel vm12, $0x680, v15  }
0x6d7: {  	v17 =	vsel vm4, $0x184, v17;
	v16 =	vsel vm8, $0x400, v16;
	v15 =	vsel vm13, $0x700, v15  }
0x6d8: {  	v16 =	vsel vm9, $0x480, v16;
	v42 =	vsel vm14, $0x780, v15;
	v15 =	vsel vm14, $0x1683, v0;
	v0 =	vld [tilespmem:$0x1EEE0]  }
0x6d9: {  	v17 =	vsel vm5, $0x205, v17;
	v16 =	vsel vm10, $0x500, v16  }
0x6da: {  	v17 =	vsel vm6, $0x286, v17;
	v16 =	vsel vm11, $0x580, v16  }
0x6db: {  	v18 =	vsel vm15, $0x104, v18;
	v17 =	vsel vm7, $0x307, v17;
	v16 =	vsel vm12, $0x600, v16  }
0x6dc: {  	v18 =	vsel vm4, $0x185, v18;
	v17 =	vsel vm8, $0x388, v17;
	v16 =	vsel vm13, $0x680, v16  }
0x6dd: {  	v17 =	vsel vm9, $0x409, v17;
	v43 =	vsel vm14, $0x700, v16;
	v16 =	vsel vm14, $0x1684, v0;
	v0 =	vld [tilespmem:$0x1EEF0]  }
0x6de: {  	v18 =	vsel vm5, $0x206, v18;
	v17 =	vsel vm10, $0x48A, v17  }
0x6df: {  	v18 =	vsel vm6, $0x287, v18;
	v17 =	vsel vm11, $0x50B, v17  }
0x6e0: {  	v19 =	vsel vm15, $0x105, v19;
	v18 =	vsel vm7, $0x308, v18;
	v17 =	vsel vm12, $0x58C, v17  }
0x6e1: {  	v19 =	vsel vm4, $0x186, v19;
	v18 =	vsel vm8, $0x389, v18;
	v17 =	vsel vm13, $0x60D, v17  }
0x6e2: {  	v18 =	vsel vm9, $0x40A, v18;
	v44 =	vsel vm14, $0x68E, v17;
	v17 =	vsel vm14, $0x1685, v0;
	v0 =	vld [tilespmem:$0x1EF00]  }
0x6e3: {  	v19 =	vsel vm5, $0x207, v19;
	v18 =	vsel vm10, $0x48B, v18  }
0x6e4: {  	v19 =	vsel vm6, $0x288, v19;
	v18 =	vsel vm11, $0x50C, v18  }
0x6e5: {  	v20 =	vsel vm15, $0x106, v20;
	v19 =	vsel vm7, $0x309, v19;
	v18 =	vsel vm12, $0x58D, v18  }
0x6e6: {  	v20 =	vsel vm4, $0x187, v20;
	v19 =	vsel vm8, $0x38A, v19;
	v18 =	vsel vm13, $0x60E, v18  }
0x6e7: {  	v19 =	vsel vm9, $0x40B, v19;
	v45 =	vsel vm14, $0x68F, v18;
	v18 =	vsel vm14, $0x1686, v0;
	v0 =	vld [tilespmem:$0x1EF10]  }
0x6e8: {  	v20 =	vsel vm5, $0x208, v20;
	v19 =	vsel vm10, $0x48C, v19  }
0x6e9: {  	v20 =	vsel vm6, $0x289, v20;
	v19 =	vsel vm11, $0x50D, v19  }
0x6ea: {  	v21 =	vsel vm15, $0x107, v21;
	v20 =	vsel vm7, $0x30A, v20;
	v19 =	vsel vm12, $0x58E, v19  }
0x6eb: {  	v21 =	vsel vm4, $0x188, v21;
	v20 =	vsel vm8, $0x38B, v20;
	v19 =	vsel vm13, $0x60F, v19  }
0x6ec: {  	v20 =	vsel vm9, $0x40C, v20;
	v46 =	vsel vm14, $0x680, v19;
	v19 =	vsel vm14, $0x1687, v0;
	v0 =	vld [tilespmem:$0x1EF20]  }
0x6ed: {  	v21 =	vsel vm5, $0x209, v21;
	v20 =	vsel vm10, $0x48D, v20  }
0x6ee: {  	v21 =	vsel vm6, $0x28A, v21;
	v20 =	vsel vm11, $0x50E, v20  }
0x6ef: {  	v22 =	vsel vm15, $0x108, v22;
	v21 =	vsel vm7, $0x30B, v21;
	v20 =	vsel vm12, $0x58F, v20  }
0x6f0: {  	v22 =	vsel vm4, $0x189, v22;
	v21 =	vsel vm8, $0x38C, v21;
	v20 =	vsel vm13, $0x600, v20  }
0x6f1: {  	v21 =	vsel vm9, $0x40D, v21;
	v47 =	vsel vm14, $0x681, v20;
	v20 =	vsel vm14, $0x1688, v0;
	v0 =	vld [tilespmem:$0x1EF30]  }
0x6f2: {  	v22 =	vsel vm5, $0x20A, v22;
	v21 =	vsel vm10, $0x48E, v21  }
0x6f3: {  	v22 =	vsel vm6, $0x28B, v22;
	v21 =	vsel vm11, $0x50F, v21  }
0x6f4: {  	v23 =	vsel vm15, $0x109, v23;
	v22 =	vsel vm7, $0x30C, v22;
	v21 =	vsel vm12, $0x580, v21  }
0x6f5: {  	v23 =	vsel vm4, $0x18A, v23;
	v22 =	vsel vm8, $0x38D, v22;
	v21 =	vsel vm13, $0x601, v21  }
0x6f6: {  	v22 =	vsel vm9, $0x40E, v22;
	v48 =	vsel vm14, $0x682, v21;
	v21 =	vsel vm14, $0x1689, v0;
	v0 =	vld [tilespmem:$0x1EF40]  }
0x6f7: {  	v23 =	vsel vm5, $0x20B, v23;
	v22 =	vsel vm10, $0x48F, v22  }
0x6f8: {  	v23 =	vsel vm6, $0x28C, v23;
	v22 =	vsel vm11, $0x500, v22  }
0x6f9: {  	v24 =	vsel vm15, $0x10A, v24;
	v23 =	vsel vm7, $0x30D, v23;
	v22 =	vsel vm12, $0x581, v22  }
0x6fa: {  	v24 =	vsel vm4, $0x18B, v24;
	v23 =	vsel vm8, $0x38E, v23;
	v22 =	vsel vm13, $0x602, v22  }
0x6fb: {  	v23 =	vsel vm9, $0x40F, v23;
	v49 =	vsel vm14, $0x683, v22;
	v22 =	vsel vm14, $0x168A, v0;
	v0 =	vld [tilespmem:$0x1EF50]  }
0x6fc: {  	v24 =	vsel vm5, $0x20C, v24;
	v23 =	vsel vm10, $0x480, v23  }
0x6fd: {  	v24 =	vsel vm6, $0x28D, v24;
	v23 =	vsel vm11, $0x501, v23  }
0x6fe: {  	v25 =	vsel vm15, $0x10B, v25;
	v24 =	vsel vm7, $0x30E, v24;
	v23 =	vsel vm12, $0x582, v23  }
0x6ff: {  	v25 =	vsel vm4, $0x18C, v25;
	v24 =	vsel vm8, $0x38F, v24;
	v23 =	vsel vm13, $0x603, v23  }
0x700: {  	v24 =	vsel vm9, $0x400, v24;
	v50 =	vsel vm14, $0x684, v23;
	v23 =	vsel vm14, $0x168B, v0;
	v0 =	vld [tilespmem:$0x1EF60]  }
0x701: {  	v25 =	vsel vm5, $0x20D, v25;
	v24 =	vsel vm10, $0x481, v24  }
0x702: {  	v25 =	vsel vm6, $0x28E, v25;
	v24 =	vsel vm11, $0x502, v24  }
0x703: {  	v26 =	vsel vm15, $0x10C, v26;
	v25 =	vsel vm7, $0x30F, v25;
	v24 =	vsel vm12, $0x583, v24  }
0x704: {  	v26 =	vsel vm4, $0x18D, v26;
	v25 =	vsel vm8, $0x380, v25;
	v24 =	vsel vm13, $0x604, v24  }
0x705: {  	v25 =	vsel vm9, $0x401, v25;
	v51 =	vsel vm14, $0x685, v24;
	v24 =	vsel vm14, $0x168C, v0;
	v0 =	vld [tilespmem:$0x1EF70]  }
0x706: {  	v26 =	vsel vm5, $0x20E, v26;
	v25 =	vsel vm10, $0x482, v25  }
0x707: {  	v26 =	vsel vm6, $0x28F, v26;
	v25 =	vsel vm11, $0x503, v25  }
0x708: {  	v27 =	vsel vm15, $0x10D, v27;
	v26 =	vsel vm7, $0x300, v26;
	v25 =	vsel vm12, $0x584, v25  }
0x709: {  	v27 =	vsel vm4, $0x18E, v27;
	v26 =	vsel vm8, $0x381, v26;
	v25 =	vsel vm13, $0x605, v25  }
0x70a: {  	v26 =	vsel vm9, $0x402, v26;
	v52 =	vsel vm14, $0x686, v25;
	v25 =	vsel vm14, $0x1E8E, v0;
	v0 =	vld [tilespmem:$0x1EF80]  }
0x70b: {  	v27 =	vsel vm5, $0x20F, v27;
	v26 =	vsel vm10, $0x483, v26  }
0x70c: {  	v27 =	vsel vm6, $0x280, v27;
	v26 =	vsel vm11, $0x504, v26  }
0x70d: {  	v28 =	vsel vm15, $0x10E, v28;
	v27 =	vsel vm7, $0x301, v27;
	v26 =	vsel vm12, $0x585, v26  }
0x70e: {  	v28 =	vsel vm4, $0x18F, v28;
	v27 =	vsel vm8, $0x382, v27;
	v26 =	vsel vm13, $0x606, v26  }
0x70f: {  	v27 =	vsel vm9, $0x403, v27;
	v53 =	vsel vm14, $0x687, v26;
	v26 =	vsel vm14, $0x1E8F, v0;
	v0 =	vld [tilespmem:$0x1EF90]  }
0x710: {  	v28 =	vsel vm5, $0x200, v28;
	v27 =	vsel vm10, $0x484, v27  }
0x711: {  	v28 =	vsel vm6, $0x281, v28;
	v27 =	vsel vm11, $0x505, v27  }
0x712: {  	v28 =	vsel vm7, $0x302, v28;
	v27 =	vsel vm12, $0x586, v27  }
0x713: {  	v28 =	vsel vm8, $0x383, v28;
	v27 =	vsel vm13, $0x607, v27  }
0x714: {  	v28 =	vsel vm9, $0x404, v28;
	v54 =	vsel vm14, $0x688, v27;
	v27 =	vsel vm14, $0x1E80, v0;
	v0 =	vld [tilespmem:$0x1EFA0]  }
0x715: {  	v28 =	vsel vm10, $0x485, v28  }
0x716: {  	v28 =	vsel vm11, $0x506, v28  }
0x717: {  	v28 =	vsel vm12, $0x587, v28  }
0x718: {  	v28 =	vsel vm13, $0x608, v28  }
0x719: {  	v55 =	vsel vm14, $0x689, v28;
	v28 =	vsel vm14, $0x1E81, v0;
	v0 =	vld [tilespmem:$0x1EFB0];
	_ =	sdelay $0x4  }
0x71a: {  	v0 =	vsel vm14, $0x1E82, v0  }
0x71b: {  	[tilespmem:$0x1F610] =	vst v0;
	v0 =	vld [tilespmem:$0x1EFC0];
	_ =	sdelay $0x4  }
0x71c: {  	v0 =	vsel vm14, $0x1E83, v0  }
0x71d: {  	[tilespmem:$0x1F630] =	vst v0;
	v0 =	vld [tilespmem:$0x1EFD0];
	_ =	sdelay $0x4  }
0x71e: {  	v0 =	vsel vm14, $0x1E84, v0  }
0x71f: {  	[tilespmem:$0x1F650] =	vst v0;
	v0 =	vld [tilespmem:$0x1EFE0];
	_ =	sdelay $0x4  }
0x720: {  	v0 =	vsel vm14, $0x1E85, v0  }
0x721: {  	[tilespmem:$0x1F670] =	vst v0;
	v0 =	vld [tilespmem:$0x1EFF0];
	_ =	sdelay $0x4  }
0x722: {  	v0 =	vsel vm14, $0x1E86, v0  }
0x723: {  	[tilespmem:$0x1F690] =	vst v0;
	v0 =	vld [tilespmem:$0x1F000];
	_ =	sdelay $0x4  }
0x724: {  	v0 =	vsel vm14, $0x1E87, v0  }
0x725: {  	[tilespmem:$0x1F6B0] =	vst v0;
	v0 =	vld [tilespmem:$0x1F010];
	_ =	sdelay $0x4  }
0x726: {  	v0 =	vsel vm14, $0x1E88, v0  }
0x727: {  	[tilespmem:$0x1F6D0] =	vst v0;
	v0 =	vld [tilespmem:$0x1F020];
	_ =	sdelay $0x4  }
0x728: {  	v0 =	vsel vm14, $0x1E89, v0  }
0x729: {  	[tilespmem:$0x1F6F0] =	vst v0;
	v0 =	vld [tilespmem:$0x1F030];
	_ =	sdelay $0x4  }
0x72a: {  	v0 =	vsel vm14, $0x1E8A, v0  }
0x72b: {  	[tilespmem:$0x1F710] =	vst v0;
	v0 =	vld [tilespmem:$0x1F040];
	_ =	sdelay $0x4  }
0x72c: {  	v0 =	vsel vm14, $0x1E8B, v0  }
0x72d: {  	[tilespmem:$0x1F730] =	vst v0;
	v0 =	vld [tilespmem:$0x1F050];
	_ =	sdelay $0x4  }
0x72e: {  	vm15 =	vcmask $0x3B38;
	v0 =	vsel vm14, $0x1E8C, v0  }
0x72f: {  	v1 =	vsel vm15, $0xF05, v1;
	[tilespmem:$0x1F750] =	vst v0;
	v0 =	vld [tilespmem:$0x1F060]  }
0x730: {  	[tilespmem:$0x1F4F0] =	vst v1;
	v1 =	vsel vm15, $0xF08, v4  }
0x731: {  	[tilespmem:$0x1F500] =	vst v1;
	v1 =	vsel vm15, $0x1700, v11  }
0x732: {  	[tilespmem:$0x1F510] =	vst v1;
	v1 =	vsel vm15, $0x1703, v14  }
0x733: {  	[tilespmem:$0x1F520] =	vst v1;
	v1 =	vsel vm15, $0x1704, v15  }
0x734: {  	[tilespmem:$0x1F530] =	vst v1;
	v0 =	vsel vm14, $0x268E, v0  }
0x735: {  	v1 =	vsel vm15, $0x1705, v16;
	[tilespmem:$0x1F770] =	vst v0;
	v0 =	vld [tilespmem:$0x1F070]  }
0x736: {  	[tilespmem:$0x1F540] =	vst v1;
	v1 =	vsel vm15, $0x1706, v17  }
0x737: {  	[tilespmem:$0x1F550] =	vst v1;
	v1 =	vsel vm15, $0x1707, v18  }
0x738: {  	[tilespmem:$0x1F560] =	vst v1;
	v1 =	vsel vm15, $0x1708, v19  }
0x739: {  	[tilespmem:$0x1F570] =	vst v1;
	v1 =	vsel vm15, $0x1709, v20  }
0x73a: {  	[tilespmem:$0x1F580] =	vst v1;
	v0 =	vsel vm14, $0x268F, v0  }
0x73b: {  	v1 =	vsel vm15, $0x170A, v21;
	[tilespmem:$0x1F790] =	vst v0;
	v0 =	vld [tilespmem:$0x1F080]  }
0x73c: {  	[tilespmem:$0x1F590] =	vst v1;
	v1 =	vsel vm15, $0x170B, v22  }
0x73d: {  	[tilespmem:$0x1F5A0] =	vst v1;
	v1 =	vsel vm15, $0x170C, v23  }
0x73e: {  	[tilespmem:$0x1F5B0] =	vst v1;
	v1 =	vsel vm15, $0x170D, v24  }
0x73f: {  	[tilespmem:$0x1F5C0] =	vst v1;
	v1 =	vsel vm15, $0x1F0F, v25  }
0x740: {  	[tilespmem:$0x1F5D0] =	vst v1;
	v0 =	vsel vm14, $0x2680, v0  }
0x741: {  	v1 =	vsel vm15, $0x1F00, v26;
	[tilespmem:$0x1F7B0] =	vst v0;
	v0 =	vld [tilespmem:$0x1F090]  }
0x742: {  	[tilespmem:$0x1F5E0] =	vst v1;
	v1 =	vsel vm15, $0x1F01, v27  }
0x743: {  	[tilespmem:$0x1F5F0] =	vst v1;
	v1 =	vsel vm15, $0x1F02, v28  }
0x744: {  	[tilespmem:$0x1F600] =	vst v1;
	v1 =	vld [tilespmem:$0x1F610];
	_ =	sdelay $0x1  }
0x745: {  	v0 =	vsel vm14, $0x2681, v0  }
0x746: {  	[tilespmem:$0x1F7D0] =	vst v0;
	v0 =	vld [tilespmem:$0x1F0A0];
	_ =	sdelay $0x1  }
0x747: {  	v1 =	vsel vm15, $0x1F03, v1  }
0x748: {  	[tilespmem:$0x1F620] =	vst v1;
	v1 =	vld [tilespmem:$0x1F630];
	_ =	sdelay $0x1  }
0x749: {  	v0 =	vsel vm14, $0x2682, v0  }
0x74a: {  	[tilespmem:$0x1F7F0] =	vst v0;
	v0 =	vld [tilespmem:$0x1F0B0];
	_ =	sdelay $0x1  }
0x74b: {  	v1 =	vsel vm15, $0x1F04, v1  }
0x74c: {  	[tilespmem:$0x1F640] =	vst v1;
	v1 =	vld [tilespmem:$0x1F650];
	_ =	sdelay $0x1  }
0x74d: {  	v0 =	vsel vm14, $0x2683, v0  }
0x74e: {  	[tilespmem:$0x1F810] =	vst v0;
	v0 =	vld [tilespmem:$0x1F0C0];
	_ =	sdelay $0x1  }
0x74f: {  	v1 =	vsel vm15, $0x1F05, v1  }
0x750: {  	[tilespmem:$0x1F660] =	vst v1;
	v1 =	vld [tilespmem:$0x1F670];
	_ =	sdelay $0x1  }
0x751: {  	v0 =	vsel vm14, $0x2684, v0  }
0x752: {  	[tilespmem:$0x1F830] =	vst v0;
	v0 =	vld [tilespmem:$0x1F0D0];
	_ =	sdelay $0x1  }
0x753: {  	v1 =	vsel vm15, $0x1F06, v1  }
0x754: {  	[tilespmem:$0x1F680] =	vst v1;
	v1 =	vld [tilespmem:$0x1F690];
	_ =	sdelay $0x1  }
0x755: {  	v0 =	vsel vm14, $0x2685, v0  }
0x756: {  	[tilespmem:$0x1F850] =	vst v0;
	v0 =	vld [tilespmem:$0x1F0E0];
	_ =	sdelay $0x1  }
0x757: {  	v1 =	vsel vm15, $0x1F07, v1  }
0x758: {  	[tilespmem:$0x1F6A0] =	vst v1;
	v1 =	vld [tilespmem:$0x1F6B0];
	_ =	sdelay $0x1  }
0x759: {  	v0 =	vsel vm14, $0x2686, v0  }
0x75a: {  	[tilespmem:$0x1F870] =	vst v0;
	v0 =	vld [tilespmem:$0x1F0F0];
	_ =	sdelay $0x1  }
0x75b: {  	v1 =	vsel vm15, $0x1F08, v1  }
0x75c: {  	[tilespmem:$0x1F6C0] =	vst v1;
	v1 =	vld [tilespmem:$0x1F6D0];
	_ =	sdelay $0x1  }
0x75d: {  	v0 =	vsel vm14, $0x2687, v0  }
0x75e: {  	[tilespmem:$0x1F890] =	vst v0;
	v0 =	vld [tilespmem:$0x1F100];
	_ =	sdelay $0x1  }
0x75f: {  	v1 =	vsel vm15, $0x1F09, v1  }
0x760: {  	[tilespmem:$0x1F6E0] =	vst v1;
	v1 =	vld [tilespmem:$0x1F6F0];
	_ =	sdelay $0x1  }
0x761: {  	v0 =	vsel vm14, $0x2688, v0  }
0x762: {  	[tilespmem:$0x1F8B0] =	vst v0;
	v0 =	vld [tilespmem:$0x1F110];
	_ =	sdelay $0x1  }
0x763: {  	v1 =	vsel vm15, $0x1F0A, v1  }
0x764: {  	[tilespmem:$0x1F700] =	vst v1;
	v1 =	vld [tilespmem:$0x1F710];
	_ =	sdelay $0x1  }
0x765: {  	v0 =	vsel vm14, $0x2689, v0  }
0x766: {  	[tilespmem:$0x1F8D0] =	vst v0;
	v0 =	vld [tilespmem:$0x1F120];
	_ =	sdelay $0x1  }
0x767: {  	v1 =	vsel vm15, $0x1F0B, v1  }
0x768: {  	[tilespmem:$0x1F720] =	vst v1;
	v1 =	vld [tilespmem:$0x1F730];
	_ =	sdelay $0x1  }
0x769: {  	v0 =	vsel vm14, $0x268A, v0  }
0x76a: {  	[tilespmem:$0x1F8F0] =	vst v0;
	v0 =	vld [tilespmem:$0x1F130];
	_ =	sdelay $0x1  }
0x76b: {  	v1 =	vsel vm15, $0x1F0C, v1  }
0x76c: {  	[tilespmem:$0x1F740] =	vst v1;
	v1 =	vld [tilespmem:$0x1F750];
	_ =	sdelay $0x1  }
0x76d: {  	v0 =	vsel vm14, $0x268B, v0  }
0x76e: {  	[tilespmem:$0x1F910] =	vst v0;
	v0 =	vld [tilespmem:$0x1F140];
	_ =	sdelay $0x1  }
0x76f: {  	v1 =	vsel vm15, $0x1F0D, v1  }
0x770: {  	[tilespmem:$0x1F760] =	vst v1;
	v1 =	vld [tilespmem:$0x1F770];
	_ =	sdelay $0x1  }
0x771: {  	v0 =	vsel vm14, $0x268C, v0  }
0x772: {  	[tilespmem:$0x1F930] =	vst v0;
	v0 =	vld [tilespmem:$0x1F150];
	_ =	sdelay $0x1  }
0x773: {  	v1 =	vsel vm15, $0x270F, v1  }
0x774: {  	[tilespmem:$0x1F780] =	vst v1;
	v1 =	vld [tilespmem:$0x1F790];
	_ =	sdelay $0x1  }
0x775: {  	v0 =	vsel vm14, $0x2E8E, v0  }
0x776: {  	[tilespmem:$0x1F950] =	vst v0;
	v0 =	vld [tilespmem:$0x1F160];
	_ =	sdelay $0x1  }
0x777: {  	v1 =	vsel vm15, $0x2700, v1  }
0x778: {  	[tilespmem:$0x1F7A0] =	vst v1;
	v1 =	vld [tilespmem:$0x1F7B0];
	_ =	sdelay $0x1  }
0x779: {  	v0 =	vsel vm14, $0x2E8F, v0  }
0x77a: {  	[tilespmem:$0x1F970] =	vst v0;
	v0 =	vld [tilespmem:$0x1F170];
	_ =	sdelay $0x1  }
0x77b: {  	v1 =	vsel vm15, $0x2701, v1  }
0x77c: {  	[tilespmem:$0x1F7C0] =	vst v1;
	v1 =	vld [tilespmem:$0x1F7D0];
	_ =	sdelay $0x1  }
0x77d: {  	v0 =	vsel vm14, $0x2E80, v0  }
0x77e: {  	[tilespmem:$0x1F990] =	vst v0;
	v0 =	vld [tilespmem:$0x1F180];
	_ =	sdelay $0x1  }
0x77f: {  	v1 =	vsel vm15, $0x2702, v1  }
0x780: {  	[tilespmem:$0x1F7E0] =	vst v1;
	v1 =	vld [tilespmem:$0x1F7F0];
	_ =	sdelay $0x1  }
0x781: {  	v0 =	vsel vm14, $0x2E81, v0  }
0x782: {  	[tilespmem:$0x1F9B0] =	vst v0;
	v0 =	vld [tilespmem:$0x1F190];
	_ =	sdelay $0x1  }
0x783: {  	v1 =	vsel vm15, $0x2703, v1  }
0x784: {  	[tilespmem:$0x1F800] =	vst v1;
	v1 =	vld [tilespmem:$0x1F810];
	_ =	sdelay $0x1  }
0x785: {  	v0 =	vsel vm14, $0x2E82, v0  }
0x786: {  	[tilespmem:$0x1F9D0] =	vst v0;
	v0 =	vld [tilespmem:$0x1F1A0];
	_ =	sdelay $0x1  }
0x787: {  	v1 =	vsel vm15, $0x2704, v1  }
0x788: {  	[tilespmem:$0x1F820] =	vst v1;
	v1 =	vld [tilespmem:$0x1F830];
	_ =	sdelay $0x1  }
0x789: {  	v0 =	vsel vm14, $0x2E83, v0  }
0x78a: {  	[tilespmem:$0x1F9F0] =	vst v0;
	v0 =	vld [tilespmem:$0x1F1B0];
	_ =	sdelay $0x1  }
0x78b: {  	v1 =	vsel vm15, $0x2705, v1  }
0x78c: {  	[tilespmem:$0x1F840] =	vst v1;
	v1 =	vld [tilespmem:$0x1F850];
	_ =	sdelay $0x1  }
0x78d: {  	v0 =	vsel vm14, $0x2E84, v0  }
0x78e: {  	[tilespmem:$0x1FA10] =	vst v0;
	v0 =	vld [tilespmem:$0x1F1C0];
	_ =	sdelay $0x1  }
0x78f: {  	v1 =	vsel vm15, $0x2706, v1  }
0x790: {  	[tilespmem:$0x1F860] =	vst v1;
	v1 =	vld [tilespmem:$0x1F870];
	_ =	sdelay $0x1  }
0x791: {  	v0 =	vsel vm14, $0x2E85, v0  }
0x792: {  	[tilespmem:$0x1FA30] =	vst v0;
	v0 =	vld [tilespmem:$0x1F1D0];
	_ =	sdelay $0x1  }
0x793: {  	v1 =	vsel vm15, $0x2707, v1  }
0x794: {  	[tilespmem:$0x1F880] =	vst v1;
	v1 =	vld [tilespmem:$0x1F890];
	_ =	sdelay $0x1  }
0x795: {  	v0 =	vsel vm14, $0x2E86, v0  }
0x796: {  	[tilespmem:$0x1FA50] =	vst v0;
	v0 =	vld [tilespmem:$0x1F1E0];
	_ =	sdelay $0x1  }
0x797: {  	v1 =	vsel vm15, $0x2708, v1  }
0x798: {  	[tilespmem:$0x1F8A0] =	vst v1;
	v1 =	vld [tilespmem:$0x1F8B0];
	_ =	sdelay $0x1  }
0x799: {  	v0 =	vsel vm14, $0x2E87, v0  }
0x79a: {  	[tilespmem:$0x1FA70] =	vst v0;
	v0 =	vld [tilespmem:$0x1F1F0];
	_ =	sdelay $0x1  }
0x79b: {  	v1 =	vsel vm15, $0x2709, v1  }
0x79c: {  	[tilespmem:$0x1F8C0] =	vst v1;
	v1 =	vld [tilespmem:$0x1F8D0];
	_ =	sdelay $0x1  }
0x79d: {  	v0 =	vsel vm14, $0x2E88, v0  }
0x79e: {  	[tilespmem:$0x1FA90] =	vst v0;
	v0 =	vld [tilespmem:$0x1F200];
	_ =	sdelay $0x1  }
0x79f: {  	v1 =	vsel vm15, $0x270A, v1  }
0x7a0: {  	[tilespmem:$0x1F8E0] =	vst v1;
	v1 =	vld [tilespmem:$0x1F8F0];
	_ =	sdelay $0x1  }
0x7a1: {  	v0 =	vsel vm14, $0x2E89, v0  }
0x7a2: {  	[tilespmem:$0x1FAB0] =	vst v0;
	v0 =	vld [tilespmem:$0x1F210];
	_ =	sdelay $0x1  }
0x7a3: {  	v1 =	vsel vm15, $0x270B, v1  }
0x7a4: {  	[tilespmem:$0x1F900] =	vst v1;
	v1 =	vld [tilespmem:$0x1F910];
	_ =	sdelay $0x1  }
0x7a5: {  	v0 =	vsel vm14, $0x2E8A, v0  }
0x7a6: {  	[tilespmem:$0x1FAD0] =	vst v0;
	v0 =	vld [tilespmem:$0x1F220];
	_ =	sdelay $0x1  }
0x7a7: {  	v1 =	vsel vm15, $0x270C, v1  }
0x7a8: {  	[tilespmem:$0x1F920] =	vst v1;
	v1 =	vld [tilespmem:$0x1F930];
	_ =	sdelay $0x1  }
0x7a9: {  	v0 =	vsel vm14, $0x2E8B, v0  }
0x7aa: {  	[tilespmem:$0x1FAF0] =	vst v0;
	v0 =	vld [tilespmem:$0x1F230];
	_ =	sdelay $0x1  }
0x7ab: {  	v1 =	vsel vm15, $0x270D, v1  }
0x7ac: {  	[tilespmem:$0x1F940] =	vst v1;
	v1 =	vld [tilespmem:$0x1F950];
	_ =	sdelay $0x1  }
0x7ad: {  	v0 =	vsel vm14, $0x2E8C, v0  }
0x7ae: {  	[tilespmem:$0x1FB10] =	vst v0;
	v0 =	vld [tilespmem:$0x1F240];
	_ =	sdelay $0x1  }
0x7af: {  	v1 =	vsel vm15, $0x2F0F, v1  }
0x7b0: {  	[tilespmem:$0x1F960] =	vst v1;
	v1 =	vld [tilespmem:$0x1F970];
	_ =	sdelay $0x1  }
0x7b1: {  	v0 =	vsel vm14, $0x368E, v0  }
0x7b2: {  	[tilespmem:$0x1FB30] =	vst v0;
	v0 =	vld [tilespmem:$0x1F250];
	_ =	sdelay $0x1  }
0x7b3: {  	v1 =	vsel vm15, $0x2F00, v1  }
0x7b4: {  	[tilespmem:$0x1F980] =	vst v1;
	v1 =	vld [tilespmem:$0x1F990];
	_ =	sdelay $0x1  }
0x7b5: {  	v0 =	vsel vm14, $0x368F, v0  }
0x7b6: {  	[tilespmem:$0x1FB50] =	vst v0;
	v0 =	vld [tilespmem:$0x1F260];
	_ =	sdelay $0x1  }
0x7b7: {  	v1 =	vsel vm15, $0x2F01, v1  }
0x7b8: {  	[tilespmem:$0x1F9A0] =	vst v1;
	v1 =	vld [tilespmem:$0x1F9B0];
	_ =	sdelay $0x1  }
0x7b9: {  	v0 =	vsel vm14, $0x3680, v0  }
0x7ba: {  	[tilespmem:$0x1FB70] =	vst v0;
	v0 =	vld [tilespmem:$0x1F270];
	_ =	sdelay $0x1  }
0x7bb: {  	v1 =	vsel vm15, $0x2F02, v1  }
0x7bc: {  	[tilespmem:$0x1F9C0] =	vst v1;
	v1 =	vld [tilespmem:$0x1F9D0];
	_ =	sdelay $0x1  }
0x7bd: {  	v0 =	vsel vm14, $0x3681, v0  }
0x7be: {  	[tilespmem:$0x1FB90] =	vst v0;
	v0 =	vld [tilespmem:$0x1F280];
	_ =	sdelay $0x1  }
0x7bf: {  	v1 =	vsel vm15, $0x2F03, v1  }
0x7c0: {  	[tilespmem:$0x1F9E0] =	vst v1;
	v1 =	vld [tilespmem:$0x1F9F0];
	_ =	sdelay $0x1  }
0x7c1: {  	v0 =	vsel vm14, $0x3682, v0  }
0x7c2: {  	[tilespmem:$0x1FBB0] =	vst v0;
	v0 =	vld [tilespmem:$0x1F290];
	_ =	sdelay $0x1  }
0x7c3: {  	v1 =	vsel vm15, $0x2F04, v1  }
0x7c4: {  	[tilespmem:$0x1FA00] =	vst v1;
	v1 =	vld [tilespmem:$0x1FA10];
	_ =	sdelay $0x1  }
0x7c5: {  	v0 =	vsel vm14, $0x3683, v0  }
0x7c6: {  	[tilespmem:$0x1FBD0] =	vst v0;
	v0 =	vld [tilespmem:$0x1F2A0];
	_ =	sdelay $0x1  }
0x7c7: {  	v1 =	vsel vm15, $0x2F05, v1  }
0x7c8: {  	[tilespmem:$0x1FA20] =	vst v1;
	v1 =	vld [tilespmem:$0x1FA30];
	_ =	sdelay $0x1  }
0x7c9: {  	v0 =	vsel vm14, $0x3684, v0  }
0x7ca: {  	[tilespmem:$0x1FBF0] =	vst v0;
	v0 =	vld [tilespmem:$0x1F2B0];
	_ =	sdelay $0x1  }
0x7cb: {  	v1 =	vsel vm15, $0x2F06, v1  }
0x7cc: {  	[tilespmem:$0x1FA40] =	vst v1;
	v1 =	vld [tilespmem:$0x1FA50];
	_ =	sdelay $0x1  }
0x7cd: {  	v0 =	vsel vm14, $0x3685, v0  }
0x7ce: {  	[tilespmem:$0x1FC10] =	vst v0;
	v0 =	vld [tilespmem:$0x1F2C0];
	_ =	sdelay $0x1  }
0x7cf: {  	v1 =	vsel vm15, $0x2F07, v1  }
0x7d0: {  	[tilespmem:$0x1FA60] =	vst v1;
	v1 =	vld [tilespmem:$0x1FA70];
	_ =	sdelay $0x1  }
0x7d1: {  	v0 =	vsel vm14, $0x3686, v0  }
0x7d2: {  	[tilespmem:$0x1FC30] =	vst v0;
	v0 =	vld [tilespmem:$0x1F2D0];
	_ =	sdelay $0x1  }
0x7d3: {  	v1 =	vsel vm15, $0x2F08, v1  }
0x7d4: {  	[tilespmem:$0x1FA80] =	vst v1;
	v1 =	vld [tilespmem:$0x1FA90];
	_ =	sdelay $0x1  }
0x7d5: {  	v0 =	vsel vm14, $0x3687, v0  }
0x7d6: {  	[tilespmem:$0x1FC50] =	vst v0;
	v0 =	vld [tilespmem:$0x1F2E0];
	_ =	sdelay $0x1  }
0x7d7: {  	v1 =	vsel vm15, $0x2F09, v1  }
0x7d8: {  	[tilespmem:$0x1FAA0] =	vst v1;
	v1 =	vld [tilespmem:$0x1FAB0];
	_ =	sdelay $0x1  }
0x7d9: {  	v0 =	vsel vm14, $0x3688, v0  }
0x7da: {  	[tilespmem:$0x1FC70] =	vst v0;
	v0 =	vld [tilespmem:$0x1F2F0];
	_ =	sdelay $0x1  }
0x7db: {  	v1 =	vsel vm15, $0x2F0A, v1  }
0x7dc: {  	[tilespmem:$0x1FAC0] =	vst v1;
	v1 =	vld [tilespmem:$0x1FAD0];
	_ =	sdelay $0x1  }
0x7dd: {  	v0 =	vsel vm14, $0x3689, v0  }
0x7de: {  	[tilespmem:$0x1FC90] =	vst v0;
	v0 =	vld [tilespmem:$0x1F300];
	_ =	sdelay $0x1  }
0x7df: {  	v1 =	vsel vm15, $0x2F0B, v1  }
0x7e0: {  	[tilespmem:$0x1FAE0] =	vst v1;
	v1 =	vld [tilespmem:$0x1FAF0];
	_ =	sdelay $0x1  }
0x7e1: {  	v0 =	vsel vm14, $0x368A, v0  }
0x7e2: {  	[tilespmem:$0x1FCB0] =	vst v0;
	v0 =	vld [tilespmem:$0x1F310];
	_ =	sdelay $0x1  }
0x7e3: {  	v1 =	vsel vm15, $0x2F0C, v1  }
0x7e4: {  	[tilespmem:$0x1FB00] =	vst v1;
	v1 =	vld [tilespmem:$0x1FB10];
	_ =	sdelay $0x1  }
0x7e5: {  	v0 =	vsel vm14, $0x368B, v0  }
0x7e6: {  	[tilespmem:$0x1FCD0] =	vst v0;
	v0 =	vld [tilespmem:$0x1F320];
	_ =	sdelay $0x1  }
0x7e7: {  	v1 =	vsel vm15, $0x2F0D, v1  }
0x7e8: {  	[tilespmem:$0x1FB20] =	vst v1;
	v1 =	vld [tilespmem:$0x1FB30];
	_ =	sdelay $0x1  }
0x7e9: {  	v0 =	vsel vm14, $0x368C, v0  }
0x7ea: {  	[tilespmem:$0x1FCF0] =	vst v0;
	v0 =	vld [tilespmem:$0x1F330];
	_ =	sdelay $0x1  }
0x7eb: {  	v1 =	vsel vm15, $0x370F, v1  }
0x7ec: {  	[tilespmem:$0x1FB40] =	vst v1;
	v1 =	vld [tilespmem:$0x1FB50];
	_ =	sdelay $0x1  }
0x7ed: {  	v0 =	vsel vm14, $0x3E8E, v0  }
0x7ee: {  	[tilespmem:$0x1FD10] =	vst v0;
	v0 =	vld [tilespmem:$0x1F340];
	_ =	sdelay $0x1  }
0x7ef: {  	v1 =	vsel vm15, $0x3700, v1  }
0x7f0: {  	[tilespmem:$0x1FB60] =	vst v1;
	v1 =	vld [tilespmem:$0x1FB70];
	_ =	sdelay $0x1  }
0x7f1: {  	v0 =	vsel vm14, $0x3E8F, v0  }
0x7f2: {  	[tilespmem:$0x1FD20] =	vst v0;
	v0 =	vld [tilespmem:$0x1F350];
	_ =	sdelay $0x1  }
0x7f3: {  	v1 =	vsel vm15, $0x3701, v1  }
0x7f4: {  	[tilespmem:$0x1FB80] =	vst v1;
	v1 =	vld [tilespmem:$0x1FB90];
	_ =	sdelay $0x1  }
0x7f5: {  	v0 =	vsel vm14, $0x3E80, v0  }
0x7f6: {  	[tilespmem:$0x1FD30] =	vst v0;
	v0 =	vld [tilespmem:$0x1F360];
	_ =	sdelay $0x1  }
0x7f7: {  	v1 =	vsel vm15, $0x3702, v1  }
0x7f8: {  	[tilespmem:$0x1FBA0] =	vst v1;
	v1 =	vld [tilespmem:$0x1FBB0];
	_ =	sdelay $0x1  }
0x7f9: {  	v0 =	vsel vm14, $0x3E81, v0  }
0x7fa: {  	[tilespmem:$0x1FD40] =	vst v0;
	v0 =	vld [tilespmem:$0x1F370];
	_ =	sdelay $0x1  }
0x7fb: {  	v1 =	vsel vm15, $0x3703, v1  }
0x7fc: {  	[tilespmem:$0x1FBC0] =	vst v1;
	v1 =	vld [tilespmem:$0x1FBD0];
	_ =	sdelay $0x1  }
0x7fd: {  	v0 =	vsel vm14, $0x3E82, v0  }
0x7fe: {  	[tilespmem:$0x1FD50] =	vst v0;
	v0 =	vld [tilespmem:$0x1F380];
	_ =	sdelay $0x1  }
0x7ff: {  	v1 =	vsel vm15, $0x3704, v1  }
0x800: {  	[tilespmem:$0x1FBE0] =	vst v1;
	v1 =	vld [tilespmem:$0x1FBF0];
	_ =	sdelay $0x1  }
0x801: {  	v0 =	vsel vm14, $0x3E83, v0  }
0x802: {  	[tilespmem:$0x1FD60] =	vst v0;
	v0 =	vld [tilespmem:$0x1F390];
	_ =	sdelay $0x1  }
0x803: {  	v1 =	vsel vm15, $0x3705, v1  }
0x804: {  	[tilespmem:$0x1FC00] =	vst v1;
	v1 =	vld [tilespmem:$0x1FC10];
	_ =	sdelay $0x1  }
0x805: {  	v0 =	vsel vm14, $0x3E84, v0  }
0x806: {  	[tilespmem:$0x1FD70] =	vst v0;
	v0 =	vld [tilespmem:$0x1F3A0];
	_ =	sdelay $0x1  }
0x807: {  	v1 =	vsel vm15, $0x3706, v1  }
0x808: {  	[tilespmem:$0x1FC20] =	vst v1;
	v1 =	vld [tilespmem:$0x1FC30];
	_ =	sdelay $0x1  }
0x809: {  	v0 =	vsel vm14, $0x3E85, v0  }
0x80a: {  	[tilespmem:$0x1FD80] =	vst v0;
	v0 =	vld [tilespmem:$0x1F3B0];
	_ =	sdelay $0x1  }
0x80b: {  	v1 =	vsel vm15, $0x3707, v1  }
0x80c: {  	[tilespmem:$0x1FC40] =	vst v1;
	v1 =	vld [tilespmem:$0x1FC50];
	_ =	sdelay $0x1  }
0x80d: {  	v0 =	vsel vm14, $0x3E86, v0  }
0x80e: {  	[tilespmem:$0x1FD90] =	vst v0;
	v0 =	vld [tilespmem:$0x1F3C0];
	_ =	sdelay $0x1  }
0x80f: {  	v1 =	vsel vm15, $0x3708, v1  }
0x810: {  	[tilespmem:$0x1FC60] =	vst v1;
	v1 =	vld [tilespmem:$0x1FC70];
	_ =	sdelay $0x1  }
0x811: {  	v0 =	vsel vm14, $0x3E87, v0  }
0x812: {  	[tilespmem:$0x1FDA0] =	vst v0;
	v0 =	vld [tilespmem:$0x1F3D0];
	_ =	sdelay $0x1  }
0x813: {  	v1 =	vsel vm15, $0x3709, v1  }
0x814: {  	[tilespmem:$0x1FC80] =	vst v1;
	v1 =	vld [tilespmem:$0x1FC90];
	_ =	sdelay $0x1  }
0x815: {  	v0 =	vsel vm14, $0x3E88, v0  }
0x816: {  	[tilespmem:$0x1FDB0] =	vst v0;
	v0 =	vld [tilespmem:$0x1F3E0];
	_ =	sdelay $0x1  }
0x817: {  	v1 =	vsel vm15, $0x370A, v1  }
0x818: {  	[tilespmem:$0x1FCA0] =	vst v1;
	v1 =	vld [tilespmem:$0x1FCB0];
	_ =	sdelay $0x1  }
0x819: {  	v59 =	vsel vm14, $0xE8E, v59;
	v0 =	vsel vm14, $0x3E89, v0  }
0x81a: {  	v60 =	vsel vm14, $0xE8F, v60;
	v59 =	vsel vm15, $0xF0F, v59;
	[tilespmem:$0x1FDC0] =	vst v0;
	v0 =	vld [tilespmem:$0x1F3F0]  }
0x81b: {  	v60 =	vsel vm15, $0xF00, v60;
	[tilespmem:$0x1F490] =	vst v59  }
0x81c: {  	v61 =	vsel vm14, $0xE80, v61;
	[tilespmem:$0x1F4A0] =	vst v60;
	v1 =	vsel vm15, $0x370B, v1  }
0x81d: {  	v62 =	vsel vm14, $0xE81, v62;
	v61 =	vsel vm15, $0xF01, v61;
	[tilespmem:$0x1FCC0] =	vst v1;
	v1 =	vld [tilespmem:$0x1FCD0]  }
0x81e: {  	v62 =	vsel vm15, $0xF02, v62;
	[tilespmem:$0x1F4B0] =	vst v61  }
0x81f: {  	v63 =	vsel vm14, $0xE82, v63;
	[tilespmem:$0x1F4C0] =	vst v62;
	v0 =	vsel vm14, $0x3E8A, v0  }
0x820: {  	v63 =	vsel vm15, $0xF03, v63;
	[tilespmem:$0x1FDD0] =	vst v0;
	v0 =	vld [tilespmem:$0x1F400]  }
0x821: {  	[tilespmem:$0x1F4D0] =	vst v63;
	v29 =	vsel vm15, $0x680, v29  }
0x822: {  	[tilespmem:$0x1F420] =	vst v29;
	v1 =	vsel vm15, $0x370C, v1  }
0x823: {  	v29 =	vsel vm15, $0x600, v30;
	[tilespmem:$0x1FCE0] =	vst v1;
	v1 =	vld [tilespmem:$0x1FCF0]  }
0x824: {  	[tilespmem:$0x1F430] =	vst v29;
	v29 =	vsel vm15, $0x580, v31  }
0x825: {  	[tilespmem:$0x1F440] =	vst v29;
	v0 =	vsel vm14, $0x3E8B, v0  }
0x826: {  	v29 =	vsel vm15, $0x500, v32;
	[tilespmem:$0x1FDE0] =	vst v0;
	v0 =	vld [tilespmem:$0x1F410]  }
0x827: {  	[tilespmem:$0x1F450] =	vst v29;
	v29 =	vsel vm15, $0x480, v33  }
0x828: {  	[tilespmem:$0x1F460] =	vst v29;
	v1 =	vsel vm15, $0x370D, v1  }
0x829: {  	v29 =	vsel vm15, $0x400, v34;
	[tilespmem:$0x1FD00] =	vst v1;
	v1 =	vld [tilespmem:$0x1FD10]  }
0x82a: {  	s4 =	rddreg [dreg:$0x0];
	[tilespmem:$0x1F470] =	vst v29;
	v29 =	vsel vm15, $0x380, v35  }
0x82b: {  	s3 =	simm.s32 $0x0;
	s2 =	rddreg [dreg:$0x1];
	[tilespmem:$0x1F480] =	vst v29;
	v0 =	vsel vm14, $0x3E8C, v0  }
0x82c: {  	s1 =	srdreg.scid;
	[smem:$0x7FF] =	sst s3;
	[tilespmem:$0x1FDF0] =	vst v0  }
0x82d: {  	s5 =	sand.u32 $0x1, s1;
	s1 =	rddreg [dreg:$0x2];
	v0 =	vld [tilespmem:$0x1F4E0];
	_ =	strace $0x80000047  }
0x82e: {  	v62 =	vsel vm15, $0x3F0F, v1;
	v1 =	vld [tilespmem:$0x1FD20];
	_ =	sdelay $0x4  }
0x82f: {  	v61 =	vsel vm15, $0x3F00, v1;
	v1 =	vld [tilespmem:$0x1FD30];
	_ =	sdelay $0x3  }
0x830: {  	v4 =	vld [tilespmem:$0x1FDA0]  }
0x831: {  	v60 =	vsel vm15, $0x3F01, v1;
	v1 =	vld [tilespmem:$0x1FD40];
	_ =	sdelay $0x2  }
0x832: {  	v31 =	vsel vm15, $0x180, v39  }
0x833: {  	v33 =	vsel vm15, $0x100, v40;
	[tilespmem:$0x1FE20] =	vst v31;
	v18 =	vsel vm15, $0x3F08, v4;
	v4 =	vld [tilespmem:$0x1FDB0]  }
0x834: {  	v29 =	vsel vm15, $0x200, v38;
	[tilespmem:$0x1FE30] =	vst v33;
	v38 =	vsel vm15, $0x3F02, v1;
	v1 =	vld [tilespmem:$0x1FD50]  }
0x835: {  	v32 =	vsel vm15, $0x280, v37;
	[tilespmem:$0x1FE40] =	vst v29  }
0x836: {  	v35 =	vsel vm15, $0x300, v36;
	v36 =	vsel vm15, $0x780, v43;
	[tilespmem:$0x1FE50] =	vst v32  }
0x837: {  	v30 =	vsel vm15, $0x80, v41;
	v41 =	vsel vm15, $0x702, v47;
	[tilespmem:$0x1FE60] =	vst v36  }
0x838: {  	[tilespmem:$0x1FE70] =	vst v41;
	v19 =	vsel vm15, $0x3F09, v4;
	v4 =	vld [tilespmem:$0x1FDC0]  }
0x839: {  	v39 =	vsel vm15, $0x700, v45;
	v34 =	vsel vm15, $0x0, v42;
	[tilespmem:$0x1FE80] =	vst v35;
	v42 =	vsel vm15, $0x3F03, v1;
	v1 =	vld [tilespmem:$0x1FD60]  }
0x83a: {  	v37 =	vsel vm15, $0x70F, v44;
	[tilespmem:$0x1FE90] =	vst v39  }
0x83b: {  	v40 =	vsel vm15, $0x701, v46;
	[tilespmem:$0x1FEA0] =	vst v37  }
0x83c: {  	v56 =	vsel vm14, $0x68A, v56;
	v46 =	vsel vm15, $0x704, v49;
	[tilespmem:$0x1FEB0] =	vst v40  }
0x83d: {  	v47 =	vsel vm15, $0x705, v50;
	v43 =	vsel vm15, $0x703, v48;
	[tilespmem:$0x1FEC0] =	vst v46;
	v44 =	vsel vm15, $0x3F0A, v4;
	v4 =	vld [tilespmem:$0x1FDD0]  }
0x83e: {  	v49 =	vsel vm15, $0x707, v52;
	v52 =	vsel vm15, $0x70A, v55;
	[tilespmem:$0x1FED0] =	vst v43;
	v55 =	vsel vm15, $0x3F04, v1;
	v1 =	vld [tilespmem:$0x1FD70]  }
0x83f: {  	v48 =	vsel vm15, $0x706, v51;
	v51 =	vsel vm15, $0x709, v54;
	v54 =	vsel vm15, $0x70B, v56;
	[tilespmem:$0x1FEE0] =	vst v47  }
0x840: {  	[tilespmem:$0x1FEF0] =	vst v54  }
0x841: {  	v50 =	vsel vm15, $0x708, v53;
	[tilespmem:$0x1FF00] =	vst v48  }
0x842: {  	[tilespmem:$0x1FF10] =	vst v50;
	v45 =	vsel vm15, $0x3F0B, v4;
	v4 =	vld [tilespmem:$0x1FDE0]  }
0x843: {  	[tilespmem:$0x1FFF0] =	vst v49;
	v21 =	vsel vm15, $0x3F05, v1;
	v1 =	vld [tilespmem:$0x1FD80]  }
0x844: {  	[tilespmem:$0x1FF80] =	vst v18  }
0x845: {  	[tilespmem:$0x1FF90] =	vst v19  }
0x846: {  	[tilespmem:$0x1FF20] =	vst v38  }
0x847: {  	[tilespmem:$0x1FFA0] =	vst v44;
	v27 =	vsel vm15, $0x3F0C, v4;
	v4 =	vld [tilespmem:$0x1FDF0]  }
0x848: {  	[tilespmem:$0x1FF30] =	vst v42;
	v16 =	vsel vm15, $0x3F06, v1;
	v1 =	vld [tilespmem:$0x1FD90]  }
0x849: {  	[tilespmem:$0x1FFB0] =	vst v45  }
0x84a: {  	v57 =	vsel vm14, $0x68B, v57;
	[tilespmem:$0x1FF40] =	vst v55  }
0x84b: {  	s0 =	stileid.u32;
	s9 =	simm.s32 $0x80;
	s10 =	simm.s32 $0x6400;
	v58 =	vsel vm14, $0x68C, v58;
	v57 =	vsel vm15, $0x70C, v57;
	[tilespmem:$0x1FFC0] =	vst v27  }
0x84c: {  	s11 =	simm.s32 $0xA400;
	s12 =	simm.s32 $0x100;
	s13 =	simm.s32 $0xE400;
	v58 =	vsel vm15, $0x70D, v58;
	v2 =	vsel vm15, $0xF06, v2;
	v28 =	vsel vm15, $0x3F0D, v4;
	[tilespmem:$0x1FF50] =	vst v21  }
0x84d: {  	s14 =	simm.s32 $0x400;
	s15 =	simm.s32 $0x20000;
	s6 =	sshll.u32 s0, $0x1;
	v3 =	vsel vm15, $0xF07, v3;
	[tilespmem:$0x1FFD0] =	vst v28;
	v17 =	vsel vm15, $0x3F07, v1;
	v1 =	vlaneseq.u32  }
0x84e: {  	s16 =	simm.s32 $0x4;
	s6 =	sor.u32 s5, s6;
	s5 =	ssub.s32 $0x2, s5;
	v5 =	vsel vm15, $0xF09, v5;
	[tilespmem:$0x1FF60] =	vst v16;
	v63 =	vmul.u32 $0x81, v1;
	v56 =	vmul.u32 $0x80, v1  }
0x84f: {  	s17 =	simm.s32 $0x5;
	s7 =	smul.u32 $0xC80, s6;
	s8 =	sshrl.u32 s5, $0x1;
	v6 =	vsel vm15, $0xF0A, v6;
	v7 =	vsel vm15, $0xF0B, v7;
	v8 =	vsel vm15, $0xF0C, v8;
	[tilespmem:$0x1FF70] =	vst v17  }
0x850: {  	s18 =	simm.s32 $0x6;
	s19 =	simm.s32 $0x0;
	s8 =	ssub.s32 s5, s8;
	v9 =	vsel vm15, $0xF0D, v9;
	v10 =	vsel vm15, $0x170F, v10;
	v11 =	vor.u32 $0x800, v63;
	[tilespmem:$0x1FFE0] =	vst v56  }
0x851: {  	s5 =	smul.u32 $0xC8, s6;
	s7 =	sadd.s32 s7, s4;
	s4 =	sadd.s32 $0x19400, s4;
	v12 =	vsel vm15, $0x1701, v12;
	v53 =	vsel vm15, $0x1702, v13;
	v13 =	vor.u32 $0x1000, v63;
	[tilespmem:$0x1FE00] =	vst v11  }
0x852: {  	s6 =	sadd.s32 $0x400, s7;
	s7 =	smax.u32 s8, $0x1;
	s8 =	simm.s32 $0x7;
	v0 =	vsel vm15, $0xF04, v0;
	v11 =	vor.u32 $0x10, v1;
	[tilespmem:$0x1FE10] =	vst v13;
	v13 =	vor.u32 $0x20, v1  }
.LBB2_1:
0x853: {  	[tilespmem:s3], [sflag:$0x7] =	stream.linear.gather [hbm4b:s6+s3], $0x6400, $0x38;
	[tilespmem:$0x18400] =	vst v63  }
0x854: {  	_ =	swait.ge [sflag:s8], $0x6400  }
0x855: {  	[sflag:s8] =	ssyncset.done $0x0  }
0x856: {  	[sflag:s8] =	ssyncadd.s32 $0xFFFF9C00  }
0x857: {  	[tilespmem:s10], [sflag:$0x1] =	stream.indirect.gather [hbm4b:s4+s9], $0x80, s3, s9, $0xb8;
	[tilespmem:$0x18400] =	vst v63  }
0x858: {  	_ = 	snop  }
0x859: {  	[tilespmem:s11], [sflag:$0x2] =	stream.indirect.gather [hbm4b:s4+s9], $0x80, s9, s9, $0xb8;
	[tilespmem:$0x18400] =	vst v63  }
0x85a: {  	s20 =	simm.s32 $0x0  }
0x85b: {  	[tilespmem:s13], [sflag:$0x3] =	stream.indirect.gather [hbm4b:s4+s9], $0x80, s12, s9, $0xb8;
	[tilespmem:$0x18400] =	vst v63  }
.LBB2_2:
0x85c: {  	s21 =	smul.u32 $0xAB, s20;
	_ =	sdelay $0x1  }
0x85d: {  	s21 =	sshrl.u32 s21, $0x9  }
0x85e: {  	s21 =	sand.u32 $0x7F, s21  }
0x85f: {  	s21 =	smul.u32 $0x3, s21;
	_ =	sdelay $0x1  }
0x860: {  	s21 =	ssub.s32 s20, s21  }
0x861: {  	s21 =	sand.u32 $0xFF, s21  }
0x862: {  	s22 =	sadd.s32 $0x1, s21  }
0x863: {  	_ =	swait.ge [sflag:s22], $0x4000  }
0x864: {  	p0 =	slt.u32 s20, $0x3;
	[sflag:s22] =	ssyncset.done $0x0  }
0x865: {  	s23 =	sadd.s32 @!p0 $0x4, s21;
	[sflag:s22] =	ssyncadd.s32 $0xFFFFC000  }
0x866: {  	s25 =	simm.s32 $0x0;
	s24 =	sshll.u32 s21, $0xE;
	_ =	swait.ge @!p0 [sflag:s23], $0x2000  }
0x867: {  	s31 =	sshll.u32 s21, $0xD;
	s24 =	sadd.s32 $0x6400, s24;
	[sflag:s23] =	ssyncset.done @!p0 $0x0  }
0x868: {  	[sflag:s23] =	ssyncadd.s32 @!p0 $0xFFFFE000;
	s23 =	sadd.s32 $0x12400, s31;
	p0 =	por $0x1, $0x1  }
.LBB2_3:
0x869: {  	v14 =	vor.u32 s25, v63;
	_ =	sdelay $0x1  }
0x86a: {  	v15 =	vmov s25  }
0x86b: {  	v44 =	vshll.u32 v15, $0x7  }
0x86c: {  	v19 =	vor.u32 v56, v44  }
0x86d: {  	v14 =	vld.idx.msk [tilespmem:v14+s24+$0x0], $0xffff;
	v15 =	vor.u32 v1, v19  }
0x86e: {  	v16 =	vor.u32 s25, v37;
	_ =	sdelay $0x3  }
0x86f: {  	v18 =	vor.u32 v36, v44;
	[tilespmem:v15+s23+$0x0] =	vst.idx.msk $0xffff, v14  }
0x870: {  	v15 =	vor.u32 v1, v18;
	v14 =	vld.idx.msk [tilespmem:v16+s24+$0x0], $0xffff  }
0x871: {  	v38 =	vor.u32 s25, v39;
	_ =	sdelay $0x3  }
0x872: {  	v17 =	vor.u32 v34, v44;
	[tilespmem:v15+s23+$0x0] =	vst.idx.msk $0xffff, v14  }
0x873: {  	v15 =	vor.u32 v1, v17;
	v14 =	vld.idx.msk [tilespmem:v38+s24+$0x0], $0xffff  }
0x874: {  	v20 =	vor.u32 s25, v40;
	_ =	sdelay $0x3  }
0x875: {  	v16 =	vor.u32 v30, v44;
	[tilespmem:v15+s23+$0x0] =	vst.idx.msk $0xffff, v14  }
0x876: {  	v15 =	vor.u32 v1, v16;
	v14 =	vld.idx.msk [tilespmem:v20+s24+$0x0], $0xffff  }
0x877: {  	v42 =	vor.u32 s25, v41;
	_ =	sdelay $0x3  }
0x878: {  	[tilespmem:v15+s23+$0x0] =	vst.idx.msk $0xffff, v14;
	v15 =	vor.u32 v33, v44  }
0x879: {  	v14 =	vld.idx.msk [tilespmem:v42+s24+$0x0], $0xffff;
	v45 =	vor.u32 v1, v15  }
0x87a: {  	s26 =	sor.u32 $0x10, s25  }
0x87b: {  	v23 =	vor.u32 s26, v63  }
0x87c: {  	v21 =	vor.u32 s25, v43  }
0x87d: {  	v24 =	vmov s26  }
0x87e: {  	[tilespmem:v45+s23+$0x0] =	vst.idx.msk $0xffff, v14;
	v45 =	vshll.u32 v24, $0x7  }
0x87f: {  	v42 =	vor.u32 v56, v45  }
0x880: {  	v14 =	vor.u32 v31, v44;
	v56 =	vld.idx.msk [tilespmem:v23+s24+$0x0], $0xffff;
	v59 =	vor.u32 v1, v42  }
0x881: {  	v25 =	vor.u32 s26, v37;
	v20 =	vld.idx.msk [tilespmem:v21+s24+$0x0], $0xffff;
	v55 =	vor.u32 v1, v14;
	_ =	sdelay $0x3  }
0x882: {  	v38 =	vor.u32 v36, v45;
	[tilespmem:v59+s23+$0x0] =	vst.idx.msk $0xffff, v56  }
0x883: {  	v26 =	vor.u32 v1, v38;
	[tilespmem:v55+s23+$0x0] =	vst.idx.msk $0xffff, v20;
	v20 =	vld.idx.msk [tilespmem:v25+s24+$0x0], $0xffff  }
0x884: {  	v36 =	vor.u32 s26, v39;
	_ =	sdelay $0x3  }
0x885: {  	v56 =	vmov v34;
	v34 =	vor.u32 v34, v45;
	[tilespmem:v26+s23+$0x0] =	vst.idx.msk $0xffff, v20  }
0x886: {  	v37 =	vor.u32 v1, v34;
	v20 =	vld.idx.msk [tilespmem:v36+s24+$0x0], $0xffff  }
0x887: {  	v39 =	vor.u32 s26, v40;
	_ =	sdelay $0x3  }
0x888: {  	v55 =	vmov v30;
	v30 =	vor.u32 v30, v45;
	[tilespmem:v37+s23+$0x0] =	vst.idx.msk $0xffff, v20  }
0x889: {  	v40 =	vor.u32 v1, v30;
	v20 =	vld.idx.msk [tilespmem:v39+s24+$0x0], $0xffff  }
0x88a: {  	v59 =	vor.u32 s26, v41;
	_ =	sdelay $0x3  }
0x88b: {  	v26 =	vor.u32 v33, v45;
	[tilespmem:v40+s23+$0x0] =	vst.idx.msk $0xffff, v20  }
0x88c: {  	v22 =	vor.u32 s25, v46;
	v36 =	vor.u32 v1, v26;
	v20 =	vld.idx.msk [tilespmem:v59+s24+$0x0], $0xffff  }
0x88d: {  	v37 =	vor.u32 s26, v43;
	_ =	sdelay $0x3  }
0x88e: {  	v24 =	vld.idx.msk [tilespmem:v22+s24+$0x0], $0xffff;
	v22 =	vor.u32 v31, v45;
	[tilespmem:v36+s23+$0x0] =	vst.idx.msk $0xffff, v20  }
0x88f: {  	v39 =	vor.u32 v1, v22;
	v20 =	vld.idx.msk [tilespmem:v37+s24+$0x0], $0xffff  }
0x890: {  	v25 =	vor.u32 s26, v46;
	_ =	sdelay $0x1  }
0x891: {  	v21 =	vor.u32 v29, v44  }
0x892: {  	v27 =	vor.u32 v1, v21  }
0x893: {  	v28 =	vor.u32 s25, v47;
	[tilespmem:v39+s23+$0x0] =	vst.idx.msk $0xffff, v20;
	v20 =	vor.u32 v29, v45  }
0x894: {  	v25 =	vld.idx.msk [tilespmem:v25+s24+$0x0], $0xffff;
	v29 =	vor.u32 v1, v20;
	_ =	sdelay $0x2  }
0x895: {  	v23 =	vor.u32 v32, v44;
	[tilespmem:v27+s23+$0x0] =	vst.idx.msk $0xffff, v24  }
0x896: {  	v31 =	vor.u32 s26, v47;
	v27 =	vld.idx.msk [tilespmem:v28+s24+$0x0], $0xffff;
	v28 =	vor.u32 v1, v23  }
0x897: {  	[tilespmem:v29+s23+$0x0] =	vst.idx.msk $0xffff, v25;
	v29 =	vor.u32 s25, v48;
	_ =	sdelay $0x2  }
0x898: {  	v24 =	vor.u32 v32, v45  }
0x899: {  	v32 =	vor.u32 v1, v24;
	[tilespmem:v28+s23+$0x0] =	vst.idx.msk $0xffff, v27;
	v25 =	vor.u32 v35, v44;
	v31 =	vld.idx.msk [tilespmem:v31+s24+$0x0], $0xffff  }
0x89a: {  	v28 =	vld.idx.msk [tilespmem:v29+s24+$0x0], $0xffff;
	v29 =	vor.u32 v1, v25  }
0x89b: {  	v40 =	vor.u32 s26, v48;
	_ =	sdelay $0x2  }
0x89c: {  	[tilespmem:v32+s23+$0x0] =	vst.idx.msk $0xffff, v31  }
0x89d: {  	v27 =	vor.u32 v35, v45;
	[tilespmem:v29+s23+$0x0] =	vst.idx.msk $0xffff, v28;
	v29 =	vld [tilespmem:$0x1F480]  }
0x89e: {  	v41 =	vor.u32 v1, v27;
	v31 =	vor.u32 s25, v49;
	v32 =	vld.idx.msk [tilespmem:v40+s24+$0x0], $0xffff  }
0x89f: {  	v43 =	vor.u32 s26, v49;
	_ =	sdelay $0x2  }
0x8a0: {  	v47 =	vor.u32 s25, v50;
	v49 =	vor.u32 s26, v50;
	v50 =	vld [tilespmem:$0x1F470];
	v28 =	vor.u32 v29, v44  }
0x8a1: {  	v31 =	vld.idx.msk [tilespmem:v31+s24+$0x0], $0xffff;
	[tilespmem:v41+s23+$0x0] =	vst.idx.msk $0xffff, v32;
	v29 =	vor.u32 v29, v45;
	v46 =	vor.u32 v1, v28  }
0x8a2: {  	v33 =	vld.idx.msk [tilespmem:v43+s24+$0x0], $0xffff;
	v48 =	vor.u32 v1, v29;
	_ =	sdelay $0x3  }
0x8a3: {  	[tilespmem:v46+s23+$0x0] =	vst.idx.msk $0xffff, v31  }
0x8a4: {  	v31 =	vor.u32 v50, v44;
	[tilespmem:v48+s23+$0x0] =	vst.idx.msk $0xffff, v33;
	v48 =	vld [tilespmem:$0x1F460]  }
0x8a5: {  	v36 =	vld.idx.msk [tilespmem:v47+s24+$0x0], $0xffff;
	v59 =	vor.u32 v1, v31  }
0x8a6: {  	v46 =	vor.u32 s25, v51;
	_ =	sdelay $0x1  }
0x8a7: {  	v32 =	vor.u32 v50, v45  }
0x8a8: {  	v40 =	vor.u32 v1, v32;
	v37 =	vld.idx.msk [tilespmem:v49+s24+$0x0], $0xffff  }
0x8a9: {  	v47 =	vor.u32 s26, v51;
	v33 =	vor.u32 v48, v44;
	[tilespmem:v59+s23+$0x0] =	vst.idx.msk $0xffff, v36  }
0x8aa: {  	v49 =	vor.u32 v1, v33;
	v36 =	vld.idx.msk [tilespmem:v46+s24+$0x0], $0xffff;
	_ =	sdelay $0x2  }
0x8ab: {  	[tilespmem:v40+s23+$0x0] =	vst.idx.msk $0xffff, v37  }
0x8ac: {  	v35 =	vor.u32 v48, v45;
	v40 =	vld.idx.msk [tilespmem:v47+s24+$0x0], $0xffff  }
0x8ad: {  	v59 =	vor.u32 v1, v35;
	[tilespmem:v49+s23+$0x0] =	vst.idx.msk $0xffff, v36;
	v49 =	vld [tilespmem:$0x1F450]  }
0x8ae: {  	v50 =	vor.u32 s25, v52  }
0x8af: {  	v48 =	vor.u32 s26, v52;
	_ =	sdelay $0x2  }
0x8b0: {  	[tilespmem:v59+s23+$0x0] =	vst.idx.msk $0xffff, v40;
	v59 =	vld [tilespmem:$0x1F440];
	v36 =	vor.u32 v49, v44  }
0x8b1: {  	v39 =	vld.idx.msk [tilespmem:v50+s24+$0x0], $0xffff;
	v37 =	vor.u32 v49, v45;
	v50 =	vor.u32 v1, v36  }
0x8b2: {  	v40 =	vor.u32 s25, v54;
	v41 =	vld.idx.msk [tilespmem:v48+s24+$0x0], $0xffff;
	v43 =	vor.u32 v1, v37  }
0x8b3: {  	v47 =	vor.u32 s26, v54;
	_ =	sdelay $0x2  }
0x8b4: {  	[tilespmem:v50+s23+$0x0] =	vst.idx.msk $0xffff, v39  }
0x8b5: {  	v39 =	vor.u32 v59, v44;
	[tilespmem:v43+s23+$0x0] =	vst.idx.msk $0xffff, v41;
	v46 =	vld.idx.msk [tilespmem:v40+s24+$0x0], $0xffff  }
0x8b6: {  	v54 =	vor.u32 v1, v39;
	v40 =	vor.u32 v59, v45;
	v47 =	vld.idx.msk [tilespmem:v47+s24+$0x0], $0xffff  }
0x8b7: {  	v43 =	vor.u32 s25, v57;
	v59 =	vld [tilespmem:$0x1F430];
	v49 =	vor.u32 v1, v40  }
0x8b8: {  	v50 =	vor.u32 s26, v57;
	_ =	sdelay $0x2  }
0x8b9: {  	[tilespmem:v54+s23+$0x0] =	vst.idx.msk $0xffff, v46;
	v54 =	vld [tilespmem:$0x1F420]  }
0x8ba: {  	v46 =	vld.idx.msk [tilespmem:v43+s24+$0x0], $0xffff;
	[tilespmem:v49+s23+$0x0] =	vst.idx.msk $0xffff, v47;
	v43 =	vor.u32 v59, v45  }
0x8bb: {  	v49 =	vld.idx.msk [tilespmem:v50+s24+$0x0], $0xffff;
	v50 =	vor.u32 v1, v43  }
0x8bc: {  	v41 =	vor.u32 v59, v44;
	v59 =	vmovc v57;
	v57 =	vmov v51;
	v51 =	vor.u32 s26, v58;
	_ =	sdelay $0x2  }
0x8bd: {  	v48 =	vor.u32 v1, v41  }
0x8be: {  	v4 =	vld [tilespmem:$0x1FE00];
	v47 =	vor.u32 s25, v58;
	v45 =	vor.u32 v54, v45;
	[tilespmem:v50+s23+$0x0] =	vst.idx.msk $0xffff, v49  }
0x8bf: {  	v44 =	vor.u32 v54, v44;
	v54 =	vor.u32 v1, v45;
	v49 =	vld.idx.msk [tilespmem:v51+s24+$0x0], $0xffff;
	_ =	sdelay $0x2  }
0x8c0: {  	[tilespmem:v48+s23+$0x0] =	vst.idx.msk $0xffff, v46  }
0x8c1: {  	v46 =	vld.idx.msk [tilespmem:v47+s24+$0x0], $0xffff;
	v47 =	vor.u32 v1, v44;
	v51 =	vor.u32 s26, v4  }
0x8c2: {  	v48 =	vor.u32 s25, v4;
	[tilespmem:v54+s23+$0x0] =	vst.idx.msk $0xffff, v49;
	v54 =	vld [tilespmem:$0x1F490];
	_ =	sdelay $0x3  }
0x8c3: {  	v50 =	vor.u32 v11, v42;
	[tilespmem:v47+s23+$0x0] =	vst.idx.msk $0xffff, v46;
	v49 =	vld.idx.msk [tilespmem:v51+s24+$0x0], $0xffff  }
0x8c4: {  	v47 =	vor.u32 v11, v19;
	v46 =	vld.idx.msk [tilespmem:v48+s24+$0x0], $0xffff;
	v51 =	vor.u32 s26, v54  }
0x8c5: {  	v48 =	vor.u32 s25, v54;
	v54 =	vld [tilespmem:$0x1F4A0];
	_ =	sdelay $0x2  }
0x8c6: {  	[tilespmem:v50+s23+$0x0] =	vst.idx.msk $0xffff, v49  }
0x8c7: {  	[tilespmem:v47+s23+$0x0] =	vst.idx.msk $0xffff, v46;
	v50 =	vor.u32 v11, v38;
	v49 =	vld.idx.msk [tilespmem:v51+s24+$0x0], $0xffff  }
0x8c8: {  	v47 =	vor.u32 v11, v18;
	v46 =	vld.idx.msk [tilespmem:v48+s24+$0x0], $0xffff;
	v51 =	vor.u32 s26, v54  }
0x8c9: {  	v48 =	vor.u32 s25, v54;
	v54 =	vld [tilespmem:$0x1F4B0];
	_ =	sdelay $0x2  }
0x8ca: {  	[tilespmem:v50+s23+$0x0] =	vst.idx.msk $0xffff, v49  }
0x8cb: {  	[tilespmem:v47+s23+$0x0] =	vst.idx.msk $0xffff, v46;
	v50 =	vor.u32 v11, v34;
	v49 =	vld.idx.msk [tilespmem:v51+s24+$0x0], $0xffff  }
0x8cc: {  	v47 =	vor.u32 v11, v17;
	v46 =	vld.idx.msk [tilespmem:v48+s24+$0x0], $0xffff;
	v51 =	vor.u32 s26, v54  }
0x8cd: {  	v48 =	vor.u32 s25, v54;
	v54 =	vld [tilespmem:$0x1F4C0];
	_ =	sdelay $0x2  }
0x8ce: {  	[tilespmem:v50+s23+$0x0] =	vst.idx.msk $0xffff, v49  }
0x8cf: {  	[tilespmem:v47+s23+$0x0] =	vst.idx.msk $0xffff, v46;
	v50 =	vor.u32 v11, v30;
	v49 =	vld.idx.msk [tilespmem:v51+s24+$0x0], $0xffff  }
0x8d0: {  	v47 =	vor.u32 v11, v16;
	v46 =	vld.idx.msk [tilespmem:v48+s24+$0x0], $0xffff;
	v51 =	vor.u32 s26, v54  }
0x8d1: {  	v48 =	vor.u32 s25, v54;
	v54 =	vld [tilespmem:$0x1F4D0];
	_ =	sdelay $0x2  }
0x8d2: {  	[tilespmem:v50+s23+$0x0] =	vst.idx.msk $0xffff, v49  }
0x8d3: {  	[tilespmem:v47+s23+$0x0] =	vst.idx.msk $0xffff, v46;
	v50 =	vor.u32 v11, v26;
	v49 =	vld.idx.msk [tilespmem:v51+s24+$0x0], $0xffff  }
0x8d4: {  	v46 =	vld.idx.msk [tilespmem:v48+s24+$0x0], $0xffff;
	v48 =	vor.u32 s25, v54;
	v54 =	vor.u32 s26, v54;
	_ =	sdelay $0x2  }
0x8d5: {  	v47 =	vor.u32 v11, v15  }
0x8d6: {  	[tilespmem:v50+s23+$0x0] =	vst.idx.msk $0xffff, v49  }
0x8d7: {  	v49 =	vld.idx.msk [tilespmem:v54+s24+$0x0], $0xffff;
	v54 =	vor.u32 v11, v22;
	_ =	sdelay $0x2  }
0x8d8: {  	[tilespmem:v47+s23+$0x0] =	vst.idx.msk $0xffff, v46  }
0x8d9: {  	v51 =	vor.u32 s26, v0;
	v47 =	vor.u32 v11, v14;
	v46 =	vld.idx.msk [tilespmem:v48+s24+$0x0], $0xffff  }
0x8da: {  	v48 =	vor.u32 s25, v0;
	[tilespmem:v54+s23+$0x0] =	vst.idx.msk $0xffff, v49;
	v54 =	vld [tilespmem:$0x1F4F0];
	_ =	sdelay $0x3  }
0x8db: {  	v50 =	vor.u32 v11, v20;
	[tilespmem:v47+s23+$0x0] =	vst.idx.msk $0xffff, v46;
	v49 =	vld.idx.msk [tilespmem:v51+s24+$0x0], $0xffff  }
0x8dc: {  	v46 =	vld.idx.msk [tilespmem:v48+s24+$0x0], $0xffff;
	v48 =	vor.u32 s25, v54;
	v54 =	vor.u32 s26, v54;
	_ =	sdelay $0x1  }
0x8dd: {  	v47 =	vor.u32 v11, v21;
	_ =	sdelay $0x1  }
0x8de: {  	[tilespmem:v50+s23+$0x0] =	vst.idx.msk $0xffff, v49  }
0x8df: {  	v50 =	vor.u32 v11, v24;
	v49 =	vld.idx.msk [tilespmem:v54+s24+$0x0], $0xffff  }
0x8e0: {  	v54 =	vor.u32 s26, v2  }
0x8e1: {  	[tilespmem:v47+s23+$0x0] =	vst.idx.msk $0xffff, v46  }
0x8e2: {  	v47 =	vor.u32 v11, v23;
	v46 =	vld.idx.msk [tilespmem:v48+s24+$0x0], $0xffff  }
0x8e3: {  	v48 =	vor.u32 s25, v2  }
0x8e4: {  	[tilespmem:v50+s23+$0x0] =	vst.idx.msk $0xffff, v49  }
0x8e5: {  	v49 =	vld.idx.msk [tilespmem:v54+s24+$0x0], $0xffff;
	v54 =	vor.u32 v11, v27;
	_ =	sdelay $0x1  }
0x8e6: {  	[tilespmem:v47+s23+$0x0] =	vst.idx.msk $0xffff, v46  }
0x8e7: {  	v47 =	vor.u32 v11, v25;
	v46 =	vld.idx.msk [tilespmem:v48+s24+$0x0], $0xffff  }
0x8e8: {  	v48 =	vor.u32 s25, v3  }
0x8e9: {  	v51 =	vor.u32 s26, v3;
	[tilespmem:v54+s23+$0x0] =	vst.idx.msk $0xffff, v49;
	v54 =	vld [tilespmem:$0x1F500];
	_ =	sdelay $0x2  }
0x8ea: {  	[tilespmem:v47+s23+$0x0] =	vst.idx.msk $0xffff, v46  }
0x8eb: {  	v47 =	vor.u32 v11, v28;
	v46 =	vld.idx.msk [tilespmem:v48+s24+$0x0], $0xffff  }
0x8ec: {  	v50 =	vor.u32 v11, v29;
	v49 =	vld.idx.msk [tilespmem:v51+s24+$0x0], $0xffff;
	v48 =	vor.u32 s25, v54  }
0x8ed: {  	v54 =	vor.u32 s26, v54;
	_ =	sdelay $0x2  }
0x8ee: {  	[tilespmem:v47+s23+$0x0] =	vst.idx.msk $0xffff, v46  }
0x8ef: {  	v47 =	vor.u32 v11, v31;
	[tilespmem:v50+s23+$0x0] =	vst.idx.msk $0xffff, v49;
	v46 =	vld.idx.msk [tilespmem:v48+s24+$0x0], $0xffff  }
0x8f0: {  	v50 =	vor.u32 v11, v32;
	v48 =	vor.u32 s25, v5;
	v49 =	vld.idx.msk [tilespmem:v54+s24+$0x0], $0xffff  }
0x8f1: {  	v54 =	vor.u32 s26, v5;
	_ =	sdelay $0x2  }
0x8f2: {  	[tilespmem:v47+s23+$0x0] =	vst.idx.msk $0xffff, v46  }
0x8f3: {  	v47 =	vor.u32 v11, v33;
	[tilespmem:v50+s23+$0x0] =	vst.idx.msk $0xffff, v49;
	v46 =	vld.idx.msk [tilespmem:v48+s24+$0x0], $0xffff  }
0x8f4: {  	v50 =	vor.u32 v11, v35;
	v48 =	vor.u32 s25, v6;
	v49 =	vld.idx.msk [tilespmem:v54+s24+$0x0], $0xffff  }
0x8f5: {  	v54 =	vor.u32 s26, v6;
	_ =	sdelay $0x2  }
0x8f6: {  	[tilespmem:v47+s23+$0x0] =	vst.idx.msk $0xffff, v46  }
0x8f7: {  	v47 =	vor.u32 v11, v36;
	[tilespmem:v50+s23+$0x0] =	vst.idx.msk $0xffff, v49;
	v46 =	vld.idx.msk [tilespmem:v48+s24+$0x0], $0xffff  }
0x8f8: {  	v50 =	vor.u32 v11, v37;
	v48 =	vor.u32 s25, v7;
	v49 =	vld.idx.msk [tilespmem:v54+s24+$0x0], $0xffff  }
0x8f9: {  	v54 =	vor.u32 s26, v7;
	_ =	sdelay $0x2  }
0x8fa: {  	[tilespmem:v47+s23+$0x0] =	vst.idx.msk $0xffff, v46  }
0x8fb: {  	v46 =	vld.idx.msk [tilespmem:v48+s24+$0x0], $0xffff;
	[tilespmem:v50+s23+$0x0] =	vst.idx.msk $0xffff, v49  }
0x8fc: {  	v50 =	vor.u32 v11, v40;
	v49 =	vld.idx.msk [tilespmem:v54+s24+$0x0], $0xffff  }
0x8fd: {  	v54 =	vor.u32 s26, v8;
	_ =	sdelay $0x2  }
0x8fe: {  	v47 =	vor.u32 v11, v39  }
0x8ff: {  	v48 =	vor.u32 s25, v8;
	[tilespmem:v50+s23+$0x0] =	vst.idx.msk $0xffff, v49  }
0x900: {  	v50 =	vor.u32 v11, v43;
	v49 =	vld.idx.msk [tilespmem:v54+s24+$0x0], $0xffff  }
0x901: {  	v54 =	vor.u32 s26, v9  }
0x902: {  	v4 =	vld [tilespmem:$0x1FE10]  }
0x903: {  	[tilespmem:v47+s23+$0x0] =	vst.idx.msk $0xffff, v46  }
0x904: {  	v47 =	vor.u32 v11, v41;
	v46 =	vld.idx.msk [tilespmem:v48+s24+$0x0], $0xffff  }
0x905: {  	v48 =	vor.u32 s25, v9;
	[tilespmem:v50+s23+$0x0] =	vst.idx.msk $0xffff, v49  }
0x906: {  	v50 =	vor.u32 v11, v45;
	v49 =	vld.idx.msk [tilespmem:v54+s24+$0x0], $0xffff  }
0x907: {  	v54 =	vor.u32 s26, v4;
	_ =	sdelay $0x1  }
0x908: {  	[tilespmem:v47+s23+$0x0] =	vst.idx.msk $0xffff, v46  }
0x909: {  	v47 =	vor.u32 v11, v44;
	v46 =	vld.idx.msk [tilespmem:v48+s24+$0x0], $0xffff  }
0x90a: {  	v48 =	vor.u32 s25, v4;
	[tilespmem:v50+s23+$0x0] =	vst.idx.msk $0xffff, v49  }
0x90b: {  	v49 =	vld.idx.msk [tilespmem:v54+s24+$0x0], $0xffff;
	v54 =	vor.u32 v13, v42;
	_ =	sdelay $0x2  }
0x90c: {  	[tilespmem:v47+s23+$0x0] =	vst.idx.msk $0xffff, v46  }
0x90d: {  	v51 =	vor.u32 s26, v10;
	v47 =	vor.u32 v13, v19;
	v46 =	vld.idx.msk [tilespmem:v48+s24+$0x0], $0xffff  }
0x90e: {  	v48 =	vor.u32 s25, v10;
	[tilespmem:v54+s23+$0x0] =	vst.idx.msk $0xffff, v49;
	v54 =	vld [tilespmem:$0x1F510];
	_ =	sdelay $0x3  }
0x90f: {  	v50 =	vor.u32 v13, v38;
	[tilespmem:v47+s23+$0x0] =	vst.idx.msk $0xffff, v46;
	v49 =	vld.idx.msk [tilespmem:v51+s24+$0x0], $0xffff  }
0x910: {  	v46 =	vld.idx.msk [tilespmem:v48+s24+$0x0], $0xffff;
	v48 =	vor.u32 s25, v54;
	v54 =	vor.u32 s26, v54;
	_ =	sdelay $0x1  }
0x911: {  	v47 =	vor.u32 v13, v18;
	_ =	sdelay $0x1  }
0x912: {  	[tilespmem:v50+s23+$0x0] =	vst.idx.msk $0xffff, v49  }
0x913: {  	v50 =	vor.u32 v13, v34;
	v49 =	vld.idx.msk [tilespmem:v54+s24+$0x0], $0xffff  }
0x914: {  	v54 =	vor.u32 s26, v12  }
0x915: {  	[tilespmem:v47+s23+$0x0] =	vst.idx.msk $0xffff, v46  }
0x916: {  	v47 =	vor.u32 v13, v17;
	v46 =	vld.idx.msk [tilespmem:v48+s24+$0x0], $0xffff  }
0x917: {  	v48 =	vor.u32 s25, v12  }
0x918: {  	[tilespmem:v50+s23+$0x0] =	vst.idx.msk $0xffff, v49  }
0x919: {  	v49 =	vld.idx.msk [tilespmem:v54+s24+$0x0], $0xffff;
	v54 =	vor.u32 v13, v30;
	_ =	sdelay $0x1  }
0x91a: {  	[tilespmem:v47+s23+$0x0] =	vst.idx.msk $0xffff, v46  }
0x91b: {  	v47 =	vor.u32 v13, v16;
	v46 =	vld.idx.msk [tilespmem:v48+s24+$0x0], $0xffff  }
0x91c: {  	v48 =	vor.u32 s25, v53  }
0x91d: {  	v51 =	vor.u32 s26, v53;
	[tilespmem:v54+s23+$0x0] =	vst.idx.msk $0xffff, v49;
	v54 =	vld [tilespmem:$0x1F520];
	_ =	sdelay $0x2  }
0x91e: {  	[tilespmem:v47+s23+$0x0] =	vst.idx.msk $0xffff, v46  }
0x91f: {  	v47 =	vor.u32 v13, v15;
	v46 =	vld.idx.msk [tilespmem:v48+s24+$0x0], $0xffff  }
0x920: {  	v50 =	vor.u32 v13, v26;
	v49 =	vld.idx.msk [tilespmem:v51+s24+$0x0], $0xffff;
	v48 =	vor.u32 s25, v54  }
0x921: {  	v51 =	vor.u32 s26, v54;
	v54 =	vld [tilespmem:$0x1F530];
	_ =	sdelay $0x2  }
0x922: {  	[tilespmem:v47+s23+$0x0] =	vst.idx.msk $0xffff, v46  }
0x923: {  	v47 =	vor.u32 v13, v14;
	[tilespmem:v50+s23+$0x0] =	vst.idx.msk $0xffff, v49;
	v46 =	vld.idx.msk [tilespmem:v48+s24+$0x0], $0xffff  }
0x924: {  	v50 =	vor.u32 v13, v22;
	v48 =	vor.u32 s25, v54;
	v49 =	vld.idx.msk [tilespmem:v51+s24+$0x0], $0xffff  }
0x925: {  	v51 =	vor.u32 s26, v54;
	v54 =	vld [tilespmem:$0x1F540];
	_ =	sdelay $0x2  }
0x926: {  	[tilespmem:v47+s23+$0x0] =	vst.idx.msk $0xffff, v46  }
0x927: {  	v47 =	vor.u32 v13, v21;
	[tilespmem:v50+s23+$0x0] =	vst.idx.msk $0xffff, v49;
	v46 =	vld.idx.msk [tilespmem:v48+s24+$0x0], $0xffff  }
0x928: {  	v50 =	vor.u32 v13, v20;
	v48 =	vor.u32 s25, v54;
	v49 =	vld.idx.msk [tilespmem:v51+s24+$0x0], $0xffff  }
0x929: {  	v51 =	vor.u32 s26, v54;
	v54 =	vld [tilespmem:$0x1F550];
	_ =	sdelay $0x2  }
0x92a: {  	[tilespmem:v47+s23+$0x0] =	vst.idx.msk $0xffff, v46  }
0x92b: {  	v47 =	vor.u32 v13, v23;
	[tilespmem:v50+s23+$0x0] =	vst.idx.msk $0xffff, v49;
	v46 =	vld.idx.msk [tilespmem:v48+s24+$0x0], $0xffff  }
0x92c: {  	v50 =	vor.u32 v13, v24;
	v48 =	vor.u32 s25, v54;
	v49 =	vld.idx.msk [tilespmem:v51+s24+$0x0], $0xffff  }
0x92d: {  	v51 =	vor.u32 s26, v54;
	v54 =	vld [tilespmem:$0x1F560];
	_ =	sdelay $0x2  }
0x92e: {  	[tilespmem:v47+s23+$0x0] =	vst.idx.msk $0xffff, v46  }
0x92f: {  	v47 =	vor.u32 v13, v25;
	[tilespmem:v50+s23+$0x0] =	vst.idx.msk $0xffff, v49;
	v46 =	vld.idx.msk [tilespmem:v48+s24+$0x0], $0xffff  }
0x930: {  	v50 =	vor.u32 v13, v27;
	v48 =	vor.u32 s25, v54;
	v49 =	vld.idx.msk [tilespmem:v51+s24+$0x0], $0xffff  }
0x931: {  	v51 =	vor.u32 s26, v54;
	v54 =	vld [tilespmem:$0x1F570];
	_ =	sdelay $0x2  }
0x932: {  	[tilespmem:v47+s23+$0x0] =	vst.idx.msk $0xffff, v46  }
0x933: {  	v47 =	vor.u32 v13, v28;
	[tilespmem:v50+s23+$0x0] =	vst.idx.msk $0xffff, v49;
	v46 =	vld.idx.msk [tilespmem:v48+s24+$0x0], $0xffff  }
0x934: {  	v50 =	vor.u32 v13, v29;
	v48 =	vor.u32 s25, v54;
	v49 =	vld.idx.msk [tilespmem:v51+s24+$0x0], $0xffff  }
0x935: {  	v51 =	vor.u32 s26, v54;
	v54 =	vld [tilespmem:$0x1F580];
	_ =	sdelay $0x2  }
0x936: {  	[tilespmem:v47+s23+$0x0] =	vst.idx.msk $0xffff, v46  }
0x937: {  	v47 =	vor.u32 v13, v31;
	[tilespmem:v50+s23+$0x0] =	vst.idx.msk $0xffff, v49;
	v46 =	vld.idx.msk [tilespmem:v48+s24+$0x0], $0xffff  }
0x938: {  	v50 =	vor.u32 v13, v32;
	v48 =	vor.u32 s25, v54;
	v49 =	vld.idx.msk [tilespmem:v51+s24+$0x0], $0xffff  }
0x939: {  	v51 =	vor.u32 s26, v54;
	v54 =	vld [tilespmem:$0x1F590];
	_ =	sdelay $0x2  }
0x93a: {  	[tilespmem:v47+s23+$0x0] =	vst.idx.msk $0xffff, v46  }
0x93b: {  	v47 =	vor.u32 v13, v33;
	[tilespmem:v50+s23+$0x0] =	vst.idx.msk $0xffff, v49;
	v46 =	vld.idx.msk [tilespmem:v48+s24+$0x0], $0xffff  }
0x93c: {  	v50 =	vor.u32 v13, v35;
	v48 =	vor.u32 s25, v54;
	v49 =	vld.idx.msk [tilespmem:v51+s24+$0x0], $0xffff  }
0x93d: {  	v51 =	vor.u32 s26, v54;
	v54 =	vld [tilespmem:$0x1F5A0];
	_ =	sdelay $0x2  }
0x93e: {  	[tilespmem:v47+s23+$0x0] =	vst.idx.msk $0xffff, v46  }
0x93f: {  	v47 =	vor.u32 v13, v36;
	[tilespmem:v50+s23+$0x0] =	vst.idx.msk $0xffff, v49;
	v46 =	vld.idx.msk [tilespmem:v48+s24+$0x0], $0xffff  }
0x940: {  	v50 =	vor.u32 v13, v37;
	v48 =	vor.u32 s25, v54;
	v49 =	vld.idx.msk [tilespmem:v51+s24+$0x0], $0xffff  }
0x941: {  	v51 =	vor.u32 s26, v54;
	v54 =	vld [tilespmem:$0x1F5B0];
	_ =	sdelay $0x2  }
0x942: {  	[tilespmem:v47+s23+$0x0] =	vst.idx.msk $0xffff, v46  }
0x943: {  	v47 =	vor.u32 v13, v39;
	[tilespmem:v50+s23+$0x0] =	vst.idx.msk $0xffff, v49;
	v46 =	vld.idx.msk [tilespmem:v48+s24+$0x0], $0xffff  }
0x944: {  	v50 =	vor.u32 v13, v40;
	v48 =	vor.u32 s25, v54;
	v49 =	vld.idx.msk [tilespmem:v51+s24+$0x0], $0xffff  }
0x945: {  	v51 =	vor.u32 s26, v54;
	v54 =	vld [tilespmem:$0x1F5C0];
	_ =	sdelay $0x2  }
0x946: {  	[tilespmem:v47+s23+$0x0] =	vst.idx.msk $0xffff, v46  }
0x947: {  	v47 =	vor.u32 v13, v41;
	[tilespmem:v50+s23+$0x0] =	vst.idx.msk $0xffff, v49;
	v46 =	vld.idx.msk [tilespmem:v48+s24+$0x0], $0xffff  }
0x948: {  	v50 =	vor.u32 v13, v43;
	v48 =	vor.u32 s25, v54;
	v49 =	vld.idx.msk [tilespmem:v51+s24+$0x0], $0xffff  }
0x949: {  	v54 =	vor.u32 s26, v54;
	_ =	sdelay $0x2  }
0x94a: {  	v4 =	vld [tilespmem:$0x1F5D0];
	[tilespmem:v47+s23+$0x0] =	vst.idx.msk $0xffff, v46  }
0x94b: {  	v47 =	vor.u32 v13, v44;
	[tilespmem:v50+s23+$0x0] =	vst.idx.msk $0xffff, v49;
	v46 =	vld.idx.msk [tilespmem:v48+s24+$0x0], $0xffff  }
0x94c: {  	v48 =	vor.u32 $0x1800, v63;
	v50 =	vld.idx.msk [tilespmem:v54+s24+$0x0], $0xffff;
	v54 =	vor.u32 v13, v45  }
0x94d: {  	v49 =	vor.u32 s25, v48  }
0x94e: {  	v48 =	vor.u32 s26, v48;
	_ =	sdelay $0x1  }
0x94f: {  	[tilespmem:v47+s23+$0x0] =	vst.idx.msk $0xffff, v46  }
0x950: {  	v46 =	vor.u32 $0x30, v1;
	[tilespmem:v54+s23+$0x0] =	vst.idx.msk $0xffff, v50;
	v50 =	vor.u32 s25, v4;
	v54 =	vmov v53  }
0x951: {  	v53 =	vmovc v12;
	v12 =	vmovc v10;
	v10 =	vmov v9;
	v9 =	vmov v8;
	v47 =	vld.idx.msk [tilespmem:v49+s24+$0x0], $0xffff;
	v49 =	vor.u32 v46, v19  }
0x952: {  	v8 =	vmovc v7;
	v7 =	vmovc v6;
	v6 =	vmov v5;
	v5 =	vmov v3;
	v48 =	vld.idx.msk [tilespmem:v48+s24+$0x0], $0xffff;
	v51 =	vor.u32 v46, v42  }
0x953: {  	v3 =	vmovc v2;
	v2 =	vmovc v0;
	v0 =	vmov v58;
	v58 =	vmov v52;
	v52 =	vor.u32 s26, v4;
	v4 =	vld [tilespmem:$0x1F5E0];
	_ =	sdelay $0x2  }
0x954: {  	[tilespmem:v49+s23+$0x0] =	vst.idx.msk $0xffff, v47  }
0x955: {  	v49 =	vor.u32 v46, v18;
	[tilespmem:v51+s23+$0x0] =	vst.idx.msk $0xffff, v48;
	v47 =	vld.idx.msk [tilespmem:v50+s24+$0x0], $0xffff  }
0x956: {  	v48 =	vor.u32 s25, v4;
	v51 =	vor.u32 v46, v38;
	v50 =	vld.idx.msk [tilespmem:v52+s24+$0x0], $0xffff  }
0x957: {  	v52 =	vor.u32 s26, v4;
	v4 =	vld [tilespmem:$0x1F5F0];
	_ =	sdelay $0x2  }
0x958: {  	[tilespmem:v49+s23+$0x0] =	vst.idx.msk $0xffff, v47  }
0x959: {  	[tilespmem:v51+s23+$0x0] =	vst.idx.msk $0xffff, v50;
	v47 =	vld.idx.msk [tilespmem:v48+s24+$0x0], $0xffff;
	v48 =	vor.u32 v46, v17  }
0x95a: {  	v49 =	vor.u32 s25, v4;
	v51 =	vor.u32 v46, v34;
	v50 =	vld.idx.msk [tilespmem:v52+s24+$0x0], $0xffff  }
0x95b: {  	v52 =	vor.u32 s26, v4;
	v4 =	vld [tilespmem:$0x1F600];
	_ =	sdelay $0x2  }
0x95c: {  	[tilespmem:v48+s23+$0x0] =	vst.idx.msk $0xffff, v47  }
0x95d: {  	v48 =	vor.u32 v46, v16;
	[tilespmem:v51+s23+$0x0] =	vst.idx.msk $0xffff, v50;
	v47 =	vld.idx.msk [tilespmem:v49+s24+$0x0], $0xffff  }
0x95e: {  	v51 =	vor.u32 v46, v30;
	v49 =	vor.u32 s25, v4;
	v50 =	vld.idx.msk [tilespmem:v52+s24+$0x0], $0xffff  }
0x95f: {  	v52 =	vor.u32 s26, v4;
	v4 =	vld [tilespmem:$0x1F620];
	_ =	sdelay $0x2  }
0x960: {  	[tilespmem:v48+s23+$0x0] =	vst.idx.msk $0xffff, v47  }
0x961: {  	v48 =	vor.u32 v46, v15;
	[tilespmem:v51+s23+$0x0] =	vst.idx.msk $0xffff, v50;
	v47 =	vld.idx.msk [tilespmem:v49+s24+$0x0], $0xffff  }
0x962: {  	v51 =	vor.u32 v46, v26;
	v49 =	vor.u32 s25, v4;
	v50 =	vld.idx.msk [tilespmem:v52+s24+$0x0], $0xffff  }
0x963: {  	v52 =	vor.u32 s26, v4;
	v4 =	vld [tilespmem:$0x1F640];
	_ =	sdelay $0x2  }
0x964: {  	[tilespmem:v48+s23+$0x0] =	vst.idx.msk $0xffff, v47  }
0x965: {  	v48 =	vor.u32 v46, v14;
	[tilespmem:v51+s23+$0x0] =	vst.idx.msk $0xffff, v50;
	v47 =	vld.idx.msk [tilespmem:v49+s24+$0x0], $0xffff  }
0x966: {  	v51 =	vor.u32 v46, v22;
	v49 =	vor.u32 s25, v4;
	v50 =	vld.idx.msk [tilespmem:v52+s24+$0x0], $0xffff  }
0x967: {  	v52 =	vor.u32 s26, v4;
	v4 =	vld [tilespmem:$0x1F660];
	_ =	sdelay $0x2  }
0x968: {  	[tilespmem:v48+s23+$0x0] =	vst.idx.msk $0xffff, v47  }
0x969: {  	v48 =	vor.u32 v46, v21;
	[tilespmem:v51+s23+$0x0] =	vst.idx.msk $0xffff, v50;
	v47 =	vld.idx.msk [tilespmem:v49+s24+$0x0], $0xffff  }
0x96a: {  	v51 =	vor.u32 v46, v20;
	v49 =	vor.u32 s25, v4;
	v50 =	vld.idx.msk [tilespmem:v52+s24+$0x0], $0xffff  }
0x96b: {  	v52 =	vor.u32 s26, v4;
	v4 =	vld [tilespmem:$0x1F680];
	_ =	sdelay $0x2  }
0x96c: {  	[tilespmem:v48+s23+$0x0] =	vst.idx.msk $0xffff, v47  }
0x96d: {  	v48 =	vor.u32 v46, v23;
	[tilespmem:v51+s23+$0x0] =	vst.idx.msk $0xffff, v50;
	v47 =	vld.idx.msk [tilespmem:v49+s24+$0x0], $0xffff  }
0x96e: {  	v51 =	vor.u32 v46, v24;
	v49 =	vor.u32 s25, v4;
	v50 =	vld.idx.msk [tilespmem:v52+s24+$0x0], $0xffff  }
0x96f: {  	v52 =	vor.u32 s26, v4;
	v4 =	vld [tilespmem:$0x1F6A0];
	_ =	sdelay $0x2  }
0x970: {  	[tilespmem:v48+s23+$0x0] =	vst.idx.msk $0xffff, v47  }
0x971: {  	v48 =	vor.u32 v46, v25;
	[tilespmem:v51+s23+$0x0] =	vst.idx.msk $0xffff, v50;
	v47 =	vld.idx.msk [tilespmem:v49+s24+$0x0], $0xffff  }
0x972: {  	v51 =	vor.u32 v46, v27;
	v49 =	vor.u32 s25, v4;
	v50 =	vld.idx.msk [tilespmem:v52+s24+$0x0], $0xffff  }
0x973: {  	v52 =	vor.u32 s26, v4;
	v4 =	vld [tilespmem:$0x1F6C0];
	_ =	sdelay $0x2  }
0x974: {  	[tilespmem:v48+s23+$0x0] =	vst.idx.msk $0xffff, v47  }
0x975: {  	v48 =	vor.u32 v46, v28;
	[tilespmem:v51+s23+$0x0] =	vst.idx.msk $0xffff, v50;
	v47 =	vld.idx.msk [tilespmem:v49+s24+$0x0], $0xffff  }
0x976: {  	v51 =	vor.u32 v46, v29;
	v49 =	vor.u32 s25, v4;
	v50 =	vld.idx.msk [tilespmem:v52+s24+$0x0], $0xffff  }
0x977: {  	v52 =	vor.u32 s26, v4;
	v4 =	vld [tilespmem:$0x1F6E0];
	_ =	sdelay $0x2  }
0x978: {  	[tilespmem:v48+s23+$0x0] =	vst.idx.msk $0xffff, v47  }
0x979: {  	v48 =	vor.u32 v46, v31;
	[tilespmem:v51+s23+$0x0] =	vst.idx.msk $0xffff, v50;
	v47 =	vld.idx.msk [tilespmem:v49+s24+$0x0], $0xffff  }
0x97a: {  	v51 =	vor.u32 v46, v32;
	v49 =	vor.u32 s25, v4;
	v50 =	vld.idx.msk [tilespmem:v52+s24+$0x0], $0xffff  }
0x97b: {  	v52 =	vor.u32 s26, v4;
	v4 =	vld [tilespmem:$0x1F700];
	_ =	sdelay $0x2  }
0x97c: {  	[tilespmem:v48+s23+$0x0] =	vst.idx.msk $0xffff, v47  }
0x97d: {  	v48 =	vor.u32 v46, v33;
	[tilespmem:v51+s23+$0x0] =	vst.idx.msk $0xffff, v50;
	v47 =	vld.idx.msk [tilespmem:v49+s24+$0x0], $0xffff  }
0x97e: {  	v51 =	vor.u32 v46, v35;
	v49 =	vor.u32 s25, v4;
	v50 =	vld.idx.msk [tilespmem:v52+s24+$0x0], $0xffff  }
0x97f: {  	v52 =	vor.u32 s26, v4;
	v4 =	vld [tilespmem:$0x1F720];
	_ =	sdelay $0x2  }
0x980: {  	[tilespmem:v48+s23+$0x0] =	vst.idx.msk $0xffff, v47  }
0x981: {  	v48 =	vor.u32 v46, v36;
	[tilespmem:v51+s23+$0x0] =	vst.idx.msk $0xffff, v50;
	v47 =	vld.idx.msk [tilespmem:v49+s24+$0x0], $0xffff  }
0x982: {  	v51 =	vor.u32 v46, v37;
	v49 =	vor.u32 s25, v4;
	v50 =	vld.idx.msk [tilespmem:v52+s24+$0x0], $0xffff  }
0x983: {  	v52 =	vor.u32 s26, v4;
	v4 =	vld [tilespmem:$0x1F740];
	_ =	sdelay $0x2  }
0x984: {  	[tilespmem:v48+s23+$0x0] =	vst.idx.msk $0xffff, v47  }
0x985: {  	v48 =	vor.u32 v46, v39;
	[tilespmem:v51+s23+$0x0] =	vst.idx.msk $0xffff, v50;
	v47 =	vld.idx.msk [tilespmem:v49+s24+$0x0], $0xffff  }
0x986: {  	v51 =	vor.u32 v46, v40;
	v49 =	vor.u32 s25, v4;
	v50 =	vld.idx.msk [tilespmem:v52+s24+$0x0], $0xffff  }
0x987: {  	v52 =	vor.u32 s26, v4;
	v4 =	vld [tilespmem:$0x1F760];
	_ =	sdelay $0x2  }
0x988: {  	[tilespmem:v48+s23+$0x0] =	vst.idx.msk $0xffff, v47  }
0x989: {  	v48 =	vor.u32 v46, v41;
	[tilespmem:v51+s23+$0x0] =	vst.idx.msk $0xffff, v50;
	v47 =	vld.idx.msk [tilespmem:v49+s24+$0x0], $0xffff  }
0x98a: {  	v51 =	vor.u32 v46, v43;
	v49 =	vor.u32 s25, v4;
	v50 =	vld.idx.msk [tilespmem:v52+s24+$0x0], $0xffff  }
0x98b: {  	v52 =	vor.u32 s26, v4;
	_ =	sdelay $0x2  }
0x98c: {  	[tilespmem:v48+s23+$0x0] =	vst.idx.msk $0xffff, v47  }
0x98d: {  	v48 =	vor.u32 v46, v44;
	[tilespmem:v51+s23+$0x0] =	vst.idx.msk $0xffff, v50;
	v47 =	vld.idx.msk [tilespmem:v49+s24+$0x0], $0xffff;
	v49 =	vor.u32 $0x2000, v63  }
0x98e: {  	v46 =	vor.u32 v46, v45;
	v51 =	vld.idx.msk [tilespmem:v52+s24+$0x0], $0xffff;
	v50 =	vor.u32 s25, v49  }
0x98f: {  	v4 =	vld [tilespmem:$0x1F780];
	v49 =	vor.u32 s26, v49;
	_ =	sdelay $0x2  }
0x990: {  	[tilespmem:v48+s23+$0x0] =	vst.idx.msk $0xffff, v47;
	v47 =	vor.u32 $0x40, v1  }
0x991: {  	[tilespmem:v46+s23+$0x0] =	vst.idx.msk $0xffff, v51;
	v48 =	vld.idx.msk [tilespmem:v50+s24+$0x0], $0xffff;
	v50 =	vor.u32 v47, v19  }
0x992: {  	v46 =	vor.u32 s25, v4;
	v49 =	vld.idx.msk [tilespmem:v49+s24+$0x0], $0xffff;
	v51 =	vor.u32 v47, v42  }
0x993: {  	v52 =	vor.u32 s26, v4;
	v4 =	vld [tilespmem:$0x1F7A0];
	_ =	sdelay $0x2  }
0x994: {  	[tilespmem:v50+s23+$0x0] =	vst.idx.msk $0xffff, v48  }
0x995: {  	v48 =	vor.u32 v47, v18;
	[tilespmem:v51+s23+$0x0] =	vst.idx.msk $0xffff, v49;
	v46 =	vld.idx.msk [tilespmem:v46+s24+$0x0], $0xffff  }
0x996: {  	v49 =	vor.u32 s25, v4;
	v51 =	vor.u32 v47, v38;
	v50 =	vld.idx.msk [tilespmem:v52+s24+$0x0], $0xffff  }
0x997: {  	v52 =	vor.u32 s26, v4;
	v4 =	vld [tilespmem:$0x1F7C0];
	_ =	sdelay $0x2  }
0x998: {  	[tilespmem:v48+s23+$0x0] =	vst.idx.msk $0xffff, v46  }
0x999: {  	v48 =	vor.u32 v47, v17;
	[tilespmem:v51+s23+$0x0] =	vst.idx.msk $0xffff, v50;
	v46 =	vld.idx.msk [tilespmem:v49+s24+$0x0], $0xffff  }
0x99a: {  	v51 =	vor.u32 v47, v34;
	v49 =	vor.u32 s25, v4;
	v50 =	vld.idx.msk [tilespmem:v52+s24+$0x0], $0xffff  }
0x99b: {  	v52 =	vor.u32 s26, v4;
	v4 =	vld [tilespmem:$0x1F7E0];
	_ =	sdelay $0x2  }
0x99c: {  	[tilespmem:v48+s23+$0x0] =	vst.idx.msk $0xffff, v46  }
0x99d: {  	v48 =	vor.u32 v47, v16;
	[tilespmem:v51+s23+$0x0] =	vst.idx.msk $0xffff, v50;
	v46 =	vld.idx.msk [tilespmem:v49+s24+$0x0], $0xffff  }
0x99e: {  	v51 =	vor.u32 v47, v30;
	v49 =	vor.u32 s25, v4;
	v50 =	vld.idx.msk [tilespmem:v52+s24+$0x0], $0xffff  }
0x99f: {  	v52 =	vor.u32 s26, v4;
	v4 =	vld [tilespmem:$0x1F800];
	_ =	sdelay $0x2  }
0x9a0: {  	[tilespmem:v48+s23+$0x0] =	vst.idx.msk $0xffff, v46  }
0x9a1: {  	v48 =	vor.u32 v47, v15;
	[tilespmem:v51+s23+$0x0] =	vst.idx.msk $0xffff, v50;
	v46 =	vld.idx.msk [tilespmem:v49+s24+$0x0], $0xffff  }
0x9a2: {  	v51 =	vor.u32 v47, v26;
	v49 =	vor.u32 s25, v4;
	v50 =	vld.idx.msk [tilespmem:v52+s24+$0x0], $0xffff  }
0x9a3: {  	v52 =	vor.u32 s26, v4;
	v4 =	vld [tilespmem:$0x1F820];
	_ =	sdelay $0x2  }
0x9a4: {  	[tilespmem:v48+s23+$0x0] =	vst.idx.msk $0xffff, v46  }
0x9a5: {  	v48 =	vor.u32 v47, v14;
	[tilespmem:v51+s23+$0x0] =	vst.idx.msk $0xffff, v50;
	v46 =	vld.idx.msk [tilespmem:v49+s24+$0x0], $0xffff  }
0x9a6: {  	v51 =	vor.u32 v47, v22;
	v49 =	vor.u32 s25, v4;
	v50 =	vld.idx.msk [tilespmem:v52+s24+$0x0], $0xffff  }
0x9a7: {  	v52 =	vor.u32 s26, v4;
	v4 =	vld [tilespmem:$0x1F840];
	_ =	sdelay $0x2  }
0x9a8: {  	[tilespmem:v48+s23+$0x0] =	vst.idx.msk $0xffff, v46  }
0x9a9: {  	v48 =	vor.u32 v47, v21;
	[tilespmem:v51+s23+$0x0] =	vst.idx.msk $0xffff, v50;
	v46 =	vld.idx.msk [tilespmem:v49+s24+$0x0], $0xffff  }
0x9aa: {  	v51 =	vor.u32 v47, v20;
	v49 =	vor.u32 s25, v4;
	v50 =	vld.idx.msk [tilespmem:v52+s24+$0x0], $0xffff  }
0x9ab: {  	v52 =	vor.u32 s26, v4;
	v4 =	vld [tilespmem:$0x1F860];
	_ =	sdelay $0x2  }
0x9ac: {  	[tilespmem:v48+s23+$0x0] =	vst.idx.msk $0xffff, v46  }
0x9ad: {  	v48 =	vor.u32 v47, v23;
	[tilespmem:v51+s23+$0x0] =	vst.idx.msk $0xffff, v50;
	v46 =	vld.idx.msk [tilespmem:v49+s24+$0x0], $0xffff  }
0x9ae: {  	v51 =	vor.u32 v47, v24;
	v49 =	vor.u32 s25, v4;
	v50 =	vld.idx.msk [tilespmem:v52+s24+$0x0], $0xffff  }
0x9af: {  	v52 =	vor.u32 s26, v4;
	v4 =	vld [tilespmem:$0x1F880];
	_ =	sdelay $0x2  }
0x9b0: {  	[tilespmem:v48+s23+$0x0] =	vst.idx.msk $0xffff, v46  }
0x9b1: {  	v48 =	vor.u32 v47, v25;
	[tilespmem:v51+s23+$0x0] =	vst.idx.msk $0xffff, v50;
	v46 =	vld.idx.msk [tilespmem:v49+s24+$0x0], $0xffff  }
0x9b2: {  	v51 =	vor.u32 v47, v27;
	v49 =	vor.u32 s25, v4;
	v50 =	vld.idx.msk [tilespmem:v52+s24+$0x0], $0xffff  }
0x9b3: {  	v52 =	vor.u32 s26, v4;
	v4 =	vld [tilespmem:$0x1F8A0];
	_ =	sdelay $0x2  }
0x9b4: {  	[tilespmem:v48+s23+$0x0] =	vst.idx.msk $0xffff, v46  }
0x9b5: {  	v48 =	vor.u32 v47, v28;
	[tilespmem:v51+s23+$0x0] =	vst.idx.msk $0xffff, v50;
	v46 =	vld.idx.msk [tilespmem:v49+s24+$0x0], $0xffff  }
0x9b6: {  	v51 =	vor.u32 v47, v29;
	v49 =	vor.u32 s25, v4;
	v50 =	vld.idx.msk [tilespmem:v52+s24+$0x0], $0xffff  }
0x9b7: {  	v52 =	vor.u32 s26, v4;
	v4 =	vld [tilespmem:$0x1F8C0];
	_ =	sdelay $0x2  }
0x9b8: {  	[tilespmem:v48+s23+$0x0] =	vst.idx.msk $0xffff, v46  }
0x9b9: {  	v48 =	vor.u32 v47, v31;
	[tilespmem:v51+s23+$0x0] =	vst.idx.msk $0xffff, v50;
	v46 =	vld.idx.msk [tilespmem:v49+s24+$0x0], $0xffff  }
0x9ba: {  	v51 =	vor.u32 v47, v32;
	v49 =	vor.u32 s25, v4;
	v50 =	vld.idx.msk [tilespmem:v52+s24+$0x0], $0xffff  }
0x9bb: {  	v52 =	vor.u32 s26, v4;
	v4 =	vld [tilespmem:$0x1F8E0];
	_ =	sdelay $0x2  }
0x9bc: {  	[tilespmem:v48+s23+$0x0] =	vst.idx.msk $0xffff, v46  }
0x9bd: {  	v48 =	vor.u32 v47, v33;
	[tilespmem:v51+s23+$0x0] =	vst.idx.msk $0xffff, v50;
	v46 =	vld.idx.msk [tilespmem:v49+s24+$0x0], $0xffff  }
0x9be: {  	v51 =	vor.u32 v47, v35;
	v49 =	vor.u32 s25, v4;
	v50 =	vld.idx.msk [tilespmem:v52+s24+$0x0], $0xffff  }
0x9bf: {  	v52 =	vor.u32 s26, v4;
	v4 =	vld [tilespmem:$0x1F900];
	_ =	sdelay $0x2  }
0x9c0: {  	[tilespmem:v48+s23+$0x0] =	vst.idx.msk $0xffff, v46  }
0x9c1: {  	v48 =	vor.u32 v47, v36;
	[tilespmem:v51+s23+$0x0] =	vst.idx.msk $0xffff, v50;
	v46 =	vld.idx.msk [tilespmem:v49+s24+$0x0], $0xffff  }
0x9c2: {  	v51 =	vor.u32 v47, v37;
	v49 =	vor.u32 s25, v4;
	v50 =	vld.idx.msk [tilespmem:v52+s24+$0x0], $0xffff  }
0x9c3: {  	v52 =	vor.u32 s26, v4;
	v4 =	vld [tilespmem:$0x1F920];
	_ =	sdelay $0x2  }
0x9c4: {  	[tilespmem:v48+s23+$0x0] =	vst.idx.msk $0xffff, v46  }
0x9c5: {  	v48 =	vor.u32 v47, v39;
	[tilespmem:v51+s23+$0x0] =	vst.idx.msk $0xffff, v50;
	v46 =	vld.idx.msk [tilespmem:v49+s24+$0x0], $0xffff  }
0x9c6: {  	v51 =	vor.u32 v47, v40;
	v49 =	vor.u32 s25, v4;
	v50 =	vld.idx.msk [tilespmem:v52+s24+$0x0], $0xffff  }
0x9c7: {  	v52 =	vor.u32 s26, v4;
	v4 =	vld [tilespmem:$0x1F940];
	_ =	sdelay $0x2  }
0x9c8: {  	[tilespmem:v48+s23+$0x0] =	vst.idx.msk $0xffff, v46  }
0x9c9: {  	v48 =	vor.u32 v47, v41;
	[tilespmem:v51+s23+$0x0] =	vst.idx.msk $0xffff, v50;
	v46 =	vld.idx.msk [tilespmem:v49+s24+$0x0], $0xffff  }
0x9ca: {  	v51 =	vor.u32 v47, v43;
	v49 =	vor.u32 s25, v4;
	v50 =	vld.idx.msk [tilespmem:v52+s24+$0x0], $0xffff  }
0x9cb: {  	v52 =	vor.u32 s26, v4;
	_ =	sdelay $0x2  }
0x9cc: {  	[tilespmem:v48+s23+$0x0] =	vst.idx.msk $0xffff, v46  }
0x9cd: {  	v48 =	vor.u32 v47, v44;
	[tilespmem:v51+s23+$0x0] =	vst.idx.msk $0xffff, v50;
	v46 =	vld.idx.msk [tilespmem:v49+s24+$0x0], $0xffff;
	v49 =	vor.u32 $0x2800, v63  }
0x9ce: {  	v47 =	vor.u32 v47, v45;
	v51 =	vld.idx.msk [tilespmem:v52+s24+$0x0], $0xffff;
	v50 =	vor.u32 s25, v49  }
0x9cf: {  	v4 =	vld [tilespmem:$0x1F960];
	v49 =	vor.u32 s26, v49;
	_ =	sdelay $0x2  }
0x9d0: {  	[tilespmem:v48+s23+$0x0] =	vst.idx.msk $0xffff, v46;
	v46 =	vor.u32 $0x50, v1  }
0x9d1: {  	[tilespmem:v47+s23+$0x0] =	vst.idx.msk $0xffff, v51;
	v48 =	vld.idx.msk [tilespmem:v50+s24+$0x0], $0xffff;
	v50 =	vor.u32 v46, v19  }
0x9d2: {  	v47 =	vor.u32 s25, v4;
	v49 =	vld.idx.msk [tilespmem:v49+s24+$0x0], $0xffff;
	v51 =	vor.u32 v46, v42  }
0x9d3: {  	v52 =	vor.u32 s26, v4;
	v4 =	vld [tilespmem:$0x1F980];
	_ =	sdelay $0x2  }
0x9d4: {  	[tilespmem:v50+s23+$0x0] =	vst.idx.msk $0xffff, v48  }
0x9d5: {  	v48 =	vor.u32 v46, v18;
	[tilespmem:v51+s23+$0x0] =	vst.idx.msk $0xffff, v49;
	v47 =	vld.idx.msk [tilespmem:v47+s24+$0x0], $0xffff  }
0x9d6: {  	v49 =	vor.u32 s25, v4;
	v51 =	vor.u32 v46, v38;
	v50 =	vld.idx.msk [tilespmem:v52+s24+$0x0], $0xffff  }
0x9d7: {  	v52 =	vor.u32 s26, v4;
	v4 =	vld [tilespmem:$0x1F9A0];
	_ =	sdelay $0x2  }
0x9d8: {  	[tilespmem:v48+s23+$0x0] =	vst.idx.msk $0xffff, v47  }
0x9d9: {  	v48 =	vor.u32 v46, v17;
	[tilespmem:v51+s23+$0x0] =	vst.idx.msk $0xffff, v50;
	v47 =	vld.idx.msk [tilespmem:v49+s24+$0x0], $0xffff  }
0x9da: {  	v51 =	vor.u32 v46, v34;
	v49 =	vor.u32 s25, v4;
	v50 =	vld.idx.msk [tilespmem:v52+s24+$0x0], $0xffff  }
0x9db: {  	v52 =	vor.u32 s26, v4;
	v4 =	vld [tilespmem:$0x1F9C0];
	_ =	sdelay $0x2  }
0x9dc: {  	[tilespmem:v48+s23+$0x0] =	vst.idx.msk $0xffff, v47  }
0x9dd: {  	v48 =	vor.u32 v46, v16;
	[tilespmem:v51+s23+$0x0] =	vst.idx.msk $0xffff, v50;
	v47 =	vld.idx.msk [tilespmem:v49+s24+$0x0], $0xffff  }
0x9de: {  	v51 =	vor.u32 v46, v30;
	v49 =	vor.u32 s25, v4;
	v50 =	vld.idx.msk [tilespmem:v52+s24+$0x0], $0xffff  }
0x9df: {  	v52 =	vor.u32 s26, v4;
	v4 =	vld [tilespmem:$0x1F9E0];
	_ =	sdelay $0x2  }
0x9e0: {  	[tilespmem:v48+s23+$0x0] =	vst.idx.msk $0xffff, v47  }
0x9e1: {  	v48 =	vor.u32 v46, v15;
	[tilespmem:v51+s23+$0x0] =	vst.idx.msk $0xffff, v50;
	v47 =	vld.idx.msk [tilespmem:v49+s24+$0x0], $0xffff  }
0x9e2: {  	v51 =	vor.u32 v46, v26;
	v49 =	vor.u32 s25, v4;
	v50 =	vld.idx.msk [tilespmem:v52+s24+$0x0], $0xffff  }
0x9e3: {  	v52 =	vor.u32 s26, v4;
	v4 =	vld [tilespmem:$0x1FA00];
	_ =	sdelay $0x2  }
0x9e4: {  	[tilespmem:v48+s23+$0x0] =	vst.idx.msk $0xffff, v47  }
0x9e5: {  	v48 =	vor.u32 v46, v14;
	[tilespmem:v51+s23+$0x0] =	vst.idx.msk $0xffff, v50;
	v47 =	vld.idx.msk [tilespmem:v49+s24+$0x0], $0xffff  }
0x9e6: {  	v51 =	vor.u32 v46, v22;
	v49 =	vor.u32 s25, v4;
	v50 =	vld.idx.msk [tilespmem:v52+s24+$0x0], $0xffff  }
0x9e7: {  	v52 =	vor.u32 s26, v4;
	v4 =	vld [tilespmem:$0x1FA20];
	_ =	sdelay $0x2  }
0x9e8: {  	[tilespmem:v48+s23+$0x0] =	vst.idx.msk $0xffff, v47  }
0x9e9: {  	v48 =	vor.u32 v46, v21;
	[tilespmem:v51+s23+$0x0] =	vst.idx.msk $0xffff, v50;
	v47 =	vld.idx.msk [tilespmem:v49+s24+$0x0], $0xffff  }
0x9ea: {  	v51 =	vor.u32 v46, v20;
	v49 =	vor.u32 s25, v4;
	v50 =	vld.idx.msk [tilespmem:v52+s24+$0x0], $0xffff  }
0x9eb: {  	v52 =	vor.u32 s26, v4;
	v4 =	vld [tilespmem:$0x1FA40];
	_ =	sdelay $0x2  }
0x9ec: {  	[tilespmem:v48+s23+$0x0] =	vst.idx.msk $0xffff, v47  }
0x9ed: {  	v48 =	vor.u32 v46, v23;
	[tilespmem:v51+s23+$0x0] =	vst.idx.msk $0xffff, v50;
	v47 =	vld.idx.msk [tilespmem:v49+s24+$0x0], $0xffff  }
0x9ee: {  	v51 =	vor.u32 v46, v24;
	v49 =	vor.u32 s25, v4;
	v50 =	vld.idx.msk [tilespmem:v52+s24+$0x0], $0xffff  }
0x9ef: {  	v52 =	vor.u32 s26, v4;
	v4 =	vld [tilespmem:$0x1FA60];
	_ =	sdelay $0x2  }
0x9f0: {  	[tilespmem:v48+s23+$0x0] =	vst.idx.msk $0xffff, v47  }
0x9f1: {  	v48 =	vor.u32 v46, v25;
	[tilespmem:v51+s23+$0x0] =	vst.idx.msk $0xffff, v50;
	v47 =	vld.idx.msk [tilespmem:v49+s24+$0x0], $0xffff  }
0x9f2: {  	v51 =	vor.u32 v46, v27;
	v49 =	vor.u32 s25, v4;
	v50 =	vld.idx.msk [tilespmem:v52+s24+$0x0], $0xffff  }
0x9f3: {  	v52 =	vor.u32 s26, v4;
	v4 =	vld [tilespmem:$0x1FA80];
	_ =	sdelay $0x2  }
0x9f4: {  	[tilespmem:v48+s23+$0x0] =	vst.idx.msk $0xffff, v47  }
0x9f5: {  	v48 =	vor.u32 v46, v28;
	[tilespmem:v51+s23+$0x0] =	vst.idx.msk $0xffff, v50;
	v47 =	vld.idx.msk [tilespmem:v49+s24+$0x0], $0xffff  }
0x9f6: {  	v51 =	vor.u32 v46, v29;
	v49 =	vor.u32 s25, v4;
	v50 =	vld.idx.msk [tilespmem:v52+s24+$0x0], $0xffff  }
0x9f7: {  	v52 =	vor.u32 s26, v4;
	v4 =	vld [tilespmem:$0x1FAA0];
	_ =	sdelay $0x2  }
0x9f8: {  	[tilespmem:v48+s23+$0x0] =	vst.idx.msk $0xffff, v47  }
0x9f9: {  	v48 =	vor.u32 v46, v31;
	[tilespmem:v51+s23+$0x0] =	vst.idx.msk $0xffff, v50;
	v47 =	vld.idx.msk [tilespmem:v49+s24+$0x0], $0xffff  }
0x9fa: {  	v51 =	vor.u32 v46, v32;
	v49 =	vor.u32 s25, v4;
	v50 =	vld.idx.msk [tilespmem:v52+s24+$0x0], $0xffff  }
0x9fb: {  	v52 =	vor.u32 s26, v4;
	v4 =	vld [tilespmem:$0x1FAC0];
	_ =	sdelay $0x2  }
0x9fc: {  	[tilespmem:v48+s23+$0x0] =	vst.idx.msk $0xffff, v47  }
0x9fd: {  	v48 =	vor.u32 v46, v33;
	[tilespmem:v51+s23+$0x0] =	vst.idx.msk $0xffff, v50;
	v47 =	vld.idx.msk [tilespmem:v49+s24+$0x0], $0xffff  }
0x9fe: {  	v51 =	vor.u32 v46, v35;
	v49 =	vor.u32 s25, v4;
	v50 =	vld.idx.msk [tilespmem:v52+s24+$0x0], $0xffff  }
0x9ff: {  	v52 =	vor.u32 s26, v4;
	v4 =	vld [tilespmem:$0x1FAE0];
	_ =	sdelay $0x2  }
0xa00: {  	[tilespmem:v48+s23+$0x0] =	vst.idx.msk $0xffff, v47  }
0xa01: {  	v48 =	vor.u32 v46, v36;
	[tilespmem:v51+s23+$0x0] =	vst.idx.msk $0xffff, v50;
	v47 =	vld.idx.msk [tilespmem:v49+s24+$0x0], $0xffff  }
0xa02: {  	v51 =	vor.u32 v46, v37;
	v49 =	vor.u32 s25, v4;
	v50 =	vld.idx.msk [tilespmem:v52+s24+$0x0], $0xffff  }
0xa03: {  	v52 =	vor.u32 s26, v4;
	v4 =	vld [tilespmem:$0x1FB00];
	_ =	sdelay $0x2  }
0xa04: {  	[tilespmem:v48+s23+$0x0] =	vst.idx.msk $0xffff, v47  }
0xa05: {  	v48 =	vor.u32 v46, v39;
	[tilespmem:v51+s23+$0x0] =	vst.idx.msk $0xffff, v50;
	v47 =	vld.idx.msk [tilespmem:v49+s24+$0x0], $0xffff  }
0xa06: {  	v51 =	vor.u32 v46, v40;
	v49 =	vor.u32 s25, v4;
	v50 =	vld.idx.msk [tilespmem:v52+s24+$0x0], $0xffff  }
0xa07: {  	v52 =	vor.u32 s26, v4;
	v4 =	vld [tilespmem:$0x1FB20];
	_ =	sdelay $0x2  }
0xa08: {  	[tilespmem:v48+s23+$0x0] =	vst.idx.msk $0xffff, v47  }
0xa09: {  	v48 =	vor.u32 v46, v41;
	[tilespmem:v51+s23+$0x0] =	vst.idx.msk $0xffff, v50;
	v47 =	vld.idx.msk [tilespmem:v49+s24+$0x0], $0xffff  }
0xa0a: {  	v51 =	vor.u32 v46, v43;
	v49 =	vor.u32 s25, v4;
	v50 =	vld.idx.msk [tilespmem:v52+s24+$0x0], $0xffff  }
0xa0b: {  	v52 =	vor.u32 s26, v4;
	_ =	sdelay $0x2  }
0xa0c: {  	[tilespmem:v48+s23+$0x0] =	vst.idx.msk $0xffff, v47  }
0xa0d: {  	v48 =	vor.u32 v46, v44;
	[tilespmem:v51+s23+$0x0] =	vst.idx.msk $0xffff, v50;
	v47 =	vld.idx.msk [tilespmem:v49+s24+$0x0], $0xffff;
	v49 =	vor.u32 $0x3000, v63  }
0xa0e: {  	v46 =	vor.u32 v46, v45;
	v51 =	vld.idx.msk [tilespmem:v52+s24+$0x0], $0xffff;
	v50 =	vor.u32 s25, v49  }
0xa0f: {  	v4 =	vld [tilespmem:$0x1FB40];
	v49 =	vor.u32 s26, v49;
	_ =	sdelay $0x2  }
0xa10: {  	[tilespmem:v48+s23+$0x0] =	vst.idx.msk $0xffff, v47;
	v47 =	vor.u32 $0x60, v1  }
0xa11: {  	[tilespmem:v46+s23+$0x0] =	vst.idx.msk $0xffff, v51;
	v48 =	vld.idx.msk [tilespmem:v50+s24+$0x0], $0xffff;
	v50 =	vor.u32 v47, v19  }
0xa12: {  	v46 =	vor.u32 s25, v4;
	v49 =	vld.idx.msk [tilespmem:v49+s24+$0x0], $0xffff;
	v51 =	vor.u32 v47, v42  }
0xa13: {  	v52 =	vor.u32 s26, v4;
	v4 =	vld [tilespmem:$0x1FB60];
	_ =	sdelay $0x2  }
0xa14: {  	[tilespmem:v50+s23+$0x0] =	vst.idx.msk $0xffff, v48  }
0xa15: {  	v48 =	vor.u32 v47, v18;
	[tilespmem:v51+s23+$0x0] =	vst.idx.msk $0xffff, v49;
	v46 =	vld.idx.msk [tilespmem:v46+s24+$0x0], $0xffff  }
0xa16: {  	v49 =	vor.u32 s25, v4;
	v51 =	vor.u32 v47, v38;
	v50 =	vld.idx.msk [tilespmem:v52+s24+$0x0], $0xffff  }
0xa17: {  	v52 =	vor.u32 s26, v4;
	v4 =	vld [tilespmem:$0x1FB80];
	_ =	sdelay $0x2  }
0xa18: {  	[tilespmem:v48+s23+$0x0] =	vst.idx.msk $0xffff, v46  }
0xa19: {  	v48 =	vor.u32 v47, v17;
	[tilespmem:v51+s23+$0x0] =	vst.idx.msk $0xffff, v50;
	v46 =	vld.idx.msk [tilespmem:v49+s24+$0x0], $0xffff  }
0xa1a: {  	v51 =	vor.u32 v47, v34;
	v49 =	vor.u32 s25, v4;
	v50 =	vld.idx.msk [tilespmem:v52+s24+$0x0], $0xffff  }
0xa1b: {  	v52 =	vor.u32 s26, v4;
	v4 =	vld [tilespmem:$0x1FBA0];
	_ =	sdelay $0x2  }
0xa1c: {  	[tilespmem:v48+s23+$0x0] =	vst.idx.msk $0xffff, v46  }
0xa1d: {  	v48 =	vor.u32 v47, v16;
	[tilespmem:v51+s23+$0x0] =	vst.idx.msk $0xffff, v50;
	v46 =	vld.idx.msk [tilespmem:v49+s24+$0x0], $0xffff  }
0xa1e: {  	v51 =	vor.u32 v47, v30;
	v49 =	vor.u32 s25, v4;
	v50 =	vld.idx.msk [tilespmem:v52+s24+$0x0], $0xffff  }
0xa1f: {  	v52 =	vor.u32 s26, v4;
	v4 =	vld [tilespmem:$0x1FBC0];
	_ =	sdelay $0x2  }
0xa20: {  	[tilespmem:v48+s23+$0x0] =	vst.idx.msk $0xffff, v46  }
0xa21: {  	v48 =	vor.u32 v47, v15;
	[tilespmem:v51+s23+$0x0] =	vst.idx.msk $0xffff, v50;
	v46 =	vld.idx.msk [tilespmem:v49+s24+$0x0], $0xffff  }
0xa22: {  	v51 =	vor.u32 v47, v26;
	v49 =	vor.u32 s25, v4;
	v50 =	vld.idx.msk [tilespmem:v52+s24+$0x0], $0xffff  }
0xa23: {  	v52 =	vor.u32 s26, v4;
	v4 =	vld [tilespmem:$0x1FBE0];
	_ =	sdelay $0x2  }
0xa24: {  	[tilespmem:v48+s23+$0x0] =	vst.idx.msk $0xffff, v46  }
0xa25: {  	v48 =	vor.u32 v47, v14;
	[tilespmem:v51+s23+$0x0] =	vst.idx.msk $0xffff, v50;
	v46 =	vld.idx.msk [tilespmem:v49+s24+$0x0], $0xffff  }
0xa26: {  	v51 =	vor.u32 v47, v22;
	v49 =	vor.u32 s25, v4;
	v50 =	vld.idx.msk [tilespmem:v52+s24+$0x0], $0xffff  }
0xa27: {  	v52 =	vor.u32 s26, v4;
	v4 =	vld [tilespmem:$0x1FC00];
	_ =	sdelay $0x2  }
0xa28: {  	[tilespmem:v48+s23+$0x0] =	vst.idx.msk $0xffff, v46  }
0xa29: {  	v48 =	vor.u32 v47, v21;
	[tilespmem:v51+s23+$0x0] =	vst.idx.msk $0xffff, v50;
	v46 =	vld.idx.msk [tilespmem:v49+s24+$0x0], $0xffff  }
0xa2a: {  	v51 =	vor.u32 v47, v20;
	v49 =	vor.u32 s25, v4;
	v50 =	vld.idx.msk [tilespmem:v52+s24+$0x0], $0xffff  }
0xa2b: {  	v52 =	vor.u32 s26, v4;
	v4 =	vld [tilespmem:$0x1FC20];
	_ =	sdelay $0x2  }
0xa2c: {  	[tilespmem:v48+s23+$0x0] =	vst.idx.msk $0xffff, v46  }
0xa2d: {  	v48 =	vor.u32 v47, v23;
	[tilespmem:v51+s23+$0x0] =	vst.idx.msk $0xffff, v50;
	v46 =	vld.idx.msk [tilespmem:v49+s24+$0x0], $0xffff  }
0xa2e: {  	v51 =	vor.u32 v47, v24;
	v49 =	vor.u32 s25, v4;
	v50 =	vld.idx.msk [tilespmem:v52+s24+$0x0], $0xffff  }
0xa2f: {  	v52 =	vor.u32 s26, v4;
	v4 =	vld [tilespmem:$0x1FC40];
	_ =	sdelay $0x2  }
0xa30: {  	[tilespmem:v48+s23+$0x0] =	vst.idx.msk $0xffff, v46  }
0xa31: {  	v48 =	vor.u32 v47, v25;
	[tilespmem:v51+s23+$0x0] =	vst.idx.msk $0xffff, v50;
	v46 =	vld.idx.msk [tilespmem:v49+s24+$0x0], $0xffff  }
0xa32: {  	v51 =	vor.u32 v47, v27;
	v49 =	vor.u32 s25, v4;
	v50 =	vld.idx.msk [tilespmem:v52+s24+$0x0], $0xffff  }
0xa33: {  	v52 =	vor.u32 s26, v4;
	v4 =	vld [tilespmem:$0x1FC60];
	_ =	sdelay $0x2  }
0xa34: {  	[tilespmem:v48+s23+$0x0] =	vst.idx.msk $0xffff, v46  }
0xa35: {  	v48 =	vor.u32 v47, v28;
	[tilespmem:v51+s23+$0x0] =	vst.idx.msk $0xffff, v50;
	v46 =	vld.idx.msk [tilespmem:v49+s24+$0x0], $0xffff  }
0xa36: {  	v51 =	vor.u32 v47, v29;
	v49 =	vor.u32 s25, v4;
	v50 =	vld.idx.msk [tilespmem:v52+s24+$0x0], $0xffff  }
0xa37: {  	v52 =	vor.u32 s26, v4;
	v4 =	vld [tilespmem:$0x1FC80];
	_ =	sdelay $0x2  }
0xa38: {  	[tilespmem:v48+s23+$0x0] =	vst.idx.msk $0xffff, v46  }
0xa39: {  	v48 =	vor.u32 v47, v31;
	[tilespmem:v51+s23+$0x0] =	vst.idx.msk $0xffff, v50;
	v46 =	vld.idx.msk [tilespmem:v49+s24+$0x0], $0xffff  }
0xa3a: {  	v51 =	vor.u32 v47, v32;
	v49 =	vor.u32 s25, v4;
	v50 =	vld.idx.msk [tilespmem:v52+s24+$0x0], $0xffff  }
0xa3b: {  	v52 =	vor.u32 s26, v4;
	v4 =	vld [tilespmem:$0x1FCA0];
	_ =	sdelay $0x2  }
0xa3c: {  	[tilespmem:v48+s23+$0x0] =	vst.idx.msk $0xffff, v46  }
0xa3d: {  	v48 =	vor.u32 v47, v33;
	[tilespmem:v51+s23+$0x0] =	vst.idx.msk $0xffff, v50;
	v46 =	vld.idx.msk [tilespmem:v49+s24+$0x0], $0xffff  }
0xa3e: {  	v51 =	vor.u32 v47, v35;
	v49 =	vor.u32 s25, v4;
	v50 =	vld.idx.msk [tilespmem:v52+s24+$0x0], $0xffff  }
0xa3f: {  	v52 =	vor.u32 s26, v4;
	v4 =	vld [tilespmem:$0x1FCC0];
	_ =	sdelay $0x2  }
0xa40: {  	[tilespmem:v48+s23+$0x0] =	vst.idx.msk $0xffff, v46  }
0xa41: {  	v48 =	vor.u32 v47, v36;
	[tilespmem:v51+s23+$0x0] =	vst.idx.msk $0xffff, v50;
	v46 =	vld.idx.msk [tilespmem:v49+s24+$0x0], $0xffff  }
0xa42: {  	v51 =	vor.u32 v47, v37;
	v49 =	vor.u32 s25, v4;
	v50 =	vld.idx.msk [tilespmem:v52+s24+$0x0], $0xffff  }
0xa43: {  	v52 =	vor.u32 s26, v4;
	v4 =	vld [tilespmem:$0x1FCE0];
	_ =	sdelay $0x2  }
0xa44: {  	[tilespmem:v48+s23+$0x0] =	vst.idx.msk $0xffff, v46  }
0xa45: {  	v48 =	vor.u32 v47, v39;
	[tilespmem:v51+s23+$0x0] =	vst.idx.msk $0xffff, v50;
	v46 =	vld.idx.msk [tilespmem:v49+s24+$0x0], $0xffff  }
0xa46: {  	v51 =	vor.u32 v47, v40;
	v49 =	vor.u32 s25, v4;
	v50 =	vld.idx.msk [tilespmem:v52+s24+$0x0], $0xffff  }
0xa47: {  	v52 =	vor.u32 s26, v4;
	v4 =	vld [tilespmem:$0x1FD00];
	_ =	sdelay $0x2  }
0xa48: {  	[tilespmem:v48+s23+$0x0] =	vst.idx.msk $0xffff, v46  }
0xa49: {  	v48 =	vor.u32 v47, v41;
	[tilespmem:v51+s23+$0x0] =	vst.idx.msk $0xffff, v50;
	v46 =	vld.idx.msk [tilespmem:v49+s24+$0x0], $0xffff  }
0xa4a: {  	v51 =	vor.u32 v47, v43;
	v49 =	vor.u32 s25, v4;
	v50 =	vld.idx.msk [tilespmem:v52+s24+$0x0], $0xffff  }
0xa4b: {  	v52 =	vor.u32 s26, v4;
	_ =	sdelay $0x2  }
0xa4c: {  	[tilespmem:v48+s23+$0x0] =	vst.idx.msk $0xffff, v46  }
0xa4d: {  	v48 =	vor.u32 v47, v44;
	[tilespmem:v51+s23+$0x0] =	vst.idx.msk $0xffff, v50;
	v46 =	vld.idx.msk [tilespmem:v49+s24+$0x0], $0xffff;
	v49 =	vor.u32 $0x3800, v63  }
0xa4e: {  	v47 =	vor.u32 v47, v45;
	v51 =	vld.idx.msk [tilespmem:v52+s24+$0x0], $0xffff;
	v50 =	vor.u32 s25, v49  }
0xa4f: {  	v49 =	vor.u32 s26, v49;
	_ =	sdelay $0x1  }
0xa50: {  	v52 =	vmov v58;
	v58 =	vmov v0  }
0xa51: {  	v0 =	vmovc v2;
	v2 =	vmovc v3;
	v3 =	vmov v5;
	v5 =	vmov v6;
	[tilespmem:v48+s23+$0x0] =	vst.idx.msk $0xffff, v46;
	v46 =	vor.u32 $0x70, v1  }
0xa52: {  	v6 =	vmov v7;
	v7 =	vmov v8;
	[tilespmem:v47+s23+$0x0] =	vst.idx.msk $0xffff, v51;
	v48 =	vld.idx.msk [tilespmem:v50+s24+$0x0], $0xffff;
	v19 =	vor.u32 v46, v19  }
0xa53: {  	v8 =	vmovc v9;
	v51 =	vmovc v57;
	v57 =	vmov v59;
	v59 =	vor.u32 s25, v62;
	v49 =	vld.idx.msk [tilespmem:v49+s24+$0x0], $0xffff;
	v42 =	vor.u32 v46, v42  }
0xa54: {  	v9 =	vmovc v10;
	v10 =	vmovc v12;
	v12 =	vmov v53;
	v53 =	vmov v54;
	v54 =	vor.u32 s26, v62;
	_ =	sdelay $0x2  }
0xa55: {  	[tilespmem:v19+s23+$0x0] =	vst.idx.msk $0xffff, v48  }
0xa56: {  	[tilespmem:v42+s23+$0x0] =	vst.idx.msk $0xffff, v49;
	v19 =	vld.idx.msk [tilespmem:v59+s24+$0x0], $0xffff  }
0xa57: {  	v38 =	vor.u32 v46, v38;
	v59 =	vld.idx.msk [tilespmem:v54+s24+$0x0], $0xffff  }
0xa58: {  	v54 =	vor.u32 s26, v61;
	_ =	sdelay $0x1  }
0xa59: {  	v18 =	vor.u32 v46, v18  }
0xa5a: {  	v42 =	vor.u32 s25, v61  }
0xa5b: {  	[tilespmem:v38+s23+$0x0] =	vst.idx.msk $0xffff, v59  }
0xa5c: {  	v34 =	vor.u32 v46, v34;
	v38 =	vld.idx.msk [tilespmem:v54+s24+$0x0], $0xffff;
	_ =	sdelay $0x1  }
0xa5d: {  	[tilespmem:v18+s23+$0x0] =	vst.idx.msk $0xffff, v19  }
0xa5e: {  	v17 =	vor.u32 v46, v17;
	v18 =	vld.idx.msk [tilespmem:v42+s24+$0x0], $0xffff  }
0xa5f: {  	v19 =	vor.u32 s25, v60  }
0xa60: {  	[tilespmem:v34+s23+$0x0] =	vst.idx.msk $0xffff, v38;
	v34 =	vld [tilespmem:$0x1FF20]  }
0xa61: {  	v59 =	vor.u32 s26, v60;
	_ =	sdelay $0x1  }
0xa62: {  	[tilespmem:v17+s23+$0x0] =	vst.idx.msk $0xffff, v18  }
0xa63: {  	v16 =	vor.u32 v46, v16;
	v17 =	vld.idx.msk [tilespmem:v19+s24+$0x0], $0xffff  }
0xa64: {  	v42 =	vld [tilespmem:$0x1FF30];
	v18 =	vor.u32 s25, v34  }
0xa65: {  	v30 =	vor.u32 v46, v30;
	v19 =	vld.idx.msk [tilespmem:v59+s24+$0x0], $0xffff  }
0xa66: {  	v59 =	vor.u32 s26, v34;
	_ =	sdelay $0x1  }
0xa67: {  	[tilespmem:v16+s23+$0x0] =	vst.idx.msk $0xffff, v17  }
0xa68: {  	v15 =	vor.u32 v46, v15;
	v16 =	vld.idx.msk [tilespmem:v18+s24+$0x0], $0xffff  }
0xa69: {  	[tilespmem:v30+s23+$0x0] =	vst.idx.msk $0xffff, v19;
	v30 =	vmov v55;
	v55 =	vld [tilespmem:$0x1FF40];
	v17 =	vor.u32 s25, v42  }
0xa6a: {  	v38 =	vor.u32 v46, v26;
	v18 =	vld.idx.msk [tilespmem:v59+s24+$0x0], $0xffff;
	_ =	sdelay $0x2  }
0xa6b: {  	[tilespmem:v15+s23+$0x0] =	vst.idx.msk $0xffff, v16  }
0xa6c: {  	v14 =	vor.u32 v46, v14;
	v59 =	vor.u32 s26, v42;
	v15 =	vld.idx.msk [tilespmem:v17+s24+$0x0], $0xffff  }
0xa6d: {  	[tilespmem:v38+s23+$0x0] =	vst.idx.msk $0xffff, v18;
	v38 =	vor.u32 s25, v55;
	_ =	sdelay $0x3  }
0xa6e: {  	v17 =	vld.idx.msk [tilespmem:v59+s24+$0x0], $0xffff;
	[tilespmem:v14+s23+$0x0] =	vst.idx.msk $0xffff, v15  }
0xa6f: {  	v42 =	vor.u32 v46, v22;
	v14 =	vld.idx.msk [tilespmem:v38+s24+$0x0], $0xffff  }
0xa70: {  	v59 =	vor.u32 s26, v55;
	v38 =	vld [tilespmem:$0x1FF50];
	_ =	sdelay $0x3  }
0xa71: {  	v15 =	vor.u32 v46, v21;
	[tilespmem:v42+s23+$0x0] =	vst.idx.msk $0xffff, v17  }
0xa72: {  	v55 =	vor.u32 v46, v20;
	v17 =	vld.idx.msk [tilespmem:v59+s24+$0x0], $0xffff;
	v42 =	vor.u32 s25, v38  }
0xa73: {  	v59 =	vld [tilespmem:$0x1FF60];
	v38 =	vor.u32 s26, v38;
	_ =	sdelay $0x2  }
0xa74: {  	[tilespmem:v15+s23+$0x0] =	vst.idx.msk $0xffff, v14  }
0xa75: {  	v15 =	vor.u32 v46, v23;
	[tilespmem:v55+s23+$0x0] =	vst.idx.msk $0xffff, v17;
	v14 =	vld.idx.msk [tilespmem:v42+s24+$0x0], $0xffff  }
0xa76: {  	v55 =	vor.u32 v46, v24;
	v42 =	vor.u32 s25, v59;
	v17 =	vld.idx.msk [tilespmem:v38+s24+$0x0], $0xffff  }
0xa77: {  	v22 =	vld [tilespmem:$0x1FF70];
	v59 =	vor.u32 s26, v59;
	_ =	sdelay $0x2  }
0xa78: {  	[tilespmem:v15+s23+$0x0] =	vst.idx.msk $0xffff, v14  }
0xa79: {  	v15 =	vor.u32 v46, v25;
	[tilespmem:v55+s23+$0x0] =	vst.idx.msk $0xffff, v17;
	v14 =	vld.idx.msk [tilespmem:v42+s24+$0x0], $0xffff  }
0xa7a: {  	v21 =	vor.u32 s25, v22;
	v38 =	vor.u32 v46, v27;
	v17 =	vld.idx.msk [tilespmem:v59+s24+$0x0], $0xffff  }
0xa7b: {  	v23 =	vld [tilespmem:$0x1FF80];
	v42 =	vor.u32 s26, v22;
	_ =	sdelay $0x2  }
0xa7c: {  	[tilespmem:v15+s23+$0x0] =	vst.idx.msk $0xffff, v14  }
0xa7d: {  	v15 =	vor.u32 v46, v28;
	[tilespmem:v38+s23+$0x0] =	vst.idx.msk $0xffff, v17;
	v14 =	vld.idx.msk [tilespmem:v21+s24+$0x0], $0xffff  }
0xa7e: {  	v55 =	vor.u32 s25, v23;
	v59 =	vor.u32 v46, v29;
	v17 =	vld.idx.msk [tilespmem:v42+s24+$0x0], $0xffff  }
0xa7f: {  	v24 =	vld [tilespmem:$0x1FF90];
	v21 =	vor.u32 s26, v23;
	_ =	sdelay $0x2  }
0xa80: {  	[tilespmem:v15+s23+$0x0] =	vst.idx.msk $0xffff, v14  }
0xa81: {  	v15 =	vor.u32 v46, v31;
	[tilespmem:v59+s23+$0x0] =	vst.idx.msk $0xffff, v17;
	v14 =	vld.idx.msk [tilespmem:v55+s24+$0x0], $0xffff  }
0xa82: {  	v22 =	vor.u32 s25, v24;
	v23 =	vor.u32 v46, v32;
	v17 =	vld.idx.msk [tilespmem:v21+s24+$0x0], $0xffff  }
0xa83: {  	v25 =	vld [tilespmem:$0x1FFA0];
	v24 =	vor.u32 s26, v24;
	_ =	sdelay $0x2  }
0xa84: {  	[tilespmem:v15+s23+$0x0] =	vst.idx.msk $0xffff, v14  }
0xa85: {  	v15 =	vor.u32 v46, v33;
	[tilespmem:v23+s23+$0x0] =	vst.idx.msk $0xffff, v17;
	v14 =	vld.idx.msk [tilespmem:v22+s24+$0x0], $0xffff  }
0xa86: {  	v38 =	vor.u32 s25, v25;
	v42 =	vor.u32 v46, v35;
	v17 =	vld.idx.msk [tilespmem:v24+s24+$0x0], $0xffff  }
0xa87: {  	v26 =	vld [tilespmem:$0x1FFB0];
	v55 =	vor.u32 s26, v25  }
0xa88: {  	v47 =	vld [tilespmem:$0x1FEE0]  }
0xa89: {  	v50 =	vld [tilespmem:$0x1FF10]  }
0xa8a: {  	v49 =	vld [tilespmem:$0x1FFF0];
	[tilespmem:v15+s23+$0x0] =	vst.idx.msk $0xffff, v14  }
0xa8b: {  	v15 =	vor.u32 v46, v36;
	[tilespmem:v42+s23+$0x0] =	vst.idx.msk $0xffff, v17;
	v14 =	vld.idx.msk [tilespmem:v38+s24+$0x0], $0xffff  }
0xa8c: {  	v59 =	vor.u32 s25, v26;
	v21 =	vor.u32 v46, v37;
	v17 =	vld.idx.msk [tilespmem:v55+s24+$0x0], $0xffff  }
0xa8d: {  	v27 =	vld [tilespmem:$0x1FFC0];
	v22 =	vor.u32 s26, v26  }
0xa8e: {  	v48 =	vld [tilespmem:$0x1FF00]  }
0xa8f: {  	v54 =	vld [tilespmem:$0x1FEF0]  }
0xa90: {  	v34 =	vmov v56;
	v56 =	vld [tilespmem:$0x1FFE0];
	[tilespmem:v15+s23+$0x0] =	vst.idx.msk $0xffff, v14  }
0xa91: {  	v15 =	vor.u32 v46, v39;
	[tilespmem:v21+s23+$0x0] =	vst.idx.msk $0xffff, v17;
	v14 =	vld.idx.msk [tilespmem:v59+s24+$0x0], $0xffff  }
0xa92: {  	v23 =	vor.u32 s25, v27;
	v24 =	vor.u32 v46, v40;
	v17 =	vld.idx.msk [tilespmem:v22+s24+$0x0], $0xffff  }
0xa93: {  	v28 =	vld [tilespmem:$0x1FFD0];
	v25 =	vor.u32 s26, v27  }
0xa94: {  	v29 =	vld [tilespmem:$0x1FE40]  }
0xa95: {  	v32 =	vld [tilespmem:$0x1FE50]  }
0xa96: {  	v35 =	vld [tilespmem:$0x1FE80];
	[tilespmem:v15+s23+$0x0] =	vst.idx.msk $0xffff, v14  }
0xa97: {  	v15 =	vor.u32 v46, v41;
	[tilespmem:v24+s23+$0x0] =	vst.idx.msk $0xffff, v17;
	v14 =	vld.idx.msk [tilespmem:v23+s24+$0x0], $0xffff  }
0xa98: {  	v26 =	vor.u32 s25, v28;
	v38 =	vor.u32 v46, v43;
	v17 =	vld.idx.msk [tilespmem:v25+s24+$0x0], $0xffff  }
0xa99: {  	v31 =	vld [tilespmem:$0x1FE20];
	v55 =	vor.u32 s26, v28  }
0xa9a: {  	v37 =	vld [tilespmem:$0x1FEA0]  }
0xa9b: {  	v33 =	vld [tilespmem:$0x1FE30]  }
0xa9c: {  	v40 =	vld [tilespmem:$0x1FEB0];
	[tilespmem:v15+s23+$0x0] =	vst.idx.msk $0xffff, v14  }
0xa9d: {  	[tilespmem:v38+s23+$0x0] =	vst.idx.msk $0xffff, v17;
	v15 =	vor.u32 v46, v44;
	v14 =	vld.idx.msk [tilespmem:v26+s24+$0x0], $0xffff  }
0xa9e: {  	p1 =	por p0, p0;
	v59 =	vor.u32 v46, v45;
	v17 =	vld.idx.msk [tilespmem:v55+s24+$0x0], $0xffff  }
.Ltmp0:
0xa9f: {  	v36 =	vld [tilespmem:$0x1FE60];
	(pc) =	sbr.rel @p1 .LBB2_3-.Ltmp0, $4  }
0xaa0: {  	v43 =	vld [tilespmem:$0x1FED0]  }
0xaa1: {  	v39 =	vld [tilespmem:$0x1FE90]  }
0xaa2: {  	v41 =	vld [tilespmem:$0x1FE70];
	[tilespmem:v15+s23+$0x0] =	vst.idx.msk $0xffff, v14  }
0xaa3: {  	p0 =	por $0x0, $0x0;
	s25 =	simm.s32 $0x20;
	v46 =	vld [tilespmem:$0x1FEC0];
	[tilespmem:v59+s23+$0x0] =	vst.idx.msk $0xffff, v17  }
0xaa4: {  	p0 =	sgt.u32 s20, $0xC4  }
0xaa5: {  	s25 =	sshll.u32 @!p0 s20, $0x7  }
0xaa6: {  	s30 =	sadd.s32 s5, s20;
	s25 =	sand.u32 @!p0 $0x3FFFFF80, s25  }
0xaa7: {  	s26 =	simm.s32 @!p0 $0x80;
	s20 =	sadd.s32 $0x1, s20;
	s25 =	sadd.s32 @!p0 $0x180, s25  }
0xaa8: {  	[tilespmem:s24], [sflag:s22] =	stream.indirect.gather @!p0 [hbm4b:s4+s26], $0x80, s25, s26, $0xb8;
	[tilespmem:$0x18400] =	vst v63  }
0xaa9: {  	p0 =	sne.s32 s20, $0xC8  }
.Ltmp1:
0xaaa: {  	s31 =	sshll.u32 s30, $0x7;
	(pc) =	sbr.rel @p0 .LBB2_2-.Ltmp1, $4  }
0xaab: {  	s22 =	sshll.u32 s30, $0xA;
	s24 =	sand.u32 $0x3F80, s31  }
0xaac: {  	s22 =	sand.u32 $0xFFE0000, s22;
	s24 =	sadd.s32 s2, s24  }
0xaad: {  	s21 =	sadd.s32 $0x4, s21;
	s22 =	sadd.s32 s22, s24  }
0xaae: {  	[hbm4b:s22+s14] =	stream.strided.scatter [tilespmem:s23], [sflag:s21], $0x2000, s15, s14, $0x38;
	[tilespmem:$0x18400] =	vst v63  }
0xaaf: {  	_ =	swait.ge [sflag:s16], $0x2000  }
0xab0: {  	[sflag:s16] =	ssyncset.done $0x0  }
0xab1: {  	s19 =	sadd.s32 $0x1, s19;
	[sflag:s16] =	ssyncadd.s32 $0xFFFFE000  }
0xab2: {  	p0 =	sne.s32 s19, s7;
	_ =	swait.ge [sflag:s17], $0x2000  }
.Ltmp2:
0xab3: {  	[sflag:s17] =	ssyncset.done $0x0;
	(pc) =	sbr.rel @p0 .LBB2_1-.Ltmp2, $4  }
0xab4: {  	[sflag:s17] =	ssyncadd.s32 $0xFFFFE000  }
0xab5: {  	_ =	swait.ge [sflag:s18], $0x2000  }
0xab6: {  	[sflag:s18] =	ssyncset.done $0x0  }
0xab7: {  	[sflag:s18] =	ssyncadd.s32 $0xFFFFE000  }
0xab8: {  	_ =	sfence.sel $0x180000  }
0xab9: {  	[bflag:$0x0] =	sbarrier.arrive $0xFFFF  }
0xaba: {  	p0 =	sne.s32 s0, $0x0;
	_ =	strace $0x90000047  }
0xabb: {  	s0 =	sadd.s32 @!p0 $0x100000, s1;
	[bflag:$0x2] =	sbarrier.arrive $0xFFFF  }
0xabc: {  	[sflag:s0] =	ssyncadd.tile.s32 @!p0 $0x1;
	_ =	shalt  }
.Lfunc_end2:
_tile_overlayer_lowered:
.L_overlay_start_2:
0xabd: {  	(tag) =	ssettag $0x2  }
0xabe: {  	s0 =	rddreg [dreg:$0x0];
	s2 =	stileid.u32  }
0xabf: {  	s1 =	rddreg [dreg:$0x1];
	p0 =	sne.s32 s2, $0x0  }
0xac0: {  	s3 =	rddreg [dreg:$0x2];
	[bflag:$0x3] =	sbarrier.arrive $0xFFFF;
	s2 =	simm.s32 @!p0 $0x1C07  }
0xac1: {  	[timem:s3], [sflag:s2] =	dma.local @!p0 [hbm:s0], s1  }
0xac2: {  	s0 =	simm.s32 @!p0 $0x7  }
0xac3: {  	_ =	swait.ge @!p0 [sflag:s0], s1  }
0xac4: {  	s1 =	ssub.s32 @!p0 $0x0, s1;
	[sflag:s0] =	ssyncset.done @!p0 $0x0  }
0xac5: {  	[sflag:s0] =	ssyncadd.s32 @!p0 s1  }
0xac6: {  	[bflag:$0x3] =	sbarrier.arrive $0xFFFF  }
0xac7: {  	_ =	shalt  }

</sc_bundles>
